<compile_context>
chip_gen: v7x
topology: tpu7x:2x2x1
jax: 0.10.2.dev20260603
libtpu: 0.0.44.dev20260713+nightly
codegen_flags: <defaults>
</compile_context>

<pallas_src>
import functools

import jax
import jax.numpy as jnp
from jax import lax
from jax.experimental import pallas as pl
from jax.experimental.pallas import tpu as pltpu
from jax.experimental.pallas import tpu_sc as plsc

N = 10000
E = 320000
D_FEAT = 128
H = 32
NUM_CLASSES = 16
B = 1024

NC = 2
NS = 16
NW = NC * NS
CH = 128
NCH = 80
EPW = NCH * CH
PADE = NW * EPW
RING = 8
DEPTH = 4
NPAD = 10240
NPAD2 = NPAD
RP_SC = NPAD // NS


def _fold(g, b, m, v, W, bias):
    s = g[...] / jnp.sqrt(v[...] + 1e-3)
    t = b[...] - m[...] * s
    Wf = W[...] * s[:, None]
    bf = jnp.dot(t.reshape(1, -1), W[...],
                 preferred_element_type=jnp.float32) + bias[...]
    return Wf, bf


def _p(params, name):
    p = params[name]
    return (p["g"], p["b"], p["m"], p["v"], p["W"], p["bias"])



def _stage_a_body(nf, *refs):
    (pre6, p16), (xpre_o, m1_o) = (refs[0:6], refs[6:12]), refs[12:]
    w_pre, b_pre = _fold(*pre6)
    w_p1, b_p1 = _fold(*p16)
    x = jax.nn.gelu(jnp.dot(nf[...], w_pre,
                            preferred_element_type=jnp.float32) + b_pre)
    xpre_o[...] = x
    m1_o[0:N] = jax.nn.gelu(jnp.dot(x, w_p1,
                                    preferred_element_type=jnp.float32) + b_p1)
    m1_o[N:NPAD2] = jnp.zeros((NPAD2 - N, H), jnp.float32)


def _stage_b_body(xpre, aggp, cntp, *refs):
    (u16, p26), (x1_o, m2_o) = (refs[0:6], refs[6:12]), refs[12:]
    w_u1, b_u1 = _fold(*u16)
    w_p2, b_p2 = _fold(*p26)
    cnt = cntp[0, :N, 0:1] + cntp[1, :N, 0:1]
    inv = 1.0 / jnp.maximum(cnt, 1.0)
    agg = (aggp[0, :N] + aggp[1, :N]) * inv
    x = xpre[...]
    h = jax.nn.gelu(jnp.dot(x, w_u1[:H], preferred_element_type=jnp.float32)
                    + jnp.dot(agg, w_u1[H:], preferred_element_type=jnp.float32)
                    + b_u1)
    x1 = h + x
    x1_o[...] = x1
    m2_o[0:N] = jax.nn.gelu(jnp.dot(x1, w_p2,
                                    preferred_element_type=jnp.float32) + b_p2)
    m2_o[N:NPAD2] = jnp.zeros((NPAD2 - N, H), jnp.float32)


def _stage_c_body(x1, aggp, cntp, *refs):
    (u26, post6), (w_out, b_out), (out_o,) = (
        (refs[0:6], refs[6:12]), refs[12:14], refs[14:])
    w_u2, b_u2 = _fold(*u26)
    w_post, b_post = _fold(*post6)
    cnt = cntp[0, :N, 0:1] + cntp[1, :N, 0:1]
    inv = 1.0 / jnp.maximum(cnt, 1.0)
    agg = (aggp[0, :N] + aggp[1, :N]) * inv
    x = x1[...]
    h = jax.nn.gelu(jnp.dot(x, w_u2[:H], preferred_element_type=jnp.float32)
                    + jnp.dot(agg, w_u2[H:], preferred_element_type=jnp.float32)
                    + b_u2)
    x2 = h + x
    xp = jax.nn.gelu(jnp.dot(x2, w_post,
                             preferred_element_type=jnp.float32) + b_post)
    out_o[...] = jnp.dot(xp, w_out[...],
                         preferred_element_type=jnp.float32) + b_out[...]



def _edge_pass_body(with_counts, m_hbm, ei_hbm, zeros32_hbm,
                    agg_out, cnt_out,
                    nbr_all, dst_all, rows, m_sh, agg_sh, sems,
                    hist_v, acc_v, tmp_v, cnt16_v, cnt_part):
    cid = lax.axis_index("c")
    sid = lax.axis_index("s")
    wid = cid * NS + sid

    rbase = sid * RP_SC
    pltpu.sync_copy(zeros32_hbm.at[pl.ds(rbase, RP_SC)],
                    agg_sh.at[pl.ds(rbase, RP_SC)])
    if with_counts:
        def zh(i, _):
            hist_v[pl.ds(i * 16, 16)] = jnp.zeros((16,), jnp.float32)
            return 0

        lax.fori_loop(0, NPAD // 16, zh, 0)
    pltpu.sync_copy(ei_hbm.at[1, wid], nbr_all)
    pltpu.sync_copy(ei_hbm.at[0, wid], dst_all)
    pltpu.sync_copy(m_hbm.at[pl.ds(rbase, RP_SC)], m_sh.at[pl.ds(rbase, RP_SC)])
    plsc.subcore_barrier()

    gsems, ssems = sems[0:RING], sems[RING:2 * RING]
    ones16 = jnp.ones((16,), jnp.float32)

    def hist_chunk(j):
        if with_counts:
            for k in range(CH // 16):
                plsc.addupdate_scatter(
                    hist_v, [dst_all[j, pl.ds(k * 16, 16)]], ones16)

    def gather(j, b):
        pltpu.async_copy(m_sh.at[nbr_all.at[j]], rows[b], gsems[b])

    def gwait(j, b):
        pltpu.make_async_copy(m_sh.at[nbr_all.at[j]], rows[b], gsems[b]).wait()

    def scatter(j, b):
        pltpu.async_copy(rows[b], agg_sh.at[dst_all.at[j]], ssems[b], add=True)

    def swait(b):
        pltpu.make_async_copy(rows[b], agg_sh.at[dst_all.at[0]], ssems[b]).wait()

    for b in range(DEPTH):
        gather(b, b)
    for b in range(DEPTH):
        gwait(b, b)
        scatter(b, b)
        gather(b + DEPTH, b + DEPTH)
        hist_chunk(b)

    def outer(o, _):
        for b0 in range(RING):
            j = DEPTH + o * RING + b0
            bb = (DEPTH + b0) % RING
            nb = (bb + DEPTH) % RING
            gwait(j, bb)
            scatter(j, bb)
            swait(nb)
            gather(j + DEPTH, nb)
            hist_chunk(j)
        return 0

    lax.fori_loop(0, (NCH - 2 * DEPTH) // RING, outer, 0)
    for b0 in range(DEPTH):
        j = NCH - DEPTH + b0
        bb = j % RING
        gwait(j, bb)
        scatter(j, bb)
        hist_chunk(j)
    for b in range(RING):
        swait(b)
    if with_counts:
        pltpu.sync_copy(hist_v, cnt_part.at[sid])

    plsc.subcore_barrier()

    pltpu.sync_copy(agg_sh.at[pl.ds(rbase, RP_SC)],
                    agg_out.at[cid, pl.ds(rbase, RP_SC)])
    if with_counts:
        pltpu.sync_copy(cnt_part.at[0, pl.ds(rbase, RP_SC)], acc_v)
        for k in range(1, NS):
            pltpu.sync_copy(cnt_part.at[k, pl.ds(rbase, RP_SC)], tmp_v)

            def addk(r, _):
                acc_v[pl.ds(r * 16, 16)] = (acc_v[pl.ds(r * 16, 16)]
                                            + tmp_v[pl.ds(r * 16, 16)])
                return 0

            lax.fori_loop(0, RP_SC // 16, addk, 0)

        def cwide(q, _):
            cv = acc_v[pl.ds(q * 16, 16)]
            for kk in range(16):
                r = q * 16 + kk
                cnt16_v[r, pl.ds(0, 16)] = jnp.full((16,), cv[kk], jnp.float32)
            return 0

        lax.fori_loop(0, RP_SC // 16, cwide, 0)
        pltpu.sync_copy(cnt16_v, cnt_out.at[cid, pl.ds(rbase, RP_SC)])


def _make_edge_pass(with_counts):
    mesh = plsc.VectorSubcoreMesh(core_axis_name="c", subcore_axis_name="s")
    out_type = [jax.ShapeDtypeStruct((NC, NPAD, H), jnp.float32)]
    if with_counts:
        out_type.append(jax.ShapeDtypeStruct((NC, NPAD, 16), jnp.float32))
    scratch = [
        pltpu.VMEM((NCH, CH), jnp.int32),
        pltpu.VMEM((NCH, CH), jnp.int32),
        [pltpu.VMEM((CH, H), jnp.float32) for _ in range(RING)],
        pltpu.VMEM_SHARED((NPAD, H), jnp.float32),
        pltpu.VMEM_SHARED((NPAD, H), jnp.float32),
        [pltpu.SemaphoreType.DMA for _ in range(2 * RING)],
        pltpu.VMEM((NPAD,) if with_counts else (16,), jnp.float32),
        pltpu.VMEM((RP_SC,), jnp.float32),
        pltpu.VMEM((RP_SC,), jnp.float32),
        pltpu.VMEM((RP_SC, 16) if with_counts else (8, 16),
                   jnp.float32),
        pltpu.VMEM_SHARED((NS, NPAD) if with_counts else (8, 8),
                          jnp.float32),
    ]

    if with_counts:
        def body(m, ei, z32, agg_o, cnt_o, *s):
            _edge_pass_body(True, m, ei, z32, agg_o, cnt_o, *s)
    else:
        def body(m, ei, z32, agg_o, *s):
            _edge_pass_body(False, m, ei, z32, agg_o, None, *s)

    return pl.kernel(body, out_type=out_type, mesh=mesh, scratch_types=scratch,
                     compiler_params=pltpu.CompilerParams(
                         use_tc_tiling_on_sc=False, needs_layout_passes=False))



BPW = B // NW


def _final_gather_body(table_hbm, idx_hbm, out_hbm, idx_v, rows_v):
    wid = lax.axis_index("c") * NS + lax.axis_index("s")
    base = pl.multiple_of(wid * BPW, 8)
    pltpu.sync_copy(idx_hbm.at[pl.ds(base, BPW)], idx_v)
    pltpu.sync_copy(table_hbm.at[idx_v], rows_v)
    pltpu.sync_copy(rows_v, out_hbm.at[pl.ds(base, BPW)])


def _make_final_gather():
    mesh = plsc.VectorSubcoreMesh(core_axis_name="c", subcore_axis_name="s")
    return pl.kernel(
        _final_gather_body,
        out_type=jax.ShapeDtypeStruct((B, NUM_CLASSES), jnp.float32),
        mesh=mesh,
        scratch_types=[
            pltpu.VMEM((BPW,), jnp.int32),
            pltpu.VMEM((BPW, NUM_CLASSES), jnp.float32),
        ],
        compiler_params=pltpu.CompilerParams(use_tc_tiling_on_sc=False),
    )



def kernel(input_node_indices, node_features, edge_index, params):
    zeros32 = jnp.zeros((NPAD, H), jnp.float32)

    pad_i = jnp.arange(PADE - E, dtype=jnp.int32)
    pad_rows = jnp.stack([N + (pad_i % (NPAD - N)), N + (pad_i % (NPAD2 - N))])
    ei_p = jnp.concatenate([edge_index, pad_rows], axis=1).reshape(2, NW, NCH, CH)

    xpre, m1 = pl.pallas_call(
        _stage_a_body,
        out_shape=[jax.ShapeDtypeStruct((N, H), jnp.float32),
                   jax.ShapeDtypeStruct((NPAD2, H), jnp.float32)],
    )(node_features, *_p(params, "pre"), *_p(params, "c1_prep"))

    edge_pass1 = _make_edge_pass(True)
    aggp1, cntp = edge_pass1(m1, ei_p, zeros32)

    x1, m2 = pl.pallas_call(
        _stage_b_body,
        out_shape=[jax.ShapeDtypeStruct((N, H), jnp.float32),
                   jax.ShapeDtypeStruct((NPAD2, H), jnp.float32)],
    )(xpre, aggp1, cntp, *_p(params, "c1_upd"), *_p(params, "c2_prep"))

    edge_pass2 = _make_edge_pass(False)
    (aggp2,) = edge_pass2(m2, ei_p, zeros32)

    out_all = pl.pallas_call(
        _stage_c_body,
        out_shape=jax.ShapeDtypeStruct((N, NUM_CLASSES), jnp.float32),
    )(x1, aggp2, cntp, *_p(params, "c2_upd"), *_p(params, "post"),
      params["out_W"], params["out_bias"])

    final_gather = _make_final_gather()
    return final_gather(out_all, input_node_indices)

# --- scband reference (transcript-rebuilt; emitter-appended) ---
"""Pipeline reference for scband-gnnnode-classifier-12300786335976 (READ-ONLY COPY).

The authoritative reference and input builder live on the scoring server;
editing this copy changes nothing except your own understanding.
"""

import jax, jax.numpy as jnp
import numpy as np

N = 10000
E = 320000
D_FEAT = 128
H = 32
NUM_CLASSES = 16
B = 1024


def _ffn_params(k, din, dout):
    k1, _ = jax.random.split(k)
    return {
        "g": jnp.ones((din,), jnp.float32),
        "b": jnp.zeros((din,), jnp.float32),
        "m": jnp.zeros((din,), jnp.float32),
        "v": jnp.ones((din,), jnp.float32),
        "W": jax.random.normal(k1, (din, dout), jnp.float32) * (1.0 / np.sqrt(din)),
        "bias": jnp.zeros((dout,), jnp.float32),
    }


def setup_inputs(seed: int = 0):
    key = jax.random.key(seed)
    ks = jax.random.split(key, 12)
    node_features = jax.random.normal(ks[0], (N, D_FEAT), dtype=jnp.float32)
    edge_index = jax.random.randint(ks[1], (2, E), 0, N, dtype=jnp.int32)
    input_node_indices = jax.random.randint(ks[2], (B,), 0, N, dtype=jnp.int32)
    params = {
        "pre": _ffn_params(ks[3], D_FEAT, H),
        "c1_prep": _ffn_params(ks[4], H, H),
        "c1_upd": _ffn_params(ks[5], 2 * H, H),
        "c2_prep": _ffn_params(ks[6], H, H),
        "c2_upd": _ffn_params(ks[7], 2 * H, H),
        "post": _ffn_params(ks[8], H, H),
        "out_W": jax.random.normal(ks[9], (H, NUM_CLASSES), jnp.float32) * (1.0 / np.sqrt(H)),
        "out_bias": jnp.zeros((NUM_CLASSES,), jnp.float32),
    }
    return {
        "input_node_indices": input_node_indices,
        "node_features": node_features,
        "edge_index": edge_index,
        "params": params,
    }


def _ffn(x, p):
    # BatchNorm (inference mode: moving stats) -> Dropout (identity at eval) -> Dense+gelu
    x = (x - p["m"]) / jnp.sqrt(p["v"] + 1e-3) * p["g"] + p["b"]
    return jax.nn.gelu(x @ p["W"] + p["bias"])


def reference(input_node_indices, node_features, edge_index, params):
    dst = edge_index[0]  # node_indices (aggregation targets)
    nbr = edge_index[1]  # neighbour_indices (gather sources)

    def conv(x, pp, pu):
        neigh = jnp.take(x, nbr, axis=0)
        msgs = _ffn(neigh, pp)
        s = jax.ops.segment_sum(msgs, dst, num_segments=N)
        c = jax.ops.segment_sum(jnp.ones((E, 1), jnp.float32), dst, num_segments=N)
        agg = s / jnp.maximum(c, 1.0)  # unsorted_segment_mean
        h = jnp.concatenate([x, agg], axis=1)  # combination_type='concat'
        return _ffn(h, pu)

    x = _ffn(node_features, params["pre"])
    x = conv(x, params["c1_prep"], params["c1_upd"]) + x
    x = conv(x, params["c2_prep"], params["c2_upd"]) + x
    x = _ffn(x, params["post"])
    emb = jnp.take(x, input_node_indices, axis=0)
    return emb @ params["out_W"] + params["out_bias"]

if __name__ == "__main__":
    import jax
    _d = setup_inputs()
    print(jax.jit(kernel)(*tuple(_d.values())))

</pallas_src>

<mosaic_0001>
#map = affine_map<(d0, d1) -> (0, 0)>
#map1 = affine_map<(d0, d1) -> (0, 0, 0, 0)>
#map2 = affine_map<(d0, d1) -> (0, 0, 0)>
module attributes {stable_mosaic.version = 14 : i64} {
  func.func @body(%arg0: i32, %arg1: i32, %arg2: memref<10240x32xf32, #tpu.memory_space<hbm>>, %arg3: memref<2x32x80x128xi32, #tpu.memory_space<hbm>>, %arg4: memref<10240x32xf32, #tpu.memory_space<hbm>>, %arg5: memref<2x10240x32xf32, #tpu.memory_space<hbm>>, %arg6: memref<2x10240x16xf32, #tpu.memory_space<hbm>>, %arg7: memref<80x128xi32, #tpu.memory_space<vmem>>, %arg8: memref<80x128xi32, #tpu.memory_space<vmem>>, %arg9: memref<128x32xf32, #tpu.memory_space<vmem>>, %arg10: memref<128x32xf32, #tpu.memory_space<vmem>>, %arg11: memref<128x32xf32, #tpu.memory_space<vmem>>, %arg12: memref<128x32xf32, #tpu.memory_space<vmem>>, %arg13: memref<128x32xf32, #tpu.memory_space<vmem>>, %arg14: memref<128x32xf32, #tpu.memory_space<vmem>>, %arg15: memref<128x32xf32, #tpu.memory_space<vmem>>, %arg16: memref<128x32xf32, #tpu.memory_space<vmem>>, %arg17: memref<10240x32xf32, #tpu.memory_space<vmem_shared>>, %arg18: memref<10240x32xf32, #tpu.memory_space<vmem_shared>>, %arg19: memref<!tpu.dma_semaphore, #tpu.memory_space<semaphore_mem>>, %arg20: memref<!tpu.dma_semaphore, #tpu.memory_space<semaphore_mem>>, %arg21: memref<!tpu.dma_semaphore, #tpu.memory_space<semaphore_mem>>, %arg22: memref<!tpu.dma_semaphore, #tpu.memory_space<semaphore_mem>>, %arg23: memref<!tpu.dma_semaphore, #tpu.memory_space<semaphore_mem>>, %arg24: memref<!tpu.dma_semaphore, #tpu.memory_space<semaphore_mem>>, %arg25: memref<!tpu.dma_semaphore, #tpu.memory_space<semaphore_mem>>, %arg26: memref<!tpu.dma_semaphore, #tpu.memory_space<semaphore_mem>>, %arg27: memref<!tpu.dma_semaphore, #tpu.memory_space<semaphore_mem>>, %arg28: memref<!tpu.dma_semaphore, #tpu.memory_space<semaphore_mem>>, %arg29: memref<!tpu.dma_semaphore, #tpu.memory_space<semaphore_mem>>, %arg30: memref<!tpu.dma_semaphore, #tpu.memory_space<semaphore_mem>>, %arg31: memref<!tpu.dma_semaphore, #tpu.memory_space<semaphore_mem>>, %arg32: memref<!tpu.dma_semaphore, #tpu.memory_space<semaphore_mem>>, %arg33: memref<!tpu.dma_semaphore, #tpu.memory_space<semaphore_mem>>, %arg34: memref<!tpu.dma_semaphore, #tpu.memory_space<semaphore_mem>>, %arg35: memref<10240xf32, #tpu.memory_space<vmem>>, %arg36: memref<640xf32, #tpu.memory_space<vmem>>, %arg37: memref<640xf32, #tpu.memory_space<vmem>>, %arg38: memref<640x16xf32, #tpu.memory_space<vmem>>, %arg39: memref<16x10240xf32, #tpu.memory_space<vmem_shared>>) attributes {dimension_semantics = [#tpu.dimension_semantics<core_parallel>, #tpu.dimension_semantics<subcore_parallel>], iteration_bounds = array<i64: 2, 16>, scalar_prefetch = 0 : i64, scratch_operands = 33 : i64, tpu.core_type = #tpu.core_type<sc_vector_subcore>, window_params = [{transform_indices = #map}, {transform_indices = #map1}, {transform_indices = #map}, {transform_indices = #map2}, {transform_indices = #map2}]} {
    %mul3A = arith.constant 16 : i32
    %mul3A_0 = arith.muli %arg0, %mul3A : i32
    %add3A = arith.addi %mul3A_0, %arg1 : i32
    %mul3A_1 = arith.constant 640 : i32
    %mul3A_2 = arith.muli %arg1, %mul3A_1 : i32
    "tpu.region"() ({
      %run_scoped3A_624 = tpu.sem_alloc : memref<!tpu.dma_semaphore, #tpu.memory_space<semaphore_mem>>
      %dma_start3A_625 = arith.constant 0 : i32
      %dma_start3A_626 = tpu.memref_slice %arg18[%mul3A_2, %dma_start3A_625] : memref<10240x32xf32, #tpu.memory_space<vmem_shared>> -> memref<640x32xf32, #tpu.memory_space<vmem_shared>>
      %dma_start3A_627 = arith.constant 0 : i32
      %dma_start3A_628 = tpu.memref_slice %arg4[%mul3A_2, %dma_start3A_627] : memref<10240x32xf32, #tpu.memory_space<hbm>> -> memref<640x32xf32, #tpu.memory_space<hbm>>
      tpu.enqueue_dma source(%dma_start3A_628 : memref<640x32xf32, #tpu.memory_space<hbm>>) target(%dma_start3A_626 : memref<640x32xf32, #tpu.memory_space<vmem_shared>>) target_semaphore(%run_scoped3A_624 : memref<!tpu.dma_semaphore, #tpu.memory_space<semaphore_mem>>)
      %dma_wait3A_629 = arith.constant 0 : i32
      %dma_wait3A_630 = tpu.memref_slice %arg18[%mul3A_2, %dma_wait3A_629] : memref<10240x32xf32, #tpu.memory_space<vmem_shared>> -> memref<640x32xf32, #tpu.memory_space<vmem_shared>>
      %dma_wait3A_631 = arith.constant 0 : i32
      %dma_wait3A_632 = tpu.memref_slice %arg4[%mul3A_2, %dma_wait3A_631] : memref<10240x32xf32, #tpu.memory_space<hbm>> -> memref<640x32xf32, #tpu.memory_space<hbm>>
      tpu.wait_dma2 semaphore(%run_scoped3A_624 : memref<!tpu.dma_semaphore, #tpu.memory_space<semaphore_mem>>) src(%dma_wait3A_632 : memref<640x32xf32, #tpu.memory_space<hbm>>) dst(%dma_wait3A_630 : memref<640x32xf32, #tpu.memory_space<vmem_shared>>)
      tpu.yield
    }) : () -> ()
    %scan3A = arith.constant 0 : i32
    %scan3A_3 = arith.constant 0 : i32
    %scan3A_4 = arith.constant 640 : i32
    %scan3A_5 = arith.addi %scan3A_3, %scan3A_4 : i32
    %scan3A_6 = arith.constant 1 : i32
    %scan3A_7 = scf.for %scan3A_624 = %scan3A_3 to %scan3A_5 step %scan3A_6 iter_args(%scan3A_625 = %scan3A) -> (i32)  : i32 {
      %broadcast_in_dim3A_626 = arith.constant 0.000000e+00 : f32
      %broadcast_in_dim3A_627 = vector.broadcast %broadcast_in_dim3A_626 : f32 to vector<16xf32>
      %mul3A_628 = arith.constant 16 : i32
      %mul3A_629 = arith.muli %scan3A_624, %mul3A_628 : i32
      %swap3A = arith.index_cast %mul3A_629 : i32 to index
      %swap3A_630 = tpu.vector_load %arg35[%swap3A] {strides = array<i32>} : memref<10240xf32, #tpu.memory_space<vmem>>, vector<16xf32>,
      tpu.vector_store %arg35[%swap3A], %broadcast_in_dim3A_627 {strides = array<i32>} : memref<10240xf32, #tpu.memory_space<vmem>>, vector<16xf32>,
      %scan3A_631 = arith.constant 0 : i32
      scf.yield %scan3A_631 : i32
    }
    %scan3A_8 = arith.constant 640 : i32
    %run_scoped3A = arith.constant 1 : i32
    "tpu.region"() ({
      %run_scoped3A_624 = tpu.sem_alloc : memref<!tpu.dma_semaphore, #tpu.memory_space<semaphore_mem>>
      %dma_start3A_625 = arith.constant 0 : i32
      %dma_start3A_626 = arith.constant 0 : i32
      %dma_start3A_627 = tpu.memref_slice %arg3[%run_scoped3A, %add3A, %dma_start3A_625, %dma_start3A_626] : memref<2x32x80x128xi32, #tpu.memory_space<hbm>> -> memref<1x1x80x128xi32, #tpu.memory_space<hbm>>
      %dma_start3A_628 = tpu.memref_squeeze %dma_start3A_627 : memref<1x1x80x128xi32, #tpu.memory_space<hbm>> -> memref<80x128xi32, #tpu.memory_space<hbm>>
      %dma_start3A_629 = arith.constant 0 : i32
      %dma_start3A_630 = arith.constant 0 : i32
      %dma_start3A_631 = tpu.memref_slice %arg3[%run_scoped3A, %add3A, %dma_start3A_629, %dma_start3A_630] : memref<2x32x80x128xi32, #tpu.memory_space<hbm>> -> memref<1x1x80x128xi32, #tpu.memory_space<hbm>>
      %dma_start3A_632 = tpu.memref_squeeze %dma_start3A_631 : memref<1x1x80x128xi32, #tpu.memory_space<hbm>> -> memref<80x128xi32, #tpu.memory_space<hbm>>
      tpu.enqueue_dma source(%dma_start3A_632 : memref<80x128xi32, #tpu.memory_space<hbm>>) target(%arg7 : memref<80x128xi32, #tpu.memory_space<vmem>>) target_semaphore(%run_scoped3A_624 : memref<!tpu.dma_semaphore, #tpu.memory_space<semaphore_mem>>)
      %dma_wait3A_633 = arith.constant 0 : i32
      %dma_wait3A_634 = arith.constant 0 : i32
      %dma_wait3A_635 = tpu.memref_slice %arg3[%run_scoped3A, %add3A, %dma_wait3A_633, %dma_wait3A_634] : memref<2x32x80x128xi32, #tpu.memory_space<hbm>> -> memref<1x1x80x128xi32, #tpu.memory_space<hbm>>
      %dma_wait3A_636 = tpu.memref_squeeze %dma_wait3A_635 : memref<1x1x80x128xi32, #tpu.memory_space<hbm>> -> memref<80x128xi32, #tpu.memory_space<hbm>>
      %dma_wait3A_637 = arith.constant 0 : i32
      %dma_wait3A_638 = arith.constant 0 : i32
      %dma_wait3A_639 = tpu.memref_slice %arg3[%run_scoped3A, %add3A, %dma_wait3A_637, %dma_wait3A_638] : memref<2x32x80x128xi32, #tpu.memory_space<hbm>> -> memref<1x1x80x128xi32, #tpu.memory_space<hbm>>
      %dma_wait3A_640 = tpu.memref_squeeze %dma_wait3A_639 : memref<1x1x80x128xi32, #tpu.memory_space<hbm>> -> memref<80x128xi32, #tpu.memory_space<hbm>>
      tpu.wait_dma2 semaphore(%run_scoped3A_624 : memref<!tpu.dma_semaphore, #tpu.memory_space<semaphore_mem>>) src(%dma_wait3A_640 : memref<80x128xi32, #tpu.memory_space<hbm>>) dst(%arg7 : memref<80x128xi32, #tpu.memory_space<vmem>>)
      tpu.yield
    }) : () -> ()
    %run_scoped3A_9 = arith.constant 0 : i32
    "tpu.region"() ({
      %run_scoped3A_624 = tpu.sem_alloc : memref<!tpu.dma_semaphore, #tpu.memory_space<semaphore_mem>>
      %dma_start3A_625 = arith.constant 0 : i32
      %dma_start3A_626 = arith.constant 0 : i32
      %dma_start3A_627 = tpu.memref_slice %arg3[%run_scoped3A_9, %add3A, %dma_start3A_625, %dma_start3A_626] : memref<2x32x80x128xi32, #tpu.memory_space<hbm>> -> memref<1x1x80x128xi32, #tpu.memory_space<hbm>>
      %dma_start3A_628 = tpu.memref_squeeze %dma_start3A_627 : memref<1x1x80x128xi32, #tpu.memory_space<hbm>> -> memref<80x128xi32, #tpu.memory_space<hbm>>
      %dma_start3A_629 = arith.constant 0 : i32
      %dma_start3A_630 = arith.constant 0 : i32
      %dma_start3A_631 = tpu.memref_slice %arg3[%run_scoped3A_9, %add3A, %dma_start3A_629, %dma_start3A_630] : memref<2x32x80x128xi32, #tpu.memory_space<hbm>> -> memref<1x1x80x128xi32, #tpu.memory_space<hbm>>
      %dma_start3A_632 = tpu.memref_squeeze %dma_start3A_631 : memref<1x1x80x128xi32, #tpu.memory_space<hbm>> -> memref<80x128xi32, #tpu.memory_space<hbm>>
      tpu.enqueue_dma source(%dma_start3A_632 : memref<80x128xi32, #tpu.memory_space<hbm>>) target(%arg8 : memref<80x128xi32, #tpu.memory_space<vmem>>) target_semaphore(%run_scoped3A_624 : memref<!tpu.dma_semaphore, #tpu.memory_space<semaphore_mem>>)
      %dma_wait3A_633 = arith.constant 0 : i32
      %dma_wait3A_634 = arith.constant 0 : i32
      %dma_wait3A_635 = tpu.memref_slice %arg3[%run_scoped3A_9, %add3A, %dma_wait3A_633, %dma_wait3A_634] : memref<2x32x80x128xi32, #tpu.memory_space<hbm>> -> memref<1x1x80x128xi32, #tpu.memory_space<hbm>>
      %dma_wait3A_636 = tpu.memref_squeeze %dma_wait3A_635 : memref<1x1x80x128xi32, #tpu.memory_space<hbm>> -> memref<80x128xi32, #tpu.memory_space<hbm>>
      %dma_wait3A_637 = arith.constant 0 : i32
      %dma_wait3A_638 = arith.constant 0 : i32
      %dma_wait3A_639 = tpu.memref_slice %arg3[%run_scoped3A_9, %add3A, %dma_wait3A_637, %dma_wait3A_638] : memref<2x32x80x128xi32, #tpu.memory_space<hbm>> -> memref<1x1x80x128xi32, #tpu.memory_space<hbm>>
      %dma_wait3A_640 = tpu.memref_squeeze %dma_wait3A_639 : memref<1x1x80x128xi32, #tpu.memory_space<hbm>> -> memref<80x128xi32, #tpu.memory_space<hbm>>
      tpu.wait_dma2 semaphore(%run_scoped3A_624 : memref<!tpu.dma_semaphore, #tpu.memory_space<semaphore_mem>>) src(%dma_wait3A_640 : memref<80x128xi32, #tpu.memory_space<hbm>>) dst(%arg8 : memref<80x128xi32, #tpu.memory_space<vmem>>)
      tpu.yield
    }) : () -> ()
    "tpu.region"() ({
      %run_scoped3A_624 = tpu.sem_alloc : memref<!tpu.dma_semaphore, #tpu.memory_space<semaphore_mem>>
      %dma_start3A_625 = arith.constant 0 : i32
      %dma_start3A_626 = tpu.memref_slice %arg17[%mul3A_2, %dma_start3A_625] : memref<10240x32xf32, #tpu.memory_space<vmem_shared>> -> memref<640x32xf32, #tpu.memory_space<vmem_shared>>
      %dma_start3A_627 = arith.constant 0 : i32
      %dma_start3A_628 = tpu.memref_slice %arg2[%mul3A_2, %dma_start3A_627] : memref<10240x32xf32, #tpu.memory_space<hbm>> -> memref<640x32xf32, #tpu.memory_space<hbm>>
      tpu.enqueue_dma source(%dma_start3A_628 : memref<640x32xf32, #tpu.memory_space<hbm>>) target(%dma_start3A_626 : memref<640x32xf32, #tpu.memory_space<vmem_shared>>) target_semaphore(%run_scoped3A_624 : memref<!tpu.dma_semaphore, #tpu.memory_space<semaphore_mem>>)
      %dma_wait3A_629 = arith.constant 0 : i32
      %dma_wait3A_630 = tpu.memref_slice %arg17[%mul3A_2, %dma_wait3A_629] : memref<10240x32xf32, #tpu.memory_space<vmem_shared>> -> memref<640x32xf32, #tpu.memory_space<vmem_shared>>
      %dma_wait3A_631 = arith.constant 0 : i32
      %dma_wait3A_632 = tpu.memref_slice %arg2[%mul3A_2, %dma_wait3A_631] : memref<10240x32xf32, #tpu.memory_space<hbm>> -> memref<640x32xf32, #tpu.memory_space<hbm>>
      tpu.wait_dma2 semaphore(%run_scoped3A_624 : memref<!tpu.dma_semaphore, #tpu.memory_space<semaphore_mem>>) src(%dma_wait3A_632 : memref<640x32xf32, #tpu.memory_space<hbm>>) dst(%dma_wait3A_630 : memref<640x32xf32, #tpu.memory_space<vmem_shared>>)
      tpu.yield
    }) : () -> ()
    %barrier3A = arith.constant 0 : index
    tpu.barrier barrier_id(%barrier3A)
    %broadcast_in_dim3A = arith.constant 1.000000e+00 : f32
    %broadcast_in_dim3A_10 = vector.broadcast %broadcast_in_dim3A : f32 to vector<16xf32>
    %dma_start3A = arith.constant 0 : i32
    %dma_start3A_11 = arith.constant 0 : i32
    %dma_start3A_12 = tpu.memref_slice %arg7[%dma_start3A, %dma_start3A_11] : memref<80x128xi32, #tpu.memory_space<vmem>> -> memref<1x128xi32, #tpu.memory_space<vmem>>
    %dma_start3A_13 = tpu.memref_squeeze %dma_start3A_12 : memref<1x128xi32, #tpu.memory_space<vmem>> -> memref<128xi32, #tpu.memory_space<vmem>>
    %dma_start3A_14 = arith.constant 0 : i32
    %dma_start3A_15 = arith.constant 0 : i32
    %dma_start3A_16 = tpu.memref_slice %arg17[%dma_start3A_14, %dma_start3A_15] : memref<10240x32xf32, #tpu.memory_space<vmem_shared>> -> memref<10240x32xf32, #tpu.memory_space<vmem_shared>>
    tpu.enqueue_indirect_dma source(%dma_start3A_16 : memref<10240x32xf32, #tpu.memory_space<vmem_shared>>) target(%arg9 : memref<128x32xf32, #tpu.memory_space<vmem>>) offsets(%dma_start3A_13 : memref<128xi32, #tpu.memory_space<vmem>>) semaphore(%arg19 : memref<!tpu.dma_semaphore, #tpu.memory_space<semaphore_mem>>)
    %dma_start3A_17 = arith.constant 1 : i32
    %dma_start3A_18 = arith.constant 0 : i32
    %dma_start3A_19 = tpu.memref_slice %arg7[%dma_start3A_17, %dma_start3A_18] : memref<80x128xi32, #tpu.memory_space<vmem>> -> memref<1x128xi32, #tpu.memory_space<vmem>>
    %dma_start3A_20 = tpu.memref_squeeze %dma_start3A_19 : memref<1x128xi32, #tpu.memory_space<vmem>> -> memref<128xi32, #tpu.memory_space<vmem>>
    %dma_start3A_21 = arith.constant 0 : i32
    %dma_start3A_22 = arith.constant 0 : i32
    %dma_start3A_23 = tpu.memref_slice %arg17[%dma_start3A_21, %dma_start3A_22] : memref<10240x32xf32, #tpu.memory_space<vmem_shared>> -> memref<10240x32xf32, #tpu.memory_space<vmem_shared>>
    tpu.enqueue_indirect_dma source(%dma_start3A_23 : memref<10240x32xf32, #tpu.memory_space<vmem_shared>>) target(%arg10 : memref<128x32xf32, #tpu.memory_space<vmem>>) offsets(%dma_start3A_20 : memref<128xi32, #tpu.memory_space<vmem>>) semaphore(%arg20 : memref<!tpu.dma_semaphore, #tpu.memory_space<semaphore_mem>>)
    %dma_start3A_24 = arith.constant 2 : i32
    %dma_start3A_25 = arith.constant 0 : i32
    %dma_start3A_26 = tpu.memref_slice %arg7[%dma_start3A_24, %dma_start3A_25] : memref<80x128xi32, #tpu.memory_space<vmem>> -> memref<1x128xi32, #tpu.memory_space<vmem>>
    %dma_start3A_27 = tpu.memref_squeeze %dma_start3A_26 : memref<1x128xi32, #tpu.memory_space<vmem>> -> memref<128xi32, #tpu.memory_space<vmem>>
    %dma_start3A_28 = arith.constant 0 : i32
    %dma_start3A_29 = arith.constant 0 : i32
    %dma_start3A_30 = tpu.memref_slice %arg17[%dma_start3A_28, %dma_start3A_29] : memref<10240x32xf32, #tpu.memory_space<vmem_shared>> -> memref<10240x32xf32, #tpu.memory_space<vmem_shared>>
    tpu.enqueue_indirect_dma source(%dma_start3A_30 : memref<10240x32xf32, #tpu.memory_space<vmem_shared>>) target(%arg11 : memref<128x32xf32, #tpu.memory_space<vmem>>) offsets(%dma_start3A_27 : memref<128xi32, #tpu.memory_space<vmem>>) semaphore(%arg21 : memref<!tpu.dma_semaphore, #tpu.memory_space<semaphore_mem>>)
    %dma_start3A_31 = arith.constant 3 : i32
    %dma_start3A_32 = arith.constant 0 : i32
    %dma_start3A_33 = tpu.memref_slice %arg7[%dma_start3A_31, %dma_start3A_32] : memref<80x128xi32, #tpu.memory_space<vmem>> -> memref<1x128xi32, #tpu.memory_space<vmem>>
    %dma_start3A_34 = tpu.memref_squeeze %dma_start3A_33 : memref<1x128xi32, #tpu.memory_space<vmem>> -> memref<128xi32, #tpu.memory_space<vmem>>
    %dma_start3A_35 = arith.constant 0 : i32
    %dma_start3A_36 = arith.constant 0 : i32
    %dma_start3A_37 = tpu.memref_slice %arg17[%dma_start3A_35, %dma_start3A_36] : memref<10240x32xf32, #tpu.memory_space<vmem_shared>> -> memref<10240x32xf32, #tpu.memory_space<vmem_shared>>
    tpu.enqueue_indirect_dma source(%dma_start3A_37 : memref<10240x32xf32, #tpu.memory_space<vmem_shared>>) target(%arg12 : memref<128x32xf32, #tpu.memory_space<vmem>>) offsets(%dma_start3A_34 : memref<128xi32, #tpu.memory_space<vmem>>) semaphore(%arg22 : memref<!tpu.dma_semaphore, #tpu.memory_space<semaphore_mem>>)
    %dma_wait3A = arith.constant 0 : i32
    %dma_wait3A_38 = arith.constant 0 : i32
    %dma_wait3A_39 = tpu.memref_slice %arg7[%dma_wait3A, %dma_wait3A_38] : memref<80x128xi32, #tpu.memory_space<vmem>> -> memref<1x128xi32, #tpu.memory_space<vmem>>
    %dma_wait3A_40 = tpu.memref_squeeze %dma_wait3A_39 : memref<1x128xi32, #tpu.memory_space<vmem>> -> memref<128xi32, #tpu.memory_space<vmem>>
    %dma_wait3A_41 = arith.constant 0 : i32
    %dma_wait3A_42 = arith.constant 0 : i32
    %dma_wait3A_43 = tpu.memref_slice %arg17[%dma_wait3A_41, %dma_wait3A_42] : memref<10240x32xf32, #tpu.memory_space<vmem_shared>> -> memref<10240x32xf32, #tpu.memory_space<vmem_shared>>
    tpu.wait_indirect_dma semaphore(%arg19 : memref<!tpu.dma_semaphore, #tpu.memory_space<semaphore_mem>>) src(%dma_wait3A_43 : memref<10240x32xf32, #tpu.memory_space<vmem_shared>>) dst(%arg9 : memref<128x32xf32, #tpu.memory_space<vmem>>)
    %dma_start3A_44 = arith.constant 0 : i32
    %dma_start3A_45 = arith.constant 0 : i32
    %dma_start3A_46 = tpu.memref_slice %arg8[%dma_start3A_44, %dma_start3A_45] : memref<80x128xi32, #tpu.memory_space<vmem>> -> memref<1x128xi32, #tpu.memory_space<vmem>>
    %dma_start3A_47 = tpu.memref_squeeze %dma_start3A_46 : memref<1x128xi32, #tpu.memory_space<vmem>> -> memref<128xi32, #tpu.memory_space<vmem>>
    %dma_start3A_48 = arith.constant 0 : i32
    %dma_start3A_49 = arith.constant 0 : i32
    %dma_start3A_50 = tpu.memref_slice %arg18[%dma_start3A_48, %dma_start3A_49] : memref<10240x32xf32, #tpu.memory_space<vmem_shared>> -> memref<10240x32xf32, #tpu.memory_space<vmem_shared>>
    tpu.enqueue_indirect_dma source(%arg9 : memref<128x32xf32, #tpu.memory_space<vmem>>) target(%dma_start3A_50 : memref<10240x32xf32, #tpu.memory_space<vmem_shared>>) offsets(%dma_start3A_47 : memref<128xi32, #tpu.memory_space<vmem>>) semaphore(%arg27 : memref<!tpu.dma_semaphore, #tpu.memory_space<semaphore_mem>>) {add = true}
    %dma_start3A_51 = arith.constant 4 : i32
    %dma_start3A_52 = arith.constant 0 : i32
    %dma_start3A_53 = tpu.memref_slice %arg7[%dma_start3A_51, %dma_start3A_52] : memref<80x128xi32, #tpu.memory_space<vmem>> -> memref<1x128xi32, #tpu.memory_space<vmem>>
    %dma_start3A_54 = tpu.memref_squeeze %dma_start3A_53 : memref<1x128xi32, #tpu.memory_space<vmem>> -> memref<128xi32, #tpu.memory_space<vmem>>
    %dma_start3A_55 = arith.constant 0 : i32
    %dma_start3A_56 = arith.constant 0 : i32
    %dma_start3A_57 = tpu.memref_slice %arg17[%dma_start3A_55, %dma_start3A_56] : memref<10240x32xf32, #tpu.memory_space<vmem_shared>> -> memref<10240x32xf32, #tpu.memory_space<vmem_shared>>
    tpu.enqueue_indirect_dma source(%dma_start3A_57 : memref<10240x32xf32, #tpu.memory_space<vmem_shared>>) target(%arg13 : memref<128x32xf32, #tpu.memory_space<vmem>>) offsets(%dma_start3A_54 : memref<128xi32, #tpu.memory_space<vmem>>) semaphore(%arg23 : memref<!tpu.dma_semaphore, #tpu.memory_space<semaphore_mem>>)
    %get3A = arith.constant 0 : i32
    %get3A_58 = arith.index_cast %get3A : i32 to index
    %get3A_59 = arith.constant 0 : index
    %get3A_60 = tpu.vector_load %arg8[%get3A_58, %get3A_59] {strides = array<i32>} : memref<80x128xi32, #tpu.memory_space<vmem>>, vector<16xi32>,
    tpu.vector_store_idx %arg35[%get3A_60], %broadcast_in_dim3A_10 {add = true} : memref<10240xf32, #tpu.memory_space<vmem>>[vector<16xi32>], vector<16xf32>,
    %get3A_61 = arith.constant 0 : i32
    %get3A_62 = arith.index_cast %get3A_61 : i32 to index
    %get3A_63 = arith.constant 16 : index
    %get3A_64 = tpu.vector_load %arg8[%get3A_62, %get3A_63] {strides = array<i32>} : memref<80x128xi32, #tpu.memory_space<vmem>>, vector<16xi32>,
    tpu.vector_store_idx %arg35[%get3A_64], %broadcast_in_dim3A_10 {add = true} : memref<10240xf32, #tpu.memory_space<vmem>>[vector<16xi32>], vector<16xf32>,
    %get3A_65 = arith.constant 0 : i32
    %get3A_66 = arith.index_cast %get3A_65 : i32 to index
    %get3A_67 = arith.constant 32 : index
    %get3A_68 = tpu.vector_load %arg8[%get3A_66, %get3A_67] {strides = array<i32>} : memref<80x128xi32, #tpu.memory_space<vmem>>, vector<16xi32>,
    tpu.vector_store_idx %arg35[%get3A_68], %broadcast_in_dim3A_10 {add = true} : memref<10240xf32, #tpu.memory_space<vmem>>[vector<16xi32>], vector<16xf32>,
    %get3A_69 = arith.constant 0 : i32
    %get3A_70 = arith.index_cast %get3A_69 : i32 to index
    %get3A_71 = arith.constant 48 : index
    %get3A_72 = tpu.vector_load %arg8[%get3A_70, %get3A_71] {strides = array<i32>} : memref<80x128xi32, #tpu.memory_space<vmem>>, vector<16xi32>,
    tpu.vector_store_idx %arg35[%get3A_72], %broadcast_in_dim3A_10 {add = true} : memref<10240xf32, #tpu.memory_space<vmem>>[vector<16xi32>], vector<16xf32>,
    %get3A_73 = arith.constant 0 : i32
    %get3A_74 = arith.index_cast %get3A_73 : i32 to index
    %get3A_75 = arith.constant 64 : index
    %get3A_76 = tpu.vector_load %arg8[%get3A_74, %get3A_75] {strides = array<i32>} : memref<80x128xi32, #tpu.memory_space<vmem>>, vector<16xi32>,
    tpu.vector_store_idx %arg35[%get3A_76], %broadcast_in_dim3A_10 {add = true} : memref<10240xf32, #tpu.memory_space<vmem>>[vector<16xi32>], vector<16xf32>,
    %get3A_77 = arith.constant 0 : i32
    %get3A_78 = arith.index_cast %get3A_77 : i32 to index
    %get3A_79 = arith.constant 80 : index
    %get3A_80 = tpu.vector_load %arg8[%get3A_78, %get3A_79] {strides = array<i32>} : memref<80x128xi32, #tpu.memory_space<vmem>>, vector<16xi32>,
    tpu.vector_store_idx %arg35[%get3A_80], %broadcast_in_dim3A_10 {add = true} : memref<10240xf32, #tpu.memory_space<vmem>>[vector<16xi32>], vector<16xf32>,
    %get3A_81 = arith.constant 0 : i32
    %get3A_82 = arith.index_cast %get3A_81 : i32 to index
    %get3A_83 = arith.constant 96 : index
    %get3A_84 = tpu.vector_load %arg8[%get3A_82, %get3A_83] {strides = array<i32>} : memref<80x128xi32, #tpu.memory_space<vmem>>, vector<16xi32>,
    tpu.vector_store_idx %arg35[%get3A_84], %broadcast_in_dim3A_10 {add = true} : memref<10240xf32, #tpu.memory_space<vmem>>[vector<16xi32>], vector<16xf32>,
    %get3A_85 = arith.constant 0 : i32
    %get3A_86 = arith.index_cast %get3A_85 : i32 to index
    %get3A_87 = arith.constant 112 : index
    %get3A_88 = tpu.vector_load %arg8[%get3A_86, %get3A_87] {strides = array<i32>} : memref<80x128xi32, #tpu.memory_space<vmem>>, vector<16xi32>,
    tpu.vector_store_idx %arg35[%get3A_88], %broadcast_in_dim3A_10 {add = true} : memref<10240xf32, #tpu.memory_space<vmem>>[vector<16xi32>], vector<16xf32>,
    %dma_wait3A_89 = arith.constant 1 : i32
    %dma_wait3A_90 = arith.constant 0 : i32
    %dma_wait3A_91 = tpu.memref_slice %arg7[%dma_wait3A_89, %dma_wait3A_90] : memref<80x128xi32, #tpu.memory_space<vmem>> -> memref<1x128xi32, #tpu.memory_space<vmem>>
    %dma_wait3A_92 = tpu.memref_squeeze %dma_wait3A_91 : memref<1x128xi32, #tpu.memory_space<vmem>> -> memref<128xi32, #tpu.memory_space<vmem>>
    %dma_wait3A_93 = arith.constant 0 : i32
    %dma_wait3A_94 = arith.constant 0 : i32
    %dma_wait3A_95 = tpu.memref_slice %arg17[%dma_wait3A_93, %dma_wait3A_94] : memref<10240x32xf32, #tpu.memory_space<vmem_shared>> -> memref<10240x32xf32, #tpu.memory_space<vmem_shared>>
    tpu.wait_indirect_dma semaphore(%arg20 : memref<!tpu.dma_semaphore, #tpu.memory_space<semaphore_mem>>) src(%dma_wait3A_95 : memref<10240x32xf32, #tpu.memory_space<vmem_shared>>) dst(%arg10 : memref<128x32xf32, #tpu.memory_space<vmem>>)
    %dma_start3A_96 = arith.constant 1 : i32
    %dma_start3A_97 = arith.constant 0 : i32
    %dma_start3A_98 = tpu.memref_slice %arg8[%dma_start3A_96, %dma_start3A_97] : memref<80x128xi32, #tpu.memory_space<vmem>> -> memref<1x128xi32, #tpu.memory_space<vmem>>
    %dma_start3A_99 = tpu.memref_squeeze %dma_start3A_98 : memref<1x128xi32, #tpu.memory_space<vmem>> -> memref<128xi32, #tpu.memory_space<vmem>>
    %dma_start3A_100 = arith.constant 0 : i32
    %dma_start3A_101 = arith.constant 0 : i32
    %dma_start3A_102 = tpu.memref_slice %arg18[%dma_start3A_100, %dma_start3A_101] : memref<10240x32xf32, #tpu.memory_space<vmem_shared>> -> memref<10240x32xf32, #tpu.memory_space<vmem_shared>>
    tpu.enqueue_indirect_dma source(%arg10 : memref<128x32xf32, #tpu.memory_space<vmem>>) target(%dma_start3A_102 : memref<10240x32xf32, #tpu.memory_space<vmem_shared>>) offsets(%dma_start3A_99 : memref<128xi32, #tpu.memory_space<vmem>>) semaphore(%arg28 : memref<!tpu.dma_semaphore, #tpu.memory_space<semaphore_mem>>) {add = true}
    %dma_start3A_103 = arith.constant 5 : i32
    %dma_start3A_104 = arith.constant 0 : i32
    %dma_start3A_105 = tpu.memref_slice %arg7[%dma_start3A_103, %dma_start3A_104] : memref<80x128xi32, #tpu.memory_space<vmem>> -> memref<1x128xi32, #tpu.memory_space<vmem>>
    %dma_start3A_106 = tpu.memref_squeeze %dma_start3A_105 : memref<1x128xi32, #tpu.memory_space<vmem>> -> memref<128xi32, #tpu.memory_space<vmem>>
    %dma_start3A_107 = arith.constant 0 : i32
    %dma_start3A_108 = arith.constant 0 : i32
    %dma_start3A_109 = tpu.memref_slice %arg17[%dma_start3A_107, %dma_start3A_108] : memref<10240x32xf32, #tpu.memory_space<vmem_shared>> -> memref<10240x32xf32, #tpu.memory_space<vmem_shared>>
    tpu.enqueue_indirect_dma source(%dma_start3A_109 : memref<10240x32xf32, #tpu.memory_space<vmem_shared>>) target(%arg14 : memref<128x32xf32, #tpu.memory_space<vmem>>) offsets(%dma_start3A_106 : memref<128xi32, #tpu.memory_space<vmem>>) semaphore(%arg24 : memref<!tpu.dma_semaphore, #tpu.memory_space<semaphore_mem>>)
    %get3A_110 = arith.constant 1 : i32
    %get3A_111 = arith.index_cast %get3A_110 : i32 to index
    %get3A_112 = arith.constant 0 : index
    %get3A_113 = tpu.vector_load %arg8[%get3A_111, %get3A_112] {strides = array<i32>} : memref<80x128xi32, #tpu.memory_space<vmem>>, vector<16xi32>,
    tpu.vector_store_idx %arg35[%get3A_113], %broadcast_in_dim3A_10 {add = true} : memref<10240xf32, #tpu.memory_space<vmem>>[vector<16xi32>], vector<16xf32>,
    %get3A_114 = arith.constant 1 : i32
    %get3A_115 = arith.index_cast %get3A_114 : i32 to index
    %get3A_116 = arith.constant 16 : index
    %get3A_117 = tpu.vector_load %arg8[%get3A_115, %get3A_116] {strides = array<i32>} : memref<80x128xi32, #tpu.memory_space<vmem>>, vector<16xi32>,
    tpu.vector_store_idx %arg35[%get3A_117], %broadcast_in_dim3A_10 {add = true} : memref<10240xf32, #tpu.memory_space<vmem>>[vector<16xi32>], vector<16xf32>,
    %get3A_118 = arith.constant 1 : i32
    %get3A_119 = arith.index_cast %get3A_118 : i32 to index
    %get3A_120 = arith.constant 32 : index
    %get3A_121 = tpu.vector_load %arg8[%get3A_119, %get3A_120] {strides = array<i32>} : memref<80x128xi32, #tpu.memory_space<vmem>>, vector<16xi32>,
    tpu.vector_store_idx %arg35[%get3A_121], %broadcast_in_dim3A_10 {add = true} : memref<10240xf32, #tpu.memory_space<vmem>>[vector<16xi32>], vector<16xf32>,
    %get3A_122 = arith.constant 1 : i32
    %get3A_123 = arith.index_cast %get3A_122 : i32 to index
    %get3A_124 = arith.constant 48 : index
    %get3A_125 = tpu.vector_load %arg8[%get3A_123, %get3A_124] {strides = array<i32>} : memref<80x128xi32, #tpu.memory_space<vmem>>, vector<16xi32>,
    tpu.vector_store_idx %arg35[%get3A_125], %broadcast_in_dim3A_10 {add = true} : memref<10240xf32, #tpu.memory_space<vmem>>[vector<16xi32>], vector<16xf32>,
    %get3A_126 = arith.constant 1 : i32
    %get3A_127 = arith.index_cast %get3A_126 : i32 to index
    %get3A_128 = arith.constant 64 : index
    %get3A_129 = tpu.vector_load %arg8[%get3A_127, %get3A_128] {strides = array<i32>} : memref<80x128xi32, #tpu.memory_space<vmem>>, vector<16xi32>,
    tpu.vector_store_idx %arg35[%get3A_129], %broadcast_in_dim3A_10 {add = true} : memref<10240xf32, #tpu.memory_space<vmem>>[vector<16xi32>], vector<16xf32>,
    %get3A_130 = arith.constant 1 : i32
    %get3A_131 = arith.index_cast %get3A_130 : i32 to index
    %get3A_132 = arith.constant 80 : index
    %get3A_133 = tpu.vector_load %arg8[%get3A_131, %get3A_132] {strides = array<i32>} : memref<80x128xi32, #tpu.memory_space<vmem>>, vector<16xi32>,
    tpu.vector_store_idx %arg35[%get3A_133], %broadcast_in_dim3A_10 {add = true} : memref<10240xf32, #tpu.memory_space<vmem>>[vector<16xi32>], vector<16xf32>,
    %get3A_134 = arith.constant 1 : i32
    %get3A_135 = arith.index_cast %get3A_134 : i32 to index
    %get3A_136 = arith.constant 96 : index
    %get3A_137 = tpu.vector_load %arg8[%get3A_135, %get3A_136] {strides = array<i32>} : memref<80x128xi32, #tpu.memory_space<vmem>>, vector<16xi32>,
    tpu.vector_store_idx %arg35[%get3A_137], %broadcast_in_dim3A_10 {add = true} : memref<10240xf32, #tpu.memory_space<vmem>>[vector<16xi32>], vector<16xf32>,
    %get3A_138 = arith.constant 1 : i32
    %get3A_139 = arith.index_cast %get3A_138 : i32 to index
    %get3A_140 = arith.constant 112 : index
    %get3A_141 = tpu.vector_load %arg8[%get3A_139, %get3A_140] {strides = array<i32>} : memref<80x128xi32, #tpu.memory_space<vmem>>, vector<16xi32>,
    tpu.vector_store_idx %arg35[%get3A_141], %broadcast_in_dim3A_10 {add = true} : memref<10240xf32, #tpu.memory_space<vmem>>[vector<16xi32>], vector<16xf32>,
    %dma_wait3A_142 = arith.constant 2 : i32
    %dma_wait3A_143 = arith.constant 0 : i32
    %dma_wait3A_144 = tpu.memref_slice %arg7[%dma_wait3A_142, %dma_wait3A_143] : memref<80x128xi32, #tpu.memory_space<vmem>> -> memref<1x128xi32, #tpu.memory_space<vmem>>
    %dma_wait3A_145 = tpu.memref_squeeze %dma_wait3A_144 : memref<1x128xi32, #tpu.memory_space<vmem>> -> memref<128xi32, #tpu.memory_space<vmem>>
    %dma_wait3A_146 = arith.constant 0 : i32
    %dma_wait3A_147 = arith.constant 0 : i32
    %dma_wait3A_148 = tpu.memref_slice %arg17[%dma_wait3A_146, %dma_wait3A_147] : memref<10240x32xf32, #tpu.memory_space<vmem_shared>> -> memref<10240x32xf32, #tpu.memory_space<vmem_shared>>
    tpu.wait_indirect_dma semaphore(%arg21 : memref<!tpu.dma_semaphore, #tpu.memory_space<semaphore_mem>>) src(%dma_wait3A_148 : memref<10240x32xf32, #tpu.memory_space<vmem_shared>>) dst(%arg11 : memref<128x32xf32, #tpu.memory_space<vmem>>)
    %dma_start3A_149 = arith.constant 2 : i32
    %dma_start3A_150 = arith.constant 0 : i32
    %dma_start3A_151 = tpu.memref_slice %arg8[%dma_start3A_149, %dma_start3A_150] : memref<80x128xi32, #tpu.memory_space<vmem>> -> memref<1x128xi32, #tpu.memory_space<vmem>>
    %dma_start3A_152 = tpu.memref_squeeze %dma_start3A_151 : memref<1x128xi32, #tpu.memory_space<vmem>> -> memref<128xi32, #tpu.memory_space<vmem>>
    %dma_start3A_153 = arith.constant 0 : i32
    %dma_start3A_154 = arith.constant 0 : i32
    %dma_start3A_155 = tpu.memref_slice %arg18[%dma_start3A_153, %dma_start3A_154] : memref<10240x32xf32, #tpu.memory_space<vmem_shared>> -> memref<10240x32xf32, #tpu.memory_space<vmem_shared>>
    tpu.enqueue_indirect_dma source(%arg11 : memref<128x32xf32, #tpu.memory_space<vmem>>) target(%dma_start3A_155 : memref<10240x32xf32, #tpu.memory_space<vmem_shared>>) offsets(%dma_start3A_152 : memref<128xi32, #tpu.memory_space<vmem>>) semaphore(%arg29 : memref<!tpu.dma_semaphore, #tpu.memory_space<semaphore_mem>>) {add = true}
    %dma_start3A_156 = arith.constant 6 : i32
    %dma_start3A_157 = arith.constant 0 : i32
    %dma_start3A_158 = tpu.memref_slice %arg7[%dma_start3A_156, %dma_start3A_157] : memref<80x128xi32, #tpu.memory_space<vmem>> -> memref<1x128xi32, #tpu.memory_space<vmem>>
    %dma_start3A_159 = tpu.memref_squeeze %dma_start3A_158 : memref<1x128xi32, #tpu.memory_space<vmem>> -> memref<128xi32, #tpu.memory_space<vmem>>
    %dma_start3A_160 = arith.constant 0 : i32
    %dma_start3A_161 = arith.constant 0 : i32
    %dma_start3A_162 = tpu.memref_slice %arg17[%dma_start3A_160, %dma_start3A_161] : memref<10240x32xf32, #tpu.memory_space<vmem_shared>> -> memref<10240x32xf32, #tpu.memory_space<vmem_shared>>
    tpu.enqueue_indirect_dma source(%dma_start3A_162 : memref<10240x32xf32, #tpu.memory_space<vmem_shared>>) target(%arg15 : memref<128x32xf32, #tpu.memory_space<vmem>>) offsets(%dma_start3A_159 : memref<128xi32, #tpu.memory_space<vmem>>) semaphore(%arg25 : memref<!tpu.dma_semaphore, #tpu.memory_space<semaphore_mem>>)
    %get3A_163 = arith.constant 2 : i32
    %get3A_164 = arith.index_cast %get3A_163 : i32 to index
    %get3A_165 = arith.constant 0 : index
    %get3A_166 = tpu.vector_load %arg8[%get3A_164, %get3A_165] {strides = array<i32>} : memref<80x128xi32, #tpu.memory_space<vmem>>, vector<16xi32>,
    tpu.vector_store_idx %arg35[%get3A_166], %broadcast_in_dim3A_10 {add = true} : memref<10240xf32, #tpu.memory_space<vmem>>[vector<16xi32>], vector<16xf32>,
    %get3A_167 = arith.constant 2 : i32
    %get3A_168 = arith.index_cast %get3A_167 : i32 to index
    %get3A_169 = arith.constant 16 : index
    %get3A_170 = tpu.vector_load %arg8[%get3A_168, %get3A_169] {strides = array<i32>} : memref<80x128xi32, #tpu.memory_space<vmem>>, vector<16xi32>,
    tpu.vector_store_idx %arg35[%get3A_170], %broadcast_in_dim3A_10 {add = true} : memref<10240xf32, #tpu.memory_space<vmem>>[vector<16xi32>], vector<16xf32>,
    %get3A_171 = arith.constant 2 : i32
    %get3A_172 = arith.index_cast %get3A_171 : i32 to index
    %get3A_173 = arith.constant 32 : index
    %get3A_174 = tpu.vector_load %arg8[%get3A_172, %get3A_173] {strides = array<i32>} : memref<80x128xi32, #tpu.memory_space<vmem>>, vector<16xi32>,
    tpu.vector_store_idx %arg35[%get3A_174], %broadcast_in_dim3A_10 {add = true} : memref<10240xf32, #tpu.memory_space<vmem>>[vector<16xi32>], vector<16xf32>,
    %get3A_175 = arith.constant 2 : i32
    %get3A_176 = arith.index_cast %get3A_175 : i32 to index
    %get3A_177 = arith.constant 48 : index
    %get3A_178 = tpu.vector_load %arg8[%get3A_176, %get3A_177] {strides = array<i32>} : memref<80x128xi32, #tpu.memory_space<vmem>>, vector<16xi32>,
    tpu.vector_store_idx %arg35[%get3A_178], %broadcast_in_dim3A_10 {add = true} : memref<10240xf32, #tpu.memory_space<vmem>>[vector<16xi32>], vector<16xf32>,
    %get3A_179 = arith.constant 2 : i32
    %get3A_180 = arith.index_cast %get3A_179 : i32 to index
    %get3A_181 = arith.constant 64 : index
    %get3A_182 = tpu.vector_load %arg8[%get3A_180, %get3A_181] {strides = array<i32>} : memref<80x128xi32, #tpu.memory_space<vmem>>, vector<16xi32>,
    tpu.vector_store_idx %arg35[%get3A_182], %broadcast_in_dim3A_10 {add = true} : memref<10240xf32, #tpu.memory_space<vmem>>[vector<16xi32>], vector<16xf32>,
    %get3A_183 = arith.constant 2 : i32
    %get3A_184 = arith.index_cast %get3A_183 : i32 to index
    %get3A_185 = arith.constant 80 : index
    %get3A_186 = tpu.vector_load %arg8[%get3A_184, %get3A_185] {strides = array<i32>} : memref<80x128xi32, #tpu.memory_space<vmem>>, vector<16xi32>,
    tpu.vector_store_idx %arg35[%get3A_186], %broadcast_in_dim3A_10 {add = true} : memref<10240xf32, #tpu.memory_space<vmem>>[vector<16xi32>], vector<16xf32>,
    %get3A_187 = arith.constant 2 : i32
    %get3A_188 = arith.index_cast %get3A_187 : i32 to index
    %get3A_189 = arith.constant 96 : index
    %get3A_190 = tpu.vector_load %arg8[%get3A_188, %get3A_189] {strides = array<i32>} : memref<80x128xi32, #tpu.memory_space<vmem>>, vector<16xi32>,
    tpu.vector_store_idx %arg35[%get3A_190], %broadcast_in_dim3A_10 {add = true} : memref<10240xf32, #tpu.memory_space<vmem>>[vector<16xi32>], vector<16xf32>,
    %get3A_191 = arith.constant 2 : i32
    %get3A_192 = arith.index_cast %get3A_191 : i32 to index
    %get3A_193 = arith.constant 112 : index
    %get3A_194 = tpu.vector_load %arg8[%get3A_192, %get3A_193] {strides = array<i32>} : memref<80x128xi32, #tpu.memory_space<vmem>>, vector<16xi32>,
    tpu.vector_store_idx %arg35[%get3A_194], %broadcast_in_dim3A_10 {add = true} : memref<10240xf32, #tpu.memory_space<vmem>>[vector<16xi32>], vector<16xf32>,
    %dma_wait3A_195 = arith.constant 3 : i32
    %dma_wait3A_196 = arith.constant 0 : i32
    %dma_wait3A_197 = tpu.memref_slice %arg7[%dma_wait3A_195, %dma_wait3A_196] : memref<80x128xi32, #tpu.memory_space<vmem>> -> memref<1x128xi32, #tpu.memory_space<vmem>>
    %dma_wait3A_198 = tpu.memref_squeeze %dma_wait3A_197 : memref<1x128xi32, #tpu.memory_space<vmem>> -> memref<128xi32, #tpu.memory_space<vmem>>
    %dma_wait3A_199 = arith.constant 0 : i32
    %dma_wait3A_200 = arith.constant 0 : i32
    %dma_wait3A_201 = tpu.memref_slice %arg17[%dma_wait3A_199, %dma_wait3A_200] : memref<10240x32xf32, #tpu.memory_space<vmem_shared>> -> memref<10240x32xf32, #tpu.memory_space<vmem_shared>>
    tpu.wait_indirect_dma semaphore(%arg22 : memref<!tpu.dma_semaphore, #tpu.memory_space<semaphore_mem>>) src(%dma_wait3A_201 : memref<10240x32xf32, #tpu.memory_space<vmem_shared>>) dst(%arg12 : memref<128x32xf32, #tpu.memory_space<vmem>>)
    %dma_start3A_202 = arith.constant 3 : i32
    %dma_start3A_203 = arith.constant 0 : i32
    %dma_start3A_204 = tpu.memref_slice %arg8[%dma_start3A_202, %dma_start3A_203] : memref<80x128xi32, #tpu.memory_space<vmem>> -> memref<1x128xi32, #tpu.memory_space<vmem>>
    %dma_start3A_205 = tpu.memref_squeeze %dma_start3A_204 : memref<1x128xi32, #tpu.memory_space<vmem>> -> memref<128xi32, #tpu.memory_space<vmem>>
    %dma_start3A_206 = arith.constant 0 : i32
    %dma_start3A_207 = arith.constant 0 : i32
    %dma_start3A_208 = tpu.memref_slice %arg18[%dma_start3A_206, %dma_start3A_207] : memref<10240x32xf32, #tpu.memory_space<vmem_shared>> -> memref<10240x32xf32, #tpu.memory_space<vmem_shared>>
    tpu.enqueue_indirect_dma source(%arg12 : memref<128x32xf32, #tpu.memory_space<vmem>>) target(%dma_start3A_208 : memref<10240x32xf32, #tpu.memory_space<vmem_shared>>) offsets(%dma_start3A_205 : memref<128xi32, #tpu.memory_space<vmem>>) semaphore(%arg30 : memref<!tpu.dma_semaphore, #tpu.memory_space<semaphore_mem>>) {add = true}
    %dma_start3A_209 = arith.constant 7 : i32
    %dma_start3A_210 = arith.constant 0 : i32
    %dma_start3A_211 = tpu.memref_slice %arg7[%dma_start3A_209, %dma_start3A_210] : memref<80x128xi32, #tpu.memory_space<vmem>> -> memref<1x128xi32, #tpu.memory_space<vmem>>
    %dma_start3A_212 = tpu.memref_squeeze %dma_start3A_211 : memref<1x128xi32, #tpu.memory_space<vmem>> -> memref<128xi32, #tpu.memory_space<vmem>>
    %dma_start3A_213 = arith.constant 0 : i32
    %dma_start3A_214 = arith.constant 0 : i32
    %dma_start3A_215 = tpu.memref_slice %arg17[%dma_start3A_213, %dma_start3A_214] : memref<10240x32xf32, #tpu.memory_space<vmem_shared>> -> memref<10240x32xf32, #tpu.memory_space<vmem_shared>>
    tpu.enqueue_indirect_dma source(%dma_start3A_215 : memref<10240x32xf32, #tpu.memory_space<vmem_shared>>) target(%arg16 : memref<128x32xf32, #tpu.memory_space<vmem>>) offsets(%dma_start3A_212 : memref<128xi32, #tpu.memory_space<vmem>>) semaphore(%arg26 : memref<!tpu.dma_semaphore, #tpu.memory_space<semaphore_mem>>)
    %get3A_216 = arith.constant 3 : i32
    %get3A_217 = arith.index_cast %get3A_216 : i32 to index
    %get3A_218 = arith.constant 0 : index
    %get3A_219 = tpu.vector_load %arg8[%get3A_217, %get3A_218] {strides = array<i32>} : memref<80x128xi32, #tpu.memory_space<vmem>>, vector<16xi32>,
    tpu.vector_store_idx %arg35[%get3A_219], %broadcast_in_dim3A_10 {add = true} : memref<10240xf32, #tpu.memory_space<vmem>>[vector<16xi32>], vector<16xf32>,
    %get3A_220 = arith.constant 3 : i32
    %get3A_221 = arith.index_cast %get3A_220 : i32 to index
    %get3A_222 = arith.constant 16 : index
    %get3A_223 = tpu.vector_load %arg8[%get3A_221, %get3A_222] {strides = array<i32>} : memref<80x128xi32, #tpu.memory_space<vmem>>, vector<16xi32>,
    tpu.vector_store_idx %arg35[%get3A_223], %broadcast_in_dim3A_10 {add = true} : memref<10240xf32, #tpu.memory_space<vmem>>[vector<16xi32>], vector<16xf32>,
    %get3A_224 = arith.constant 3 : i32
    %get3A_225 = arith.index_cast %get3A_224 : i32 to index
    %get3A_226 = arith.constant 32 : index
    %get3A_227 = tpu.vector_load %arg8[%get3A_225, %get3A_226] {strides = array<i32>} : memref<80x128xi32, #tpu.memory_space<vmem>>, vector<16xi32>,
    tpu.vector_store_idx %arg35[%get3A_227], %broadcast_in_dim3A_10 {add = true} : memref<10240xf32, #tpu.memory_space<vmem>>[vector<16xi32>], vector<16xf32>,
    %get3A_228 = arith.constant 3 : i32
    %get3A_229 = arith.index_cast %get3A_228 : i32 to index
    %get3A_230 = arith.constant 48 : index
    %get3A_231 = tpu.vector_load %arg8[%get3A_229, %get3A_230] {strides = array<i32>} : memref<80x128xi32, #tpu.memory_space<vmem>>, vector<16xi32>,
    tpu.vector_store_idx %arg35[%get3A_231], %broadcast_in_dim3A_10 {add = true} : memref<10240xf32, #tpu.memory_space<vmem>>[vector<16xi32>], vector<16xf32>,
    %get3A_232 = arith.constant 3 : i32
    %get3A_233 = arith.index_cast %get3A_232 : i32 to index
    %get3A_234 = arith.constant 64 : index
    %get3A_235 = tpu.vector_load %arg8[%get3A_233, %get3A_234] {strides = array<i32>} : memref<80x128xi32, #tpu.memory_space<vmem>>, vector<16xi32>,
    tpu.vector_store_idx %arg35[%get3A_235], %broadcast_in_dim3A_10 {add = true} : memref<10240xf32, #tpu.memory_space<vmem>>[vector<16xi32>], vector<16xf32>,
    %get3A_236 = arith.constant 3 : i32
    %get3A_237 = arith.index_cast %get3A_236 : i32 to index
    %get3A_238 = arith.constant 80 : index
    %get3A_239 = tpu.vector_load %arg8[%get3A_237, %get3A_238] {strides = array<i32>} : memref<80x128xi32, #tpu.memory_space<vmem>>, vector<16xi32>,
    tpu.vector_store_idx %arg35[%get3A_239], %broadcast_in_dim3A_10 {add = true} : memref<10240xf32, #tpu.memory_space<vmem>>[vector<16xi32>], vector<16xf32>,
    %get3A_240 = arith.constant 3 : i32
    %get3A_241 = arith.index_cast %get3A_240 : i32 to index
    %get3A_242 = arith.constant 96 : index
    %get3A_243 = tpu.vector_load %arg8[%get3A_241, %get3A_242] {strides = array<i32>} : memref<80x128xi32, #tpu.memory_space<vmem>>, vector<16xi32>,
    tpu.vector_store_idx %arg35[%get3A_243], %broadcast_in_dim3A_10 {add = true} : memref<10240xf32, #tpu.memory_space<vmem>>[vector<16xi32>], vector<16xf32>,
    %get3A_244 = arith.constant 3 : i32
    %get3A_245 = arith.index_cast %get3A_244 : i32 to index
    %get3A_246 = arith.constant 112 : index
    %get3A_247 = tpu.vector_load %arg8[%get3A_245, %get3A_246] {strides = array<i32>} : memref<80x128xi32, #tpu.memory_space<vmem>>, vector<16xi32>,
    tpu.vector_store_idx %arg35[%get3A_247], %broadcast_in_dim3A_10 {add = true} : memref<10240xf32, #tpu.memory_space<vmem>>[vector<16xi32>], vector<16xf32>,
    %scan3A_248 = arith.constant 0 : i32
    %scan3A_249 = arith.constant 0 : i32
    %scan3A_250 = arith.constant 9 : i32
    %scan3A_251 = arith.addi %scan3A_249, %scan3A_250 : i32
    %scan3A_252 = arith.constant 1 : i32
    %scan3A_253 = scf.for %scan3A_624 = %scan3A_249 to %scan3A_251 step %scan3A_252 iter_args(%scan3A_625 = %scan3A_248) -> (i32)  : i32 {
      %mul3A_626 = arith.constant 8 : i32
      %mul3A_627 = arith.muli %scan3A_624, %mul3A_626 : i32
      %add3A_628 = arith.constant 4 : i32
      %add3A_629 = arith.addi %add3A_628, %mul3A_627 : i32
      %add3A_630 = arith.constant 0 : i32
      %add3A_631 = arith.addi %add3A_629, %add3A_630 : i32
      %dma_wait3A_632 = arith.constant 0 : i32
      %dma_wait3A_633 = tpu.memref_slice %arg7[%add3A_631, %dma_wait3A_632] : memref<80x128xi32, #tpu.memory_space<vmem>> -> memref<1x128xi32, #tpu.memory_space<vmem>>
      %dma_wait3A_634 = tpu.memref_squeeze %dma_wait3A_633 : memref<1x128xi32, #tpu.memory_space<vmem>> -> memref<128xi32, #tpu.memory_space<vmem>>
      %dma_wait3A_635 = arith.constant 0 : i32
      %dma_wait3A_636 = arith.constant 0 : i32
      %dma_wait3A_637 = tpu.memref_slice %arg17[%dma_wait3A_635, %dma_wait3A_636] : memref<10240x32xf32, #tpu.memory_space<vmem_shared>> -> memref<10240x32xf32, #tpu.memory_space<vmem_shared>>
      tpu.wait_indirect_dma semaphore(%arg23 : memref<!tpu.dma_semaphore, #tpu.memory_space<semaphore_mem>>) src(%dma_wait3A_637 : memref<10240x32xf32, #tpu.memory_space<vmem_shared>>) dst(%arg13 : memref<128x32xf32, #tpu.memory_space<vmem>>)
      %dma_start3A_638 = arith.constant 0 : i32
      %dma_start3A_639 = tpu.memref_slice %arg8[%add3A_631, %dma_start3A_638] : memref<80x128xi32, #tpu.memory_space<vmem>> -> memref<1x128xi32, #tpu.memory_space<vmem>>
      %dma_start3A_640 = tpu.memref_squeeze %dma_start3A_639 : memref<1x128xi32, #tpu.memory_space<vmem>> -> memref<128xi32, #tpu.memory_space<vmem>>
      %dma_start3A_641 = arith.constant 0 : i32
      %dma_start3A_642 = arith.constant 0 : i32
      %dma_start3A_643 = tpu.memref_slice %arg18[%dma_start3A_641, %dma_start3A_642] : memref<10240x32xf32, #tpu.memory_space<vmem_shared>> -> memref<10240x32xf32, #tpu.memory_space<vmem_shared>>
      tpu.enqueue_indirect_dma source(%arg13 : memref<128x32xf32, #tpu.memory_space<vmem>>) target(%dma_start3A_643 : memref<10240x32xf32, #tpu.memory_space<vmem_shared>>) offsets(%dma_start3A_640 : memref<128xi32, #tpu.memory_space<vmem>>) semaphore(%arg31 : memref<!tpu.dma_semaphore, #tpu.memory_space<semaphore_mem>>) {add = true}
      %dma_wait3A_644 = arith.constant 0 : i32
      %dma_wait3A_645 = arith.constant 0 : i32
      %dma_wait3A_646 = tpu.memref_slice %arg8[%dma_wait3A_644, %dma_wait3A_645] : memref<80x128xi32, #tpu.memory_space<vmem>> -> memref<1x128xi32, #tpu.memory_space<vmem>>
      %dma_wait3A_647 = tpu.memref_squeeze %dma_wait3A_646 : memref<1x128xi32, #tpu.memory_space<vmem>> -> memref<128xi32, #tpu.memory_space<vmem>>
      %dma_wait3A_648 = arith.constant 0 : i32
      %dma_wait3A_649 = arith.constant 0 : i32
      %dma_wait3A_650 = tpu.memref_slice %arg18[%dma_wait3A_648, %dma_wait3A_649] : memref<10240x32xf32, #tpu.memory_space<vmem_shared>> -> memref<10240x32xf32, #tpu.memory_space<vmem_shared>>
      tpu.wait_indirect_dma semaphore(%arg27 : memref<!tpu.dma_semaphore, #tpu.memory_space<semaphore_mem>>) src(%arg9 : memref<128x32xf32, #tpu.memory_space<vmem>>) dst(%dma_wait3A_650 : memref<10240x32xf32, #tpu.memory_space<vmem_shared>>)
      %add3A_651 = arith.constant 4 : i32
      %add3A_652 = arith.addi %add3A_631, %add3A_651 : i32
      %dma_start3A_653 = arith.constant 0 : i32
      %dma_start3A_654 = tpu.memref_slice %arg7[%add3A_652, %dma_start3A_653] : memref<80x128xi32, #tpu.memory_space<vmem>> -> memref<1x128xi32, #tpu.memory_space<vmem>>
      %dma_start3A_655 = tpu.memref_squeeze %dma_start3A_654 : memref<1x128xi32, #tpu.memory_space<vmem>> -> memref<128xi32, #tpu.memory_space<vmem>>
      %dma_start3A_656 = arith.constant 0 : i32
      %dma_start3A_657 = arith.constant 0 : i32
      %dma_start3A_658 = tpu.memref_slice %arg17[%dma_start3A_656, %dma_start3A_657] : memref<10240x32xf32, #tpu.memory_space<vmem_shared>> -> memref<10240x32xf32, #tpu.memory_space<vmem_shared>>
      tpu.enqueue_indirect_dma source(%dma_start3A_658 : memref<10240x32xf32, #tpu.memory_space<vmem_shared>>) target(%arg9 : memref<128x32xf32, #tpu.memory_space<vmem>>) offsets(%dma_start3A_655 : memref<128xi32, #tpu.memory_space<vmem>>) semaphore(%arg19 : memref<!tpu.dma_semaphore, #tpu.memory_space<semaphore_mem>>)
      %get3A_659 = arith.index_cast %add3A_631 : i32 to index
      %get3A_660 = arith.constant 0 : index
      %get3A_661 = tpu.vector_load %arg8[%get3A_659, %get3A_660] {strides = array<i32>} : memref<80x128xi32, #tpu.memory_space<vmem>>, vector<16xi32>,
      tpu.vector_store_idx %arg35[%get3A_661], %broadcast_in_dim3A_10 {add = true} : memref<10240xf32, #tpu.memory_space<vmem>>[vector<16xi32>], vector<16xf32>,
      %get3A_662 = arith.index_cast %add3A_631 : i32 to index
      %get3A_663 = arith.constant 16 : index
      %get3A_664 = tpu.vector_load %arg8[%get3A_662, %get3A_663] {strides = array<i32>} : memref<80x128xi32, #tpu.memory_space<vmem>>, vector<16xi32>,
      tpu.vector_store_idx %arg35[%get3A_664], %broadcast_in_dim3A_10 {add = true} : memref<10240xf32, #tpu.memory_space<vmem>>[vector<16xi32>], vector<16xf32>,
      %get3A_665 = arith.index_cast %add3A_631 : i32 to index
      %get3A_666 = arith.constant 32 : index
      %get3A_667 = tpu.vector_load %arg8[%get3A_665, %get3A_666] {strides = array<i32>} : memref<80x128xi32, #tpu.memory_space<vmem>>, vector<16xi32>,
      tpu.vector_store_idx %arg35[%get3A_667], %broadcast_in_dim3A_10 {add = true} : memref<10240xf32, #tpu.memory_space<vmem>>[vector<16xi32>], vector<16xf32>,
      %get3A_668 = arith.index_cast %add3A_631 : i32 to index
      %get3A_669 = arith.constant 48 : index
      %get3A_670 = tpu.vector_load %arg8[%get3A_668, %get3A_669] {strides = array<i32>} : memref<80x128xi32, #tpu.memory_space<vmem>>, vector<16xi32>,
      tpu.vector_store_idx %arg35[%get3A_670], %broadcast_in_dim3A_10 {add = true} : memref<10240xf32, #tpu.memory_space<vmem>>[vector<16xi32>], vector<16xf32>,
      %get3A_671 = arith.index_cast %add3A_631 : i32 to index
      %get3A_672 = arith.constant 64 : index
      %get3A_673 = tpu.vector_load %arg8[%get3A_671, %get3A_672] {strides = array<i32>} : memref<80x128xi32, #tpu.memory_space<vmem>>, vector<16xi32>,
      tpu.vector_store_idx %arg35[%get3A_673], %broadcast_in_dim3A_10 {add = true} : memref<10240xf32, #tpu.memory_space<vmem>>[vector<16xi32>], vector<16xf32>,
      %get3A_674 = arith.index_cast %add3A_631 : i32 to index
      %get3A_675 = arith.constant 80 : index
      %get3A_676 = tpu.vector_load %arg8[%get3A_674, %get3A_675] {strides = array<i32>} : memref<80x128xi32, #tpu.memory_space<vmem>>, vector<16xi32>,
      tpu.vector_store_idx %arg35[%get3A_676], %broadcast_in_dim3A_10 {add = true} : memref<10240xf32, #tpu.memory_space<vmem>>[vector<16xi32>], vector<16xf32>,
      %get3A_677 = arith.index_cast %add3A_631 : i32 to index
      %get3A_678 = arith.constant 96 : index
      %get3A_679 = tpu.vector_load %arg8[%get3A_677, %get3A_678] {strides = array<i32>} : memref<80x128xi32, #tpu.memory_space<vmem>>, vector<16xi32>,
      tpu.vector_store_idx %arg35[%get3A_679], %broadcast_in_dim3A_10 {add = true} : memref<10240xf32, #tpu.memory_space<vmem>>[vector<16xi32>], vector<16xf32>,
      %get3A_680 = arith.index_cast %add3A_631 : i32 to index
      %get3A_681 = arith.constant 112 : index
      %get3A_682 = tpu.vector_load %arg8[%get3A_680, %get3A_681] {strides = array<i32>} : memref<80x128xi32, #tpu.memory_space<vmem>>, vector<16xi32>,
      tpu.vector_store_idx %arg35[%get3A_682], %broadcast_in_dim3A_10 {add = true} : memref<10240xf32, #tpu.memory_space<vmem>>[vector<16xi32>], vector<16xf32>,
      %mul3A_683 = arith.constant 8 : i32
      %mul3A_684 = arith.muli %scan3A_624, %mul3A_683 : i32
      %add3A_685 = arith.constant 4 : i32
      %add3A_686 = arith.addi %add3A_685, %mul3A_684 : i32
      %add3A_687 = arith.constant 1 : i32
      %add3A_688 = arith.addi %add3A_686, %add3A_687 : i32
      %dma_wait3A_689 = arith.constant 0 : i32
      %dma_wait3A_690 = tpu.memref_slice %arg7[%add3A_688, %dma_wait3A_689] : memref<80x128xi32, #tpu.memory_space<vmem>> -> memref<1x128xi32, #tpu.memory_space<vmem>>
      %dma_wait3A_691 = tpu.memref_squeeze %dma_wait3A_690 : memref<1x128xi32, #tpu.memory_space<vmem>> -> memref<128xi32, #tpu.memory_space<vmem>>
      %dma_wait3A_692 = arith.constant 0 : i32
      %dma_wait3A_693 = arith.constant 0 : i32
      %dma_wait3A_694 = tpu.memref_slice %arg17[%dma_wait3A_692, %dma_wait3A_693] : memref<10240x32xf32, #tpu.memory_space<vmem_shared>> -> memref<10240x32xf32, #tpu.memory_space<vmem_shared>>
      tpu.wait_indirect_dma semaphore(%arg24 : memref<!tpu.dma_semaphore, #tpu.memory_space<semaphore_mem>>) src(%dma_wait3A_694 : memref<10240x32xf32, #tpu.memory_space<vmem_shared>>) dst(%arg14 : memref<128x32xf32, #tpu.memory_space<vmem>>)
      %dma_start3A_695 = arith.constant 0 : i32
      %dma_start3A_696 = tpu.memref_slice %arg8[%add3A_688, %dma_start3A_695] : memref<80x128xi32, #tpu.memory_space<vmem>> -> memref<1x128xi32, #tpu.memory_space<vmem>>
      %dma_start3A_697 = tpu.memref_squeeze %dma_start3A_696 : memref<1x128xi32, #tpu.memory_space<vmem>> -> memref<128xi32, #tpu.memory_space<vmem>>
      %dma_start3A_698 = arith.constant 0 : i32
      %dma_start3A_699 = arith.constant 0 : i32
      %dma_start3A_700 = tpu.memref_slice %arg18[%dma_start3A_698, %dma_start3A_699] : memref<10240x32xf32, #tpu.memory_space<vmem_shared>> -> memref<10240x32xf32, #tpu.memory_space<vmem_shared>>
      tpu.enqueue_indirect_dma source(%arg14 : memref<128x32xf32, #tpu.memory_space<vmem>>) target(%dma_start3A_700 : memref<10240x32xf32, #tpu.memory_space<vmem_shared>>) offsets(%dma_start3A_697 : memref<128xi32, #tpu.memory_space<vmem>>) semaphore(%arg32 : memref<!tpu.dma_semaphore, #tpu.memory_space<semaphore_mem>>) {add = true}
      %dma_wait3A_701 = arith.constant 0 : i32
      %dma_wait3A_702 = arith.constant 0 : i32
      %dma_wait3A_703 = tpu.memref_slice %arg8[%dma_wait3A_701, %dma_wait3A_702] : memref<80x128xi32, #tpu.memory_space<vmem>> -> memref<1x128xi32, #tpu.memory_space<vmem>>
      %dma_wait3A_704 = tpu.memref_squeeze %dma_wait3A_703 : memref<1x128xi32, #tpu.memory_space<vmem>> -> memref<128xi32, #tpu.memory_space<vmem>>
      %dma_wait3A_705 = arith.constant 0 : i32
      %dma_wait3A_706 = arith.constant 0 : i32
      %dma_wait3A_707 = tpu.memref_slice %arg18[%dma_wait3A_705, %dma_wait3A_706] : memref<10240x32xf32, #tpu.memory_space<vmem_shared>> -> memref<10240x32xf32, #tpu.memory_space<vmem_shared>>
      tpu.wait_indirect_dma semaphore(%arg28 : memref<!tpu.dma_semaphore, #tpu.memory_space<semaphore_mem>>) src(%arg10 : memref<128x32xf32, #tpu.memory_space<vmem>>) dst(%dma_wait3A_707 : memref<10240x32xf32, #tpu.memory_space<vmem_shared>>)
      %add3A_708 = arith.constant 4 : i32
      %add3A_709 = arith.addi %add3A_688, %add3A_708 : i32
      %dma_start3A_710 = arith.constant 0 : i32
      %dma_start3A_711 = tpu.memref_slice %arg7[%add3A_709, %dma_start3A_710] : memref<80x128xi32, #tpu.memory_space<vmem>> -> memref<1x128xi32, #tpu.memory_space<vmem>>
      %dma_start3A_712 = tpu.memref_squeeze %dma_start3A_711 : memref<1x128xi32, #tpu.memory_space<vmem>> -> memref<128xi32, #tpu.memory_space<vmem>>
      %dma_start3A_713 = arith.constant 0 : i32
      %dma_start3A_714 = arith.constant 0 : i32
      %dma_start3A_715 = tpu.memref_slice %arg17[%dma_start3A_713, %dma_start3A_714] : memref<10240x32xf32, #tpu.memory_space<vmem_shared>> -> memref<10240x32xf32, #tpu.memory_space<vmem_shared>>
      tpu.enqueue_indirect_dma source(%dma_start3A_715 : memref<10240x32xf32, #tpu.memory_space<vmem_shared>>) target(%arg10 : memref<128x32xf32, #tpu.memory_space<vmem>>) offsets(%dma_start3A_712 : memref<128xi32, #tpu.memory_space<vmem>>) semaphore(%arg20 : memref<!tpu.dma_semaphore, #tpu.memory_space<semaphore_mem>>)
      %get3A_716 = arith.index_cast %add3A_688 : i32 to index
      %get3A_717 = arith.constant 0 : index
      %get3A_718 = tpu.vector_load %arg8[%get3A_716, %get3A_717] {strides = array<i32>} : memref<80x128xi32, #tpu.memory_space<vmem>>, vector<16xi32>,
      tpu.vector_store_idx %arg35[%get3A_718], %broadcast_in_dim3A_10 {add = true} : memref<10240xf32, #tpu.memory_space<vmem>>[vector<16xi32>], vector<16xf32>,
      %get3A_719 = arith.index_cast %add3A_688 : i32 to index
      %get3A_720 = arith.constant 16 : index
      %get3A_721 = tpu.vector_load %arg8[%get3A_719, %get3A_720] {strides = array<i32>} : memref<80x128xi32, #tpu.memory_space<vmem>>, vector<16xi32>,
      tpu.vector_store_idx %arg35[%get3A_721], %broadcast_in_dim3A_10 {add = true} : memref<10240xf32, #tpu.memory_space<vmem>>[vector<16xi32>], vector<16xf32>,
      %get3A_722 = arith.index_cast %add3A_688 : i32 to index
      %get3A_723 = arith.constant 32 : index
      %get3A_724 = tpu.vector_load %arg8[%get3A_722, %get3A_723] {strides = array<i32>} : memref<80x128xi32, #tpu.memory_space<vmem>>, vector<16xi32>,
      tpu.vector_store_idx %arg35[%get3A_724], %broadcast_in_dim3A_10 {add = true} : memref<10240xf32, #tpu.memory_space<vmem>>[vector<16xi32>], vector<16xf32>,
      %get3A_725 = arith.index_cast %add3A_688 : i32 to index
      %get3A_726 = arith.constant 48 : index
      %get3A_727 = tpu.vector_load %arg8[%get3A_725, %get3A_726] {strides = array<i32>} : memref<80x128xi32, #tpu.memory_space<vmem>>, vector<16xi32>,
      tpu.vector_store_idx %arg35[%get3A_727], %broadcast_in_dim3A_10 {add = true} : memref<10240xf32, #tpu.memory_space<vmem>>[vector<16xi32>], vector<16xf32>,
      %get3A_728 = arith.index_cast %add3A_688 : i32 to index
      %get3A_729 = arith.constant 64 : index
      %get3A_730 = tpu.vector_load %arg8[%get3A_728, %get3A_729] {strides = array<i32>} : memref<80x128xi32, #tpu.memory_space<vmem>>, vector<16xi32>,
      tpu.vector_store_idx %arg35[%get3A_730], %broadcast_in_dim3A_10 {add = true} : memref<10240xf32, #tpu.memory_space<vmem>>[vector<16xi32>], vector<16xf32>,
      %get3A_731 = arith.index_cast %add3A_688 : i32 to index
      %get3A_732 = arith.constant 80 : index
      %get3A_733 = tpu.vector_load %arg8[%get3A_731, %get3A_732] {strides = array<i32>} : memref<80x128xi32, #tpu.memory_space<vmem>>, vector<16xi32>,
      tpu.vector_store_idx %arg35[%get3A_733], %broadcast_in_dim3A_10 {add = true} : memref<10240xf32, #tpu.memory_space<vmem>>[vector<16xi32>], vector<16xf32>,
      %get3A_734 = arith.index_cast %add3A_688 : i32 to index
      %get3A_735 = arith.constant 96 : index
      %get3A_736 = tpu.vector_load %arg8[%get3A_734, %get3A_735] {strides = array<i32>} : memref<80x128xi32, #tpu.memory_space<vmem>>, vector<16xi32>,
      tpu.vector_store_idx %arg35[%get3A_736], %broadcast_in_dim3A_10 {add = true} : memref<10240xf32, #tpu.memory_space<vmem>>[vector<16xi32>], vector<16xf32>,
      %get3A_737 = arith.index_cast %add3A_688 : i32 to index
      %get3A_738 = arith.constant 112 : index
      %get3A_739 = tpu.vector_load %arg8[%get3A_737, %get3A_738] {strides = array<i32>} : memref<80x128xi32, #tpu.memory_space<vmem>>, vector<16xi32>,
      tpu.vector_store_idx %arg35[%get3A_739], %broadcast_in_dim3A_10 {add = true} : memref<10240xf32, #tpu.memory_space<vmem>>[vector<16xi32>], vector<16xf32>,
      %mul3A_740 = arith.constant 8 : i32
      %mul3A_741 = arith.muli %scan3A_624, %mul3A_740 : i32
      %add3A_742 = arith.constant 4 : i32
      %add3A_743 = arith.addi %add3A_742, %mul3A_741 : i32
      %add3A_744 = arith.constant 2 : i32
      %add3A_745 = arith.addi %add3A_743, %add3A_744 : i32
      %dma_wait3A_746 = arith.constant 0 : i32
      %dma_wait3A_747 = tpu.memref_slice %arg7[%add3A_745, %dma_wait3A_746] : memref<80x128xi32, #tpu.memory_space<vmem>> -> memref<1x128xi32, #tpu.memory_space<vmem>>
      %dma_wait3A_748 = tpu.memref_squeeze %dma_wait3A_747 : memref<1x128xi32, #tpu.memory_space<vmem>> -> memref<128xi32, #tpu.memory_space<vmem>>
      %dma_wait3A_749 = arith.constant 0 : i32
      %dma_wait3A_750 = arith.constant 0 : i32
      %dma_wait3A_751 = tpu.memref_slice %arg17[%dma_wait3A_749, %dma_wait3A_750] : memref<10240x32xf32, #tpu.memory_space<vmem_shared>> -> memref<10240x32xf32, #tpu.memory_space<vmem_shared>>
      tpu.wait_indirect_dma semaphore(%arg25 : memref<!tpu.dma_semaphore, #tpu.memory_space<semaphore_mem>>) src(%dma_wait3A_751 : memref<10240x32xf32, #tpu.memory_space<vmem_shared>>) dst(%arg15 : memref<128x32xf32, #tpu.memory_space<vmem>>)
      %dma_start3A_752 = arith.constant 0 : i32
      %dma_start3A_753 = tpu.memref_slice %arg8[%add3A_745, %dma_start3A_752] : memref<80x128xi32, #tpu.memory_space<vmem>> -> memref<1x128xi32, #tpu.memory_space<vmem>>
      %dma_start3A_754 = tpu.memref_squeeze %dma_start3A_753 : memref<1x128xi32, #tpu.memory_space<vmem>> -> memref<128xi32, #tpu.memory_space<vmem>>
      %dma_start3A_755 = arith.constant 0 : i32
      %dma_start3A_756 = arith.constant 0 : i32
      %dma_start3A_757 = tpu.memref_slice %arg18[%dma_start3A_755, %dma_start3A_756] : memref<10240x32xf32, #tpu.memory_space<vmem_shared>> -> memref<10240x32xf32, #tpu.memory_space<vmem_shared>>
      tpu.enqueue_indirect_dma source(%arg15 : memref<128x32xf32, #tpu.memory_space<vmem>>) target(%dma_start3A_757 : memref<10240x32xf32, #tpu.memory_space<vmem_shared>>) offsets(%dma_start3A_754 : memref<128xi32, #tpu.memory_space<vmem>>) semaphore(%arg33 : memref<!tpu.dma_semaphore, #tpu.memory_space<semaphore_mem>>) {add = true}
      %dma_wait3A_758 = arith.constant 0 : i32
      %dma_wait3A_759 = arith.constant 0 : i32
      %dma_wait3A_760 = tpu.memref_slice %arg8[%dma_wait3A_758, %dma_wait3A_759] : memref<80x128xi32, #tpu.memory_space<vmem>> -> memref<1x128xi32, #tpu.memory_space<vmem>>
      %dma_wait3A_761 = tpu.memref_squeeze %dma_wait3A_760 : memref<1x128xi32, #tpu.memory_space<vmem>> -> memref<128xi32, #tpu.memory_space<vmem>>
      %dma_wait3A_762 = arith.constant 0 : i32
      %dma_wait3A_763 = arith.constant 0 : i32
      %dma_wait3A_764 = tpu.memref_slice %arg18[%dma_wait3A_762, %dma_wait3A_763] : memref<10240x32xf32, #tpu.memory_space<vmem_shared>> -> memref<10240x32xf32, #tpu.memory_space<vmem_shared>>
      tpu.wait_indirect_dma semaphore(%arg29 : memref<!tpu.dma_semaphore, #tpu.memory_space<semaphore_mem>>) src(%arg11 : memref<128x32xf32, #tpu.memory_space<vmem>>) dst(%dma_wait3A_764 : memref<10240x32xf32, #tpu.memory_space<vmem_shared>>)
      %add3A_765 = arith.constant 4 : i32
      %add3A_766 = arith.addi %add3A_745, %add3A_765 : i32
      %dma_start3A_767 = arith.constant 0 : i32
      %dma_start3A_768 = tpu.memref_slice %arg7[%add3A_766, %dma_start3A_767] : memref<80x128xi32, #tpu.memory_space<vmem>> -> memref<1x128xi32, #tpu.memory_space<vmem>>
      %dma_start3A_769 = tpu.memref_squeeze %dma_start3A_768 : memref<1x128xi32, #tpu.memory_space<vmem>> -> memref<128xi32, #tpu.memory_space<vmem>>
      %dma_start3A_770 = arith.constant 0 : i32
      %dma_start3A_771 = arith.constant 0 : i32
      %dma_start3A_772 = tpu.memref_slice %arg17[%dma_start3A_770, %dma_start3A_771] : memref<10240x32xf32, #tpu.memory_space<vmem_shared>> -> memref<10240x32xf32, #tpu.memory_space<vmem_shared>>
      tpu.enqueue_indirect_dma source(%dma_start3A_772 : memref<10240x32xf32, #tpu.memory_space<vmem_shared>>) target(%arg11 : memref<128x32xf32, #tpu.memory_space<vmem>>) offsets(%dma_start3A_769 : memref<128xi32, #tpu.memory_space<vmem>>) semaphore(%arg21 : memref<!tpu.dma_semaphore, #tpu.memory_space<semaphore_mem>>)
      %get3A_773 = arith.index_cast %add3A_745 : i32 to index
      %get3A_774 = arith.constant 0 : index
      %get3A_775 = tpu.vector_load %arg8[%get3A_773, %get3A_774] {strides = array<i32>} : memref<80x128xi32, #tpu.memory_space<vmem>>, vector<16xi32>,
      tpu.vector_store_idx %arg35[%get3A_775], %broadcast_in_dim3A_10 {add = true} : memref<10240xf32, #tpu.memory_space<vmem>>[vector<16xi32>], vector<16xf32>,
      %get3A_776 = arith.index_cast %add3A_745 : i32 to index
      %get3A_777 = arith.constant 16 : index
      %get3A_778 = tpu.vector_load %arg8[%get3A_776, %get3A_777] {strides = array<i32>} : memref<80x128xi32, #tpu.memory_space<vmem>>, vector<16xi32>,
      tpu.vector_store_idx %arg35[%get3A_778], %broadcast_in_dim3A_10 {add = true} : memref<10240xf32, #tpu.memory_space<vmem>>[vector<16xi32>], vector<16xf32>,
      %get3A_779 = arith.index_cast %add3A_745 : i32 to index
      %get3A_780 = arith.constant 32 : index
      %get3A_781 = tpu.vector_load %arg8[%get3A_779, %get3A_780] {strides = array<i32>} : memref<80x128xi32, #tpu.memory_space<vmem>>, vector<16xi32>,
      tpu.vector_store_idx %arg35[%get3A_781], %broadcast_in_dim3A_10 {add = true} : memref<10240xf32, #tpu.memory_space<vmem>>[vector<16xi32>], vector<16xf32>,
      %get3A_782 = arith.index_cast %add3A_745 : i32 to index
      %get3A_783 = arith.constant 48 : index
      %get3A_784 = tpu.vector_load %arg8[%get3A_782, %get3A_783] {strides = array<i32>} : memref<80x128xi32, #tpu.memory_space<vmem>>, vector<16xi32>,
      tpu.vector_store_idx %arg35[%get3A_784], %broadcast_in_dim3A_10 {add = true} : memref<10240xf32, #tpu.memory_space<vmem>>[vector<16xi32>], vector<16xf32>,
      %get3A_785 = arith.index_cast %add3A_745 : i32 to index
      %get3A_786 = arith.constant 64 : index
      %get3A_787 = tpu.vector_load %arg8[%get3A_785, %get3A_786] {strides = array<i32>} : memref<80x128xi32, #tpu.memory_space<vmem>>, vector<16xi32>,
      tpu.vector_store_idx %arg35[%get3A_787], %broadcast_in_dim3A_10 {add = true} : memref<10240xf32, #tpu.memory_space<vmem>>[vector<16xi32>], vector<16xf32>,
      %get3A_788 = arith.index_cast %add3A_745 : i32 to index
      %get3A_789 = arith.constant 80 : index
      %get3A_790 = tpu.vector_load %arg8[%get3A_788, %get3A_789] {strides = array<i32>} : memref<80x128xi32, #tpu.memory_space<vmem>>, vector<16xi32>,
      tpu.vector_store_idx %arg35[%get3A_790], %broadcast_in_dim3A_10 {add = true} : memref<10240xf32, #tpu.memory_space<vmem>>[vector<16xi32>], vector<16xf32>,
      %get3A_791 = arith.index_cast %add3A_745 : i32 to index
      %get3A_792 = arith.constant 96 : index
      %get3A_793 = tpu.vector_load %arg8[%get3A_791, %get3A_792] {strides = array<i32>} : memref<80x128xi32, #tpu.memory_space<vmem>>, vector<16xi32>,
      tpu.vector_store_idx %arg35[%get3A_793], %broadcast_in_dim3A_10 {add = true} : memref<10240xf32, #tpu.memory_space<vmem>>[vector<16xi32>], vector<16xf32>,
      %get3A_794 = arith.index_cast %add3A_745 : i32 to index
      %get3A_795 = arith.constant 112 : index
      %get3A_796 = tpu.vector_load %arg8[%get3A_794, %get3A_795] {strides = array<i32>} : memref<80x128xi32, #tpu.memory_space<vmem>>, vector<16xi32>,
      tpu.vector_store_idx %arg35[%get3A_796], %broadcast_in_dim3A_10 {add = true} : memref<10240xf32, #tpu.memory_space<vmem>>[vector<16xi32>], vector<16xf32>,
      %mul3A_797 = arith.constant 8 : i32
      %mul3A_798 = arith.muli %scan3A_624, %mul3A_797 : i32
      %add3A_799 = arith.constant 4 : i32
      %add3A_800 = arith.addi %add3A_799, %mul3A_798 : i32
      %add3A_801 = arith.constant 3 : i32
      %add3A_802 = arith.addi %add3A_800, %add3A_801 : i32
      %dma_wait3A_803 = arith.constant 0 : i32
      %dma_wait3A_804 = tpu.memref_slice %arg7[%add3A_802, %dma_wait3A_803] : memref<80x128xi32, #tpu.memory_space<vmem>> -> memref<1x128xi32, #tpu.memory_space<vmem>>
      %dma_wait3A_805 = tpu.memref_squeeze %dma_wait3A_804 : memref<1x128xi32, #tpu.memory_space<vmem>> -> memref<128xi32, #tpu.memory_space<vmem>>
      %dma_wait3A_806 = arith.constant 0 : i32
      %dma_wait3A_807 = arith.constant 0 : i32
      %dma_wait3A_808 = tpu.memref_slice %arg17[%dma_wait3A_806, %dma_wait3A_807] : memref<10240x32xf32, #tpu.memory_space<vmem_shared>> -> memref<10240x32xf32, #tpu.memory_space<vmem_shared>>
      tpu.wait_indirect_dma semaphore(%arg26 : memref<!tpu.dma_semaphore, #tpu.memory_space<semaphore_mem>>) src(%dma_wait3A_808 : memref<10240x32xf32, #tpu.memory_space<vmem_shared>>) dst(%arg16 : memref<128x32xf32, #tpu.memory_space<vmem>>)
      %dma_start3A_809 = arith.constant 0 : i32
      %dma_start3A_810 = tpu.memref_slice %arg8[%add3A_802, %dma_start3A_809] : memref<80x128xi32, #tpu.memory_space<vmem>> -> memref<1x128xi32, #tpu.memory_space<vmem>>
      %dma_start3A_811 = tpu.memref_squeeze %dma_start3A_810 : memref<1x128xi32, #tpu.memory_space<vmem>> -> memref<128xi32, #tpu.memory_space<vmem>>
      %dma_start3A_812 = arith.constant 0 : i32
      %dma_start3A_813 = arith.constant 0 : i32
      %dma_start3A_814 = tpu.memref_slice %arg18[%dma_start3A_812, %dma_start3A_813] : memref<10240x32xf32, #tpu.memory_space<vmem_shared>> -> memref<10240x32xf32, #tpu.memory_space<vmem_shared>>
      tpu.enqueue_indirect_dma source(%arg16 : memref<128x32xf32, #tpu.memory_space<vmem>>) target(%dma_start3A_814 : memref<10240x32xf32, #tpu.memory_space<vmem_shared>>) offsets(%dma_start3A_811 : memref<128xi32, #tpu.memory_space<vmem>>) semaphore(%arg34 : memref<!tpu.dma_semaphore, #tpu.memory_space<semaphore_mem>>) {add = true}
      %dma_wait3A_815 = arith.constant 0 : i32
      %dma_wait3A_816 = arith.constant 0 : i32
      %dma_wait3A_817 = tpu.memref_slice %arg8[%dma_wait3A_815, %dma_wait3A_816] : memref<80x128xi32, #tpu.memory_space<vmem>> -> memref<1x128xi32, #tpu.memory_space<vmem>>
      %dma_wait3A_818 = tpu.memref_squeeze %dma_wait3A_817 : memref<1x128xi32, #tpu.memory_space<vmem>> -> memref<128xi32, #tpu.memory_space<vmem>>
      %dma_wait3A_819 = arith.constant 0 : i32
      %dma_wait3A_820 = arith.constant 0 : i32
      %dma_wait3A_821 = tpu.memref_slice %arg18[%dma_wait3A_819, %dma_wait3A_820] : memref<10240x32xf32, #tpu.memory_space<vmem_shared>> -> memref<10240x32xf32, #tpu.memory_space<vmem_shared>>
      tpu.wait_indirect_dma semaphore(%arg30 : memref<!tpu.dma_semaphore, #tpu.memory_space<semaphore_mem>>) src(%arg12 : memref<128x32xf32, #tpu.memory_space<vmem>>) dst(%dma_wait3A_821 : memref<10240x32xf32, #tpu.memory_space<vmem_shared>>)
      %add3A_822 = arith.constant 4 : i32
      %add3A_823 = arith.addi %add3A_802, %add3A_822 : i32
      %dma_start3A_824 = arith.constant 0 : i32
      %dma_start3A_825 = tpu.memref_slice %arg7[%add3A_823, %dma_start3A_824] : memref<80x128xi32, #tpu.memory_space<vmem>> -> memref<1x128xi32, #tpu.memory_space<vmem>>
      %dma_start3A_826 = tpu.memref_squeeze %dma_start3A_825 : memref<1x128xi32, #tpu.memory_space<vmem>> -> memref<128xi32, #tpu.memory_space<vmem>>
      %dma_start3A_827 = arith.constant 0 : i32
      %dma_start3A_828 = arith.constant 0 : i32
      %dma_start3A_829 = tpu.memref_slice %arg17[%dma_start3A_827, %dma_start3A_828] : memref<10240x32xf32, #tpu.memory_space<vmem_shared>> -> memref<10240x32xf32, #tpu.memory_space<vmem_shared>>
      tpu.enqueue_indirect_dma source(%dma_start3A_829 : memref<10240x32xf32, #tpu.memory_space<vmem_shared>>) target(%arg12 : memref<128x32xf32, #tpu.memory_space<vmem>>) offsets(%dma_start3A_826 : memref<128xi32, #tpu.memory_space<vmem>>) semaphore(%arg22 : memref<!tpu.dma_semaphore, #tpu.memory_space<semaphore_mem>>)
      %get3A_830 = arith.index_cast %add3A_802 : i32 to index
      %get3A_831 = arith.constant 0 : index
      %get3A_832 = tpu.vector_load %arg8[%get3A_830, %get3A_831] {strides = array<i32>} : memref<80x128xi32, #tpu.memory_space<vmem>>, vector<16xi32>,
      tpu.vector_store_idx %arg35[%get3A_832], %broadcast_in_dim3A_10 {add = true} : memref<10240xf32, #tpu.memory_space<vmem>>[vector<16xi32>], vector<16xf32>,
      %get3A_833 = arith.index_cast %add3A_802 : i32 to index
      %get3A_834 = arith.constant 16 : index
      %get3A_835 = tpu.vector_load %arg8[%get3A_833, %get3A_834] {strides = array<i32>} : memref<80x128xi32, #tpu.memory_space<vmem>>, vector<16xi32>,
      tpu.vector_store_idx %arg35[%get3A_835], %broadcast_in_dim3A_10 {add = true} : memref<10240xf32, #tpu.memory_space<vmem>>[vector<16xi32>], vector<16xf32>,
      %get3A_836 = arith.index_cast %add3A_802 : i32 to index
      %get3A_837 = arith.constant 32 : index
      %get3A_838 = tpu.vector_load %arg8[%get3A_836, %get3A_837] {strides = array<i32>} : memref<80x128xi32, #tpu.memory_space<vmem>>, vector<16xi32>,
      tpu.vector_store_idx %arg35[%get3A_838], %broadcast_in_dim3A_10 {add = true} : memref<10240xf32, #tpu.memory_space<vmem>>[vector<16xi32>], vector<16xf32>,
      %get3A_839 = arith.index_cast %add3A_802 : i32 to index
      %get3A_840 = arith.constant 48 : index
      %get3A_841 = tpu.vector_load %arg8[%get3A_839, %get3A_840] {strides = array<i32>} : memref<80x128xi32, #tpu.memory_space<vmem>>, vector<16xi32>,
      tpu.vector_store_idx %arg35[%get3A_841], %broadcast_in_dim3A_10 {add = true} : memref<10240xf32, #tpu.memory_space<vmem>>[vector<16xi32>], vector<16xf32>,
      %get3A_842 = arith.index_cast %add3A_802 : i32 to index
      %get3A_843 = arith.constant 64 : index
      %get3A_844 = tpu.vector_load %arg8[%get3A_842, %get3A_843] {strides = array<i32>} : memref<80x128xi32, #tpu.memory_space<vmem>>, vector<16xi32>,
      tpu.vector_store_idx %arg35[%get3A_844], %broadcast_in_dim3A_10 {add = true} : memref<10240xf32, #tpu.memory_space<vmem>>[vector<16xi32>], vector<16xf32>,
      %get3A_845 = arith.index_cast %add3A_802 : i32 to index
      %get3A_846 = arith.constant 80 : index
      %get3A_847 = tpu.vector_load %arg8[%get3A_845, %get3A_846] {strides = array<i32>} : memref<80x128xi32, #tpu.memory_space<vmem>>, vector<16xi32>,
      tpu.vector_store_idx %arg35[%get3A_847], %broadcast_in_dim3A_10 {add = true} : memref<10240xf32, #tpu.memory_space<vmem>>[vector<16xi32>], vector<16xf32>,
      %get3A_848 = arith.index_cast %add3A_802 : i32 to index
      %get3A_849 = arith.constant 96 : index
      %get3A_850 = tpu.vector_load %arg8[%get3A_848, %get3A_849] {strides = array<i32>} : memref<80x128xi32, #tpu.memory_space<vmem>>, vector<16xi32>,
      tpu.vector_store_idx %arg35[%get3A_850], %broadcast_in_dim3A_10 {add = true} : memref<10240xf32, #tpu.memory_space<vmem>>[vector<16xi32>], vector<16xf32>,
      %get3A_851 = arith.index_cast %add3A_802 : i32 to index
      %get3A_852 = arith.constant 112 : index
      %get3A_853 = tpu.vector_load %arg8[%get3A_851, %get3A_852] {strides = array<i32>} : memref<80x128xi32, #tpu.memory_space<vmem>>, vector<16xi32>,
      tpu.vector_store_idx %arg35[%get3A_853], %broadcast_in_dim3A_10 {add = true} : memref<10240xf32, #tpu.memory_space<vmem>>[vector<16xi32>], vector<16xf32>,
      %mul3A_854 = arith.constant 8 : i32
      %mul3A_855 = arith.muli %scan3A_624, %mul3A_854 : i32
      %add3A_856 = arith.constant 4 : i32
      %add3A_857 = arith.addi %add3A_856, %mul3A_855 : i32
      %add3A_858 = arith.constant 4 : i32
      %add3A_859 = arith.addi %add3A_857, %add3A_858 : i32
      %dma_wait3A_860 = arith.constant 0 : i32
      %dma_wait3A_861 = tpu.memref_slice %arg7[%add3A_859, %dma_wait3A_860] : memref<80x128xi32, #tpu.memory_space<vmem>> -> memref<1x128xi32, #tpu.memory_space<vmem>>
      %dma_wait3A_862 = tpu.memref_squeeze %dma_wait3A_861 : memref<1x128xi32, #tpu.memory_space<vmem>> -> memref<128xi32, #tpu.memory_space<vmem>>
      %dma_wait3A_863 = arith.constant 0 : i32
      %dma_wait3A_864 = arith.constant 0 : i32
      %dma_wait3A_865 = tpu.memref_slice %arg17[%dma_wait3A_863, %dma_wait3A_864] : memref<10240x32xf32, #tpu.memory_space<vmem_shared>> -> memref<10240x32xf32, #tpu.memory_space<vmem_shared>>
      tpu.wait_indirect_dma semaphore(%arg19 : memref<!tpu.dma_semaphore, #tpu.memory_space<semaphore_mem>>) src(%dma_wait3A_865 : memref<10240x32xf32, #tpu.memory_space<vmem_shared>>) dst(%arg9 : memref<128x32xf32, #tpu.memory_space<vmem>>)
      %dma_start3A_866 = arith.constant 0 : i32
      %dma_start3A_867 = tpu.memref_slice %arg8[%add3A_859, %dma_start3A_866] : memref<80x128xi32, #tpu.memory_space<vmem>> -> memref<1x128xi32, #tpu.memory_space<vmem>>
      %dma_start3A_868 = tpu.memref_squeeze %dma_start3A_867 : memref<1x128xi32, #tpu.memory_space<vmem>> -> memref<128xi32, #tpu.memory_space<vmem>>
      %dma_start3A_869 = arith.constant 0 : i32
      %dma_start3A_870 = arith.constant 0 : i32
      %dma_start3A_871 = tpu.memref_slice %arg18[%dma_start3A_869, %dma_start3A_870] : memref<10240x32xf32, #tpu.memory_space<vmem_shared>> -> memref<10240x32xf32, #tpu.memory_space<vmem_shared>>
      tpu.enqueue_indirect_dma source(%arg9 : memref<128x32xf32, #tpu.memory_space<vmem>>) target(%dma_start3A_871 : memref<10240x32xf32, #tpu.memory_space<vmem_shared>>) offsets(%dma_start3A_868 : memref<128xi32, #tpu.memory_space<vmem>>) semaphore(%arg27 : memref<!tpu.dma_semaphore, #tpu.memory_space<semaphore_mem>>) {add = true}
      %dma_wait3A_872 = arith.constant 0 : i32
      %dma_wait3A_873 = arith.constant 0 : i32
      %dma_wait3A_874 = tpu.memref_slice %arg8[%dma_wait3A_872, %dma_wait3A_873] : memref<80x128xi32, #tpu.memory_space<vmem>> -> memref<1x128xi32, #tpu.memory_space<vmem>>
      %dma_wait3A_875 = tpu.memref_squeeze %dma_wait3A_874 : memref<1x128xi32, #tpu.memory_space<vmem>> -> memref<128xi32, #tpu.memory_space<vmem>>
      %dma_wait3A_876 = arith.constant 0 : i32
      %dma_wait3A_877 = arith.constant 0 : i32
      %dma_wait3A_878 = tpu.memref_slice %arg18[%dma_wait3A_876, %dma_wait3A_877] : memref<10240x32xf32, #tpu.memory_space<vmem_shared>> -> memref<10240x32xf32, #tpu.memory_space<vmem_shared>>
      tpu.wait_indirect_dma semaphore(%arg31 : memref<!tpu.dma_semaphore, #tpu.memory_space<semaphore_mem>>) src(%arg13 : memref<128x32xf32, #tpu.memory_space<vmem>>) dst(%dma_wait3A_878 : memref<10240x32xf32, #tpu.memory_space<vmem_shared>>)
      %add3A_879 = arith.constant 4 : i32
      %add3A_880 = arith.addi %add3A_859, %add3A_879 : i32
      %dma_start3A_881 = arith.constant 0 : i32
      %dma_start3A_882 = tpu.memref_slice %arg7[%add3A_880, %dma_start3A_881] : memref<80x128xi32, #tpu.memory_space<vmem>> -> memref<1x128xi32, #tpu.memory_space<vmem>>
      %dma_start3A_883 = tpu.memref_squeeze %dma_start3A_882 : memref<1x128xi32, #tpu.memory_space<vmem>> -> memref<128xi32, #tpu.memory_space<vmem>>
      %dma_start3A_884 = arith.constant 0 : i32
      %dma_start3A_885 = arith.constant 0 : i32
      %dma_start3A_886 = tpu.memref_slice %arg17[%dma_start3A_884, %dma_start3A_885] : memref<10240x32xf32, #tpu.memory_space<vmem_shared>> -> memref<10240x32xf32, #tpu.memory_space<vmem_shared>>
      tpu.enqueue_indirect_dma source(%dma_start3A_886 : memref<10240x32xf32, #tpu.memory_space<vmem_shared>>) target(%arg13 : memref<128x32xf32, #tpu.memory_space<vmem>>) offsets(%dma_start3A_883 : memref<128xi32, #tpu.memory_space<vmem>>) semaphore(%arg23 : memref<!tpu.dma_semaphore, #tpu.memory_space<semaphore_mem>>)
      %get3A_887 = arith.index_cast %add3A_859 : i32 to index
      %get3A_888 = arith.constant 0 : index
      %get3A_889 = tpu.vector_load %arg8[%get3A_887, %get3A_888] {strides = array<i32>} : memref<80x128xi32, #tpu.memory_space<vmem>>, vector<16xi32>,
      tpu.vector_store_idx %arg35[%get3A_889], %broadcast_in_dim3A_10 {add = true} : memref<10240xf32, #tpu.memory_space<vmem>>[vector<16xi32>], vector<16xf32>,
      %get3A_890 = arith.index_cast %add3A_859 : i32 to index
      %get3A_891 = arith.constant 16 : index
      %get3A_892 = tpu.vector_load %arg8[%get3A_890, %get3A_891] {strides = array<i32>} : memref<80x128xi32, #tpu.memory_space<vmem>>, vector<16xi32>,
      tpu.vector_store_idx %arg35[%get3A_892], %broadcast_in_dim3A_10 {add = true} : memref<10240xf32, #tpu.memory_space<vmem>>[vector<16xi32>], vector<16xf32>,
      %get3A_893 = arith.index_cast %add3A_859 : i32 to index
      %get3A_894 = arith.constant 32 : index
      %get3A_895 = tpu.vector_load %arg8[%get3A_893, %get3A_894] {strides = array<i32>} : memref<80x128xi32, #tpu.memory_space<vmem>>, vector<16xi32>,
      tpu.vector_store_idx %arg35[%get3A_895], %broadcast_in_dim3A_10 {add = true} : memref<10240xf32, #tpu.memory_space<vmem>>[vector<16xi32>], vector<16xf32>,
      %get3A_896 = arith.index_cast %add3A_859 : i32 to index
      %get3A_897 = arith.constant 48 : index
      %get3A_898 = tpu.vector_load %arg8[%get3A_896, %get3A_897] {strides = array<i32>} : memref<80x128xi32, #tpu.memory_space<vmem>>, vector<16xi32>,
      tpu.vector_store_idx %arg35[%get3A_898], %broadcast_in_dim3A_10 {add = true} : memref<10240xf32, #tpu.memory_space<vmem>>[vector<16xi32>], vector<16xf32>,
      %get3A_899 = arith.index_cast %add3A_859 : i32 to index
      %get3A_900 = arith.constant 64 : index
      %get3A_901 = tpu.vector_load %arg8[%get3A_899, %get3A_900] {strides = array<i32>} : memref<80x128xi32, #tpu.memory_space<vmem>>, vector<16xi32>,
      tpu.vector_store_idx %arg35[%get3A_901], %broadcast_in_dim3A_10 {add = true} : memref<10240xf32, #tpu.memory_space<vmem>>[vector<16xi32>], vector<16xf32>,
      %get3A_902 = arith.index_cast %add3A_859 : i32 to index
      %get3A_903 = arith.constant 80 : index
      %get3A_904 = tpu.vector_load %arg8[%get3A_902, %get3A_903] {strides = array<i32>} : memref<80x128xi32, #tpu.memory_space<vmem>>, vector<16xi32>,
      tpu.vector_store_idx %arg35[%get3A_904], %broadcast_in_dim3A_10 {add = true} : memref<10240xf32, #tpu.memory_space<vmem>>[vector<16xi32>], vector<16xf32>,
      %get3A_905 = arith.index_cast %add3A_859 : i32 to index
      %get3A_906 = arith.constant 96 : index
      %get3A_907 = tpu.vector_load %arg8[%get3A_905, %get3A_906] {strides = array<i32>} : memref<80x128xi32, #tpu.memory_space<vmem>>, vector<16xi32>,
      tpu.vector_store_idx %arg35[%get3A_907], %broadcast_in_dim3A_10 {add = true} : memref<10240xf32, #tpu.memory_space<vmem>>[vector<16xi32>], vector<16xf32>,
      %get3A_908 = arith.index_cast %add3A_859 : i32 to index
      %get3A_909 = arith.constant 112 : index
      %get3A_910 = tpu.vector_load %arg8[%get3A_908, %get3A_909] {strides = array<i32>} : memref<80x128xi32, #tpu.memory_space<vmem>>, vector<16xi32>,
      tpu.vector_store_idx %arg35[%get3A_910], %broadcast_in_dim3A_10 {add = true} : memref<10240xf32, #tpu.memory_space<vmem>>[vector<16xi32>], vector<16xf32>,
      %mul3A_911 = arith.constant 8 : i32
      %mul3A_912 = arith.muli %scan3A_624, %mul3A_911 : i32
      %add3A_913 = arith.constant 4 : i32
      %add3A_914 = arith.addi %add3A_913, %mul3A_912 : i32
      %add3A_915 = arith.constant 5 : i32
      %add3A_916 = arith.addi %add3A_914, %add3A_915 : i32
      %dma_wait3A_917 = arith.constant 0 : i32
      %dma_wait3A_918 = tpu.memref_slice %arg7[%add3A_916, %dma_wait3A_917] : memref<80x128xi32, #tpu.memory_space<vmem>> -> memref<1x128xi32, #tpu.memory_space<vmem>>
      %dma_wait3A_919 = tpu.memref_squeeze %dma_wait3A_918 : memref<1x128xi32, #tpu.memory_space<vmem>> -> memref<128xi32, #tpu.memory_space<vmem>>
      %dma_wait3A_920 = arith.constant 0 : i32
      %dma_wait3A_921 = arith.constant 0 : i32
      %dma_wait3A_922 = tpu.memref_slice %arg17[%dma_wait3A_920, %dma_wait3A_921] : memref<10240x32xf32, #tpu.memory_space<vmem_shared>> -> memref<10240x32xf32, #tpu.memory_space<vmem_shared>>
      tpu.wait_indirect_dma semaphore(%arg20 : memref<!tpu.dma_semaphore, #tpu.memory_space<semaphore_mem>>) src(%dma_wait3A_922 : memref<10240x32xf32, #tpu.memory_space<vmem_shared>>) dst(%arg10 : memref<128x32xf32, #tpu.memory_space<vmem>>)
      %dma_start3A_923 = arith.constant 0 : i32
      %dma_start3A_924 = tpu.memref_slice %arg8[%add3A_916, %dma_start3A_923] : memref<80x128xi32, #tpu.memory_space<vmem>> -> memref<1x128xi32, #tpu.memory_space<vmem>>
      %dma_start3A_925 = tpu.memref_squeeze %dma_start3A_924 : memref<1x128xi32, #tpu.memory_space<vmem>> -> memref<128xi32, #tpu.memory_space<vmem>>
      %dma_start3A_926 = arith.constant 0 : i32
      %dma_start3A_927 = arith.constant 0 : i32
      %dma_start3A_928 = tpu.memref_slice %arg18[%dma_start3A_926, %dma_start3A_927] : memref<10240x32xf32, #tpu.memory_space<vmem_shared>> -> memref<10240x32xf32, #tpu.memory_space<vmem_shared>>
      tpu.enqueue_indirect_dma source(%arg10 : memref<128x32xf32, #tpu.memory_space<vmem>>) target(%dma_start3A_928 : memref<10240x32xf32, #tpu.memory_space<vmem_shared>>) offsets(%dma_start3A_925 : memref<128xi32, #tpu.memory_space<vmem>>) semaphore(%arg28 : memref<!tpu.dma_semaphore, #tpu.memory_space<semaphore_mem>>) {add = true}
      %dma_wait3A_929 = arith.constant 0 : i32
      %dma_wait3A_930 = arith.constant 0 : i32
      %dma_wait3A_931 = tpu.memref_slice %arg8[%dma_wait3A_929, %dma_wait3A_930] : memref<80x128xi32, #tpu.memory_space<vmem>> -> memref<1x128xi32, #tpu.memory_space<vmem>>
      %dma_wait3A_932 = tpu.memref_squeeze %dma_wait3A_931 : memref<1x128xi32, #tpu.memory_space<vmem>> -> memref<128xi32, #tpu.memory_space<vmem>>
      %dma_wait3A_933 = arith.constant 0 : i32
      %dma_wait3A_934 = arith.constant 0 : i32
      %dma_wait3A_935 = tpu.memref_slice %arg18[%dma_wait3A_933, %dma_wait3A_934] : memref<10240x32xf32, #tpu.memory_space<vmem_shared>> -> memref<10240x32xf32, #tpu.memory_space<vmem_shared>>
      tpu.wait_indirect_dma semaphore(%arg32 : memref<!tpu.dma_semaphore, #tpu.memory_space<semaphore_mem>>) src(%arg14 : memref<128x32xf32, #tpu.memory_space<vmem>>) dst(%dma_wait3A_935 : memref<10240x32xf32, #tpu.memory_space<vmem_shared>>)
      %add3A_936 = arith.constant 4 : i32
      %add3A_937 = arith.addi %add3A_916, %add3A_936 : i32
      %dma_start3A_938 = arith.constant 0 : i32
      %dma_start3A_939 = tpu.memref_slice %arg7[%add3A_937, %dma_start3A_938] : memref<80x128xi32, #tpu.memory_space<vmem>> -> memref<1x128xi32, #tpu.memory_space<vmem>>
      %dma_start3A_940 = tpu.memref_squeeze %dma_start3A_939 : memref<1x128xi32, #tpu.memory_space<vmem>> -> memref<128xi32, #tpu.memory_space<vmem>>
      %dma_start3A_941 = arith.constant 0 : i32
      %dma_start3A_942 = arith.constant 0 : i32
      %dma_start3A_943 = tpu.memref_slice %arg17[%dma_start3A_941, %dma_start3A_942] : memref<10240x32xf32, #tpu.memory_space<vmem_shared>> -> memref<10240x32xf32, #tpu.memory_space<vmem_shared>>
      tpu.enqueue_indirect_dma source(%dma_start3A_943 : memref<10240x32xf32, #tpu.memory_space<vmem_shared>>) target(%arg14 : memref<128x32xf32, #tpu.memory_space<vmem>>) offsets(%dma_start3A_940 : memref<128xi32, #tpu.memory_space<vmem>>) semaphore(%arg24 : memref<!tpu.dma_semaphore, #tpu.memory_space<semaphore_mem>>)
      %get3A_944 = arith.index_cast %add3A_916 : i32 to index
      %get3A_945 = arith.constant 0 : index
      %get3A_946 = tpu.vector_load %arg8[%get3A_944, %get3A_945] {strides = array<i32>} : memref<80x128xi32, #tpu.memory_space<vmem>>, vector<16xi32>,
      tpu.vector_store_idx %arg35[%get3A_946], %broadcast_in_dim3A_10 {add = true} : memref<10240xf32, #tpu.memory_space<vmem>>[vector<16xi32>], vector<16xf32>,
      %get3A_947 = arith.index_cast %add3A_916 : i32 to index
      %get3A_948 = arith.constant 16 : index
      %get3A_949 = tpu.vector_load %arg8[%get3A_947, %get3A_948] {strides = array<i32>} : memref<80x128xi32, #tpu.memory_space<vmem>>, vector<16xi32>,
      tpu.vector_store_idx %arg35[%get3A_949], %broadcast_in_dim3A_10 {add = true} : memref<10240xf32, #tpu.memory_space<vmem>>[vector<16xi32>], vector<16xf32>,
      %get3A_950 = arith.index_cast %add3A_916 : i32 to index
      %get3A_951 = arith.constant 32 : index
      %get3A_952 = tpu.vector_load %arg8[%get3A_950, %get3A_951] {strides = array<i32>} : memref<80x128xi32, #tpu.memory_space<vmem>>, vector<16xi32>,
      tpu.vector_store_idx %arg35[%get3A_952], %broadcast_in_dim3A_10 {add = true} : memref<10240xf32, #tpu.memory_space<vmem>>[vector<16xi32>], vector<16xf32>,
      %get3A_953 = arith.index_cast %add3A_916 : i32 to index
      %get3A_954 = arith.constant 48 : index
      %get3A_955 = tpu.vector_load %arg8[%get3A_953, %get3A_954] {strides = array<i32>} : memref<80x128xi32, #tpu.memory_space<vmem>>, vector<16xi32>,
      tpu.vector_store_idx %arg35[%get3A_955], %broadcast_in_dim3A_10 {add = true} : memref<10240xf32, #tpu.memory_space<vmem>>[vector<16xi32>], vector<16xf32>,
      %get3A_956 = arith.index_cast %add3A_916 : i32 to index
      %get3A_957 = arith.constant 64 : index
      %get3A_958 = tpu.vector_load %arg8[%get3A_956, %get3A_957] {strides = array<i32>} : memref<80x128xi32, #tpu.memory_space<vmem>>, vector<16xi32>,
      tpu.vector_store_idx %arg35[%get3A_958], %broadcast_in_dim3A_10 {add = true} : memref<10240xf32, #tpu.memory_space<vmem>>[vector<16xi32>], vector<16xf32>,
      %get3A_959 = arith.index_cast %add3A_916 : i32 to index
      %get3A_960 = arith.constant 80 : index
      %get3A_961 = tpu.vector_load %arg8[%get3A_959, %get3A_960] {strides = array<i32>} : memref<80x128xi32, #tpu.memory_space<vmem>>, vector<16xi32>,
      tpu.vector_store_idx %arg35[%get3A_961], %broadcast_in_dim3A_10 {add = true} : memref<10240xf32, #tpu.memory_space<vmem>>[vector<16xi32>], vector<16xf32>,
      %get3A_962 = arith.index_cast %add3A_916 : i32 to index
      %get3A_963 = arith.constant 96 : index
      %get3A_964 = tpu.vector_load %arg8[%get3A_962, %get3A_963] {strides = array<i32>} : memref<80x128xi32, #tpu.memory_space<vmem>>, vector<16xi32>,
      tpu.vector_store_idx %arg35[%get3A_964], %broadcast_in_dim3A_10 {add = true} : memref<10240xf32, #tpu.memory_space<vmem>>[vector<16xi32>], vector<16xf32>,
      %get3A_965 = arith.index_cast %add3A_916 : i32 to index
      %get3A_966 = arith.constant 112 : index
      %get3A_967 = tpu.vector_load %arg8[%get3A_965, %get3A_966] {strides = array<i32>} : memref<80x128xi32, #tpu.memory_space<vmem>>, vector<16xi32>,
      tpu.vector_store_idx %arg35[%get3A_967], %broadcast_in_dim3A_10 {add = true} : memref<10240xf32, #tpu.memory_space<vmem>>[vector<16xi32>], vector<16xf32>,
      %mul3A_968 = arith.constant 8 : i32
      %mul3A_969 = arith.muli %scan3A_624, %mul3A_968 : i32
      %add3A_970 = arith.constant 4 : i32
      %add3A_971 = arith.addi %add3A_970, %mul3A_969 : i32
      %add3A_972 = arith.constant 6 : i32
      %add3A_973 = arith.addi %add3A_971, %add3A_972 : i32
      %dma_wait3A_974 = arith.constant 0 : i32
      %dma_wait3A_975 = tpu.memref_slice %arg7[%add3A_973, %dma_wait3A_974] : memref<80x128xi32, #tpu.memory_space<vmem>> -> memref<1x128xi32, #tpu.memory_space<vmem>>
      %dma_wait3A_976 = tpu.memref_squeeze %dma_wait3A_975 : memref<1x128xi32, #tpu.memory_space<vmem>> -> memref<128xi32, #tpu.memory_space<vmem>>
      %dma_wait3A_977 = arith.constant 0 : i32
      %dma_wait3A_978 = arith.constant 0 : i32
      %dma_wait3A_979 = tpu.memref_slice %arg17[%dma_wait3A_977, %dma_wait3A_978] : memref<10240x32xf32, #tpu.memory_space<vmem_shared>> -> memref<10240x32xf32, #tpu.memory_space<vmem_shared>>
      tpu.wait_indirect_dma semaphore(%arg21 : memref<!tpu.dma_semaphore, #tpu.memory_space<semaphore_mem>>) src(%dma_wait3A_979 : memref<10240x32xf32, #tpu.memory_space<vmem_shared>>) dst(%arg11 : memref<128x32xf32, #tpu.memory_space<vmem>>)
      %dma_start3A_980 = arith.constant 0 : i32
      %dma_start3A_981 = tpu.memref_slice %arg8[%add3A_973, %dma_start3A_980] : memref<80x128xi32, #tpu.memory_space<vmem>> -> memref<1x128xi32, #tpu.memory_space<vmem>>
      %dma_start3A_982 = tpu.memref_squeeze %dma_start3A_981 : memref<1x128xi32, #tpu.memory_space<vmem>> -> memref<128xi32, #tpu.memory_space<vmem>>
      %dma_start3A_983 = arith.constant 0 : i32
      %dma_start3A_984 = arith.constant 0 : i32
      %dma_start3A_985 = tpu.memref_slice %arg18[%dma_start3A_983, %dma_start3A_984] : memref<10240x32xf32, #tpu.memory_space<vmem_shared>> -> memref<10240x32xf32, #tpu.memory_space<vmem_shared>>
      tpu.enqueue_indirect_dma source(%arg11 : memref<128x32xf32, #tpu.memory_space<vmem>>) target(%dma_start3A_985 : memref<10240x32xf32, #tpu.memory_space<vmem_shared>>) offsets(%dma_start3A_982 : memref<128xi32, #tpu.memory_space<vmem>>) semaphore(%arg29 : memref<!tpu.dma_semaphore, #tpu.memory_space<semaphore_mem>>) {add = true}
      %dma_wait3A_986 = arith.constant 0 : i32
      %dma_wait3A_987 = arith.constant 0 : i32
      %dma_wait3A_988 = tpu.memref_slice %arg8[%dma_wait3A_986, %dma_wait3A_987] : memref<80x128xi32, #tpu.memory_space<vmem>> -> memref<1x128xi32, #tpu.memory_space<vmem>>
      %dma_wait3A_989 = tpu.memref_squeeze %dma_wait3A_988 : memref<1x128xi32, #tpu.memory_space<vmem>> -> memref<128xi32, #tpu.memory_space<vmem>>
      %dma_wait3A_990 = arith.constant 0 : i32
      %dma_wait3A_991 = arith.constant 0 : i32
      %dma_wait3A_992 = tpu.memref_slice %arg18[%dma_wait3A_990, %dma_wait3A_991] : memref<10240x32xf32, #tpu.memory_space<vmem_shared>> -> memref<10240x32xf32, #tpu.memory_space<vmem_shared>>
      tpu.wait_indirect_dma semaphore(%arg33 : memref<!tpu.dma_semaphore, #tpu.memory_space<semaphore_mem>>) src(%arg15 : memref<128x32xf32, #tpu.memory_space<vmem>>) dst(%dma_wait3A_992 : memref<10240x32xf32, #tpu.memory_space<vmem_shared>>)
      %add3A_993 = arith.constant 4 : i32
      %add3A_994 = arith.addi %add3A_973, %add3A_993 : i32
      %dma_start3A_995 = arith.constant 0 : i32
      %dma_start3A_996 = tpu.memref_slice %arg7[%add3A_994, %dma_start3A_995] : memref<80x128xi32, #tpu.memory_space<vmem>> -> memref<1x128xi32, #tpu.memory_space<vmem>>
      %dma_start3A_997 = tpu.memref_squeeze %dma_start3A_996 : memref<1x128xi32, #tpu.memory_space<vmem>> -> memref<128xi32, #tpu.memory_space<vmem>>
      %dma_start3A_998 = arith.constant 0 : i32
      %dma_start3A_999 = arith.constant 0 : i32
      %dma_start3A_1000 = tpu.memref_slice %arg17[%dma_start3A_998, %dma_start3A_999] : memref<10240x32xf32, #tpu.memory_space<vmem_shared>> -> memref<10240x32xf32, #tpu.memory_space<vmem_shared>>
      tpu.enqueue_indirect_dma source(%dma_start3A_1000 : memref<10240x32xf32, #tpu.memory_space<vmem_shared>>) target(%arg15 : memref<128x32xf32, #tpu.memory_space<vmem>>) offsets(%dma_start3A_997 : memref<128xi32, #tpu.memory_space<vmem>>) semaphore(%arg25 : memref<!tpu.dma_semaphore, #tpu.memory_space<semaphore_mem>>)
      %get3A_1001 = arith.index_cast %add3A_973 : i32 to index
      %get3A_1002 = arith.constant 0 : index
      %get3A_1003 = tpu.vector_load %arg8[%get3A_1001, %get3A_1002] {strides = array<i32>} : memref<80x128xi32, #tpu.memory_space<vmem>>, vector<16xi32>,
      tpu.vector_store_idx %arg35[%get3A_1003], %broadcast_in_dim3A_10 {add = true} : memref<10240xf32, #tpu.memory_space<vmem>>[vector<16xi32>], vector<16xf32>,
      %get3A_1004 = arith.index_cast %add3A_973 : i32 to index
      %get3A_1005 = arith.constant 16 : index
      %get3A_1006 = tpu.vector_load %arg8[%get3A_1004, %get3A_1005] {strides = array<i32>} : memref<80x128xi32, #tpu.memory_space<vmem>>, vector<16xi32>,
      tpu.vector_store_idx %arg35[%get3A_1006], %broadcast_in_dim3A_10 {add = true} : memref<10240xf32, #tpu.memory_space<vmem>>[vector<16xi32>], vector<16xf32>,
      %get3A_1007 = arith.index_cast %add3A_973 : i32 to index
      %get3A_1008 = arith.constant 32 : index
      %get3A_1009 = tpu.vector_load %arg8[%get3A_1007, %get3A_1008] {strides = array<i32>} : memref<80x128xi32, #tpu.memory_space<vmem>>, vector<16xi32>,
      tpu.vector_store_idx %arg35[%get3A_1009], %broadcast_in_dim3A_10 {add = true} : memref<10240xf32, #tpu.memory_space<vmem>>[vector<16xi32>], vector<16xf32>,
      %get3A_1010 = arith.index_cast %add3A_973 : i32 to index
      %get3A_1011 = arith.constant 48 : index
      %get3A_1012 = tpu.vector_load %arg8[%get3A_1010, %get3A_1011] {strides = array<i32>} : memref<80x128xi32, #tpu.memory_space<vmem>>, vector<16xi32>,
      tpu.vector_store_idx %arg35[%get3A_1012], %broadcast_in_dim3A_10 {add = true} : memref<10240xf32, #tpu.memory_space<vmem>>[vector<16xi32>], vector<16xf32>,
      %get3A_1013 = arith.index_cast %add3A_973 : i32 to index
      %get3A_1014 = arith.constant 64 : index
      %get3A_1015 = tpu.vector_load %arg8[%get3A_1013, %get3A_1014] {strides = array<i32>} : memref<80x128xi32, #tpu.memory_space<vmem>>, vector<16xi32>,
      tpu.vector_store_idx %arg35[%get3A_1015], %broadcast_in_dim3A_10 {add = true} : memref<10240xf32, #tpu.memory_space<vmem>>[vector<16xi32>], vector<16xf32>,
      %get3A_1016 = arith.index_cast %add3A_973 : i32 to index
      %get3A_1017 = arith.constant 80 : index
      %get3A_1018 = tpu.vector_load %arg8[%get3A_1016, %get3A_1017] {strides = array<i32>} : memref<80x128xi32, #tpu.memory_space<vmem>>, vector<16xi32>,
      tpu.vector_store_idx %arg35[%get3A_1018], %broadcast_in_dim3A_10 {add = true} : memref<10240xf32, #tpu.memory_space<vmem>>[vector<16xi32>], vector<16xf32>,
      %get3A_1019 = arith.index_cast %add3A_973 : i32 to index
      %get3A_1020 = arith.constant 96 : index
      %get3A_1021 = tpu.vector_load %arg8[%get3A_1019, %get3A_1020] {strides = array<i32>} : memref<80x128xi32, #tpu.memory_space<vmem>>, vector<16xi32>,
      tpu.vector_store_idx %arg35[%get3A_1021], %broadcast_in_dim3A_10 {add = true} : memref<10240xf32, #tpu.memory_space<vmem>>[vector<16xi32>], vector<16xf32>,
      %get3A_1022 = arith.index_cast %add3A_973 : i32 to index
      %get3A_1023 = arith.constant 112 : index
      %get3A_1024 = tpu.vector_load %arg8[%get3A_1022, %get3A_1023] {strides = array<i32>} : memref<80x128xi32, #tpu.memory_space<vmem>>, vector<16xi32>,
      tpu.vector_store_idx %arg35[%get3A_1024], %broadcast_in_dim3A_10 {add = true} : memref<10240xf32, #tpu.memory_space<vmem>>[vector<16xi32>], vector<16xf32>,
      %mul3A_1025 = arith.constant 8 : i32
      %mul3A_1026 = arith.muli %scan3A_624, %mul3A_1025 : i32
      %add3A_1027 = arith.constant 4 : i32
      %add3A_1028 = arith.addi %add3A_1027, %mul3A_1026 : i32
      %add3A_1029 = arith.constant 7 : i32
      %add3A_1030 = arith.addi %add3A_1028, %add3A_1029 : i32
      %dma_wait3A_1031 = arith.constant 0 : i32
      %dma_wait3A_1032 = tpu.memref_slice %arg7[%add3A_1030, %dma_wait3A_1031] : memref<80x128xi32, #tpu.memory_space<vmem>> -> memref<1x128xi32, #tpu.memory_space<vmem>>
      %dma_wait3A_1033 = tpu.memref_squeeze %dma_wait3A_1032 : memref<1x128xi32, #tpu.memory_space<vmem>> -> memref<128xi32, #tpu.memory_space<vmem>>
      %dma_wait3A_1034 = arith.constant 0 : i32
      %dma_wait3A_1035 = arith.constant 0 : i32
      %dma_wait3A_1036 = tpu.memref_slice %arg17[%dma_wait3A_1034, %dma_wait3A_1035] : memref<10240x32xf32, #tpu.memory_space<vmem_shared>> -> memref<10240x32xf32, #tpu.memory_space<vmem_shared>>
      tpu.wait_indirect_dma semaphore(%arg22 : memref<!tpu.dma_semaphore, #tpu.memory_space<semaphore_mem>>) src(%dma_wait3A_1036 : memref<10240x32xf32, #tpu.memory_space<vmem_shared>>) dst(%arg12 : memref<128x32xf32, #tpu.memory_space<vmem>>)
      %dma_start3A_1037 = arith.constant 0 : i32
      %dma_start3A_1038 = tpu.memref_slice %arg8[%add3A_1030, %dma_start3A_1037] : memref<80x128xi32, #tpu.memory_space<vmem>> -> memref<1x128xi32, #tpu.memory_space<vmem>>
      %dma_start3A_1039 = tpu.memref_squeeze %dma_start3A_1038 : memref<1x128xi32, #tpu.memory_space<vmem>> -> memref<128xi32, #tpu.memory_space<vmem>>
      %dma_start3A_1040 = arith.constant 0 : i32
      %dma_start3A_1041 = arith.constant 0 : i32
      %dma_start3A_1042 = tpu.memref_slice %arg18[%dma_start3A_1040, %dma_start3A_1041] : memref<10240x32xf32, #tpu.memory_space<vmem_shared>> -> memref<10240x32xf32, #tpu.memory_space<vmem_shared>>
      tpu.enqueue_indirect_dma source(%arg12 : memref<128x32xf32, #tpu.memory_space<vmem>>) target(%dma_start3A_1042 : memref<10240x32xf32, #tpu.memory_space<vmem_shared>>) offsets(%dma_start3A_1039 : memref<128xi32, #tpu.memory_space<vmem>>) semaphore(%arg30 : memref<!tpu.dma_semaphore, #tpu.memory_space<semaphore_mem>>) {add = true}
      %dma_wait3A_1043 = arith.constant 0 : i32
      %dma_wait3A_1044 = arith.constant 0 : i32
      %dma_wait3A_1045 = tpu.memref_slice %arg8[%dma_wait3A_1043, %dma_wait3A_1044] : memref<80x128xi32, #tpu.memory_space<vmem>> -> memref<1x128xi32, #tpu.memory_space<vmem>>
      %dma_wait3A_1046 = tpu.memref_squeeze %dma_wait3A_1045 : memref<1x128xi32, #tpu.memory_space<vmem>> -> memref<128xi32, #tpu.memory_space<vmem>>
      %dma_wait3A_1047 = arith.constant 0 : i32
      %dma_wait3A_1048 = arith.constant 0 : i32
      %dma_wait3A_1049 = tpu.memref_slice %arg18[%dma_wait3A_1047, %dma_wait3A_1048] : memref<10240x32xf32, #tpu.memory_space<vmem_shared>> -> memref<10240x32xf32, #tpu.memory_space<vmem_shared>>
      tpu.wait_indirect_dma semaphore(%arg34 : memref<!tpu.dma_semaphore, #tpu.memory_space<semaphore_mem>>) src(%arg16 : memref<128x32xf32, #tpu.memory_space<vmem>>) dst(%dma_wait3A_1049 : memref<10240x32xf32, #tpu.memory_space<vmem_shared>>)
      %add3A_1050 = arith.constant 4 : i32
      %add3A_1051 = arith.addi %add3A_1030, %add3A_1050 : i32
      %dma_start3A_1052 = arith.constant 0 : i32
      %dma_start3A_1053 = tpu.memref_slice %arg7[%add3A_1051, %dma_start3A_1052] : memref<80x128xi32, #tpu.memory_space<vmem>> -> memref<1x128xi32, #tpu.memory_space<vmem>>
      %dma_start3A_1054 = tpu.memref_squeeze %dma_start3A_1053 : memref<1x128xi32, #tpu.memory_space<vmem>> -> memref<128xi32, #tpu.memory_space<vmem>>
      %dma_start3A_1055 = arith.constant 0 : i32
      %dma_start3A_1056 = arith.constant 0 : i32
      %dma_start3A_1057 = tpu.memref_slice %arg17[%dma_start3A_1055, %dma_start3A_1056] : memref<10240x32xf32, #tpu.memory_space<vmem_shared>> -> memref<10240x32xf32, #tpu.memory_space<vmem_shared>>
      tpu.enqueue_indirect_dma source(%dma_start3A_1057 : memref<10240x32xf32, #tpu.memory_space<vmem_shared>>) target(%arg16 : memref<128x32xf32, #tpu.memory_space<vmem>>) offsets(%dma_start3A_1054 : memref<128xi32, #tpu.memory_space<vmem>>) semaphore(%arg26 : memref<!tpu.dma_semaphore, #tpu.memory_space<semaphore_mem>>)
      %get3A_1058 = arith.index_cast %add3A_1030 : i32 to index
      %get3A_1059 = arith.constant 0 : index
      %get3A_1060 = tpu.vector_load %arg8[%get3A_1058, %get3A_1059] {strides = array<i32>} : memref<80x128xi32, #tpu.memory_space<vmem>>, vector<16xi32>,
      tpu.vector_store_idx %arg35[%get3A_1060], %broadcast_in_dim3A_10 {add = true} : memref<10240xf32, #tpu.memory_space<vmem>>[vector<16xi32>], vector<16xf32>,
      %get3A_1061 = arith.index_cast %add3A_1030 : i32 to index
      %get3A_1062 = arith.constant 16 : index
      %get3A_1063 = tpu.vector_load %arg8[%get3A_1061, %get3A_1062] {strides = array<i32>} : memref<80x128xi32, #tpu.memory_space<vmem>>, vector<16xi32>,
      tpu.vector_store_idx %arg35[%get3A_1063], %broadcast_in_dim3A_10 {add = true} : memref<10240xf32, #tpu.memory_space<vmem>>[vector<16xi32>], vector<16xf32>,
      %get3A_1064 = arith.index_cast %add3A_1030 : i32 to index
      %get3A_1065 = arith.constant 32 : index
      %get3A_1066 = tpu.vector_load %arg8[%get3A_1064, %get3A_1065] {strides = array<i32>} : memref<80x128xi32, #tpu.memory_space<vmem>>, vector<16xi32>,
      tpu.vector_store_idx %arg35[%get3A_1066], %broadcast_in_dim3A_10 {add = true} : memref<10240xf32, #tpu.memory_space<vmem>>[vector<16xi32>], vector<16xf32>,
      %get3A_1067 = arith.index_cast %add3A_1030 : i32 to index
      %get3A_1068 = arith.constant 48 : index
      %get3A_1069 = tpu.vector_load %arg8[%get3A_1067, %get3A_1068] {strides = array<i32>} : memref<80x128xi32, #tpu.memory_space<vmem>>, vector<16xi32>,
      tpu.vector_store_idx %arg35[%get3A_1069], %broadcast_in_dim3A_10 {add = true} : memref<10240xf32, #tpu.memory_space<vmem>>[vector<16xi32>], vector<16xf32>,
      %get3A_1070 = arith.index_cast %add3A_1030 : i32 to index
      %get3A_1071 = arith.constant 64 : index
      %get3A_1072 = tpu.vector_load %arg8[%get3A_1070, %get3A_1071] {strides = array<i32>} : memref<80x128xi32, #tpu.memory_space<vmem>>, vector<16xi32>,
      tpu.vector_store_idx %arg35[%get3A_1072], %broadcast_in_dim3A_10 {add = true} : memref<10240xf32, #tpu.memory_space<vmem>>[vector<16xi32>], vector<16xf32>,
      %get3A_1073 = arith.index_cast %add3A_1030 : i32 to index
      %get3A_1074 = arith.constant 80 : index
      %get3A_1075 = tpu.vector_load %arg8[%get3A_1073, %get3A_1074] {strides = array<i32>} : memref<80x128xi32, #tpu.memory_space<vmem>>, vector<16xi32>,
      tpu.vector_store_idx %arg35[%get3A_1075], %broadcast_in_dim3A_10 {add = true} : memref<10240xf32, #tpu.memory_space<vmem>>[vector<16xi32>], vector<16xf32>,
      %get3A_1076 = arith.index_cast %add3A_1030 : i32 to index
      %get3A_1077 = arith.constant 96 : index
      %get3A_1078 = tpu.vector_load %arg8[%get3A_1076, %get3A_1077] {strides = array<i32>} : memref<80x128xi32, #tpu.memory_space<vmem>>, vector<16xi32>,
      tpu.vector_store_idx %arg35[%get3A_1078], %broadcast_in_dim3A_10 {add = true} : memref<10240xf32, #tpu.memory_space<vmem>>[vector<16xi32>], vector<16xf32>,
      %get3A_1079 = arith.index_cast %add3A_1030 : i32 to index
      %get3A_1080 = arith.constant 112 : index
      %get3A_1081 = tpu.vector_load %arg8[%get3A_1079, %get3A_1080] {strides = array<i32>} : memref<80x128xi32, #tpu.memory_space<vmem>>, vector<16xi32>,
      tpu.vector_store_idx %arg35[%get3A_1081], %broadcast_in_dim3A_10 {add = true} : memref<10240xf32, #tpu.memory_space<vmem>>[vector<16xi32>], vector<16xf32>,
      %scan3A_1082 = arith.constant 0 : i32
      scf.yield %scan3A_1082 : i32
    }
    %scan3A_254 = arith.constant 9 : i32
    %dma_wait3A_255 = arith.constant 76 : i32
    %dma_wait3A_256 = arith.constant 0 : i32
    %dma_wait3A_257 = tpu.memref_slice %arg7[%dma_wait3A_255, %dma_wait3A_256] : memref<80x128xi32, #tpu.memory_space<vmem>> -> memref<1x128xi32, #tpu.memory_space<vmem>>
    %dma_wait3A_258 = tpu.memref_squeeze %dma_wait3A_257 : memref<1x128xi32, #tpu.memory_space<vmem>> -> memref<128xi32, #tpu.memory_space<vmem>>
    %dma_wait3A_259 = arith.constant 0 : i32
    %dma_wait3A_260 = arith.constant 0 : i32
    %dma_wait3A_261 = tpu.memref_slice %arg17[%dma_wait3A_259, %dma_wait3A_260] : memref<10240x32xf32, #tpu.memory_space<vmem_shared>> -> memref<10240x32xf32, #tpu.memory_space<vmem_shared>>
    tpu.wait_indirect_dma semaphore(%arg23 : memref<!tpu.dma_semaphore, #tpu.memory_space<semaphore_mem>>) src(%dma_wait3A_261 : memref<10240x32xf32, #tpu.memory_space<vmem_shared>>) dst(%arg13 : memref<128x32xf32, #tpu.memory_space<vmem>>)
    %dma_start3A_262 = arith.constant 76 : i32
    %dma_start3A_263 = arith.constant 0 : i32
    %dma_start3A_264 = tpu.memref_slice %arg8[%dma_start3A_262, %dma_start3A_263] : memref<80x128xi32, #tpu.memory_space<vmem>> -> memref<1x128xi32, #tpu.memory_space<vmem>>
    %dma_start3A_265 = tpu.memref_squeeze %dma_start3A_264 : memref<1x128xi32, #tpu.memory_space<vmem>> -> memref<128xi32, #tpu.memory_space<vmem>>
    %dma_start3A_266 = arith.constant 0 : i32
    %dma_start3A_267 = arith.constant 0 : i32
    %dma_start3A_268 = tpu.memref_slice %arg18[%dma_start3A_266, %dma_start3A_267] : memref<10240x32xf32, #tpu.memory_space<vmem_shared>> -> memref<10240x32xf32, #tpu.memory_space<vmem_shared>>
    tpu.enqueue_indirect_dma source(%arg13 : memref<128x32xf32, #tpu.memory_space<vmem>>) target(%dma_start3A_268 : memref<10240x32xf32, #tpu.memory_space<vmem_shared>>) offsets(%dma_start3A_265 : memref<128xi32, #tpu.memory_space<vmem>>) semaphore(%arg31 : memref<!tpu.dma_semaphore, #tpu.memory_space<semaphore_mem>>) {add = true}
    %get3A_269 = arith.constant 76 : i32
    %get3A_270 = arith.index_cast %get3A_269 : i32 to index
    %get3A_271 = arith.constant 0 : index
    %get3A_272 = tpu.vector_load %arg8[%get3A_270, %get3A_271] {strides = array<i32>} : memref<80x128xi32, #tpu.memory_space<vmem>>, vector<16xi32>,
    tpu.vector_store_idx %arg35[%get3A_272], %broadcast_in_dim3A_10 {add = true} : memref<10240xf32, #tpu.memory_space<vmem>>[vector<16xi32>], vector<16xf32>,
    %get3A_273 = arith.constant 76 : i32
    %get3A_274 = arith.index_cast %get3A_273 : i32 to index
    %get3A_275 = arith.constant 16 : index
    %get3A_276 = tpu.vector_load %arg8[%get3A_274, %get3A_275] {strides = array<i32>} : memref<80x128xi32, #tpu.memory_space<vmem>>, vector<16xi32>,
    tpu.vector_store_idx %arg35[%get3A_276], %broadcast_in_dim3A_10 {add = true} : memref<10240xf32, #tpu.memory_space<vmem>>[vector<16xi32>], vector<16xf32>,
    %get3A_277 = arith.constant 76 : i32
    %get3A_278 = arith.index_cast %get3A_277 : i32 to index
    %get3A_279 = arith.constant 32 : index
    %get3A_280 = tpu.vector_load %arg8[%get3A_278, %get3A_279] {strides = array<i32>} : memref<80x128xi32, #tpu.memory_space<vmem>>, vector<16xi32>,
    tpu.vector_store_idx %arg35[%get3A_280], %broadcast_in_dim3A_10 {add = true} : memref<10240xf32, #tpu.memory_space<vmem>>[vector<16xi32>], vector<16xf32>,
    %get3A_281 = arith.constant 76 : i32
    %get3A_282 = arith.index_cast %get3A_281 : i32 to index
    %get3A_283 = arith.constant 48 : index
    %get3A_284 = tpu.vector_load %arg8[%get3A_282, %get3A_283] {strides = array<i32>} : memref<80x128xi32, #tpu.memory_space<vmem>>, vector<16xi32>,
    tpu.vector_store_idx %arg35[%get3A_284], %broadcast_in_dim3A_10 {add = true} : memref<10240xf32, #tpu.memory_space<vmem>>[vector<16xi32>], vector<16xf32>,
    %get3A_285 = arith.constant 76 : i32
    %get3A_286 = arith.index_cast %get3A_285 : i32 to index
    %get3A_287 = arith.constant 64 : index
    %get3A_288 = tpu.vector_load %arg8[%get3A_286, %get3A_287] {strides = array<i32>} : memref<80x128xi32, #tpu.memory_space<vmem>>, vector<16xi32>,
    tpu.vector_store_idx %arg35[%get3A_288], %broadcast_in_dim3A_10 {add = true} : memref<10240xf32, #tpu.memory_space<vmem>>[vector<16xi32>], vector<16xf32>,
    %get3A_289 = arith.constant 76 : i32
    %get3A_290 = arith.index_cast %get3A_289 : i32 to index
    %get3A_291 = arith.constant 80 : index
    %get3A_292 = tpu.vector_load %arg8[%get3A_290, %get3A_291] {strides = array<i32>} : memref<80x128xi32, #tpu.memory_space<vmem>>, vector<16xi32>,
    tpu.vector_store_idx %arg35[%get3A_292], %broadcast_in_dim3A_10 {add = true} : memref<10240xf32, #tpu.memory_space<vmem>>[vector<16xi32>], vector<16xf32>,
    %get3A_293 = arith.constant 76 : i32
    %get3A_294 = arith.index_cast %get3A_293 : i32 to index
    %get3A_295 = arith.constant 96 : index
    %get3A_296 = tpu.vector_load %arg8[%get3A_294, %get3A_295] {strides = array<i32>} : memref<80x128xi32, #tpu.memory_space<vmem>>, vector<16xi32>,
    tpu.vector_store_idx %arg35[%get3A_296], %broadcast_in_dim3A_10 {add = true} : memref<10240xf32, #tpu.memory_space<vmem>>[vector<16xi32>], vector<16xf32>,
    %get3A_297 = arith.constant 76 : i32
    %get3A_298 = arith.index_cast %get3A_297 : i32 to index
    %get3A_299 = arith.constant 112 : index
    %get3A_300 = tpu.vector_load %arg8[%get3A_298, %get3A_299] {strides = array<i32>} : memref<80x128xi32, #tpu.memory_space<vmem>>, vector<16xi32>,
    tpu.vector_store_idx %arg35[%get3A_300], %broadcast_in_dim3A_10 {add = true} : memref<10240xf32, #tpu.memory_space<vmem>>[vector<16xi32>], vector<16xf32>,
    %dma_wait3A_301 = arith.constant 77 : i32
    %dma_wait3A_302 = arith.constant 0 : i32
    %dma_wait3A_303 = tpu.memref_slice %arg7[%dma_wait3A_301, %dma_wait3A_302] : memref<80x128xi32, #tpu.memory_space<vmem>> -> memref<1x128xi32, #tpu.memory_space<vmem>>
    %dma_wait3A_304 = tpu.memref_squeeze %dma_wait3A_303 : memref<1x128xi32, #tpu.memory_space<vmem>> -> memref<128xi32, #tpu.memory_space<vmem>>
    %dma_wait3A_305 = arith.constant 0 : i32
    %dma_wait3A_306 = arith.constant 0 : i32
    %dma_wait3A_307 = tpu.memref_slice %arg17[%dma_wait3A_305, %dma_wait3A_306] : memref<10240x32xf32, #tpu.memory_space<vmem_shared>> -> memref<10240x32xf32, #tpu.memory_space<vmem_shared>>
    tpu.wait_indirect_dma semaphore(%arg24 : memref<!tpu.dma_semaphore, #tpu.memory_space<semaphore_mem>>) src(%dma_wait3A_307 : memref<10240x32xf32, #tpu.memory_space<vmem_shared>>) dst(%arg14 : memref<128x32xf32, #tpu.memory_space<vmem>>)
    %dma_start3A_308 = arith.constant 77 : i32
    %dma_start3A_309 = arith.constant 0 : i32
    %dma_start3A_310 = tpu.memref_slice %arg8[%dma_start3A_308, %dma_start3A_309] : memref<80x128xi32, #tpu.memory_space<vmem>> -> memref<1x128xi32, #tpu.memory_space<vmem>>
    %dma_start3A_311 = tpu.memref_squeeze %dma_start3A_310 : memref<1x128xi32, #tpu.memory_space<vmem>> -> memref<128xi32, #tpu.memory_space<vmem>>
    %dma_start3A_312 = arith.constant 0 : i32
    %dma_start3A_313 = arith.constant 0 : i32
    %dma_start3A_314 = tpu.memref_slice %arg18[%dma_start3A_312, %dma_start3A_313] : memref<10240x32xf32, #tpu.memory_space<vmem_shared>> -> memref<10240x32xf32, #tpu.memory_space<vmem_shared>>
    tpu.enqueue_indirect_dma source(%arg14 : memref<128x32xf32, #tpu.memory_space<vmem>>) target(%dma_start3A_314 : memref<10240x32xf32, #tpu.memory_space<vmem_shared>>) offsets(%dma_start3A_311 : memref<128xi32, #tpu.memory_space<vmem>>) semaphore(%arg32 : memref<!tpu.dma_semaphore, #tpu.memory_space<semaphore_mem>>) {add = true}
    %get3A_315 = arith.constant 77 : i32
    %get3A_316 = arith.index_cast %get3A_315 : i32 to index
    %get3A_317 = arith.constant 0 : index
    %get3A_318 = tpu.vector_load %arg8[%get3A_316, %get3A_317] {strides = array<i32>} : memref<80x128xi32, #tpu.memory_space<vmem>>, vector<16xi32>,
    tpu.vector_store_idx %arg35[%get3A_318], %broadcast_in_dim3A_10 {add = true} : memref<10240xf32, #tpu.memory_space<vmem>>[vector<16xi32>], vector<16xf32>,
    %get3A_319 = arith.constant 77 : i32
    %get3A_320 = arith.index_cast %get3A_319 : i32 to index
    %get3A_321 = arith.constant 16 : index
    %get3A_322 = tpu.vector_load %arg8[%get3A_320, %get3A_321] {strides = array<i32>} : memref<80x128xi32, #tpu.memory_space<vmem>>, vector<16xi32>,
    tpu.vector_store_idx %arg35[%get3A_322], %broadcast_in_dim3A_10 {add = true} : memref<10240xf32, #tpu.memory_space<vmem>>[vector<16xi32>], vector<16xf32>,
    %get3A_323 = arith.constant 77 : i32
    %get3A_324 = arith.index_cast %get3A_323 : i32 to index
    %get3A_325 = arith.constant 32 : index
    %get3A_326 = tpu.vector_load %arg8[%get3A_324, %get3A_325] {strides = array<i32>} : memref<80x128xi32, #tpu.memory_space<vmem>>, vector<16xi32>,
    tpu.vector_store_idx %arg35[%get3A_326], %broadcast_in_dim3A_10 {add = true} : memref<10240xf32, #tpu.memory_space<vmem>>[vector<16xi32>], vector<16xf32>,
    %get3A_327 = arith.constant 77 : i32
    %get3A_328 = arith.index_cast %get3A_327 : i32 to index
    %get3A_329 = arith.constant 48 : index
    %get3A_330 = tpu.vector_load %arg8[%get3A_328, %get3A_329] {strides = array<i32>} : memref<80x128xi32, #tpu.memory_space<vmem>>, vector<16xi32>,
    tpu.vector_store_idx %arg35[%get3A_330], %broadcast_in_dim3A_10 {add = true} : memref<10240xf32, #tpu.memory_space<vmem>>[vector<16xi32>], vector<16xf32>,
    %get3A_331 = arith.constant 77 : i32
    %get3A_332 = arith.index_cast %get3A_331 : i32 to index
    %get3A_333 = arith.constant 64 : index
    %get3A_334 = tpu.vector_load %arg8[%get3A_332, %get3A_333] {strides = array<i32>} : memref<80x128xi32, #tpu.memory_space<vmem>>, vector<16xi32>,
    tpu.vector_store_idx %arg35[%get3A_334], %broadcast_in_dim3A_10 {add = true} : memref<10240xf32, #tpu.memory_space<vmem>>[vector<16xi32>], vector<16xf32>,
    %get3A_335 = arith.constant 77 : i32
    %get3A_336 = arith.index_cast %get3A_335 : i32 to index
    %get3A_337 = arith.constant 80 : index
    %get3A_338 = tpu.vector_load %arg8[%get3A_336, %get3A_337] {strides = array<i32>} : memref<80x128xi32, #tpu.memory_space<vmem>>, vector<16xi32>,
    tpu.vector_store_idx %arg35[%get3A_338], %broadcast_in_dim3A_10 {add = true} : memref<10240xf32, #tpu.memory_space<vmem>>[vector<16xi32>], vector<16xf32>,
    %get3A_339 = arith.constant 77 : i32
    %get3A_340 = arith.index_cast %get3A_339 : i32 to index
    %get3A_341 = arith.constant 96 : index
    %get3A_342 = tpu.vector_load %arg8[%get3A_340, %get3A_341] {strides = array<i32>} : memref<80x128xi32, #tpu.memory_space<vmem>>, vector<16xi32>,
    tpu.vector_store_idx %arg35[%get3A_342], %broadcast_in_dim3A_10 {add = true} : memref<10240xf32, #tpu.memory_space<vmem>>[vector<16xi32>], vector<16xf32>,
    %get3A_343 = arith.constant 77 : i32
    %get3A_344 = arith.index_cast %get3A_343 : i32 to index
    %get3A_345 = arith.constant 112 : index
    %get3A_346 = tpu.vector_load %arg8[%get3A_344, %get3A_345] {strides = array<i32>} : memref<80x128xi32, #tpu.memory_space<vmem>>, vector<16xi32>,
    tpu.vector_store_idx %arg35[%get3A_346], %broadcast_in_dim3A_10 {add = true} : memref<10240xf32, #tpu.memory_space<vmem>>[vector<16xi32>], vector<16xf32>,
    %dma_wait3A_347 = arith.constant 78 : i32
    %dma_wait3A_348 = arith.constant 0 : i32
    %dma_wait3A_349 = tpu.memref_slice %arg7[%dma_wait3A_347, %dma_wait3A_348] : memref<80x128xi32, #tpu.memory_space<vmem>> -> memref<1x128xi32, #tpu.memory_space<vmem>>
    %dma_wait3A_350 = tpu.memref_squeeze %dma_wait3A_349 : memref<1x128xi32, #tpu.memory_space<vmem>> -> memref<128xi32, #tpu.memory_space<vmem>>
    %dma_wait3A_351 = arith.constant 0 : i32
    %dma_wait3A_352 = arith.constant 0 : i32
    %dma_wait3A_353 = tpu.memref_slice %arg17[%dma_wait3A_351, %dma_wait3A_352] : memref<10240x32xf32, #tpu.memory_space<vmem_shared>> -> memref<10240x32xf32, #tpu.memory_space<vmem_shared>>
    tpu.wait_indirect_dma semaphore(%arg25 : memref<!tpu.dma_semaphore, #tpu.memory_space<semaphore_mem>>) src(%dma_wait3A_353 : memref<10240x32xf32, #tpu.memory_space<vmem_shared>>) dst(%arg15 : memref<128x32xf32, #tpu.memory_space<vmem>>)
    %dma_start3A_354 = arith.constant 78 : i32
    %dma_start3A_355 = arith.constant 0 : i32
    %dma_start3A_356 = tpu.memref_slice %arg8[%dma_start3A_354, %dma_start3A_355] : memref<80x128xi32, #tpu.memory_space<vmem>> -> memref<1x128xi32, #tpu.memory_space<vmem>>
    %dma_start3A_357 = tpu.memref_squeeze %dma_start3A_356 : memref<1x128xi32, #tpu.memory_space<vmem>> -> memref<128xi32, #tpu.memory_space<vmem>>
    %dma_start3A_358 = arith.constant 0 : i32
    %dma_start3A_359 = arith.constant 0 : i32
    %dma_start3A_360 = tpu.memref_slice %arg18[%dma_start3A_358, %dma_start3A_359] : memref<10240x32xf32, #tpu.memory_space<vmem_shared>> -> memref<10240x32xf32, #tpu.memory_space<vmem_shared>>
    tpu.enqueue_indirect_dma source(%arg15 : memref<128x32xf32, #tpu.memory_space<vmem>>) target(%dma_start3A_360 : memref<10240x32xf32, #tpu.memory_space<vmem_shared>>) offsets(%dma_start3A_357 : memref<128xi32, #tpu.memory_space<vmem>>) semaphore(%arg33 : memref<!tpu.dma_semaphore, #tpu.memory_space<semaphore_mem>>) {add = true}
    %get3A_361 = arith.constant 78 : i32
    %get3A_362 = arith.index_cast %get3A_361 : i32 to index
    %get3A_363 = arith.constant 0 : index
    %get3A_364 = tpu.vector_load %arg8[%get3A_362, %get3A_363] {strides = array<i32>} : memref<80x128xi32, #tpu.memory_space<vmem>>, vector<16xi32>,
    tpu.vector_store_idx %arg35[%get3A_364], %broadcast_in_dim3A_10 {add = true} : memref<10240xf32, #tpu.memory_space<vmem>>[vector<16xi32>], vector<16xf32>,
    %get3A_365 = arith.constant 78 : i32
    %get3A_366 = arith.index_cast %get3A_365 : i32 to index
    %get3A_367 = arith.constant 16 : index
    %get3A_368 = tpu.vector_load %arg8[%get3A_366, %get3A_367] {strides = array<i32>} : memref<80x128xi32, #tpu.memory_space<vmem>>, vector<16xi32>,
    tpu.vector_store_idx %arg35[%get3A_368], %broadcast_in_dim3A_10 {add = true} : memref<10240xf32, #tpu.memory_space<vmem>>[vector<16xi32>], vector<16xf32>,
    %get3A_369 = arith.constant 78 : i32
    %get3A_370 = arith.index_cast %get3A_369 : i32 to index
    %get3A_371 = arith.constant 32 : index
    %get3A_372 = tpu.vector_load %arg8[%get3A_370, %get3A_371] {strides = array<i32>} : memref<80x128xi32, #tpu.memory_space<vmem>>, vector<16xi32>,
    tpu.vector_store_idx %arg35[%get3A_372], %broadcast_in_dim3A_10 {add = true} : memref<10240xf32, #tpu.memory_space<vmem>>[vector<16xi32>], vector<16xf32>,
    %get3A_373 = arith.constant 78 : i32
    %get3A_374 = arith.index_cast %get3A_373 : i32 to index
    %get3A_375 = arith.constant 48 : index
    %get3A_376 = tpu.vector_load %arg8[%get3A_374, %get3A_375] {strides = array<i32>} : memref<80x128xi32, #tpu.memory_space<vmem>>, vector<16xi32>,
    tpu.vector_store_idx %arg35[%get3A_376], %broadcast_in_dim3A_10 {add = true} : memref<10240xf32, #tpu.memory_space<vmem>>[vector<16xi32>], vector<16xf32>,
    %get3A_377 = arith.constant 78 : i32
    %get3A_378 = arith.index_cast %get3A_377 : i32 to index
    %get3A_379 = arith.constant 64 : index
    %get3A_380 = tpu.vector_load %arg8[%get3A_378, %get3A_379] {strides = array<i32>} : memref<80x128xi32, #tpu.memory_space<vmem>>, vector<16xi32>,
    tpu.vector_store_idx %arg35[%get3A_380], %broadcast_in_dim3A_10 {add = true} : memref<10240xf32, #tpu.memory_space<vmem>>[vector<16xi32>], vector<16xf32>,
    %get3A_381 = arith.constant 78 : i32
    %get3A_382 = arith.index_cast %get3A_381 : i32 to index
    %get3A_383 = arith.constant 80 : index
    %get3A_384 = tpu.vector_load %arg8[%get3A_382, %get3A_383] {strides = array<i32>} : memref<80x128xi32, #tpu.memory_space<vmem>>, vector<16xi32>,
    tpu.vector_store_idx %arg35[%get3A_384], %broadcast_in_dim3A_10 {add = true} : memref<10240xf32, #tpu.memory_space<vmem>>[vector<16xi32>], vector<16xf32>,
    %get3A_385 = arith.constant 78 : i32
    %get3A_386 = arith.index_cast %get3A_385 : i32 to index
    %get3A_387 = arith.constant 96 : index
    %get3A_388 = tpu.vector_load %arg8[%get3A_386, %get3A_387] {strides = array<i32>} : memref<80x128xi32, #tpu.memory_space<vmem>>, vector<16xi32>,
    tpu.vector_store_idx %arg35[%get3A_388], %broadcast_in_dim3A_10 {add = true} : memref<10240xf32, #tpu.memory_space<vmem>>[vector<16xi32>], vector<16xf32>,
    %get3A_389 = arith.constant 78 : i32
    %get3A_390 = arith.index_cast %get3A_389 : i32 to index
    %get3A_391 = arith.constant 112 : index
    %get3A_392 = tpu.vector_load %arg8[%get3A_390, %get3A_391] {strides = array<i32>} : memref<80x128xi32, #tpu.memory_space<vmem>>, vector<16xi32>,
    tpu.vector_store_idx %arg35[%get3A_392], %broadcast_in_dim3A_10 {add = true} : memref<10240xf32, #tpu.memory_space<vmem>>[vector<16xi32>], vector<16xf32>,
    %dma_wait3A_393 = arith.constant 79 : i32
    %dma_wait3A_394 = arith.constant 0 : i32
    %dma_wait3A_395 = tpu.memref_slice %arg7[%dma_wait3A_393, %dma_wait3A_394] : memref<80x128xi32, #tpu.memory_space<vmem>> -> memref<1x128xi32, #tpu.memory_space<vmem>>
    %dma_wait3A_396 = tpu.memref_squeeze %dma_wait3A_395 : memref<1x128xi32, #tpu.memory_space<vmem>> -> memref<128xi32, #tpu.memory_space<vmem>>
    %dma_wait3A_397 = arith.constant 0 : i32
    %dma_wait3A_398 = arith.constant 0 : i32
    %dma_wait3A_399 = tpu.memref_slice %arg17[%dma_wait3A_397, %dma_wait3A_398] : memref<10240x32xf32, #tpu.memory_space<vmem_shared>> -> memref<10240x32xf32, #tpu.memory_space<vmem_shared>>
    tpu.wait_indirect_dma semaphore(%arg26 : memref<!tpu.dma_semaphore, #tpu.memory_space<semaphore_mem>>) src(%dma_wait3A_399 : memref<10240x32xf32, #tpu.memory_space<vmem_shared>>) dst(%arg16 : memref<128x32xf32, #tpu.memory_space<vmem>>)
    %dma_start3A_400 = arith.constant 79 : i32
    %dma_start3A_401 = arith.constant 0 : i32
    %dma_start3A_402 = tpu.memref_slice %arg8[%dma_start3A_400, %dma_start3A_401] : memref<80x128xi32, #tpu.memory_space<vmem>> -> memref<1x128xi32, #tpu.memory_space<vmem>>
    %dma_start3A_403 = tpu.memref_squeeze %dma_start3A_402 : memref<1x128xi32, #tpu.memory_space<vmem>> -> memref<128xi32, #tpu.memory_space<vmem>>
    %dma_start3A_404 = arith.constant 0 : i32
    %dma_start3A_405 = arith.constant 0 : i32
    %dma_start3A_406 = tpu.memref_slice %arg18[%dma_start3A_404, %dma_start3A_405] : memref<10240x32xf32, #tpu.memory_space<vmem_shared>> -> memref<10240x32xf32, #tpu.memory_space<vmem_shared>>
    tpu.enqueue_indirect_dma source(%arg16 : memref<128x32xf32, #tpu.memory_space<vmem>>) target(%dma_start3A_406 : memref<10240x32xf32, #tpu.memory_space<vmem_shared>>) offsets(%dma_start3A_403 : memref<128xi32, #tpu.memory_space<vmem>>) semaphore(%arg34 : memref<!tpu.dma_semaphore, #tpu.memory_space<semaphore_mem>>) {add = true}
    %get3A_407 = arith.constant 79 : i32
    %get3A_408 = arith.index_cast %get3A_407 : i32 to index
    %get3A_409 = arith.constant 0 : index
    %get3A_410 = tpu.vector_load %arg8[%get3A_408, %get3A_409] {strides = array<i32>} : memref<80x128xi32, #tpu.memory_space<vmem>>, vector<16xi32>,
    tpu.vector_store_idx %arg35[%get3A_410], %broadcast_in_dim3A_10 {add = true} : memref<10240xf32, #tpu.memory_space<vmem>>[vector<16xi32>], vector<16xf32>,
    %get3A_411 = arith.constant 79 : i32
    %get3A_412 = arith.index_cast %get3A_411 : i32 to index
    %get3A_413 = arith.constant 16 : index
    %get3A_414 = tpu.vector_load %arg8[%get3A_412, %get3A_413] {strides = array<i32>} : memref<80x128xi32, #tpu.memory_space<vmem>>, vector<16xi32>,
    tpu.vector_store_idx %arg35[%get3A_414], %broadcast_in_dim3A_10 {add = true} : memref<10240xf32, #tpu.memory_space<vmem>>[vector<16xi32>], vector<16xf32>,
    %get3A_415 = arith.constant 79 : i32
    %get3A_416 = arith.index_cast %get3A_415 : i32 to index
    %get3A_417 = arith.constant 32 : index
    %get3A_418 = tpu.vector_load %arg8[%get3A_416, %get3A_417] {strides = array<i32>} : memref<80x128xi32, #tpu.memory_space<vmem>>, vector<16xi32>,
    tpu.vector_store_idx %arg35[%get3A_418], %broadcast_in_dim3A_10 {add = true} : memref<10240xf32, #tpu.memory_space<vmem>>[vector<16xi32>], vector<16xf32>,
    %get3A_419 = arith.constant 79 : i32
    %get3A_420 = arith.index_cast %get3A_419 : i32 to index
    %get3A_421 = arith.constant 48 : index
    %get3A_422 = tpu.vector_load %arg8[%get3A_420, %get3A_421] {strides = array<i32>} : memref<80x128xi32, #tpu.memory_space<vmem>>, vector<16xi32>,
    tpu.vector_store_idx %arg35[%get3A_422], %broadcast_in_dim3A_10 {add = true} : memref<10240xf32, #tpu.memory_space<vmem>>[vector<16xi32>], vector<16xf32>,
    %get3A_423 = arith.constant 79 : i32
    %get3A_424 = arith.index_cast %get3A_423 : i32 to index
    %get3A_425 = arith.constant 64 : index
    %get3A_426 = tpu.vector_load %arg8[%get3A_424, %get3A_425] {strides = array<i32>} : memref<80x128xi32, #tpu.memory_space<vmem>>, vector<16xi32>,
    tpu.vector_store_idx %arg35[%get3A_426], %broadcast_in_dim3A_10 {add = true} : memref<10240xf32, #tpu.memory_space<vmem>>[vector<16xi32>], vector<16xf32>,
    %get3A_427 = arith.constant 79 : i32
    %get3A_428 = arith.index_cast %get3A_427 : i32 to index
    %get3A_429 = arith.constant 80 : index
    %get3A_430 = tpu.vector_load %arg8[%get3A_428, %get3A_429] {strides = array<i32>} : memref<80x128xi32, #tpu.memory_space<vmem>>, vector<16xi32>,
    tpu.vector_store_idx %arg35[%get3A_430], %broadcast_in_dim3A_10 {add = true} : memref<10240xf32, #tpu.memory_space<vmem>>[vector<16xi32>], vector<16xf32>,
    %get3A_431 = arith.constant 79 : i32
    %get3A_432 = arith.index_cast %get3A_431 : i32 to index
    %get3A_433 = arith.constant 96 : index
    %get3A_434 = tpu.vector_load %arg8[%get3A_432, %get3A_433] {strides = array<i32>} : memref<80x128xi32, #tpu.memory_space<vmem>>, vector<16xi32>,
    tpu.vector_store_idx %arg35[%get3A_434], %broadcast_in_dim3A_10 {add = true} : memref<10240xf32, #tpu.memory_space<vmem>>[vector<16xi32>], vector<16xf32>,
    %get3A_435 = arith.constant 79 : i32
    %get3A_436 = arith.index_cast %get3A_435 : i32 to index
    %get3A_437 = arith.constant 112 : index
    %get3A_438 = tpu.vector_load %arg8[%get3A_436, %get3A_437] {strides = array<i32>} : memref<80x128xi32, #tpu.memory_space<vmem>>, vector<16xi32>,
    tpu.vector_store_idx %arg35[%get3A_438], %broadcast_in_dim3A_10 {add = true} : memref<10240xf32, #tpu.memory_space<vmem>>[vector<16xi32>], vector<16xf32>,
    %dma_wait3A_439 = arith.constant 0 : i32
    %dma_wait3A_440 = arith.constant 0 : i32
    %dma_wait3A_441 = tpu.memref_slice %arg8[%dma_wait3A_439, %dma_wait3A_440] : memref<80x128xi32, #tpu.memory_space<vmem>> -> memref<1x128xi32, #tpu.memory_space<vmem>>
    %dma_wait3A_442 = tpu.memref_squeeze %dma_wait3A_441 : memref<1x128xi32, #tpu.memory_space<vmem>> -> memref<128xi32, #tpu.memory_space<vmem>>
    %dma_wait3A_443 = arith.constant 0 : i32
    %dma_wait3A_444 = arith.constant 0 : i32
    %dma_wait3A_445 = tpu.memref_slice %arg18[%dma_wait3A_443, %dma_wait3A_444] : memref<10240x32xf32, #tpu.memory_space<vmem_shared>> -> memref<10240x32xf32, #tpu.memory_space<vmem_shared>>
    tpu.wait_indirect_dma semaphore(%arg27 : memref<!tpu.dma_semaphore, #tpu.memory_space<semaphore_mem>>) src(%arg9 : memref<128x32xf32, #tpu.memory_space<vmem>>) dst(%dma_wait3A_445 : memref<10240x32xf32, #tpu.memory_space<vmem_shared>>)
    %dma_wait3A_446 = arith.constant 0 : i32
    %dma_wait3A_447 = arith.constant 0 : i32
    %dma_wait3A_448 = tpu.memref_slice %arg8[%dma_wait3A_446, %dma_wait3A_447] : memref<80x128xi32, #tpu.memory_space<vmem>> -> memref<1x128xi32, #tpu.memory_space<vmem>>
    %dma_wait3A_449 = tpu.memref_squeeze %dma_wait3A_448 : memref<1x128xi32, #tpu.memory_space<vmem>> -> memref<128xi32, #tpu.memory_space<vmem>>
    %dma_wait3A_450 = arith.constant 0 : i32
    %dma_wait3A_451 = arith.constant 0 : i32
    %dma_wait3A_452 = tpu.memref_slice %arg18[%dma_wait3A_450, %dma_wait3A_451] : memref<10240x32xf32, #tpu.memory_space<vmem_shared>> -> memref<10240x32xf32, #tpu.memory_space<vmem_shared>>
    tpu.wait_indirect_dma semaphore(%arg28 : memref<!tpu.dma_semaphore, #tpu.memory_space<semaphore_mem>>) src(%arg10 : memref<128x32xf32, #tpu.memory_space<vmem>>) dst(%dma_wait3A_452 : memref<10240x32xf32, #tpu.memory_space<vmem_shared>>)
    %dma_wait3A_453 = arith.constant 0 : i32
    %dma_wait3A_454 = arith.constant 0 : i32
    %dma_wait3A_455 = tpu.memref_slice %arg8[%dma_wait3A_453, %dma_wait3A_454] : memref<80x128xi32, #tpu.memory_space<vmem>> -> memref<1x128xi32, #tpu.memory_space<vmem>>
    %dma_wait3A_456 = tpu.memref_squeeze %dma_wait3A_455 : memref<1x128xi32, #tpu.memory_space<vmem>> -> memref<128xi32, #tpu.memory_space<vmem>>
    %dma_wait3A_457 = arith.constant 0 : i32
    %dma_wait3A_458 = arith.constant 0 : i32
    %dma_wait3A_459 = tpu.memref_slice %arg18[%dma_wait3A_457, %dma_wait3A_458] : memref<10240x32xf32, #tpu.memory_space<vmem_shared>> -> memref<10240x32xf32, #tpu.memory_space<vmem_shared>>
    tpu.wait_indirect_dma semaphore(%arg29 : memref<!tpu.dma_semaphore, #tpu.memory_space<semaphore_mem>>) src(%arg11 : memref<128x32xf32, #tpu.memory_space<vmem>>) dst(%dma_wait3A_459 : memref<10240x32xf32, #tpu.memory_space<vmem_shared>>)
    %dma_wait3A_460 = arith.constant 0 : i32
    %dma_wait3A_461 = arith.constant 0 : i32
    %dma_wait3A_462 = tpu.memref_slice %arg8[%dma_wait3A_460, %dma_wait3A_461] : memref<80x128xi32, #tpu.memory_space<vmem>> -> memref<1x128xi32, #tpu.memory_space<vmem>>
    %dma_wait3A_463 = tpu.memref_squeeze %dma_wait3A_462 : memref<1x128xi32, #tpu.memory_space<vmem>> -> memref<128xi32, #tpu.memory_space<vmem>>
    %dma_wait3A_464 = arith.constant 0 : i32
    %dma_wait3A_465 = arith.constant 0 : i32
    %dma_wait3A_466 = tpu.memref_slice %arg18[%dma_wait3A_464, %dma_wait3A_465] : memref<10240x32xf32, #tpu.memory_space<vmem_shared>> -> memref<10240x32xf32, #tpu.memory_space<vmem_shared>>
    tpu.wait_indirect_dma semaphore(%arg30 : memref<!tpu.dma_semaphore, #tpu.memory_space<semaphore_mem>>) src(%arg12 : memref<128x32xf32, #tpu.memory_space<vmem>>) dst(%dma_wait3A_466 : memref<10240x32xf32, #tpu.memory_space<vmem_shared>>)
    %dma_wait3A_467 = arith.constant 0 : i32
    %dma_wait3A_468 = arith.constant 0 : i32
    %dma_wait3A_469 = tpu.memref_slice %arg8[%dma_wait3A_467, %dma_wait3A_468] : memref<80x128xi32, #tpu.memory_space<vmem>> -> memref<1x128xi32, #tpu.memory_space<vmem>>
    %dma_wait3A_470 = tpu.memref_squeeze %dma_wait3A_469 : memref<1x128xi32, #tpu.memory_space<vmem>> -> memref<128xi32, #tpu.memory_space<vmem>>
    %dma_wait3A_471 = arith.constant 0 : i32
    %dma_wait3A_472 = arith.constant 0 : i32
    %dma_wait3A_473 = tpu.memref_slice %arg18[%dma_wait3A_471, %dma_wait3A_472] : memref<10240x32xf32, #tpu.memory_space<vmem_shared>> -> memref<10240x32xf32, #tpu.memory_space<vmem_shared>>
    tpu.wait_indirect_dma semaphore(%arg31 : memref<!tpu.dma_semaphore, #tpu.memory_space<semaphore_mem>>) src(%arg13 : memref<128x32xf32, #tpu.memory_space<vmem>>) dst(%dma_wait3A_473 : memref<10240x32xf32, #tpu.memory_space<vmem_shared>>)
    %dma_wait3A_474 = arith.constant 0 : i32
    %dma_wait3A_475 = arith.constant 0 : i32
    %dma_wait3A_476 = tpu.memref_slice %arg8[%dma_wait3A_474, %dma_wait3A_475] : memref<80x128xi32, #tpu.memory_space<vmem>> -> memref<1x128xi32, #tpu.memory_space<vmem>>
    %dma_wait3A_477 = tpu.memref_squeeze %dma_wait3A_476 : memref<1x128xi32, #tpu.memory_space<vmem>> -> memref<128xi32, #tpu.memory_space<vmem>>
    %dma_wait3A_478 = arith.constant 0 : i32
    %dma_wait3A_479 = arith.constant 0 : i32
    %dma_wait3A_480 = tpu.memref_slice %arg18[%dma_wait3A_478, %dma_wait3A_479] : memref<10240x32xf32, #tpu.memory_space<vmem_shared>> -> memref<10240x32xf32, #tpu.memory_space<vmem_shared>>
    tpu.wait_indirect_dma semaphore(%arg32 : memref<!tpu.dma_semaphore, #tpu.memory_space<semaphore_mem>>) src(%arg14 : memref<128x32xf32, #tpu.memory_space<vmem>>) dst(%dma_wait3A_480 : memref<10240x32xf32, #tpu.memory_space<vmem_shared>>)
    %dma_wait3A_481 = arith.constant 0 : i32
    %dma_wait3A_482 = arith.constant 0 : i32
    %dma_wait3A_483 = tpu.memref_slice %arg8[%dma_wait3A_481, %dma_wait3A_482] : memref<80x128xi32, #tpu.memory_space<vmem>> -> memref<1x128xi32, #tpu.memory_space<vmem>>
    %dma_wait3A_484 = tpu.memref_squeeze %dma_wait3A_483 : memref<1x128xi32, #tpu.memory_space<vmem>> -> memref<128xi32, #tpu.memory_space<vmem>>
    %dma_wait3A_485 = arith.constant 0 : i32
    %dma_wait3A_486 = arith.constant 0 : i32
    %dma_wait3A_487 = tpu.memref_slice %arg18[%dma_wait3A_485, %dma_wait3A_486] : memref<10240x32xf32, #tpu.memory_space<vmem_shared>> -> memref<10240x32xf32, #tpu.memory_space<vmem_shared>>
    tpu.wait_indirect_dma semaphore(%arg33 : memref<!tpu.dma_semaphore, #tpu.memory_space<semaphore_mem>>) src(%arg15 : memref<128x32xf32, #tpu.memory_space<vmem>>) dst(%dma_wait3A_487 : memref<10240x32xf32, #tpu.memory_space<vmem_shared>>)
    %dma_wait3A_488 = arith.constant 0 : i32
    %dma_wait3A_489 = arith.constant 0 : i32
    %dma_wait3A_490 = tpu.memref_slice %arg8[%dma_wait3A_488, %dma_wait3A_489] : memref<80x128xi32, #tpu.memory_space<vmem>> -> memref<1x128xi32, #tpu.memory_space<vmem>>
    %dma_wait3A_491 = tpu.memref_squeeze %dma_wait3A_490 : memref<1x128xi32, #tpu.memory_space<vmem>> -> memref<128xi32, #tpu.memory_space<vmem>>
    %dma_wait3A_492 = arith.constant 0 : i32
    %dma_wait3A_493 = arith.constant 0 : i32
    %dma_wait3A_494 = tpu.memref_slice %arg18[%dma_wait3A_492, %dma_wait3A_493] : memref<10240x32xf32, #tpu.memory_space<vmem_shared>> -> memref<10240x32xf32, #tpu.memory_space<vmem_shared>>
    tpu.wait_indirect_dma semaphore(%arg34 : memref<!tpu.dma_semaphore, #tpu.memory_space<semaphore_mem>>) src(%arg16 : memref<128x32xf32, #tpu.memory_space<vmem>>) dst(%dma_wait3A_494 : memref<10240x32xf32, #tpu.memory_space<vmem_shared>>)
    "tpu.region"() ({
      %run_scoped3A_624 = tpu.sem_alloc : memref<!tpu.dma_semaphore, #tpu.memory_space<semaphore_mem>>
      %dma_start3A_625 = arith.constant 0 : i32
      %dma_start3A_626 = tpu.memref_slice %arg39[%arg1, %dma_start3A_625] : memref<16x10240xf32, #tpu.memory_space<vmem_shared>> -> memref<1x10240xf32, #tpu.memory_space<vmem_shared>>
      %dma_start3A_627 = tpu.memref_squeeze %dma_start3A_626 : memref<1x10240xf32, #tpu.memory_space<vmem_shared>> -> memref<10240xf32, #tpu.memory_space<vmem_shared>>
      %dma_start3A_628 = arith.constant 0 : i32
      %dma_start3A_629 = tpu.memref_slice %arg39[%arg1, %dma_start3A_628] : memref<16x10240xf32, #tpu.memory_space<vmem_shared>> -> memref<1x10240xf32, #tpu.memory_space<vmem_shared>>
      %dma_start3A_630 = tpu.memref_squeeze %dma_start3A_629 : memref<1x10240xf32, #tpu.memory_space<vmem_shared>> -> memref<10240xf32, #tpu.memory_space<vmem_shared>>
      tpu.enqueue_dma source(%arg35 : memref<10240xf32, #tpu.memory_space<vmem>>) target(%dma_start3A_630 : memref<10240xf32, #tpu.memory_space<vmem_shared>>) target_semaphore(%run_scoped3A_624 : memref<!tpu.dma_semaphore, #tpu.memory_space<semaphore_mem>>)
      %dma_wait3A_631 = arith.constant 0 : i32
      %dma_wait3A_632 = tpu.memref_slice %arg39[%arg1, %dma_wait3A_631] : memref<16x10240xf32, #tpu.memory_space<vmem_shared>> -> memref<1x10240xf32, #tpu.memory_space<vmem_shared>>
      %dma_wait3A_633 = tpu.memref_squeeze %dma_wait3A_632 : memref<1x10240xf32, #tpu.memory_space<vmem_shared>> -> memref<10240xf32, #tpu.memory_space<vmem_shared>>
      %dma_wait3A_634 = arith.constant 0 : i32
      %dma_wait3A_635 = tpu.memref_slice %arg39[%arg1, %dma_wait3A_634] : memref<16x10240xf32, #tpu.memory_space<vmem_shared>> -> memref<1x10240xf32, #tpu.memory_space<vmem_shared>>
      %dma_wait3A_636 = tpu.memref_squeeze %dma_wait3A_635 : memref<1x10240xf32, #tpu.memory_space<vmem_shared>> -> memref<10240xf32, #tpu.memory_space<vmem_shared>>
      tpu.wait_dma2 semaphore(%run_scoped3A_624 : memref<!tpu.dma_semaphore, #tpu.memory_space<semaphore_mem>>) src(%arg35 : memref<10240xf32, #tpu.memory_space<vmem>>) dst(%dma_wait3A_636 : memref<10240xf32, #tpu.memory_space<vmem_shared>>)
      tpu.yield
    }) : () -> ()
    %barrier3A_495 = arith.constant 0 : index
    tpu.barrier barrier_id(%barrier3A_495)
    "tpu.region"() ({
      %run_scoped3A_624 = tpu.sem_alloc : memref<!tpu.dma_semaphore, #tpu.memory_space<semaphore_mem>>
      %dma_start3A_625 = arith.constant 0 : i32
      %dma_start3A_626 = tpu.memref_slice %arg5[%arg0, %mul3A_2, %dma_start3A_625] : memref<2x10240x32xf32, #tpu.memory_space<hbm>> -> memref<1x640x32xf32, #tpu.memory_space<hbm>>
      %dma_start3A_627 = tpu.memref_squeeze %dma_start3A_626 : memref<1x640x32xf32, #tpu.memory_space<hbm>> -> memref<640x32xf32, #tpu.memory_space<hbm>>
      %dma_start3A_628 = arith.constant 0 : i32
      %dma_start3A_629 = tpu.memref_slice %arg18[%mul3A_2, %dma_start3A_628] : memref<10240x32xf32, #tpu.memory_space<vmem_shared>> -> memref<640x32xf32, #tpu.memory_space<vmem_shared>>
      tpu.enqueue_dma source(%dma_start3A_629 : memref<640x32xf32, #tpu.memory_space<vmem_shared>>) target(%dma_start3A_627 : memref<640x32xf32, #tpu.memory_space<hbm>>) target_semaphore(%run_scoped3A_624 : memref<!tpu.dma_semaphore, #tpu.memory_space<semaphore_mem>>)
      %dma_wait3A_630 = arith.constant 0 : i32
      %dma_wait3A_631 = tpu.memref_slice %arg5[%arg0, %mul3A_2, %dma_wait3A_630] : memref<2x10240x32xf32, #tpu.memory_space<hbm>> -> memref<1x640x32xf32, #tpu.memory_space<hbm>>
      %dma_wait3A_632 = tpu.memref_squeeze %dma_wait3A_631 : memref<1x640x32xf32, #tpu.memory_space<hbm>> -> memref<640x32xf32, #tpu.memory_space<hbm>>
      %dma_wait3A_633 = arith.constant 0 : i32
      %dma_wait3A_634 = tpu.memref_slice %arg18[%mul3A_2, %dma_wait3A_633] : memref<10240x32xf32, #tpu.memory_space<vmem_shared>> -> memref<640x32xf32, #tpu.memory_space<vmem_shared>>
      tpu.wait_dma2 semaphore(%run_scoped3A_624 : memref<!tpu.dma_semaphore, #tpu.memory_space<semaphore_mem>>) src(%dma_wait3A_634 : memref<640x32xf32, #tpu.memory_space<vmem_shared>>) dst(%dma_wait3A_632 : memref<640x32xf32, #tpu.memory_space<hbm>>)
      tpu.yield
    }) : () -> ()
    %run_scoped3A_496 = arith.constant 0 : i32
    "tpu.region"() ({
      %run_scoped3A_624 = tpu.sem_alloc : memref<!tpu.dma_semaphore, #tpu.memory_space<semaphore_mem>>
      %dma_start3A_625 = tpu.memref_slice %arg39[%run_scoped3A_496, %mul3A_2] : memref<16x10240xf32, #tpu.memory_space<vmem_shared>> -> memref<1x640xf32, #tpu.memory_space<vmem_shared>>
      %dma_start3A_626 = tpu.memref_squeeze %dma_start3A_625 : memref<1x640xf32, #tpu.memory_space<vmem_shared>> -> memref<640xf32, #tpu.memory_space<vmem_shared>>
      %dma_start3A_627 = tpu.memref_slice %arg39[%run_scoped3A_496, %mul3A_2] : memref<16x10240xf32, #tpu.memory_space<vmem_shared>> -> memref<1x640xf32, #tpu.memory_space<vmem_shared>>
      %dma_start3A_628 = tpu.memref_squeeze %dma_start3A_627 : memref<1x640xf32, #tpu.memory_space<vmem_shared>> -> memref<640xf32, #tpu.memory_space<vmem_shared>>
      tpu.enqueue_dma source(%dma_start3A_628 : memref<640xf32, #tpu.memory_space<vmem_shared>>) target(%arg36 : memref<640xf32, #tpu.memory_space<vmem>>) target_semaphore(%run_scoped3A_624 : memref<!tpu.dma_semaphore, #tpu.memory_space<semaphore_mem>>)
      %dma_wait3A_629 = tpu.memref_slice %arg39[%run_scoped3A_496, %mul3A_2] : memref<16x10240xf32, #tpu.memory_space<vmem_shared>> -> memref<1x640xf32, #tpu.memory_space<vmem_shared>>
      %dma_wait3A_630 = tpu.memref_squeeze %dma_wait3A_629 : memref<1x640xf32, #tpu.memory_space<vmem_shared>> -> memref<640xf32, #tpu.memory_space<vmem_shared>>
      %dma_wait3A_631 = tpu.memref_slice %arg39[%run_scoped3A_496, %mul3A_2] : memref<16x10240xf32, #tpu.memory_space<vmem_shared>> -> memref<1x640xf32, #tpu.memory_space<vmem_shared>>
      %dma_wait3A_632 = tpu.memref_squeeze %dma_wait3A_631 : memref<1x640xf32, #tpu.memory_space<vmem_shared>> -> memref<640xf32, #tpu.memory_space<vmem_shared>>
      tpu.wait_dma2 semaphore(%run_scoped3A_624 : memref<!tpu.dma_semaphore, #tpu.memory_space<semaphore_mem>>) src(%dma_wait3A_632 : memref<640xf32, #tpu.memory_space<vmem_shared>>) dst(%arg36 : memref<640xf32, #tpu.memory_space<vmem>>)
      tpu.yield
    }) : () -> ()
    %run_scoped3A_497 = arith.constant 1 : i32
    "tpu.region"() ({
      %run_scoped3A_624 = tpu.sem_alloc : memref<!tpu.dma_semaphore, #tpu.memory_space<semaphore_mem>>
      %dma_start3A_625 = tpu.memref_slice %arg39[%run_scoped3A_497, %mul3A_2] : memref<16x10240xf32, #tpu.memory_space<vmem_shared>> -> memref<1x640xf32, #tpu.memory_space<vmem_shared>>
      %dma_start3A_626 = tpu.memref_squeeze %dma_start3A_625 : memref<1x640xf32, #tpu.memory_space<vmem_shared>> -> memref<640xf32, #tpu.memory_space<vmem_shared>>
      %dma_start3A_627 = tpu.memref_slice %arg39[%run_scoped3A_497, %mul3A_2] : memref<16x10240xf32, #tpu.memory_space<vmem_shared>> -> memref<1x640xf32, #tpu.memory_space<vmem_shared>>
      %dma_start3A_628 = tpu.memref_squeeze %dma_start3A_627 : memref<1x640xf32, #tpu.memory_space<vmem_shared>> -> memref<640xf32, #tpu.memory_space<vmem_shared>>
      tpu.enqueue_dma source(%dma_start3A_628 : memref<640xf32, #tpu.memory_space<vmem_shared>>) target(%arg37 : memref<640xf32, #tpu.memory_space<vmem>>) target_semaphore(%run_scoped3A_624 : memref<!tpu.dma_semaphore, #tpu.memory_space<semaphore_mem>>)
      %dma_wait3A_629 = tpu.memref_slice %arg39[%run_scoped3A_497, %mul3A_2] : memref<16x10240xf32, #tpu.memory_space<vmem_shared>> -> memref<1x640xf32, #tpu.memory_space<vmem_shared>>
      %dma_wait3A_630 = tpu.memref_squeeze %dma_wait3A_629 : memref<1x640xf32, #tpu.memory_space<vmem_shared>> -> memref<640xf32, #tpu.memory_space<vmem_shared>>
      %dma_wait3A_631 = tpu.memref_slice %arg39[%run_scoped3A_497, %mul3A_2] : memref<16x10240xf32, #tpu.memory_space<vmem_shared>> -> memref<1x640xf32, #tpu.memory_space<vmem_shared>>
      %dma_wait3A_632 = tpu.memref_squeeze %dma_wait3A_631 : memref<1x640xf32, #tpu.memory_space<vmem_shared>> -> memref<640xf32, #tpu.memory_space<vmem_shared>>
      tpu.wait_dma2 semaphore(%run_scoped3A_624 : memref<!tpu.dma_semaphore, #tpu.memory_space<semaphore_mem>>) src(%dma_wait3A_632 : memref<640xf32, #tpu.memory_space<vmem_shared>>) dst(%arg37 : memref<640xf32, #tpu.memory_space<vmem>>)
      tpu.yield
    }) : () -> ()
    %scan3A_498 = arith.constant 0 : i32
    %scan3A_499 = arith.constant 0 : i32
    %scan3A_500 = arith.constant 40 : i32
    %scan3A_501 = arith.addi %scan3A_499, %scan3A_500 : i32
    %scan3A_502 = arith.constant 1 : i32
    %scan3A_503 = scf.for %scan3A_624 = %scan3A_499 to %scan3A_501 step %scan3A_502 iter_args(%scan3A_625 = %scan3A_498) -> (i32)  : i32 {
      %mul3A_626 = arith.constant 16 : i32
      %mul3A_627 = arith.muli %scan3A_624, %mul3A_626 : i32
      %get3A_628 = arith.index_cast %mul3A_627 : i32 to index
      %get3A_629 = tpu.vector_load %arg36[%get3A_628] {strides = array<i32>} : memref<640xf32, #tpu.memory_space<vmem>>, vector<16xf32>,
      %mul3A_630 = arith.constant 16 : i32
      %mul3A_631 = arith.muli %scan3A_624, %mul3A_630 : i32
      %get3A_632 = arith.index_cast %mul3A_631 : i32 to index
      %get3A_633 = tpu.vector_load %arg37[%get3A_632] {strides = array<i32>} : memref<640xf32, #tpu.memory_space<vmem>>, vector<16xf32>,
      %add3A_634 = arith.addf %get3A_629, %get3A_633 : vector<16xf32>
      %mul3A_635 = arith.constant 16 : i32
      %mul3A_636 = arith.muli %scan3A_624, %mul3A_635 : i32
      %swap3A = arith.index_cast %mul3A_636 : i32 to index
      %swap3A_637 = tpu.vector_load %arg36[%swap3A] {strides = array<i32>} : memref<640xf32, #tpu.memory_space<vmem>>, vector<16xf32>,
      tpu.vector_store %arg36[%swap3A], %add3A_634 {strides = array<i32>} : memref<640xf32, #tpu.memory_space<vmem>>, vector<16xf32>,
      %scan3A_638 = arith.constant 0 : i32
      scf.yield %scan3A_638 : i32
    }
    %scan3A_504 = arith.constant 40 : i32
    %run_scoped3A_505 = arith.constant 2 : i32
    "tpu.region"() ({
      %run_scoped3A_624 = tpu.sem_alloc : memref<!tpu.dma_semaphore, #tpu.memory_space<semaphore_mem>>
      %dma_start3A_625 = tpu.memref_slice %arg39[%run_scoped3A_505, %mul3A_2] : memref<16x10240xf32, #tpu.memory_space<vmem_shared>> -> memref<1x640xf32, #tpu.memory_space<vmem_shared>>
      %dma_start3A_626 = tpu.memref_squeeze %dma_start3A_625 : memref<1x640xf32, #tpu.memory_space<vmem_shared>> -> memref<640xf32, #tpu.memory_space<vmem_shared>>
      %dma_start3A_627 = tpu.memref_slice %arg39[%run_scoped3A_505, %mul3A_2] : memref<16x10240xf32, #tpu.memory_space<vmem_shared>> -> memref<1x640xf32, #tpu.memory_space<vmem_shared>>
      %dma_start3A_628 = tpu.memref_squeeze %dma_start3A_627 : memref<1x640xf32, #tpu.memory_space<vmem_shared>> -> memref<640xf32, #tpu.memory_space<vmem_shared>>
      tpu.enqueue_dma source(%dma_start3A_628 : memref<640xf32, #tpu.memory_space<vmem_shared>>) target(%arg37 : memref<640xf32, #tpu.memory_space<vmem>>) target_semaphore(%run_scoped3A_624 : memref<!tpu.dma_semaphore, #tpu.memory_space<semaphore_mem>>)
      %dma_wait3A_629 = tpu.memref_slice %arg39[%run_scoped3A_505, %mul3A_2] : memref<16x10240xf32, #tpu.memory_space<vmem_shared>> -> memref<1x640xf32, #tpu.memory_space<vmem_shared>>
      %dma_wait3A_630 = tpu.memref_squeeze %dma_wait3A_629 : memref<1x640xf32, #tpu.memory_space<vmem_shared>> -> memref<640xf32, #tpu.memory_space<vmem_shared>>
      %dma_wait3A_631 = tpu.memref_slice %arg39[%run_scoped3A_505, %mul3A_2] : memref<16x10240xf32, #tpu.memory_space<vmem_shared>> -> memref<1x640xf32, #tpu.memory_space<vmem_shared>>
      %dma_wait3A_632 = tpu.memref_squeeze %dma_wait3A_631 : memref<1x640xf32, #tpu.memory_space<vmem_shared>> -> memref<640xf32, #tpu.memory_space<vmem_shared>>
      tpu.wait_dma2 semaphore(%run_scoped3A_624 : memref<!tpu.dma_semaphore, #tpu.memory_space<semaphore_mem>>) src(%dma_wait3A_632 : memref<640xf32, #tpu.memory_space<vmem_shared>>) dst(%arg37 : memref<640xf32, #tpu.memory_space<vmem>>)
      tpu.yield
    }) : () -> ()
    %scan3A_506 = arith.constant 0 : i32
    %scan3A_507 = arith.constant 0 : i32
    %scan3A_508 = arith.constant 40 : i32
    %scan3A_509 = arith.addi %scan3A_507, %scan3A_508 : i32
    %scan3A_510 = arith.constant 1 : i32
    %scan3A_511 = scf.for %scan3A_624 = %scan3A_507 to %scan3A_509 step %scan3A_510 iter_args(%scan3A_625 = %scan3A_506) -> (i32)  : i32 {
      %mul3A_626 = arith.constant 16 : i32
      %mul3A_627 = arith.muli %scan3A_624, %mul3A_626 : i32
      %get3A_628 = arith.index_cast %mul3A_627 : i32 to index
      %get3A_629 = tpu.vector_load %arg36[%get3A_628] {strides = array<i32>} : memref<640xf32, #tpu.memory_space<vmem>>, vector<16xf32>,
      %mul3A_630 = arith.constant 16 : i32
      %mul3A_631 = arith.muli %scan3A_624, %mul3A_630 : i32
      %get3A_632 = arith.index_cast %mul3A_631 : i32 to index
      %get3A_633 = tpu.vector_load %arg37[%get3A_632] {strides = array<i32>} : memref<640xf32, #tpu.memory_space<vmem>>, vector<16xf32>,
      %add3A_634 = arith.addf %get3A_629, %get3A_633 : vector<16xf32>
      %mul3A_635 = arith.constant 16 : i32
      %mul3A_636 = arith.muli %scan3A_624, %mul3A_635 : i32
      %swap3A = arith.index_cast %mul3A_636 : i32 to index
      %swap3A_637 = tpu.vector_load %arg36[%swap3A] {strides = array<i32>} : memref<640xf32, #tpu.memory_space<vmem>>, vector<16xf32>,
      tpu.vector_store %arg36[%swap3A], %add3A_634 {strides = array<i32>} : memref<640xf32, #tpu.memory_space<vmem>>, vector<16xf32>,
      %scan3A_638 = arith.constant 0 : i32
      scf.yield %scan3A_638 : i32
    }
    %scan3A_512 = arith.constant 40 : i32
    %run_scoped3A_513 = arith.constant 3 : i32
    "tpu.region"() ({
      %run_scoped3A_624 = tpu.sem_alloc : memref<!tpu.dma_semaphore, #tpu.memory_space<semaphore_mem>>
      %dma_start3A_625 = tpu.memref_slice %arg39[%run_scoped3A_513, %mul3A_2] : memref<16x10240xf32, #tpu.memory_space<vmem_shared>> -> memref<1x640xf32, #tpu.memory_space<vmem_shared>>
      %dma_start3A_626 = tpu.memref_squeeze %dma_start3A_625 : memref<1x640xf32, #tpu.memory_space<vmem_shared>> -> memref<640xf32, #tpu.memory_space<vmem_shared>>
      %dma_start3A_627 = tpu.memref_slice %arg39[%run_scoped3A_513, %mul3A_2] : memref<16x10240xf32, #tpu.memory_space<vmem_shared>> -> memref<1x640xf32, #tpu.memory_space<vmem_shared>>
      %dma_start3A_628 = tpu.memref_squeeze %dma_start3A_627 : memref<1x640xf32, #tpu.memory_space<vmem_shared>> -> memref<640xf32, #tpu.memory_space<vmem_shared>>
      tpu.enqueue_dma source(%dma_start3A_628 : memref<640xf32, #tpu.memory_space<vmem_shared>>) target(%arg37 : memref<640xf32, #tpu.memory_space<vmem>>) target_semaphore(%run_scoped3A_624 : memref<!tpu.dma_semaphore, #tpu.memory_space<semaphore_mem>>)
      %dma_wait3A_629 = tpu.memref_slice %arg39[%run_scoped3A_513, %mul3A_2] : memref<16x10240xf32, #tpu.memory_space<vmem_shared>> -> memref<1x640xf32, #tpu.memory_space<vmem_shared>>
      %dma_wait3A_630 = tpu.memref_squeeze %dma_wait3A_629 : memref<1x640xf32, #tpu.memory_space<vmem_shared>> -> memref<640xf32, #tpu.memory_space<vmem_shared>>
      %dma_wait3A_631 = tpu.memref_slice %arg39[%run_scoped3A_513, %mul3A_2] : memref<16x10240xf32, #tpu.memory_space<vmem_shared>> -> memref<1x640xf32, #tpu.memory_space<vmem_shared>>
      %dma_wait3A_632 = tpu.memref_squeeze %dma_wait3A_631 : memref<1x640xf32, #tpu.memory_space<vmem_shared>> -> memref<640xf32, #tpu.memory_space<vmem_shared>>
      tpu.wait_dma2 semaphore(%run_scoped3A_624 : memref<!tpu.dma_semaphore, #tpu.memory_space<semaphore_mem>>) src(%dma_wait3A_632 : memref<640xf32, #tpu.memory_space<vmem_shared>>) dst(%arg37 : memref<640xf32, #tpu.memory_space<vmem>>)
      tpu.yield
    }) : () -> ()
    %scan3A_514 = arith.constant 0 : i32
    %scan3A_515 = arith.constant 0 : i32
    %scan3A_516 = arith.constant 40 : i32
    %scan3A_517 = arith.addi %scan3A_515, %scan3A_516 : i32
    %scan3A_518 = arith.constant 1 : i32
    %scan3A_519 = scf.for %scan3A_624 = %scan3A_515 to %scan3A_517 step %scan3A_518 iter_args(%scan3A_625 = %scan3A_514) -> (i32)  : i32 {
      %mul3A_626 = arith.constant 16 : i32
      %mul3A_627 = arith.muli %scan3A_624, %mul3A_626 : i32
      %get3A_628 = arith.index_cast %mul3A_627 : i32 to index
      %get3A_629 = tpu.vector_load %arg36[%get3A_628] {strides = array<i32>} : memref<640xf32, #tpu.memory_space<vmem>>, vector<16xf32>,
      %mul3A_630 = arith.constant 16 : i32
      %mul3A_631 = arith.muli %scan3A_624, %mul3A_630 : i32
      %get3A_632 = arith.index_cast %mul3A_631 : i32 to index
      %get3A_633 = tpu.vector_load %arg37[%get3A_632] {strides = array<i32>} : memref<640xf32, #tpu.memory_space<vmem>>, vector<16xf32>,
      %add3A_634 = arith.addf %get3A_629, %get3A_633 : vector<16xf32>
      %mul3A_635 = arith.constant 16 : i32
      %mul3A_636 = arith.muli %scan3A_624, %mul3A_635 : i32
      %swap3A = arith.index_cast %mul3A_636 : i32 to index
      %swap3A_637 = tpu.vector_load %arg36[%swap3A] {strides = array<i32>} : memref<640xf32, #tpu.memory_space<vmem>>, vector<16xf32>,
      tpu.vector_store %arg36[%swap3A], %add3A_634 {strides = array<i32>} : memref<640xf32, #tpu.memory_space<vmem>>, vector<16xf32>,
      %scan3A_638 = arith.constant 0 : i32
      scf.yield %scan3A_638 : i32
    }
    %scan3A_520 = arith.constant 40 : i32
    %run_scoped3A_521 = arith.constant 4 : i32
    "tpu.region"() ({
      %run_scoped3A_624 = tpu.sem_alloc : memref<!tpu.dma_semaphore, #tpu.memory_space<semaphore_mem>>
      %dma_start3A_625 = tpu.memref_slice %arg39[%run_scoped3A_521, %mul3A_2] : memref<16x10240xf32, #tpu.memory_space<vmem_shared>> -> memref<1x640xf32, #tpu.memory_space<vmem_shared>>
      %dma_start3A_626 = tpu.memref_squeeze %dma_start3A_625 : memref<1x640xf32, #tpu.memory_space<vmem_shared>> -> memref<640xf32, #tpu.memory_space<vmem_shared>>
      %dma_start3A_627 = tpu.memref_slice %arg39[%run_scoped3A_521, %mul3A_2] : memref<16x10240xf32, #tpu.memory_space<vmem_shared>> -> memref<1x640xf32, #tpu.memory_space<vmem_shared>>
      %dma_start3A_628 = tpu.memref_squeeze %dma_start3A_627 : memref<1x640xf32, #tpu.memory_space<vmem_shared>> -> memref<640xf32, #tpu.memory_space<vmem_shared>>
      tpu.enqueue_dma source(%dma_start3A_628 : memref<640xf32, #tpu.memory_space<vmem_shared>>) target(%arg37 : memref<640xf32, #tpu.memory_space<vmem>>) target_semaphore(%run_scoped3A_624 : memref<!tpu.dma_semaphore, #tpu.memory_space<semaphore_mem>>)
      %dma_wait3A_629 = tpu.memref_slice %arg39[%run_scoped3A_521, %mul3A_2] : memref<16x10240xf32, #tpu.memory_space<vmem_shared>> -> memref<1x640xf32, #tpu.memory_space<vmem_shared>>
      %dma_wait3A_630 = tpu.memref_squeeze %dma_wait3A_629 : memref<1x640xf32, #tpu.memory_space<vmem_shared>> -> memref<640xf32, #tpu.memory_space<vmem_shared>>
      %dma_wait3A_631 = tpu.memref_slice %arg39[%run_scoped3A_521, %mul3A_2] : memref<16x10240xf32, #tpu.memory_space<vmem_shared>> -> memref<1x640xf32, #tpu.memory_space<vmem_shared>>
      %dma_wait3A_632 = tpu.memref_squeeze %dma_wait3A_631 : memref<1x640xf32, #tpu.memory_space<vmem_shared>> -> memref<640xf32, #tpu.memory_space<vmem_shared>>
      tpu.wait_dma2 semaphore(%run_scoped3A_624 : memref<!tpu.dma_semaphore, #tpu.memory_space<semaphore_mem>>) src(%dma_wait3A_632 : memref<640xf32, #tpu.memory_space<vmem_shared>>) dst(%arg37 : memref<640xf32, #tpu.memory_space<vmem>>)
      tpu.yield
    }) : () -> ()
    %scan3A_522 = arith.constant 0 : i32
    %scan3A_523 = arith.constant 0 : i32
    %scan3A_524 = arith.constant 40 : i32
    %scan3A_525 = arith.addi %scan3A_523, %scan3A_524 : i32
    %scan3A_526 = arith.constant 1 : i32
    %scan3A_527 = scf.for %scan3A_624 = %scan3A_523 to %scan3A_525 step %scan3A_526 iter_args(%scan3A_625 = %scan3A_522) -> (i32)  : i32 {
      %mul3A_626 = arith.constant 16 : i32
      %mul3A_627 = arith.muli %scan3A_624, %mul3A_626 : i32
      %get3A_628 = arith.index_cast %mul3A_627 : i32 to index
      %get3A_629 = tpu.vector_load %arg36[%get3A_628] {strides = array<i32>} : memref<640xf32, #tpu.memory_space<vmem>>, vector<16xf32>,
      %mul3A_630 = arith.constant 16 : i32
      %mul3A_631 = arith.muli %scan3A_624, %mul3A_630 : i32
      %get3A_632 = arith.index_cast %mul3A_631 : i32 to index
      %get3A_633 = tpu.vector_load %arg37[%get3A_632] {strides = array<i32>} : memref<640xf32, #tpu.memory_space<vmem>>, vector<16xf32>,
      %add3A_634 = arith.addf %get3A_629, %get3A_633 : vector<16xf32>
      %mul3A_635 = arith.constant 16 : i32
      %mul3A_636 = arith.muli %scan3A_624, %mul3A_635 : i32
      %swap3A = arith.index_cast %mul3A_636 : i32 to index
      %swap3A_637 = tpu.vector_load %arg36[%swap3A] {strides = array<i32>} : memref<640xf32, #tpu.memory_space<vmem>>, vector<16xf32>,
      tpu.vector_store %arg36[%swap3A], %add3A_634 {strides = array<i32>} : memref<640xf32, #tpu.memory_space<vmem>>, vector<16xf32>,
      %scan3A_638 = arith.constant 0 : i32
      scf.yield %scan3A_638 : i32
    }
    %scan3A_528 = arith.constant 40 : i32
    %run_scoped3A_529 = arith.constant 5 : i32
    "tpu.region"() ({
      %run_scoped3A_624 = tpu.sem_alloc : memref<!tpu.dma_semaphore, #tpu.memory_space<semaphore_mem>>
      %dma_start3A_625 = tpu.memref_slice %arg39[%run_scoped3A_529, %mul3A_2] : memref<16x10240xf32, #tpu.memory_space<vmem_shared>> -> memref<1x640xf32, #tpu.memory_space<vmem_shared>>
      %dma_start3A_626 = tpu.memref_squeeze %dma_start3A_625 : memref<1x640xf32, #tpu.memory_space<vmem_shared>> -> memref<640xf32, #tpu.memory_space<vmem_shared>>
      %dma_start3A_627 = tpu.memref_slice %arg39[%run_scoped3A_529, %mul3A_2] : memref<16x10240xf32, #tpu.memory_space<vmem_shared>> -> memref<1x640xf32, #tpu.memory_space<vmem_shared>>
      %dma_start3A_628 = tpu.memref_squeeze %dma_start3A_627 : memref<1x640xf32, #tpu.memory_space<vmem_shared>> -> memref<640xf32, #tpu.memory_space<vmem_shared>>
      tpu.enqueue_dma source(%dma_start3A_628 : memref<640xf32, #tpu.memory_space<vmem_shared>>) target(%arg37 : memref<640xf32, #tpu.memory_space<vmem>>) target_semaphore(%run_scoped3A_624 : memref<!tpu.dma_semaphore, #tpu.memory_space<semaphore_mem>>)
      %dma_wait3A_629 = tpu.memref_slice %arg39[%run_scoped3A_529, %mul3A_2] : memref<16x10240xf32, #tpu.memory_space<vmem_shared>> -> memref<1x640xf32, #tpu.memory_space<vmem_shared>>
      %dma_wait3A_630 = tpu.memref_squeeze %dma_wait3A_629 : memref<1x640xf32, #tpu.memory_space<vmem_shared>> -> memref<640xf32, #tpu.memory_space<vmem_shared>>
      %dma_wait3A_631 = tpu.memref_slice %arg39[%run_scoped3A_529, %mul3A_2] : memref<16x10240xf32, #tpu.memory_space<vmem_shared>> -> memref<1x640xf32, #tpu.memory_space<vmem_shared>>
      %dma_wait3A_632 = tpu.memref_squeeze %dma_wait3A_631 : memref<1x640xf32, #tpu.memory_space<vmem_shared>> -> memref<640xf32, #tpu.memory_space<vmem_shared>>
      tpu.wait_dma2 semaphore(%run_scoped3A_624 : memref<!tpu.dma_semaphore, #tpu.memory_space<semaphore_mem>>) src(%dma_wait3A_632 : memref<640xf32, #tpu.memory_space<vmem_shared>>) dst(%arg37 : memref<640xf32, #tpu.memory_space<vmem>>)
      tpu.yield
    }) : () -> ()
    %scan3A_530 = arith.constant 0 : i32
    %scan3A_531 = arith.constant 0 : i32
    %scan3A_532 = arith.constant 40 : i32
    %scan3A_533 = arith.addi %scan3A_531, %scan3A_532 : i32
    %scan3A_534 = arith.constant 1 : i32
    %scan3A_535 = scf.for %scan3A_624 = %scan3A_531 to %scan3A_533 step %scan3A_534 iter_args(%scan3A_625 = %scan3A_530) -> (i32)  : i32 {
      %mul3A_626 = arith.constant 16 : i32
      %mul3A_627 = arith.muli %scan3A_624, %mul3A_626 : i32
      %get3A_628 = arith.index_cast %mul3A_627 : i32 to index
      %get3A_629 = tpu.vector_load %arg36[%get3A_628] {strides = array<i32>} : memref<640xf32, #tpu.memory_space<vmem>>, vector<16xf32>,
      %mul3A_630 = arith.constant 16 : i32
      %mul3A_631 = arith.muli %scan3A_624, %mul3A_630 : i32
      %get3A_632 = arith.index_cast %mul3A_631 : i32 to index
      %get3A_633 = tpu.vector_load %arg37[%get3A_632] {strides = array<i32>} : memref<640xf32, #tpu.memory_space<vmem>>, vector<16xf32>,
      %add3A_634 = arith.addf %get3A_629, %get3A_633 : vector<16xf32>
      %mul3A_635 = arith.constant 16 : i32
      %mul3A_636 = arith.muli %scan3A_624, %mul3A_635 : i32
      %swap3A = arith.index_cast %mul3A_636 : i32 to index
      %swap3A_637 = tpu.vector_load %arg36[%swap3A] {strides = array<i32>} : memref<640xf32, #tpu.memory_space<vmem>>, vector<16xf32>,
      tpu.vector_store %arg36[%swap3A], %add3A_634 {strides = array<i32>} : memref<640xf32, #tpu.memory_space<vmem>>, vector<16xf32>,
      %scan3A_638 = arith.constant 0 : i32
      scf.yield %scan3A_638 : i32
    }
    %scan3A_536 = arith.constant 40 : i32
    %run_scoped3A_537 = arith.constant 6 : i32
    "tpu.region"() ({
      %run_scoped3A_624 = tpu.sem_alloc : memref<!tpu.dma_semaphore, #tpu.memory_space<semaphore_mem>>
      %dma_start3A_625 = tpu.memref_slice %arg39[%run_scoped3A_537, %mul3A_2] : memref<16x10240xf32, #tpu.memory_space<vmem_shared>> -> memref<1x640xf32, #tpu.memory_space<vmem_shared>>
      %dma_start3A_626 = tpu.memref_squeeze %dma_start3A_625 : memref<1x640xf32, #tpu.memory_space<vmem_shared>> -> memref<640xf32, #tpu.memory_space<vmem_shared>>
      %dma_start3A_627 = tpu.memref_slice %arg39[%run_scoped3A_537, %mul3A_2] : memref<16x10240xf32, #tpu.memory_space<vmem_shared>> -> memref<1x640xf32, #tpu.memory_space<vmem_shared>>
      %dma_start3A_628 = tpu.memref_squeeze %dma_start3A_627 : memref<1x640xf32, #tpu.memory_space<vmem_shared>> -> memref<640xf32, #tpu.memory_space<vmem_shared>>
      tpu.enqueue_dma source(%dma_start3A_628 : memref<640xf32, #tpu.memory_space<vmem_shared>>) target(%arg37 : memref<640xf32, #tpu.memory_space<vmem>>) target_semaphore(%run_scoped3A_624 : memref<!tpu.dma_semaphore, #tpu.memory_space<semaphore_mem>>)
      %dma_wait3A_629 = tpu.memref_slice %arg39[%run_scoped3A_537, %mul3A_2] : memref<16x10240xf32, #tpu.memory_space<vmem_shared>> -> memref<1x640xf32, #tpu.memory_space<vmem_shared>>
      %dma_wait3A_630 = tpu.memref_squeeze %dma_wait3A_629 : memref<1x640xf32, #tpu.memory_space<vmem_shared>> -> memref<640xf32, #tpu.memory_space<vmem_shared>>
      %dma_wait3A_631 = tpu.memref_slice %arg39[%run_scoped3A_537, %mul3A_2] : memref<16x10240xf32, #tpu.memory_space<vmem_shared>> -> memref<1x640xf32, #tpu.memory_space<vmem_shared>>
      %dma_wait3A_632 = tpu.memref_squeeze %dma_wait3A_631 : memref<1x640xf32, #tpu.memory_space<vmem_shared>> -> memref<640xf32, #tpu.memory_space<vmem_shared>>
      tpu.wait_dma2 semaphore(%run_scoped3A_624 : memref<!tpu.dma_semaphore, #tpu.memory_space<semaphore_mem>>) src(%dma_wait3A_632 : memref<640xf32, #tpu.memory_space<vmem_shared>>) dst(%arg37 : memref<640xf32, #tpu.memory_space<vmem>>)
      tpu.yield
    }) : () -> ()
    %scan3A_538 = arith.constant 0 : i32
    %scan3A_539 = arith.constant 0 : i32
    %scan3A_540 = arith.constant 40 : i32
    %scan3A_541 = arith.addi %scan3A_539, %scan3A_540 : i32
    %scan3A_542 = arith.constant 1 : i32
    %scan3A_543 = scf.for %scan3A_624 = %scan3A_539 to %scan3A_541 step %scan3A_542 iter_args(%scan3A_625 = %scan3A_538) -> (i32)  : i32 {
      %mul3A_626 = arith.constant 16 : i32
      %mul3A_627 = arith.muli %scan3A_624, %mul3A_626 : i32
      %get3A_628 = arith.index_cast %mul3A_627 : i32 to index
      %get3A_629 = tpu.vector_load %arg36[%get3A_628] {strides = array<i32>} : memref<640xf32, #tpu.memory_space<vmem>>, vector<16xf32>,
      %mul3A_630 = arith.constant 16 : i32
      %mul3A_631 = arith.muli %scan3A_624, %mul3A_630 : i32
      %get3A_632 = arith.index_cast %mul3A_631 : i32 to index
      %get3A_633 = tpu.vector_load %arg37[%get3A_632] {strides = array<i32>} : memref<640xf32, #tpu.memory_space<vmem>>, vector<16xf32>,
      %add3A_634 = arith.addf %get3A_629, %get3A_633 : vector<16xf32>
      %mul3A_635 = arith.constant 16 : i32
      %mul3A_636 = arith.muli %scan3A_624, %mul3A_635 : i32
      %swap3A = arith.index_cast %mul3A_636 : i32 to index
      %swap3A_637 = tpu.vector_load %arg36[%swap3A] {strides = array<i32>} : memref<640xf32, #tpu.memory_space<vmem>>, vector<16xf32>,
      tpu.vector_store %arg36[%swap3A], %add3A_634 {strides = array<i32>} : memref<640xf32, #tpu.memory_space<vmem>>, vector<16xf32>,
      %scan3A_638 = arith.constant 0 : i32
      scf.yield %scan3A_638 : i32
    }
    %scan3A_544 = arith.constant 40 : i32
    %run_scoped3A_545 = arith.constant 7 : i32
    "tpu.region"() ({
      %run_scoped3A_624 = tpu.sem_alloc : memref<!tpu.dma_semaphore, #tpu.memory_space<semaphore_mem>>
      %dma_start3A_625 = tpu.memref_slice %arg39[%run_scoped3A_545, %mul3A_2] : memref<16x10240xf32, #tpu.memory_space<vmem_shared>> -> memref<1x640xf32, #tpu.memory_space<vmem_shared>>
      %dma_start3A_626 = tpu.memref_squeeze %dma_start3A_625 : memref<1x640xf32, #tpu.memory_space<vmem_shared>> -> memref<640xf32, #tpu.memory_space<vmem_shared>>
      %dma_start3A_627 = tpu.memref_slice %arg39[%run_scoped3A_545, %mul3A_2] : memref<16x10240xf32, #tpu.memory_space<vmem_shared>> -> memref<1x640xf32, #tpu.memory_space<vmem_shared>>
      %dma_start3A_628 = tpu.memref_squeeze %dma_start3A_627 : memref<1x640xf32, #tpu.memory_space<vmem_shared>> -> memref<640xf32, #tpu.memory_space<vmem_shared>>
      tpu.enqueue_dma source(%dma_start3A_628 : memref<640xf32, #tpu.memory_space<vmem_shared>>) target(%arg37 : memref<640xf32, #tpu.memory_space<vmem>>) target_semaphore(%run_scoped3A_624 : memref<!tpu.dma_semaphore, #tpu.memory_space<semaphore_mem>>)
      %dma_wait3A_629 = tpu.memref_slice %arg39[%run_scoped3A_545, %mul3A_2] : memref<16x10240xf32, #tpu.memory_space<vmem_shared>> -> memref<1x640xf32, #tpu.memory_space<vmem_shared>>
      %dma_wait3A_630 = tpu.memref_squeeze %dma_wait3A_629 : memref<1x640xf32, #tpu.memory_space<vmem_shared>> -> memref<640xf32, #tpu.memory_space<vmem_shared>>
      %dma_wait3A_631 = tpu.memref_slice %arg39[%run_scoped3A_545, %mul3A_2] : memref<16x10240xf32, #tpu.memory_space<vmem_shared>> -> memref<1x640xf32, #tpu.memory_space<vmem_shared>>
      %dma_wait3A_632 = tpu.memref_squeeze %dma_wait3A_631 : memref<1x640xf32, #tpu.memory_space<vmem_shared>> -> memref<640xf32, #tpu.memory_space<vmem_shared>>
      tpu.wait_dma2 semaphore(%run_scoped3A_624 : memref<!tpu.dma_semaphore, #tpu.memory_space<semaphore_mem>>) src(%dma_wait3A_632 : memref<640xf32, #tpu.memory_space<vmem_shared>>) dst(%arg37 : memref<640xf32, #tpu.memory_space<vmem>>)
      tpu.yield
    }) : () -> ()
    %scan3A_546 = arith.constant 0 : i32
    %scan3A_547 = arith.constant 0 : i32
    %scan3A_548 = arith.constant 40 : i32
    %scan3A_549 = arith.addi %scan3A_547, %scan3A_548 : i32
    %scan3A_550 = arith.constant 1 : i32
    %scan3A_551 = scf.for %scan3A_624 = %scan3A_547 to %scan3A_549 step %scan3A_550 iter_args(%scan3A_625 = %scan3A_546) -> (i32)  : i32 {
      %mul3A_626 = arith.constant 16 : i32
      %mul3A_627 = arith.muli %scan3A_624, %mul3A_626 : i32
      %get3A_628 = arith.index_cast %mul3A_627 : i32 to index
      %get3A_629 = tpu.vector_load %arg36[%get3A_628] {strides = array<i32>} : memref<640xf32, #tpu.memory_space<vmem>>, vector<16xf32>,
      %mul3A_630 = arith.constant 16 : i32
      %mul3A_631 = arith.muli %scan3A_624, %mul3A_630 : i32
      %get3A_632 = arith.index_cast %mul3A_631 : i32 to index
      %get3A_633 = tpu.vector_load %arg37[%get3A_632] {strides = array<i32>} : memref<640xf32, #tpu.memory_space<vmem>>, vector<16xf32>,
      %add3A_634 = arith.addf %get3A_629, %get3A_633 : vector<16xf32>
      %mul3A_635 = arith.constant 16 : i32
      %mul3A_636 = arith.muli %scan3A_624, %mul3A_635 : i32
      %swap3A = arith.index_cast %mul3A_636 : i32 to index
      %swap3A_637 = tpu.vector_load %arg36[%swap3A] {strides = array<i32>} : memref<640xf32, #tpu.memory_space<vmem>>, vector<16xf32>,
      tpu.vector_store %arg36[%swap3A], %add3A_634 {strides = array<i32>} : memref<640xf32, #tpu.memory_space<vmem>>, vector<16xf32>,
      %scan3A_638 = arith.constant 0 : i32
      scf.yield %scan3A_638 : i32
    }
    %scan3A_552 = arith.constant 40 : i32
    %run_scoped3A_553 = arith.constant 8 : i32
    "tpu.region"() ({
      %run_scoped3A_624 = tpu.sem_alloc : memref<!tpu.dma_semaphore, #tpu.memory_space<semaphore_mem>>
      %dma_start3A_625 = tpu.memref_slice %arg39[%run_scoped3A_553, %mul3A_2] : memref<16x10240xf32, #tpu.memory_space<vmem_shared>> -> memref<1x640xf32, #tpu.memory_space<vmem_shared>>
      %dma_start3A_626 = tpu.memref_squeeze %dma_start3A_625 : memref<1x640xf32, #tpu.memory_space<vmem_shared>> -> memref<640xf32, #tpu.memory_space<vmem_shared>>
      %dma_start3A_627 = tpu.memref_slice %arg39[%run_scoped3A_553, %mul3A_2] : memref<16x10240xf32, #tpu.memory_space<vmem_shared>> -> memref<1x640xf32, #tpu.memory_space<vmem_shared>>
      %dma_start3A_628 = tpu.memref_squeeze %dma_start3A_627 : memref<1x640xf32, #tpu.memory_space<vmem_shared>> -> memref<640xf32, #tpu.memory_space<vmem_shared>>
      tpu.enqueue_dma source(%dma_start3A_628 : memref<640xf32, #tpu.memory_space<vmem_shared>>) target(%arg37 : memref<640xf32, #tpu.memory_space<vmem>>) target_semaphore(%run_scoped3A_624 : memref<!tpu.dma_semaphore, #tpu.memory_space<semaphore_mem>>)
      %dma_wait3A_629 = tpu.memref_slice %arg39[%run_scoped3A_553, %mul3A_2] : memref<16x10240xf32, #tpu.memory_space<vmem_shared>> -> memref<1x640xf32, #tpu.memory_space<vmem_shared>>
      %dma_wait3A_630 = tpu.memref_squeeze %dma_wait3A_629 : memref<1x640xf32, #tpu.memory_space<vmem_shared>> -> memref<640xf32, #tpu.memory_space<vmem_shared>>
      %dma_wait3A_631 = tpu.memref_slice %arg39[%run_scoped3A_553, %mul3A_2] : memref<16x10240xf32, #tpu.memory_space<vmem_shared>> -> memref<1x640xf32, #tpu.memory_space<vmem_shared>>
      %dma_wait3A_632 = tpu.memref_squeeze %dma_wait3A_631 : memref<1x640xf32, #tpu.memory_space<vmem_shared>> -> memref<640xf32, #tpu.memory_space<vmem_shared>>
      tpu.wait_dma2 semaphore(%run_scoped3A_624 : memref<!tpu.dma_semaphore, #tpu.memory_space<semaphore_mem>>) src(%dma_wait3A_632 : memref<640xf32, #tpu.memory_space<vmem_shared>>) dst(%arg37 : memref<640xf32, #tpu.memory_space<vmem>>)
      tpu.yield
    }) : () -> ()
    %scan3A_554 = arith.constant 0 : i32
    %scan3A_555 = arith.constant 0 : i32
    %scan3A_556 = arith.constant 40 : i32
    %scan3A_557 = arith.addi %scan3A_555, %scan3A_556 : i32
    %scan3A_558 = arith.constant 1 : i32
    %scan3A_559 = scf.for %scan3A_624 = %scan3A_555 to %scan3A_557 step %scan3A_558 iter_args(%scan3A_625 = %scan3A_554) -> (i32)  : i32 {
      %mul3A_626 = arith.constant 16 : i32
      %mul3A_627 = arith.muli %scan3A_624, %mul3A_626 : i32
      %get3A_628 = arith.index_cast %mul3A_627 : i32 to index
      %get3A_629 = tpu.vector_load %arg36[%get3A_628] {strides = array<i32>} : memref<640xf32, #tpu.memory_space<vmem>>, vector<16xf32>,
      %mul3A_630 = arith.constant 16 : i32
      %mul3A_631 = arith.muli %scan3A_624, %mul3A_630 : i32
      %get3A_632 = arith.index_cast %mul3A_631 : i32 to index
      %get3A_633 = tpu.vector_load %arg37[%get3A_632] {strides = array<i32>} : memref<640xf32, #tpu.memory_space<vmem>>, vector<16xf32>,
      %add3A_634 = arith.addf %get3A_629, %get3A_633 : vector<16xf32>
      %mul3A_635 = arith.constant 16 : i32
      %mul3A_636 = arith.muli %scan3A_624, %mul3A_635 : i32
      %swap3A = arith.index_cast %mul3A_636 : i32 to index
      %swap3A_637 = tpu.vector_load %arg36[%swap3A] {strides = array<i32>} : memref<640xf32, #tpu.memory_space<vmem>>, vector<16xf32>,
      tpu.vector_store %arg36[%swap3A], %add3A_634 {strides = array<i32>} : memref<640xf32, #tpu.memory_space<vmem>>, vector<16xf32>,
      %scan3A_638 = arith.constant 0 : i32
      scf.yield %scan3A_638 : i32
    }
    %scan3A_560 = arith.constant 40 : i32
    %run_scoped3A_561 = arith.constant 9 : i32
    "tpu.region"() ({
      %run_scoped3A_624 = tpu.sem_alloc : memref<!tpu.dma_semaphore, #tpu.memory_space<semaphore_mem>>
      %dma_start3A_625 = tpu.memref_slice %arg39[%run_scoped3A_561, %mul3A_2] : memref<16x10240xf32, #tpu.memory_space<vmem_shared>> -> memref<1x640xf32, #tpu.memory_space<vmem_shared>>
      %dma_start3A_626 = tpu.memref_squeeze %dma_start3A_625 : memref<1x640xf32, #tpu.memory_space<vmem_shared>> -> memref<640xf32, #tpu.memory_space<vmem_shared>>
      %dma_start3A_627 = tpu.memref_slice %arg39[%run_scoped3A_561, %mul3A_2] : memref<16x10240xf32, #tpu.memory_space<vmem_shared>> -> memref<1x640xf32, #tpu.memory_space<vmem_shared>>
      %dma_start3A_628 = tpu.memref_squeeze %dma_start3A_627 : memref<1x640xf32, #tpu.memory_space<vmem_shared>> -> memref<640xf32, #tpu.memory_space<vmem_shared>>
      tpu.enqueue_dma source(%dma_start3A_628 : memref<640xf32, #tpu.memory_space<vmem_shared>>) target(%arg37 : memref<640xf32, #tpu.memory_space<vmem>>) target_semaphore(%run_scoped3A_624 : memref<!tpu.dma_semaphore, #tpu.memory_space<semaphore_mem>>)
      %dma_wait3A_629 = tpu.memref_slice %arg39[%run_scoped3A_561, %mul3A_2] : memref<16x10240xf32, #tpu.memory_space<vmem_shared>> -> memref<1x640xf32, #tpu.memory_space<vmem_shared>>
      %dma_wait3A_630 = tpu.memref_squeeze %dma_wait3A_629 : memref<1x640xf32, #tpu.memory_space<vmem_shared>> -> memref<640xf32, #tpu.memory_space<vmem_shared>>
      %dma_wait3A_631 = tpu.memref_slice %arg39[%run_scoped3A_561, %mul3A_2] : memref<16x10240xf32, #tpu.memory_space<vmem_shared>> -> memref<1x640xf32, #tpu.memory_space<vmem_shared>>
      %dma_wait3A_632 = tpu.memref_squeeze %dma_wait3A_631 : memref<1x640xf32, #tpu.memory_space<vmem_shared>> -> memref<640xf32, #tpu.memory_space<vmem_shared>>
      tpu.wait_dma2 semaphore(%run_scoped3A_624 : memref<!tpu.dma_semaphore, #tpu.memory_space<semaphore_mem>>) src(%dma_wait3A_632 : memref<640xf32, #tpu.memory_space<vmem_shared>>) dst(%arg37 : memref<640xf32, #tpu.memory_space<vmem>>)
      tpu.yield
    }) : () -> ()
    %scan3A_562 = arith.constant 0 : i32
    %scan3A_563 = arith.constant 0 : i32
    %scan3A_564 = arith.constant 40 : i32
    %scan3A_565 = arith.addi %scan3A_563, %scan3A_564 : i32
    %scan3A_566 = arith.constant 1 : i32
    %scan3A_567 = scf.for %scan3A_624 = %scan3A_563 to %scan3A_565 step %scan3A_566 iter_args(%scan3A_625 = %scan3A_562) -> (i32)  : i32 {
      %mul3A_626 = arith.constant 16 : i32
      %mul3A_627 = arith.muli %scan3A_624, %mul3A_626 : i32
      %get3A_628 = arith.index_cast %mul3A_627 : i32 to index
      %get3A_629 = tpu.vector_load %arg36[%get3A_628] {strides = array<i32>} : memref<640xf32, #tpu.memory_space<vmem>>, vector<16xf32>,
      %mul3A_630 = arith.constant 16 : i32
      %mul3A_631 = arith.muli %scan3A_624, %mul3A_630 : i32
      %get3A_632 = arith.index_cast %mul3A_631 : i32 to index
      %get3A_633 = tpu.vector_load %arg37[%get3A_632] {strides = array<i32>} : memref<640xf32, #tpu.memory_space<vmem>>, vector<16xf32>,
      %add3A_634 = arith.addf %get3A_629, %get3A_633 : vector<16xf32>
      %mul3A_635 = arith.constant 16 : i32
      %mul3A_636 = arith.muli %scan3A_624, %mul3A_635 : i32
      %swap3A = arith.index_cast %mul3A_636 : i32 to index
      %swap3A_637 = tpu.vector_load %arg36[%swap3A] {strides = array<i32>} : memref<640xf32, #tpu.memory_space<vmem>>, vector<16xf32>,
      tpu.vector_store %arg36[%swap3A], %add3A_634 {strides = array<i32>} : memref<640xf32, #tpu.memory_space<vmem>>, vector<16xf32>,
      %scan3A_638 = arith.constant 0 : i32
      scf.yield %scan3A_638 : i32
    }
    %scan3A_568 = arith.constant 40 : i32
    %run_scoped3A_569 = arith.constant 10 : i32
    "tpu.region"() ({
      %run_scoped3A_624 = tpu.sem_alloc : memref<!tpu.dma_semaphore, #tpu.memory_space<semaphore_mem>>
      %dma_start3A_625 = tpu.memref_slice %arg39[%run_scoped3A_569, %mul3A_2] : memref<16x10240xf32, #tpu.memory_space<vmem_shared>> -> memref<1x640xf32, #tpu.memory_space<vmem_shared>>
      %dma_start3A_626 = tpu.memref_squeeze %dma_start3A_625 : memref<1x640xf32, #tpu.memory_space<vmem_shared>> -> memref<640xf32, #tpu.memory_space<vmem_shared>>
      %dma_start3A_627 = tpu.memref_slice %arg39[%run_scoped3A_569, %mul3A_2] : memref<16x10240xf32, #tpu.memory_space<vmem_shared>> -> memref<1x640xf32, #tpu.memory_space<vmem_shared>>
      %dma_start3A_628 = tpu.memref_squeeze %dma_start3A_627 : memref<1x640xf32, #tpu.memory_space<vmem_shared>> -> memref<640xf32, #tpu.memory_space<vmem_shared>>
      tpu.enqueue_dma source(%dma_start3A_628 : memref<640xf32, #tpu.memory_space<vmem_shared>>) target(%arg37 : memref<640xf32, #tpu.memory_space<vmem>>) target_semaphore(%run_scoped3A_624 : memref<!tpu.dma_semaphore, #tpu.memory_space<semaphore_mem>>)
      %dma_wait3A_629 = tpu.memref_slice %arg39[%run_scoped3A_569, %mul3A_2] : memref<16x10240xf32, #tpu.memory_space<vmem_shared>> -> memref<1x640xf32, #tpu.memory_space<vmem_shared>>
      %dma_wait3A_630 = tpu.memref_squeeze %dma_wait3A_629 : memref<1x640xf32, #tpu.memory_space<vmem_shared>> -> memref<640xf32, #tpu.memory_space<vmem_shared>>
      %dma_wait3A_631 = tpu.memref_slice %arg39[%run_scoped3A_569, %mul3A_2] : memref<16x10240xf32, #tpu.memory_space<vmem_shared>> -> memref<1x640xf32, #tpu.memory_space<vmem_shared>>
      %dma_wait3A_632 = tpu.memref_squeeze %dma_wait3A_631 : memref<1x640xf32, #tpu.memory_space<vmem_shared>> -> memref<640xf32, #tpu.memory_space<vmem_shared>>
      tpu.wait_dma2 semaphore(%run_scoped3A_624 : memref<!tpu.dma_semaphore, #tpu.memory_space<semaphore_mem>>) src(%dma_wait3A_632 : memref<640xf32, #tpu.memory_space<vmem_shared>>) dst(%arg37 : memref<640xf32, #tpu.memory_space<vmem>>)
      tpu.yield
    }) : () -> ()
    %scan3A_570 = arith.constant 0 : i32
    %scan3A_571 = arith.constant 0 : i32
    %scan3A_572 = arith.constant 40 : i32
    %scan3A_573 = arith.addi %scan3A_571, %scan3A_572 : i32
    %scan3A_574 = arith.constant 1 : i32
    %scan3A_575 = scf.for %scan3A_624 = %scan3A_571 to %scan3A_573 step %scan3A_574 iter_args(%scan3A_625 = %scan3A_570) -> (i32)  : i32 {
      %mul3A_626 = arith.constant 16 : i32
      %mul3A_627 = arith.muli %scan3A_624, %mul3A_626 : i32
      %get3A_628 = arith.index_cast %mul3A_627 : i32 to index
      %get3A_629 = tpu.vector_load %arg36[%get3A_628] {strides = array<i32>} : memref<640xf32, #tpu.memory_space<vmem>>, vector<16xf32>,
      %mul3A_630 = arith.constant 16 : i32
      %mul3A_631 = arith.muli %scan3A_624, %mul3A_630 : i32
      %get3A_632 = arith.index_cast %mul3A_631 : i32 to index
      %get3A_633 = tpu.vector_load %arg37[%get3A_632] {strides = array<i32>} : memref<640xf32, #tpu.memory_space<vmem>>, vector<16xf32>,
      %add3A_634 = arith.addf %get3A_629, %get3A_633 : vector<16xf32>
      %mul3A_635 = arith.constant 16 : i32
      %mul3A_636 = arith.muli %scan3A_624, %mul3A_635 : i32
      %swap3A = arith.index_cast %mul3A_636 : i32 to index
      %swap3A_637 = tpu.vector_load %arg36[%swap3A] {strides = array<i32>} : memref<640xf32, #tpu.memory_space<vmem>>, vector<16xf32>,
      tpu.vector_store %arg36[%swap3A], %add3A_634 {strides = array<i32>} : memref<640xf32, #tpu.memory_space<vmem>>, vector<16xf32>,
      %scan3A_638 = arith.constant 0 : i32
      scf.yield %scan3A_638 : i32
    }
    %scan3A_576 = arith.constant 40 : i32
    %run_scoped3A_577 = arith.constant 11 : i32
    "tpu.region"() ({
      %run_scoped3A_624 = tpu.sem_alloc : memref<!tpu.dma_semaphore, #tpu.memory_space<semaphore_mem>>
      %dma_start3A_625 = tpu.memref_slice %arg39[%run_scoped3A_577, %mul3A_2] : memref<16x10240xf32, #tpu.memory_space<vmem_shared>> -> memref<1x640xf32, #tpu.memory_space<vmem_shared>>
      %dma_start3A_626 = tpu.memref_squeeze %dma_start3A_625 : memref<1x640xf32, #tpu.memory_space<vmem_shared>> -> memref<640xf32, #tpu.memory_space<vmem_shared>>
      %dma_start3A_627 = tpu.memref_slice %arg39[%run_scoped3A_577, %mul3A_2] : memref<16x10240xf32, #tpu.memory_space<vmem_shared>> -> memref<1x640xf32, #tpu.memory_space<vmem_shared>>
      %dma_start3A_628 = tpu.memref_squeeze %dma_start3A_627 : memref<1x640xf32, #tpu.memory_space<vmem_shared>> -> memref<640xf32, #tpu.memory_space<vmem_shared>>
      tpu.enqueue_dma source(%dma_start3A_628 : memref<640xf32, #tpu.memory_space<vmem_shared>>) target(%arg37 : memref<640xf32, #tpu.memory_space<vmem>>) target_semaphore(%run_scoped3A_624 : memref<!tpu.dma_semaphore, #tpu.memory_space<semaphore_mem>>)
      %dma_wait3A_629 = tpu.memref_slice %arg39[%run_scoped3A_577, %mul3A_2] : memref<16x10240xf32, #tpu.memory_space<vmem_shared>> -> memref<1x640xf32, #tpu.memory_space<vmem_shared>>
      %dma_wait3A_630 = tpu.memref_squeeze %dma_wait3A_629 : memref<1x640xf32, #tpu.memory_space<vmem_shared>> -> memref<640xf32, #tpu.memory_space<vmem_shared>>
      %dma_wait3A_631 = tpu.memref_slice %arg39[%run_scoped3A_577, %mul3A_2] : memref<16x10240xf32, #tpu.memory_space<vmem_shared>> -> memref<1x640xf32, #tpu.memory_space<vmem_shared>>
      %dma_wait3A_632 = tpu.memref_squeeze %dma_wait3A_631 : memref<1x640xf32, #tpu.memory_space<vmem_shared>> -> memref<640xf32, #tpu.memory_space<vmem_shared>>
      tpu.wait_dma2 semaphore(%run_scoped3A_624 : memref<!tpu.dma_semaphore, #tpu.memory_space<semaphore_mem>>) src(%dma_wait3A_632 : memref<640xf32, #tpu.memory_space<vmem_shared>>) dst(%arg37 : memref<640xf32, #tpu.memory_space<vmem>>)
      tpu.yield
    }) : () -> ()
    %scan3A_578 = arith.constant 0 : i32
    %scan3A_579 = arith.constant 0 : i32
    %scan3A_580 = arith.constant 40 : i32
    %scan3A_581 = arith.addi %scan3A_579, %scan3A_580 : i32
    %scan3A_582 = arith.constant 1 : i32
    %scan3A_583 = scf.for %scan3A_624 = %scan3A_579 to %scan3A_581 step %scan3A_582 iter_args(%scan3A_625 = %scan3A_578) -> (i32)  : i32 {
      %mul3A_626 = arith.constant 16 : i32
      %mul3A_627 = arith.muli %scan3A_624, %mul3A_626 : i32
      %get3A_628 = arith.index_cast %mul3A_627 : i32 to index
      %get3A_629 = tpu.vector_load %arg36[%get3A_628] {strides = array<i32>} : memref<640xf32, #tpu.memory_space<vmem>>, vector<16xf32>,
      %mul3A_630 = arith.constant 16 : i32
      %mul3A_631 = arith.muli %scan3A_624, %mul3A_630 : i32
      %get3A_632 = arith.index_cast %mul3A_631 : i32 to index
      %get3A_633 = tpu.vector_load %arg37[%get3A_632] {strides = array<i32>} : memref<640xf32, #tpu.memory_space<vmem>>, vector<16xf32>,
      %add3A_634 = arith.addf %get3A_629, %get3A_633 : vector<16xf32>
      %mul3A_635 = arith.constant 16 : i32
      %mul3A_636 = arith.muli %scan3A_624, %mul3A_635 : i32
      %swap3A = arith.index_cast %mul3A_636 : i32 to index
      %swap3A_637 = tpu.vector_load %arg36[%swap3A] {strides = array<i32>} : memref<640xf32, #tpu.memory_space<vmem>>, vector<16xf32>,
      tpu.vector_store %arg36[%swap3A], %add3A_634 {strides = array<i32>} : memref<640xf32, #tpu.memory_space<vmem>>, vector<16xf32>,
      %scan3A_638 = arith.constant 0 : i32
      scf.yield %scan3A_638 : i32
    }
    %scan3A_584 = arith.constant 40 : i32
    %run_scoped3A_585 = arith.constant 12 : i32
    "tpu.region"() ({
      %run_scoped3A_624 = tpu.sem_alloc : memref<!tpu.dma_semaphore, #tpu.memory_space<semaphore_mem>>
      %dma_start3A_625 = tpu.memref_slice %arg39[%run_scoped3A_585, %mul3A_2] : memref<16x10240xf32, #tpu.memory_space<vmem_shared>> -> memref<1x640xf32, #tpu.memory_space<vmem_shared>>
      %dma_start3A_626 = tpu.memref_squeeze %dma_start3A_625 : memref<1x640xf32, #tpu.memory_space<vmem_shared>> -> memref<640xf32, #tpu.memory_space<vmem_shared>>
      %dma_start3A_627 = tpu.memref_slice %arg39[%run_scoped3A_585, %mul3A_2] : memref<16x10240xf32, #tpu.memory_space<vmem_shared>> -> memref<1x640xf32, #tpu.memory_space<vmem_shared>>
      %dma_start3A_628 = tpu.memref_squeeze %dma_start3A_627 : memref<1x640xf32, #tpu.memory_space<vmem_shared>> -> memref<640xf32, #tpu.memory_space<vmem_shared>>
      tpu.enqueue_dma source(%dma_start3A_628 : memref<640xf32, #tpu.memory_space<vmem_shared>>) target(%arg37 : memref<640xf32, #tpu.memory_space<vmem>>) target_semaphore(%run_scoped3A_624 : memref<!tpu.dma_semaphore, #tpu.memory_space<semaphore_mem>>)
      %dma_wait3A_629 = tpu.memref_slice %arg39[%run_scoped3A_585, %mul3A_2] : memref<16x10240xf32, #tpu.memory_space<vmem_shared>> -> memref<1x640xf32, #tpu.memory_space<vmem_shared>>
      %dma_wait3A_630 = tpu.memref_squeeze %dma_wait3A_629 : memref<1x640xf32, #tpu.memory_space<vmem_shared>> -> memref<640xf32, #tpu.memory_space<vmem_shared>>
      %dma_wait3A_631 = tpu.memref_slice %arg39[%run_scoped3A_585, %mul3A_2] : memref<16x10240xf32, #tpu.memory_space<vmem_shared>> -> memref<1x640xf32, #tpu.memory_space<vmem_shared>>
      %dma_wait3A_632 = tpu.memref_squeeze %dma_wait3A_631 : memref<1x640xf32, #tpu.memory_space<vmem_shared>> -> memref<640xf32, #tpu.memory_space<vmem_shared>>
      tpu.wait_dma2 semaphore(%run_scoped3A_624 : memref<!tpu.dma_semaphore, #tpu.memory_space<semaphore_mem>>) src(%dma_wait3A_632 : memref<640xf32, #tpu.memory_space<vmem_shared>>) dst(%arg37 : memref<640xf32, #tpu.memory_space<vmem>>)
      tpu.yield
    }) : () -> ()
    %scan3A_586 = arith.constant 0 : i32
    %scan3A_587 = arith.constant 0 : i32
    %scan3A_588 = arith.constant 40 : i32
    %scan3A_589 = arith.addi %scan3A_587, %scan3A_588 : i32
    %scan3A_590 = arith.constant 1 : i32
    %scan3A_591 = scf.for %scan3A_624 = %scan3A_587 to %scan3A_589 step %scan3A_590 iter_args(%scan3A_625 = %scan3A_586) -> (i32)  : i32 {
      %mul3A_626 = arith.constant 16 : i32
      %mul3A_627 = arith.muli %scan3A_624, %mul3A_626 : i32
      %get3A_628 = arith.index_cast %mul3A_627 : i32 to index
      %get3A_629 = tpu.vector_load %arg36[%get3A_628] {strides = array<i32>} : memref<640xf32, #tpu.memory_space<vmem>>, vector<16xf32>,
      %mul3A_630 = arith.constant 16 : i32
      %mul3A_631 = arith.muli %scan3A_624, %mul3A_630 : i32
      %get3A_632 = arith.index_cast %mul3A_631 : i32 to index
      %get3A_633 = tpu.vector_load %arg37[%get3A_632] {strides = array<i32>} : memref<640xf32, #tpu.memory_space<vmem>>, vector<16xf32>,
      %add3A_634 = arith.addf %get3A_629, %get3A_633 : vector<16xf32>
      %mul3A_635 = arith.constant 16 : i32
      %mul3A_636 = arith.muli %scan3A_624, %mul3A_635 : i32
      %swap3A = arith.index_cast %mul3A_636 : i32 to index
      %swap3A_637 = tpu.vector_load %arg36[%swap3A] {strides = array<i32>} : memref<640xf32, #tpu.memory_space<vmem>>, vector<16xf32>,
      tpu.vector_store %arg36[%swap3A], %add3A_634 {strides = array<i32>} : memref<640xf32, #tpu.memory_space<vmem>>, vector<16xf32>,
      %scan3A_638 = arith.constant 0 : i32
      scf.yield %scan3A_638 : i32
    }
    %scan3A_592 = arith.constant 40 : i32
    %run_scoped3A_593 = arith.constant 13 : i32
    "tpu.region"() ({
      %run_scoped3A_624 = tpu.sem_alloc : memref<!tpu.dma_semaphore, #tpu.memory_space<semaphore_mem>>
      %dma_start3A_625 = tpu.memref_slice %arg39[%run_scoped3A_593, %mul3A_2] : memref<16x10240xf32, #tpu.memory_space<vmem_shared>> -> memref<1x640xf32, #tpu.memory_space<vmem_shared>>
      %dma_start3A_626 = tpu.memref_squeeze %dma_start3A_625 : memref<1x640xf32, #tpu.memory_space<vmem_shared>> -> memref<640xf32, #tpu.memory_space<vmem_shared>>
      %dma_start3A_627 = tpu.memref_slice %arg39[%run_scoped3A_593, %mul3A_2] : memref<16x10240xf32, #tpu.memory_space<vmem_shared>> -> memref<1x640xf32, #tpu.memory_space<vmem_shared>>
      %dma_start3A_628 = tpu.memref_squeeze %dma_start3A_627 : memref<1x640xf32, #tpu.memory_space<vmem_shared>> -> memref<640xf32, #tpu.memory_space<vmem_shared>>
      tpu.enqueue_dma source(%dma_start3A_628 : memref<640xf32, #tpu.memory_space<vmem_shared>>) target(%arg37 : memref<640xf32, #tpu.memory_space<vmem>>) target_semaphore(%run_scoped3A_624 : memref<!tpu.dma_semaphore, #tpu.memory_space<semaphore_mem>>)
      %dma_wait3A_629 = tpu.memref_slice %arg39[%run_scoped3A_593, %mul3A_2] : memref<16x10240xf32, #tpu.memory_space<vmem_shared>> -> memref<1x640xf32, #tpu.memory_space<vmem_shared>>
      %dma_wait3A_630 = tpu.memref_squeeze %dma_wait3A_629 : memref<1x640xf32, #tpu.memory_space<vmem_shared>> -> memref<640xf32, #tpu.memory_space<vmem_shared>>
      %dma_wait3A_631 = tpu.memref_slice %arg39[%run_scoped3A_593, %mul3A_2] : memref<16x10240xf32, #tpu.memory_space<vmem_shared>> -> memref<1x640xf32, #tpu.memory_space<vmem_shared>>
      %dma_wait3A_632 = tpu.memref_squeeze %dma_wait3A_631 : memref<1x640xf32, #tpu.memory_space<vmem_shared>> -> memref<640xf32, #tpu.memory_space<vmem_shared>>
      tpu.wait_dma2 semaphore(%run_scoped3A_624 : memref<!tpu.dma_semaphore, #tpu.memory_space<semaphore_mem>>) src(%dma_wait3A_632 : memref<640xf32, #tpu.memory_space<vmem_shared>>) dst(%arg37 : memref<640xf32, #tpu.memory_space<vmem>>)
      tpu.yield
    }) : () -> ()
    %scan3A_594 = arith.constant 0 : i32
    %scan3A_595 = arith.constant 0 : i32
    %scan3A_596 = arith.constant 40 : i32
    %scan3A_597 = arith.addi %scan3A_595, %scan3A_596 : i32
    %scan3A_598 = arith.constant 1 : i32
    %scan3A_599 = scf.for %scan3A_624 = %scan3A_595 to %scan3A_597 step %scan3A_598 iter_args(%scan3A_625 = %scan3A_594) -> (i32)  : i32 {
      %mul3A_626 = arith.constant 16 : i32
      %mul3A_627 = arith.muli %scan3A_624, %mul3A_626 : i32
      %get3A_628 = arith.index_cast %mul3A_627 : i32 to index
      %get3A_629 = tpu.vector_load %arg36[%get3A_628] {strides = array<i32>} : memref<640xf32, #tpu.memory_space<vmem>>, vector<16xf32>,
      %mul3A_630 = arith.constant 16 : i32
      %mul3A_631 = arith.muli %scan3A_624, %mul3A_630 : i32
      %get3A_632 = arith.index_cast %mul3A_631 : i32 to index
      %get3A_633 = tpu.vector_load %arg37[%get3A_632] {strides = array<i32>} : memref<640xf32, #tpu.memory_space<vmem>>, vector<16xf32>,
      %add3A_634 = arith.addf %get3A_629, %get3A_633 : vector<16xf32>
      %mul3A_635 = arith.constant 16 : i32
      %mul3A_636 = arith.muli %scan3A_624, %mul3A_635 : i32
      %swap3A = arith.index_cast %mul3A_636 : i32 to index
      %swap3A_637 = tpu.vector_load %arg36[%swap3A] {strides = array<i32>} : memref<640xf32, #tpu.memory_space<vmem>>, vector<16xf32>,
      tpu.vector_store %arg36[%swap3A], %add3A_634 {strides = array<i32>} : memref<640xf32, #tpu.memory_space<vmem>>, vector<16xf32>,
      %scan3A_638 = arith.constant 0 : i32
      scf.yield %scan3A_638 : i32
    }
    %scan3A_600 = arith.constant 40 : i32
    %run_scoped3A_601 = arith.constant 14 : i32
    "tpu.region"() ({
      %run_scoped3A_624 = tpu.sem_alloc : memref<!tpu.dma_semaphore, #tpu.memory_space<semaphore_mem>>
      %dma_start3A_625 = tpu.memref_slice %arg39[%run_scoped3A_601, %mul3A_2] : memref<16x10240xf32, #tpu.memory_space<vmem_shared>> -> memref<1x640xf32, #tpu.memory_space<vmem_shared>>
      %dma_start3A_626 = tpu.memref_squeeze %dma_start3A_625 : memref<1x640xf32, #tpu.memory_space<vmem_shared>> -> memref<640xf32, #tpu.memory_space<vmem_shared>>
      %dma_start3A_627 = tpu.memref_slice %arg39[%run_scoped3A_601, %mul3A_2] : memref<16x10240xf32, #tpu.memory_space<vmem_shared>> -> memref<1x640xf32, #tpu.memory_space<vmem_shared>>
      %dma_start3A_628 = tpu.memref_squeeze %dma_start3A_627 : memref<1x640xf32, #tpu.memory_space<vmem_shared>> -> memref<640xf32, #tpu.memory_space<vmem_shared>>
      tpu.enqueue_dma source(%dma_start3A_628 : memref<640xf32, #tpu.memory_space<vmem_shared>>) target(%arg37 : memref<640xf32, #tpu.memory_space<vmem>>) target_semaphore(%run_scoped3A_624 : memref<!tpu.dma_semaphore, #tpu.memory_space<semaphore_mem>>)
      %dma_wait3A_629 = tpu.memref_slice %arg39[%run_scoped3A_601, %mul3A_2] : memref<16x10240xf32, #tpu.memory_space<vmem_shared>> -> memref<1x640xf32, #tpu.memory_space<vmem_shared>>
      %dma_wait3A_630 = tpu.memref_squeeze %dma_wait3A_629 : memref<1x640xf32, #tpu.memory_space<vmem_shared>> -> memref<640xf32, #tpu.memory_space<vmem_shared>>
      %dma_wait3A_631 = tpu.memref_slice %arg39[%run_scoped3A_601, %mul3A_2] : memref<16x10240xf32, #tpu.memory_space<vmem_shared>> -> memref<1x640xf32, #tpu.memory_space<vmem_shared>>
      %dma_wait3A_632 = tpu.memref_squeeze %dma_wait3A_631 : memref<1x640xf32, #tpu.memory_space<vmem_shared>> -> memref<640xf32, #tpu.memory_space<vmem_shared>>
      tpu.wait_dma2 semaphore(%run_scoped3A_624 : memref<!tpu.dma_semaphore, #tpu.memory_space<semaphore_mem>>) src(%dma_wait3A_632 : memref<640xf32, #tpu.memory_space<vmem_shared>>) dst(%arg37 : memref<640xf32, #tpu.memory_space<vmem>>)
      tpu.yield
    }) : () -> ()
    %scan3A_602 = arith.constant 0 : i32
    %scan3A_603 = arith.constant 0 : i32
    %scan3A_604 = arith.constant 40 : i32
    %scan3A_605 = arith.addi %scan3A_603, %scan3A_604 : i32
    %scan3A_606 = arith.constant 1 : i32
    %scan3A_607 = scf.for %scan3A_624 = %scan3A_603 to %scan3A_605 step %scan3A_606 iter_args(%scan3A_625 = %scan3A_602) -> (i32)  : i32 {
      %mul3A_626 = arith.constant 16 : i32
      %mul3A_627 = arith.muli %scan3A_624, %mul3A_626 : i32
      %get3A_628 = arith.index_cast %mul3A_627 : i32 to index
      %get3A_629 = tpu.vector_load %arg36[%get3A_628] {strides = array<i32>} : memref<640xf32, #tpu.memory_space<vmem>>, vector<16xf32>,
      %mul3A_630 = arith.constant 16 : i32
      %mul3A_631 = arith.muli %scan3A_624, %mul3A_630 : i32
      %get3A_632 = arith.index_cast %mul3A_631 : i32 to index
      %get3A_633 = tpu.vector_load %arg37[%get3A_632] {strides = array<i32>} : memref<640xf32, #tpu.memory_space<vmem>>, vector<16xf32>,
      %add3A_634 = arith.addf %get3A_629, %get3A_633 : vector<16xf32>
      %mul3A_635 = arith.constant 16 : i32
      %mul3A_636 = arith.muli %scan3A_624, %mul3A_635 : i32
      %swap3A = arith.index_cast %mul3A_636 : i32 to index
      %swap3A_637 = tpu.vector_load %arg36[%swap3A] {strides = array<i32>} : memref<640xf32, #tpu.memory_space<vmem>>, vector<16xf32>,
      tpu.vector_store %arg36[%swap3A], %add3A_634 {strides = array<i32>} : memref<640xf32, #tpu.memory_space<vmem>>, vector<16xf32>,
      %scan3A_638 = arith.constant 0 : i32
      scf.yield %scan3A_638 : i32
    }
    %scan3A_608 = arith.constant 40 : i32
    %run_scoped3A_609 = arith.constant 15 : i32
    "tpu.region"() ({
      %run_scoped3A_624 = tpu.sem_alloc : memref<!tpu.dma_semaphore, #tpu.memory_space<semaphore_mem>>
      %dma_start3A_625 = tpu.memref_slice %arg39[%run_scoped3A_609, %mul3A_2] : memref<16x10240xf32, #tpu.memory_space<vmem_shared>> -> memref<1x640xf32, #tpu.memory_space<vmem_shared>>
      %dma_start3A_626 = tpu.memref_squeeze %dma_start3A_625 : memref<1x640xf32, #tpu.memory_space<vmem_shared>> -> memref<640xf32, #tpu.memory_space<vmem_shared>>
      %dma_start3A_627 = tpu.memref_slice %arg39[%run_scoped3A_609, %mul3A_2] : memref<16x10240xf32, #tpu.memory_space<vmem_shared>> -> memref<1x640xf32, #tpu.memory_space<vmem_shared>>
      %dma_start3A_628 = tpu.memref_squeeze %dma_start3A_627 : memref<1x640xf32, #tpu.memory_space<vmem_shared>> -> memref<640xf32, #tpu.memory_space<vmem_shared>>
      tpu.enqueue_dma source(%dma_start3A_628 : memref<640xf32, #tpu.memory_space<vmem_shared>>) target(%arg37 : memref<640xf32, #tpu.memory_space<vmem>>) target_semaphore(%run_scoped3A_624 : memref<!tpu.dma_semaphore, #tpu.memory_space<semaphore_mem>>)
      %dma_wait3A_629 = tpu.memref_slice %arg39[%run_scoped3A_609, %mul3A_2] : memref<16x10240xf32, #tpu.memory_space<vmem_shared>> -> memref<1x640xf32, #tpu.memory_space<vmem_shared>>
      %dma_wait3A_630 = tpu.memref_squeeze %dma_wait3A_629 : memref<1x640xf32, #tpu.memory_space<vmem_shared>> -> memref<640xf32, #tpu.memory_space<vmem_shared>>
      %dma_wait3A_631 = tpu.memref_slice %arg39[%run_scoped3A_609, %mul3A_2] : memref<16x10240xf32, #tpu.memory_space<vmem_shared>> -> memref<1x640xf32, #tpu.memory_space<vmem_shared>>
      %dma_wait3A_632 = tpu.memref_squeeze %dma_wait3A_631 : memref<1x640xf32, #tpu.memory_space<vmem_shared>> -> memref<640xf32, #tpu.memory_space<vmem_shared>>
      tpu.wait_dma2 semaphore(%run_scoped3A_624 : memref<!tpu.dma_semaphore, #tpu.memory_space<semaphore_mem>>) src(%dma_wait3A_632 : memref<640xf32, #tpu.memory_space<vmem_shared>>) dst(%arg37 : memref<640xf32, #tpu.memory_space<vmem>>)
      tpu.yield
    }) : () -> ()
    %scan3A_610 = arith.constant 0 : i32
    %scan3A_611 = arith.constant 0 : i32
    %scan3A_612 = arith.constant 40 : i32
    %scan3A_613 = arith.addi %scan3A_611, %scan3A_612 : i32
    %scan3A_614 = arith.constant 1 : i32
    %scan3A_615 = scf.for %scan3A_624 = %scan3A_611 to %scan3A_613 step %scan3A_614 iter_args(%scan3A_625 = %scan3A_610) -> (i32)  : i32 {
      %mul3A_626 = arith.constant 16 : i32
      %mul3A_627 = arith.muli %scan3A_624, %mul3A_626 : i32
      %get3A_628 = arith.index_cast %mul3A_627 : i32 to index
      %get3A_629 = tpu.vector_load %arg36[%get3A_628] {strides = array<i32>} : memref<640xf32, #tpu.memory_space<vmem>>, vector<16xf32>,
      %mul3A_630 = arith.constant 16 : i32
      %mul3A_631 = arith.muli %scan3A_624, %mul3A_630 : i32
      %get3A_632 = arith.index_cast %mul3A_631 : i32 to index
      %get3A_633 = tpu.vector_load %arg37[%get3A_632] {strides = array<i32>} : memref<640xf32, #tpu.memory_space<vmem>>, vector<16xf32>,
      %add3A_634 = arith.addf %get3A_629, %get3A_633 : vector<16xf32>
      %mul3A_635 = arith.constant 16 : i32
      %mul3A_636 = arith.muli %scan3A_624, %mul3A_635 : i32
      %swap3A = arith.index_cast %mul3A_636 : i32 to index
      %swap3A_637 = tpu.vector_load %arg36[%swap3A] {strides = array<i32>} : memref<640xf32, #tpu.memory_space<vmem>>, vector<16xf32>,
      tpu.vector_store %arg36[%swap3A], %add3A_634 {strides = array<i32>} : memref<640xf32, #tpu.memory_space<vmem>>, vector<16xf32>,
      %scan3A_638 = arith.constant 0 : i32
      scf.yield %scan3A_638 : i32
    }
    %scan3A_616 = arith.constant 40 : i32
    %scan3A_617 = arith.constant 0 : i32
    %scan3A_618 = arith.constant 0 : i32
    %scan3A_619 = arith.constant 40 : i32
    %scan3A_620 = arith.addi %scan3A_618, %scan3A_619 : i32
    %scan3A_621 = arith.constant 1 : i32
    %scan3A_622 = scf.for %scan3A_624 = %scan3A_618 to %scan3A_620 step %scan3A_621 iter_args(%scan3A_625 = %scan3A_617) -> (i32)  : i32 {
      %mul3A_626 = arith.constant 16 : i32
      %mul3A_627 = arith.muli %scan3A_624, %mul3A_626 : i32
      %get3A_628 = arith.index_cast %mul3A_627 : i32 to index
      %get3A_629 = tpu.vector_load %arg36[%get3A_628] {strides = array<i32>} : memref<640xf32, #tpu.memory_space<vmem>>, vector<16xf32>,
      %mul3A_630 = arith.constant 16 : i32
      %mul3A_631 = arith.muli %scan3A_624, %mul3A_630 : i32
      %add3A_632 = arith.constant 0 : i32
      %add3A_633 = arith.addi %mul3A_631, %add3A_632 : i32
      %slice3A = vector.extract_strided_slice %get3A_629 {offsets = [0], sizes = [1], strides = [1]} : vector<16xf32> to vector<1xf32>
      %squeeze3A = vector.extract %slice3A[0] : f32 from vector<1xf32>
      %broadcast_in_dim3A_634 = vector.broadcast %squeeze3A : f32 to vector<16xf32>
      %swap3A = arith.index_cast %add3A_633 : i32 to index
      %swap3A_635 = arith.constant 0 : index
      %swap3A_636 = tpu.vector_load %arg38[%swap3A, %swap3A_635] {strides = array<i32>} : memref<640x16xf32, #tpu.memory_space<vmem>>, vector<16xf32>,
      tpu.vector_store %arg38[%swap3A, %swap3A_635], %broadcast_in_dim3A_634 {strides = array<i32>} : memref<640x16xf32, #tpu.memory_space<vmem>>, vector<16xf32>,
      %mul3A_637 = arith.constant 16 : i32
      %mul3A_638 = arith.muli %scan3A_624, %mul3A_637 : i32
      %add3A_639 = arith.constant 1 : i32
      %add3A_640 = arith.addi %mul3A_638, %add3A_639 : i32
      %slice3A_641 = vector.extract_strided_slice %get3A_629 {offsets = [1], sizes = [1], strides = [1]} : vector<16xf32> to vector<1xf32>
      %squeeze3A_642 = vector.extract %slice3A_641[0] : f32 from vector<1xf32>
      %broadcast_in_dim3A_643 = vector.broadcast %squeeze3A_642 : f32 to vector<16xf32>
      %swap3A_644 = arith.index_cast %add3A_640 : i32 to index
      %swap3A_645 = arith.constant 0 : index
      %swap3A_646 = tpu.vector_load %arg38[%swap3A_644, %swap3A_645] {strides = array<i32>} : memref<640x16xf32, #tpu.memory_space<vmem>>, vector<16xf32>,
      tpu.vector_store %arg38[%swap3A_644, %swap3A_645], %broadcast_in_dim3A_643 {strides = array<i32>} : memref<640x16xf32, #tpu.memory_space<vmem>>, vector<16xf32>,
      %mul3A_647 = arith.constant 16 : i32
      %mul3A_648 = arith.muli %scan3A_624, %mul3A_647 : i32
      %add3A_649 = arith.constant 2 : i32
      %add3A_650 = arith.addi %mul3A_648, %add3A_649 : i32
      %slice3A_651 = vector.extract_strided_slice %get3A_629 {offsets = [2], sizes = [1], strides = [1]} : vector<16xf32> to vector<1xf32>
      %squeeze3A_652 = vector.extract %slice3A_651[0] : f32 from vector<1xf32>
      %broadcast_in_dim3A_653 = vector.broadcast %squeeze3A_652 : f32 to vector<16xf32>
      %swap3A_654 = arith.index_cast %add3A_650 : i32 to index
      %swap3A_655 = arith.constant 0 : index
      %swap3A_656 = tpu.vector_load %arg38[%swap3A_654, %swap3A_655] {strides = array<i32>} : memref<640x16xf32, #tpu.memory_space<vmem>>, vector<16xf32>,
      tpu.vector_store %arg38[%swap3A_654, %swap3A_655], %broadcast_in_dim3A_653 {strides = array<i32>} : memref<640x16xf32, #tpu.memory_space<vmem>>, vector<16xf32>,
      %mul3A_657 = arith.constant 16 : i32
      %mul3A_658 = arith.muli %scan3A_624, %mul3A_657 : i32
      %add3A_659 = arith.constant 3 : i32
      %add3A_660 = arith.addi %mul3A_658, %add3A_659 : i32
      %slice3A_661 = vector.extract_strided_slice %get3A_629 {offsets = [3], sizes = [1], strides = [1]} : vector<16xf32> to vector<1xf32>
      %squeeze3A_662 = vector.extract %slice3A_661[0] : f32 from vector<1xf32>
      %broadcast_in_dim3A_663 = vector.broadcast %squeeze3A_662 : f32 to vector<16xf32>
      %swap3A_664 = arith.index_cast %add3A_660 : i32 to index
      %swap3A_665 = arith.constant 0 : index
      %swap3A_666 = tpu.vector_load %arg38[%swap3A_664, %swap3A_665] {strides = array<i32>} : memref<640x16xf32, #tpu.memory_space<vmem>>, vector<16xf32>,
      tpu.vector_store %arg38[%swap3A_664, %swap3A_665], %broadcast_in_dim3A_663 {strides = array<i32>} : memref<640x16xf32, #tpu.memory_space<vmem>>, vector<16xf32>,
      %mul3A_667 = arith.constant 16 : i32
      %mul3A_668 = arith.muli %scan3A_624, %mul3A_667 : i32
      %add3A_669 = arith.constant 4 : i32
      %add3A_670 = arith.addi %mul3A_668, %add3A_669 : i32
      %slice3A_671 = vector.extract_strided_slice %get3A_629 {offsets = [4], sizes = [1], strides = [1]} : vector<16xf32> to vector<1xf32>
      %squeeze3A_672 = vector.extract %slice3A_671[0] : f32 from vector<1xf32>
      %broadcast_in_dim3A_673 = vector.broadcast %squeeze3A_672 : f32 to vector<16xf32>
      %swap3A_674 = arith.index_cast %add3A_670 : i32 to index
      %swap3A_675 = arith.constant 0 : index
      %swap3A_676 = tpu.vector_load %arg38[%swap3A_674, %swap3A_675] {strides = array<i32>} : memref<640x16xf32, #tpu.memory_space<vmem>>, vector<16xf32>,
      tpu.vector_store %arg38[%swap3A_674, %swap3A_675], %broadcast_in_dim3A_673 {strides = array<i32>} : memref<640x16xf32, #tpu.memory_space<vmem>>, vector<16xf32>,
      %mul3A_677 = arith.constant 16 : i32
      %mul3A_678 = arith.muli %scan3A_624, %mul3A_677 : i32
      %add3A_679 = arith.constant 5 : i32
      %add3A_680 = arith.addi %mul3A_678, %add3A_679 : i32
      %slice3A_681 = vector.extract_strided_slice %get3A_629 {offsets = [5], sizes = [1], strides = [1]} : vector<16xf32> to vector<1xf32>
      %squeeze3A_682 = vector.extract %slice3A_681[0] : f32 from vector<1xf32>
      %broadcast_in_dim3A_683 = vector.broadcast %squeeze3A_682 : f32 to vector<16xf32>
      %swap3A_684 = arith.index_cast %add3A_680 : i32 to index
      %swap3A_685 = arith.constant 0 : index
      %swap3A_686 = tpu.vector_load %arg38[%swap3A_684, %swap3A_685] {strides = array<i32>} : memref<640x16xf32, #tpu.memory_space<vmem>>, vector<16xf32>,
      tpu.vector_store %arg38[%swap3A_684, %swap3A_685], %broadcast_in_dim3A_683 {strides = array<i32>} : memref<640x16xf32, #tpu.memory_space<vmem>>, vector<16xf32>,
      %mul3A_687 = arith.constant 16 : i32
      %mul3A_688 = arith.muli %scan3A_624, %mul3A_687 : i32
      %add3A_689 = arith.constant 6 : i32
      %add3A_690 = arith.addi %mul3A_688, %add3A_689 : i32
      %slice3A_691 = vector.extract_strided_slice %get3A_629 {offsets = [6], sizes = [1], strides = [1]} : vector<16xf32> to vector<1xf32>
      %squeeze3A_692 = vector.extract %slice3A_691[0] : f32 from vector<1xf32>
      %broadcast_in_dim3A_693 = vector.broadcast %squeeze3A_692 : f32 to vector<16xf32>
      %swap3A_694 = arith.index_cast %add3A_690 : i32 to index
      %swap3A_695 = arith.constant 0 : index
      %swap3A_696 = tpu.vector_load %arg38[%swap3A_694, %swap3A_695] {strides = array<i32>} : memref<640x16xf32, #tpu.memory_space<vmem>>, vector<16xf32>,
      tpu.vector_store %arg38[%swap3A_694, %swap3A_695], %broadcast_in_dim3A_693 {strides = array<i32>} : memref<640x16xf32, #tpu.memory_space<vmem>>, vector<16xf32>,
      %mul3A_697 = arith.constant 16 : i32
      %mul3A_698 = arith.muli %scan3A_624, %mul3A_697 : i32
      %add3A_699 = arith.constant 7 : i32
      %add3A_700 = arith.addi %mul3A_698, %add3A_699 : i32
      %slice3A_701 = vector.extract_strided_slice %get3A_629 {offsets = [7], sizes = [1], strides = [1]} : vector<16xf32> to vector<1xf32>
      %squeeze3A_702 = vector.extract %slice3A_701[0] : f32 from vector<1xf32>
      %broadcast_in_dim3A_703 = vector.broadcast %squeeze3A_702 : f32 to vector<16xf32>
      %swap3A_704 = arith.index_cast %add3A_700 : i32 to index
      %swap3A_705 = arith.constant 0 : index
      %swap3A_706 = tpu.vector_load %arg38[%swap3A_704, %swap3A_705] {strides = array<i32>} : memref<640x16xf32, #tpu.memory_space<vmem>>, vector<16xf32>,
      tpu.vector_store %arg38[%swap3A_704, %swap3A_705], %broadcast_in_dim3A_703 {strides = array<i32>} : memref<640x16xf32, #tpu.memory_space<vmem>>, vector<16xf32>,
      %mul3A_707 = arith.constant 16 : i32
      %mul3A_708 = arith.muli %scan3A_624, %mul3A_707 : i32
      %add3A_709 = arith.constant 8 : i32
      %add3A_710 = arith.addi %mul3A_708, %add3A_709 : i32
      %slice3A_711 = vector.extract_strided_slice %get3A_629 {offsets = [8], sizes = [1], strides = [1]} : vector<16xf32> to vector<1xf32>
      %squeeze3A_712 = vector.extract %slice3A_711[0] : f32 from vector<1xf32>
      %broadcast_in_dim3A_713 = vector.broadcast %squeeze3A_712 : f32 to vector<16xf32>
      %swap3A_714 = arith.index_cast %add3A_710 : i32 to index
      %swap3A_715 = arith.constant 0 : index
      %swap3A_716 = tpu.vector_load %arg38[%swap3A_714, %swap3A_715] {strides = array<i32>} : memref<640x16xf32, #tpu.memory_space<vmem>>, vector<16xf32>,
      tpu.vector_store %arg38[%swap3A_714, %swap3A_715], %broadcast_in_dim3A_713 {strides = array<i32>} : memref<640x16xf32, #tpu.memory_space<vmem>>, vector<16xf32>,
      %mul3A_717 = arith.constant 16 : i32
      %mul3A_718 = arith.muli %scan3A_624, %mul3A_717 : i32
      %add3A_719 = arith.constant 9 : i32
      %add3A_720 = arith.addi %mul3A_718, %add3A_719 : i32
      %slice3A_721 = vector.extract_strided_slice %get3A_629 {offsets = [9], sizes = [1], strides = [1]} : vector<16xf32> to vector<1xf32>
      %squeeze3A_722 = vector.extract %slice3A_721[0] : f32 from vector<1xf32>
      %broadcast_in_dim3A_723 = vector.broadcast %squeeze3A_722 : f32 to vector<16xf32>
      %swap3A_724 = arith.index_cast %add3A_720 : i32 to index
      %swap3A_725 = arith.constant 0 : index
      %swap3A_726 = tpu.vector_load %arg38[%swap3A_724, %swap3A_725] {strides = array<i32>} : memref<640x16xf32, #tpu.memory_space<vmem>>, vector<16xf32>,
      tpu.vector_store %arg38[%swap3A_724, %swap3A_725], %broadcast_in_dim3A_723 {strides = array<i32>} : memref<640x16xf32, #tpu.memory_space<vmem>>, vector<16xf32>,
      %mul3A_727 = arith.constant 16 : i32
      %mul3A_728 = arith.muli %scan3A_624, %mul3A_727 : i32
      %add3A_729 = arith.constant 10 : i32
      %add3A_730 = arith.addi %mul3A_728, %add3A_729 : i32
      %slice3A_731 = vector.extract_strided_slice %get3A_629 {offsets = [10], sizes = [1], strides = [1]} : vector<16xf32> to vector<1xf32>
      %squeeze3A_732 = vector.extract %slice3A_731[0] : f32 from vector<1xf32>
      %broadcast_in_dim3A_733 = vector.broadcast %squeeze3A_732 : f32 to vector<16xf32>
      %swap3A_734 = arith.index_cast %add3A_730 : i32 to index
      %swap3A_735 = arith.constant 0 : index
      %swap3A_736 = tpu.vector_load %arg38[%swap3A_734, %swap3A_735] {strides = array<i32>} : memref<640x16xf32, #tpu.memory_space<vmem>>, vector<16xf32>,
      tpu.vector_store %arg38[%swap3A_734, %swap3A_735], %broadcast_in_dim3A_733 {strides = array<i32>} : memref<640x16xf32, #tpu.memory_space<vmem>>, vector<16xf32>,
      %mul3A_737 = arith.constant 16 : i32
      %mul3A_738 = arith.muli %scan3A_624, %mul3A_737 : i32
      %add3A_739 = arith.constant 11 : i32
      %add3A_740 = arith.addi %mul3A_738, %add3A_739 : i32
      %slice3A_741 = vector.extract_strided_slice %get3A_629 {offsets = [11], sizes = [1], strides = [1]} : vector<16xf32> to vector<1xf32>
      %squeeze3A_742 = vector.extract %slice3A_741[0] : f32 from vector<1xf32>
      %broadcast_in_dim3A_743 = vector.broadcast %squeeze3A_742 : f32 to vector<16xf32>
      %swap3A_744 = arith.index_cast %add3A_740 : i32 to index
      %swap3A_745 = arith.constant 0 : index
      %swap3A_746 = tpu.vector_load %arg38[%swap3A_744, %swap3A_745] {strides = array<i32>} : memref<640x16xf32, #tpu.memory_space<vmem>>, vector<16xf32>,
      tpu.vector_store %arg38[%swap3A_744, %swap3A_745], %broadcast_in_dim3A_743 {strides = array<i32>} : memref<640x16xf32, #tpu.memory_space<vmem>>, vector<16xf32>,
      %mul3A_747 = arith.constant 16 : i32
      %mul3A_748 = arith.muli %scan3A_624, %mul3A_747 : i32
      %add3A_749 = arith.constant 12 : i32
      %add3A_750 = arith.addi %mul3A_748, %add3A_749 : i32
      %slice3A_751 = vector.extract_strided_slice %get3A_629 {offsets = [12], sizes = [1], strides = [1]} : vector<16xf32> to vector<1xf32>
      %squeeze3A_752 = vector.extract %slice3A_751[0] : f32 from vector<1xf32>
      %broadcast_in_dim3A_753 = vector.broadcast %squeeze3A_752 : f32 to vector<16xf32>
      %swap3A_754 = arith.index_cast %add3A_750 : i32 to index
      %swap3A_755 = arith.constant 0 : index
      %swap3A_756 = tpu.vector_load %arg38[%swap3A_754, %swap3A_755] {strides = array<i32>} : memref<640x16xf32, #tpu.memory_space<vmem>>, vector<16xf32>,
      tpu.vector_store %arg38[%swap3A_754, %swap3A_755], %broadcast_in_dim3A_753 {strides = array<i32>} : memref<640x16xf32, #tpu.memory_space<vmem>>, vector<16xf32>,
      %mul3A_757 = arith.constant 16 : i32
      %mul3A_758 = arith.muli %scan3A_624, %mul3A_757 : i32
      %add3A_759 = arith.constant 13 : i32
      %add3A_760 = arith.addi %mul3A_758, %add3A_759 : i32
      %slice3A_761 = vector.extract_strided_slice %get3A_629 {offsets = [13], sizes = [1], strides = [1]} : vector<16xf32> to vector<1xf32>
      %squeeze3A_762 = vector.extract %slice3A_761[0] : f32 from vector<1xf32>
      %broadcast_in_dim3A_763 = vector.broadcast %squeeze3A_762 : f32 to vector<16xf32>
      %swap3A_764 = arith.index_cast %add3A_760 : i32 to index
      %swap3A_765 = arith.constant 0 : index
      %swap3A_766 = tpu.vector_load %arg38[%swap3A_764, %swap3A_765] {strides = array<i32>} : memref<640x16xf32, #tpu.memory_space<vmem>>, vector<16xf32>,
      tpu.vector_store %arg38[%swap3A_764, %swap3A_765], %broadcast_in_dim3A_763 {strides = array<i32>} : memref<640x16xf32, #tpu.memory_space<vmem>>, vector<16xf32>,
      %mul3A_767 = arith.constant 16 : i32
      %mul3A_768 = arith.muli %scan3A_624, %mul3A_767 : i32
      %add3A_769 = arith.constant 14 : i32
      %add3A_770 = arith.addi %mul3A_768, %add3A_769 : i32
      %slice3A_771 = vector.extract_strided_slice %get3A_629 {offsets = [14], sizes = [1], strides = [1]} : vector<16xf32> to vector<1xf32>
      %squeeze3A_772 = vector.extract %slice3A_771[0] : f32 from vector<1xf32>
      %broadcast_in_dim3A_773 = vector.broadcast %squeeze3A_772 : f32 to vector<16xf32>
      %swap3A_774 = arith.index_cast %add3A_770 : i32 to index
      %swap3A_775 = arith.constant 0 : index
      %swap3A_776 = tpu.vector_load %arg38[%swap3A_774, %swap3A_775] {strides = array<i32>} : memref<640x16xf32, #tpu.memory_space<vmem>>, vector<16xf32>,
      tpu.vector_store %arg38[%swap3A_774, %swap3A_775], %broadcast_in_dim3A_773 {strides = array<i32>} : memref<640x16xf32, #tpu.memory_space<vmem>>, vector<16xf32>,
      %mul3A_777 = arith.constant 16 : i32
      %mul3A_778 = arith.muli %scan3A_624, %mul3A_777 : i32
      %add3A_779 = arith.constant 15 : i32
      %add3A_780 = arith.addi %mul3A_778, %add3A_779 : i32
      %slice3A_781 = vector.extract_strided_slice %get3A_629 {offsets = [15], sizes = [1], strides = [1]} : vector<16xf32> to vector<1xf32>
      %squeeze3A_782 = vector.extract %slice3A_781[0] : f32 from vector<1xf32>
      %broadcast_in_dim3A_783 = vector.broadcast %squeeze3A_782 : f32 to vector<16xf32>
      %swap3A_784 = arith.index_cast %add3A_780 : i32 to index
      %swap3A_785 = arith.constant 0 : index
      %swap3A_786 = tpu.vector_load %arg38[%swap3A_784, %swap3A_785] {strides = array<i32>} : memref<640x16xf32, #tpu.memory_space<vmem>>, vector<16xf32>,
      tpu.vector_store %arg38[%swap3A_784, %swap3A_785], %broadcast_in_dim3A_783 {strides = array<i32>} : memref<640x16xf32, #tpu.memory_space<vmem>>, vector<16xf32>,
      %scan3A_787 = arith.constant 0 : i32
      scf.yield %scan3A_787 : i32
    }
    %scan3A_623 = arith.constant 40 : i32
    "tpu.region"() ({
      %run_scoped3A_624 = tpu.sem_alloc : memref<!tpu.dma_semaphore, #tpu.memory_space<semaphore_mem>>
      %dma_start3A_625 = arith.constant 0 : i32
      %dma_start3A_626 = tpu.memref_slice %arg6[%arg0, %mul3A_2, %dma_start3A_625] : memref<2x10240x16xf32, #tpu.memory_space<hbm>> -> memref<1x640x16xf32, #tpu.memory_space<hbm>>
      %dma_start3A_627 = tpu.memref_squeeze %dma_start3A_626 : memref<1x640x16xf32, #tpu.memory_space<hbm>> -> memref<640x16xf32, #tpu.memory_space<hbm>>
      %dma_start3A_628 = arith.constant 0 : i32
      %dma_start3A_629 = tpu.memref_slice %arg6[%arg0, %mul3A_2, %dma_start3A_628] : memref<2x10240x16xf32, #tpu.memory_space<hbm>> -> memref<1x640x16xf32, #tpu.memory_space<hbm>>
      %dma_start3A_630 = tpu.memref_squeeze %dma_start3A_629 : memref<1x640x16xf32, #tpu.memory_space<hbm>> -> memref<640x16xf32, #tpu.memory_space<hbm>>
      tpu.enqueue_dma source(%arg38 : memref<640x16xf32, #tpu.memory_space<vmem>>) target(%dma_start3A_630 : memref<640x16xf32, #tpu.memory_space<hbm>>) target_semaphore(%run_scoped3A_624 : memref<!tpu.dma_semaphore, #tpu.memory_space<semaphore_mem>>)
      %dma_wait3A_631 = arith.constant 0 : i32
      %dma_wait3A_632 = tpu.memref_slice %arg6[%arg0, %mul3A_2, %dma_wait3A_631] : memref<2x10240x16xf32, #tpu.memory_space<hbm>> -> memref<1x640x16xf32, #tpu.memory_space<hbm>>
      %dma_wait3A_633 = tpu.memref_squeeze %dma_wait3A_632 : memref<1x640x16xf32, #tpu.memory_space<hbm>> -> memref<640x16xf32, #tpu.memory_space<hbm>>
      %dma_wait3A_634 = arith.constant 0 : i32
      %dma_wait3A_635 = tpu.memref_slice %arg6[%arg0, %mul3A_2, %dma_wait3A_634] : memref<2x10240x16xf32, #tpu.memory_space<hbm>> -> memref<1x640x16xf32, #tpu.memory_space<hbm>>
      %dma_wait3A_636 = tpu.memref_squeeze %dma_wait3A_635 : memref<1x640x16xf32, #tpu.memory_space<hbm>> -> memref<640x16xf32, #tpu.memory_space<hbm>>
      tpu.wait_dma2 semaphore(%run_scoped3A_624 : memref<!tpu.dma_semaphore, #tpu.memory_space<semaphore_mem>>) src(%arg38 : memref<640x16xf32, #tpu.memory_space<vmem>>) dst(%dma_wait3A_636 : memref<640x16xf32, #tpu.memory_space<hbm>>)
      tpu.yield
    }) : () -> ()
    return
  }
}

#map = affine_map<(d0, d1) -> (0, 0)>
#map1 = affine_map<(d0, d1) -> (0)>
module attributes {stable_mosaic.version = 14 : i64} {
  func.func @_final_gather_body(%arg0: i32, %arg1: i32, %arg2: memref<10000x16xf32, #tpu.memory_space<hbm>>, %arg3: memref<1024xi32, #tpu.memory_space<hbm>>, %arg4: memref<1024x16xf32, #tpu.memory_space<hbm>>, %arg5: memref<32xi32, #tpu.memory_space<vmem>>, %arg6: memref<32x16xf32, #tpu.memory_space<vmem>>) attributes {dimension_semantics = [#tpu.dimension_semantics<core_parallel>, #tpu.dimension_semantics<subcore_parallel>], iteration_bounds = array<i64: 2, 16>, scalar_prefetch = 0 : i64, scratch_operands = 2 : i64, tpu.core_type = #tpu.core_type<sc_vector_subcore>, window_params = [{transform_indices = #map}, {transform_indices = #map1}, {transform_indices = #map}]} {
    %mul3A = arith.constant 16 : i32
    %mul3A_0 = arith.muli %arg0, %mul3A : i32
    %add3A = arith.addi %mul3A_0, %arg1 : i32
    %mul3A_1 = arith.constant 32 : i32
    %mul3A_2 = arith.muli %add3A, %mul3A_1 : i32
    %multiple_of3A = tpu.assume_multiple %mul3A_2, 8 : i32
    "tpu.region"() ({
      %run_scoped3A = tpu.sem_alloc : memref<!tpu.dma_semaphore, #tpu.memory_space<semaphore_mem>>
      %dma_start3A = tpu.memref_slice %arg3[%multiple_of3A] : memref<1024xi32, #tpu.memory_space<hbm>> -> memref<32xi32, #tpu.memory_space<hbm>>
      %dma_start3A_3 = tpu.memref_slice %arg3[%multiple_of3A] : memref<1024xi32, #tpu.memory_space<hbm>> -> memref<32xi32, #tpu.memory_space<hbm>>
      tpu.enqueue_dma source(%dma_start3A_3 : memref<32xi32, #tpu.memory_space<hbm>>) target(%arg5 : memref<32xi32, #tpu.memory_space<vmem>>) target_semaphore(%run_scoped3A : memref<!tpu.dma_semaphore, #tpu.memory_space<semaphore_mem>>)
      %dma_wait3A = tpu.memref_slice %arg3[%multiple_of3A] : memref<1024xi32, #tpu.memory_space<hbm>> -> memref<32xi32, #tpu.memory_space<hbm>>
      %dma_wait3A_4 = tpu.memref_slice %arg3[%multiple_of3A] : memref<1024xi32, #tpu.memory_space<hbm>> -> memref<32xi32, #tpu.memory_space<hbm>>
      tpu.wait_dma2 semaphore(%run_scoped3A : memref<!tpu.dma_semaphore, #tpu.memory_space<semaphore_mem>>) src(%dma_wait3A_4 : memref<32xi32, #tpu.memory_space<hbm>>) dst(%arg5 : memref<32xi32, #tpu.memory_space<vmem>>)
      tpu.yield
    }) : () -> ()
    "tpu.region"() ({
      %run_scoped3A = tpu.sem_alloc : memref<!tpu.dma_semaphore, #tpu.memory_space<semaphore_mem>>
      %dma_start3A = arith.constant 0 : i32
      %dma_start3A_3 = arith.constant 0 : i32
      %dma_start3A_4 = tpu.memref_slice %arg2[%dma_start3A, %dma_start3A_3] : memref<10000x16xf32, #tpu.memory_space<hbm>> -> memref<10000x16xf32, #tpu.memory_space<hbm>>
      tpu.enqueue_indirect_dma source(%dma_start3A_4 : memref<10000x16xf32, #tpu.memory_space<hbm>>) target(%arg6 : memref<32x16xf32, #tpu.memory_space<vmem>>) offsets(%arg5 : memref<32xi32, #tpu.memory_space<vmem>>) semaphore(%run_scoped3A : memref<!tpu.dma_semaphore, #tpu.memory_space<semaphore_mem>>)
      %dma_wait3A = arith.constant 0 : i32
      %dma_wait3A_5 = arith.constant 0 : i32
      %dma_wait3A_6 = tpu.memref_slice %arg2[%dma_wait3A, %dma_wait3A_5] : memref<10000x16xf32, #tpu.memory_space<hbm>> -> memref<10000x16xf32, #tpu.memory_space<hbm>>
      tpu.wait_indirect_dma semaphore(%run_scoped3A : memref<!tpu.dma_semaphore, #tpu.memory_space<semaphore_mem>>) src(%dma_wait3A_6 : memref<10000x16xf32, #tpu.memory_space<hbm>>) dst(%arg6 : memref<32x16xf32, #tpu.memory_space<vmem>>)
      tpu.yield
    }) : () -> ()
    "tpu.region"() ({
      %run_scoped3A = tpu.sem_alloc : memref<!tpu.dma_semaphore, #tpu.memory_space<semaphore_mem>>
      %dma_start3A = arith.constant 0 : i32
      %dma_start3A_3 = tpu.memref_slice %arg4[%multiple_of3A, %dma_start3A] : memref<1024x16xf32, #tpu.memory_space<hbm>> -> memref<32x16xf32, #tpu.memory_space<hbm>>
      %dma_start3A_4 = arith.constant 0 : i32
      %dma_start3A_5 = tpu.memref_slice %arg4[%multiple_of3A, %dma_start3A_4] : memref<1024x16xf32, #tpu.memory_space<hbm>> -> memref<32x16xf32, #tpu.memory_space<hbm>>
      tpu.enqueue_dma source(%arg6 : memref<32x16xf32, #tpu.memory_space<vmem>>) target(%dma_start3A_5 : memref<32x16xf32, #tpu.memory_space<hbm>>) target_semaphore(%run_scoped3A : memref<!tpu.dma_semaphore, #tpu.memory_space<semaphore_mem>>)
      %dma_wait3A = arith.constant 0 : i32
      %dma_wait3A_6 = tpu.memref_slice %arg4[%multiple_of3A, %dma_wait3A] : memref<1024x16xf32, #tpu.memory_space<hbm>> -> memref<32x16xf32, #tpu.memory_space<hbm>>
      %dma_wait3A_7 = arith.constant 0 : i32
      %dma_wait3A_8 = tpu.memref_slice %arg4[%multiple_of3A, %dma_wait3A_7] : memref<1024x16xf32, #tpu.memory_space<hbm>> -> memref<32x16xf32, #tpu.memory_space<hbm>>
      tpu.wait_dma2 semaphore(%run_scoped3A : memref<!tpu.dma_semaphore, #tpu.memory_space<semaphore_mem>>) src(%arg6 : memref<32x16xf32, #tpu.memory_space<vmem>>) dst(%dma_wait3A_8 : memref<32x16xf32, #tpu.memory_space<hbm>>)
      tpu.yield
    }) : () -> ()
    return
  }
}

#map = affine_map<(d0, d1) -> (0, 0)>
#map1 = affine_map<(d0, d1) -> (0, 0, 0, 0)>
#map2 = affine_map<(d0, d1) -> (0, 0, 0)>
module attributes {stable_mosaic.version = 14 : i64} {
  func.func @body(%arg0: i32, %arg1: i32, %arg2: memref<10240x32xf32, #tpu.memory_space<hbm>>, %arg3: memref<2x32x80x128xi32, #tpu.memory_space<hbm>>, %arg4: memref<10240x32xf32, #tpu.memory_space<hbm>>, %arg5: memref<2x10240x32xf32, #tpu.memory_space<hbm>>, %arg6: memref<80x128xi32, #tpu.memory_space<vmem>>, %arg7: memref<80x128xi32, #tpu.memory_space<vmem>>, %arg8: memref<128x32xf32, #tpu.memory_space<vmem>>, %arg9: memref<128x32xf32, #tpu.memory_space<vmem>>, %arg10: memref<128x32xf32, #tpu.memory_space<vmem>>, %arg11: memref<128x32xf32, #tpu.memory_space<vmem>>, %arg12: memref<128x32xf32, #tpu.memory_space<vmem>>, %arg13: memref<128x32xf32, #tpu.memory_space<vmem>>, %arg14: memref<128x32xf32, #tpu.memory_space<vmem>>, %arg15: memref<128x32xf32, #tpu.memory_space<vmem>>, %arg16: memref<10240x32xf32, #tpu.memory_space<vmem_shared>>, %arg17: memref<10240x32xf32, #tpu.memory_space<vmem_shared>>, %arg18: memref<!tpu.dma_semaphore, #tpu.memory_space<semaphore_mem>>, %arg19: memref<!tpu.dma_semaphore, #tpu.memory_space<semaphore_mem>>, %arg20: memref<!tpu.dma_semaphore, #tpu.memory_space<semaphore_mem>>, %arg21: memref<!tpu.dma_semaphore, #tpu.memory_space<semaphore_mem>>, %arg22: memref<!tpu.dma_semaphore, #tpu.memory_space<semaphore_mem>>, %arg23: memref<!tpu.dma_semaphore, #tpu.memory_space<semaphore_mem>>, %arg24: memref<!tpu.dma_semaphore, #tpu.memory_space<semaphore_mem>>, %arg25: memref<!tpu.dma_semaphore, #tpu.memory_space<semaphore_mem>>, %arg26: memref<!tpu.dma_semaphore, #tpu.memory_space<semaphore_mem>>, %arg27: memref<!tpu.dma_semaphore, #tpu.memory_space<semaphore_mem>>, %arg28: memref<!tpu.dma_semaphore, #tpu.memory_space<semaphore_mem>>, %arg29: memref<!tpu.dma_semaphore, #tpu.memory_space<semaphore_mem>>, %arg30: memref<!tpu.dma_semaphore, #tpu.memory_space<semaphore_mem>>, %arg31: memref<!tpu.dma_semaphore, #tpu.memory_space<semaphore_mem>>, %arg32: memref<!tpu.dma_semaphore, #tpu.memory_space<semaphore_mem>>, %arg33: memref<!tpu.dma_semaphore, #tpu.memory_space<semaphore_mem>>, %arg34: memref<16xf32, #tpu.memory_space<vmem>>, %arg35: memref<640xf32, #tpu.memory_space<vmem>>, %arg36: memref<640xf32, #tpu.memory_space<vmem>>, %arg37: memref<8x16xf32, #tpu.memory_space<vmem>>, %arg38: memref<8x8xf32, #tpu.memory_space<vmem_shared>>) attributes {dimension_semantics = [#tpu.dimension_semantics<core_parallel>, #tpu.dimension_semantics<subcore_parallel>], iteration_bounds = array<i64: 2, 16>, scalar_prefetch = 0 : i64, scratch_operands = 33 : i64, tpu.core_type = #tpu.core_type<sc_vector_subcore>, window_params = [{transform_indices = #map}, {transform_indices = #map1}, {transform_indices = #map}, {transform_indices = #map2}]} {
    %mul3A = arith.constant 16 : i32
    %mul3A_0 = arith.muli %arg0, %mul3A : i32
    %add3A = arith.addi %mul3A_0, %arg1 : i32
    %mul3A_1 = arith.constant 640 : i32
    %mul3A_2 = arith.muli %arg1, %mul3A_1 : i32
    "tpu.region"() ({
      %run_scoped3A_234 = tpu.sem_alloc : memref<!tpu.dma_semaphore, #tpu.memory_space<semaphore_mem>>
      %dma_start3A_235 = arith.constant 0 : i32
      %dma_start3A_236 = tpu.memref_slice %arg17[%mul3A_2, %dma_start3A_235] : memref<10240x32xf32, #tpu.memory_space<vmem_shared>> -> memref<640x32xf32, #tpu.memory_space<vmem_shared>>
      %dma_start3A_237 = arith.constant 0 : i32
      %dma_start3A_238 = tpu.memref_slice %arg4[%mul3A_2, %dma_start3A_237] : memref<10240x32xf32, #tpu.memory_space<hbm>> -> memref<640x32xf32, #tpu.memory_space<hbm>>
      tpu.enqueue_dma source(%dma_start3A_238 : memref<640x32xf32, #tpu.memory_space<hbm>>) target(%dma_start3A_236 : memref<640x32xf32, #tpu.memory_space<vmem_shared>>) target_semaphore(%run_scoped3A_234 : memref<!tpu.dma_semaphore, #tpu.memory_space<semaphore_mem>>)
      %dma_wait3A_239 = arith.constant 0 : i32
      %dma_wait3A_240 = tpu.memref_slice %arg17[%mul3A_2, %dma_wait3A_239] : memref<10240x32xf32, #tpu.memory_space<vmem_shared>> -> memref<640x32xf32, #tpu.memory_space<vmem_shared>>
      %dma_wait3A_241 = arith.constant 0 : i32
      %dma_wait3A_242 = tpu.memref_slice %arg4[%mul3A_2, %dma_wait3A_241] : memref<10240x32xf32, #tpu.memory_space<hbm>> -> memref<640x32xf32, #tpu.memory_space<hbm>>
      tpu.wait_dma2 semaphore(%run_scoped3A_234 : memref<!tpu.dma_semaphore, #tpu.memory_space<semaphore_mem>>) src(%dma_wait3A_242 : memref<640x32xf32, #tpu.memory_space<hbm>>) dst(%dma_wait3A_240 : memref<640x32xf32, #tpu.memory_space<vmem_shared>>)
      tpu.yield
    }) : () -> ()
    %run_scoped3A = arith.constant 1 : i32
    "tpu.region"() ({
      %run_scoped3A_234 = tpu.sem_alloc : memref<!tpu.dma_semaphore, #tpu.memory_space<semaphore_mem>>
      %dma_start3A_235 = arith.constant 0 : i32
      %dma_start3A_236 = arith.constant 0 : i32
      %dma_start3A_237 = tpu.memref_slice %arg3[%run_scoped3A, %add3A, %dma_start3A_235, %dma_start3A_236] : memref<2x32x80x128xi32, #tpu.memory_space<hbm>> -> memref<1x1x80x128xi32, #tpu.memory_space<hbm>>
      %dma_start3A_238 = tpu.memref_squeeze %dma_start3A_237 : memref<1x1x80x128xi32, #tpu.memory_space<hbm>> -> memref<80x128xi32, #tpu.memory_space<hbm>>
      %dma_start3A_239 = arith.constant 0 : i32
      %dma_start3A_240 = arith.constant 0 : i32
      %dma_start3A_241 = tpu.memref_slice %arg3[%run_scoped3A, %add3A, %dma_start3A_239, %dma_start3A_240] : memref<2x32x80x128xi32, #tpu.memory_space<hbm>> -> memref<1x1x80x128xi32, #tpu.memory_space<hbm>>
      %dma_start3A_242 = tpu.memref_squeeze %dma_start3A_241 : memref<1x1x80x128xi32, #tpu.memory_space<hbm>> -> memref<80x128xi32, #tpu.memory_space<hbm>>
      tpu.enqueue_dma source(%dma_start3A_242 : memref<80x128xi32, #tpu.memory_space<hbm>>) target(%arg6 : memref<80x128xi32, #tpu.memory_space<vmem>>) target_semaphore(%run_scoped3A_234 : memref<!tpu.dma_semaphore, #tpu.memory_space<semaphore_mem>>)
      %dma_wait3A_243 = arith.constant 0 : i32
      %dma_wait3A_244 = arith.constant 0 : i32
      %dma_wait3A_245 = tpu.memref_slice %arg3[%run_scoped3A, %add3A, %dma_wait3A_243, %dma_wait3A_244] : memref<2x32x80x128xi32, #tpu.memory_space<hbm>> -> memref<1x1x80x128xi32, #tpu.memory_space<hbm>>
      %dma_wait3A_246 = tpu.memref_squeeze %dma_wait3A_245 : memref<1x1x80x128xi32, #tpu.memory_space<hbm>> -> memref<80x128xi32, #tpu.memory_space<hbm>>
      %dma_wait3A_247 = arith.constant 0 : i32
      %dma_wait3A_248 = arith.constant 0 : i32
      %dma_wait3A_249 = tpu.memref_slice %arg3[%run_scoped3A, %add3A, %dma_wait3A_247, %dma_wait3A_248] : memref<2x32x80x128xi32, #tpu.memory_space<hbm>> -> memref<1x1x80x128xi32, #tpu.memory_space<hbm>>
      %dma_wait3A_250 = tpu.memref_squeeze %dma_wait3A_249 : memref<1x1x80x128xi32, #tpu.memory_space<hbm>> -> memref<80x128xi32, #tpu.memory_space<hbm>>
      tpu.wait_dma2 semaphore(%run_scoped3A_234 : memref<!tpu.dma_semaphore, #tpu.memory_space<semaphore_mem>>) src(%dma_wait3A_250 : memref<80x128xi32, #tpu.memory_space<hbm>>) dst(%arg6 : memref<80x128xi32, #tpu.memory_space<vmem>>)
      tpu.yield
    }) : () -> ()
    %run_scoped3A_3 = arith.constant 0 : i32
    "tpu.region"() ({
      %run_scoped3A_234 = tpu.sem_alloc : memref<!tpu.dma_semaphore, #tpu.memory_space<semaphore_mem>>
      %dma_start3A_235 = arith.constant 0 : i32
      %dma_start3A_236 = arith.constant 0 : i32
      %dma_start3A_237 = tpu.memref_slice %arg3[%run_scoped3A_3, %add3A, %dma_start3A_235, %dma_start3A_236] : memref<2x32x80x128xi32, #tpu.memory_space<hbm>> -> memref<1x1x80x128xi32, #tpu.memory_space<hbm>>
      %dma_start3A_238 = tpu.memref_squeeze %dma_start3A_237 : memref<1x1x80x128xi32, #tpu.memory_space<hbm>> -> memref<80x128xi32, #tpu.memory_space<hbm>>
      %dma_start3A_239 = arith.constant 0 : i32
      %dma_start3A_240 = arith.constant 0 : i32
      %dma_start3A_241 = tpu.memref_slice %arg3[%run_scoped3A_3, %add3A, %dma_start3A_239, %dma_start3A_240] : memref<2x32x80x128xi32, #tpu.memory_space<hbm>> -> memref<1x1x80x128xi32, #tpu.memory_space<hbm>>
      %dma_start3A_242 = tpu.memref_squeeze %dma_start3A_241 : memref<1x1x80x128xi32, #tpu.memory_space<hbm>> -> memref<80x128xi32, #tpu.memory_space<hbm>>
      tpu.enqueue_dma source(%dma_start3A_242 : memref<80x128xi32, #tpu.memory_space<hbm>>) target(%arg7 : memref<80x128xi32, #tpu.memory_space<vmem>>) target_semaphore(%run_scoped3A_234 : memref<!tpu.dma_semaphore, #tpu.memory_space<semaphore_mem>>)
      %dma_wait3A_243 = arith.constant 0 : i32
      %dma_wait3A_244 = arith.constant 0 : i32
      %dma_wait3A_245 = tpu.memref_slice %arg3[%run_scoped3A_3, %add3A, %dma_wait3A_243, %dma_wait3A_244] : memref<2x32x80x128xi32, #tpu.memory_space<hbm>> -> memref<1x1x80x128xi32, #tpu.memory_space<hbm>>
      %dma_wait3A_246 = tpu.memref_squeeze %dma_wait3A_245 : memref<1x1x80x128xi32, #tpu.memory_space<hbm>> -> memref<80x128xi32, #tpu.memory_space<hbm>>
      %dma_wait3A_247 = arith.constant 0 : i32
      %dma_wait3A_248 = arith.constant 0 : i32
      %dma_wait3A_249 = tpu.memref_slice %arg3[%run_scoped3A_3, %add3A, %dma_wait3A_247, %dma_wait3A_248] : memref<2x32x80x128xi32, #tpu.memory_space<hbm>> -> memref<1x1x80x128xi32, #tpu.memory_space<hbm>>
      %dma_wait3A_250 = tpu.memref_squeeze %dma_wait3A_249 : memref<1x1x80x128xi32, #tpu.memory_space<hbm>> -> memref<80x128xi32, #tpu.memory_space<hbm>>
      tpu.wait_dma2 semaphore(%run_scoped3A_234 : memref<!tpu.dma_semaphore, #tpu.memory_space<semaphore_mem>>) src(%dma_wait3A_250 : memref<80x128xi32, #tpu.memory_space<hbm>>) dst(%arg7 : memref<80x128xi32, #tpu.memory_space<vmem>>)
      tpu.yield
    }) : () -> ()
    "tpu.region"() ({
      %run_scoped3A_234 = tpu.sem_alloc : memref<!tpu.dma_semaphore, #tpu.memory_space<semaphore_mem>>
      %dma_start3A_235 = arith.constant 0 : i32
      %dma_start3A_236 = tpu.memref_slice %arg16[%mul3A_2, %dma_start3A_235] : memref<10240x32xf32, #tpu.memory_space<vmem_shared>> -> memref<640x32xf32, #tpu.memory_space<vmem_shared>>
      %dma_start3A_237 = arith.constant 0 : i32
      %dma_start3A_238 = tpu.memref_slice %arg2[%mul3A_2, %dma_start3A_237] : memref<10240x32xf32, #tpu.memory_space<hbm>> -> memref<640x32xf32, #tpu.memory_space<hbm>>
      tpu.enqueue_dma source(%dma_start3A_238 : memref<640x32xf32, #tpu.memory_space<hbm>>) target(%dma_start3A_236 : memref<640x32xf32, #tpu.memory_space<vmem_shared>>) target_semaphore(%run_scoped3A_234 : memref<!tpu.dma_semaphore, #tpu.memory_space<semaphore_mem>>)
      %dma_wait3A_239 = arith.constant 0 : i32
      %dma_wait3A_240 = tpu.memref_slice %arg16[%mul3A_2, %dma_wait3A_239] : memref<10240x32xf32, #tpu.memory_space<vmem_shared>> -> memref<640x32xf32, #tpu.memory_space<vmem_shared>>
      %dma_wait3A_241 = arith.constant 0 : i32
      %dma_wait3A_242 = tpu.memref_slice %arg2[%mul3A_2, %dma_wait3A_241] : memref<10240x32xf32, #tpu.memory_space<hbm>> -> memref<640x32xf32, #tpu.memory_space<hbm>>
      tpu.wait_dma2 semaphore(%run_scoped3A_234 : memref<!tpu.dma_semaphore, #tpu.memory_space<semaphore_mem>>) src(%dma_wait3A_242 : memref<640x32xf32, #tpu.memory_space<hbm>>) dst(%dma_wait3A_240 : memref<640x32xf32, #tpu.memory_space<vmem_shared>>)
      tpu.yield
    }) : () -> ()
    %barrier3A = arith.constant 0 : index
    tpu.barrier barrier_id(%barrier3A)
    %broadcast_in_dim3A = arith.constant 1.000000e+00 : f32
    %broadcast_in_dim3A_4 = vector.broadcast %broadcast_in_dim3A : f32 to vector<16xf32>
    %dma_start3A = arith.constant 0 : i32
    %dma_start3A_5 = arith.constant 0 : i32
    %dma_start3A_6 = tpu.memref_slice %arg6[%dma_start3A, %dma_start3A_5] : memref<80x128xi32, #tpu.memory_space<vmem>> -> memref<1x128xi32, #tpu.memory_space<vmem>>
    %dma_start3A_7 = tpu.memref_squeeze %dma_start3A_6 : memref<1x128xi32, #tpu.memory_space<vmem>> -> memref<128xi32, #tpu.memory_space<vmem>>
    %dma_start3A_8 = arith.constant 0 : i32
    %dma_start3A_9 = arith.constant 0 : i32
    %dma_start3A_10 = tpu.memref_slice %arg16[%dma_start3A_8, %dma_start3A_9] : memref<10240x32xf32, #tpu.memory_space<vmem_shared>> -> memref<10240x32xf32, #tpu.memory_space<vmem_shared>>
    tpu.enqueue_indirect_dma source(%dma_start3A_10 : memref<10240x32xf32, #tpu.memory_space<vmem_shared>>) target(%arg8 : memref<128x32xf32, #tpu.memory_space<vmem>>) offsets(%dma_start3A_7 : memref<128xi32, #tpu.memory_space<vmem>>) semaphore(%arg18 : memref<!tpu.dma_semaphore, #tpu.memory_space<semaphore_mem>>)
    %dma_start3A_11 = arith.constant 1 : i32
    %dma_start3A_12 = arith.constant 0 : i32
    %dma_start3A_13 = tpu.memref_slice %arg6[%dma_start3A_11, %dma_start3A_12] : memref<80x128xi32, #tpu.memory_space<vmem>> -> memref<1x128xi32, #tpu.memory_space<vmem>>
    %dma_start3A_14 = tpu.memref_squeeze %dma_start3A_13 : memref<1x128xi32, #tpu.memory_space<vmem>> -> memref<128xi32, #tpu.memory_space<vmem>>
    %dma_start3A_15 = arith.constant 0 : i32
    %dma_start3A_16 = arith.constant 0 : i32
    %dma_start3A_17 = tpu.memref_slice %arg16[%dma_start3A_15, %dma_start3A_16] : memref<10240x32xf32, #tpu.memory_space<vmem_shared>> -> memref<10240x32xf32, #tpu.memory_space<vmem_shared>>
    tpu.enqueue_indirect_dma source(%dma_start3A_17 : memref<10240x32xf32, #tpu.memory_space<vmem_shared>>) target(%arg9 : memref<128x32xf32, #tpu.memory_space<vmem>>) offsets(%dma_start3A_14 : memref<128xi32, #tpu.memory_space<vmem>>) semaphore(%arg19 : memref<!tpu.dma_semaphore, #tpu.memory_space<semaphore_mem>>)
    %dma_start3A_18 = arith.constant 2 : i32
    %dma_start3A_19 = arith.constant 0 : i32
    %dma_start3A_20 = tpu.memref_slice %arg6[%dma_start3A_18, %dma_start3A_19] : memref<80x128xi32, #tpu.memory_space<vmem>> -> memref<1x128xi32, #tpu.memory_space<vmem>>
    %dma_start3A_21 = tpu.memref_squeeze %dma_start3A_20 : memref<1x128xi32, #tpu.memory_space<vmem>> -> memref<128xi32, #tpu.memory_space<vmem>>
    %dma_start3A_22 = arith.constant 0 : i32
    %dma_start3A_23 = arith.constant 0 : i32
    %dma_start3A_24 = tpu.memref_slice %arg16[%dma_start3A_22, %dma_start3A_23] : memref<10240x32xf32, #tpu.memory_space<vmem_shared>> -> memref<10240x32xf32, #tpu.memory_space<vmem_shared>>
    tpu.enqueue_indirect_dma source(%dma_start3A_24 : memref<10240x32xf32, #tpu.memory_space<vmem_shared>>) target(%arg10 : memref<128x32xf32, #tpu.memory_space<vmem>>) offsets(%dma_start3A_21 : memref<128xi32, #tpu.memory_space<vmem>>) semaphore(%arg20 : memref<!tpu.dma_semaphore, #tpu.memory_space<semaphore_mem>>)
    %dma_start3A_25 = arith.constant 3 : i32
    %dma_start3A_26 = arith.constant 0 : i32
    %dma_start3A_27 = tpu.memref_slice %arg6[%dma_start3A_25, %dma_start3A_26] : memref<80x128xi32, #tpu.memory_space<vmem>> -> memref<1x128xi32, #tpu.memory_space<vmem>>
    %dma_start3A_28 = tpu.memref_squeeze %dma_start3A_27 : memref<1x128xi32, #tpu.memory_space<vmem>> -> memref<128xi32, #tpu.memory_space<vmem>>
    %dma_start3A_29 = arith.constant 0 : i32
    %dma_start3A_30 = arith.constant 0 : i32
    %dma_start3A_31 = tpu.memref_slice %arg16[%dma_start3A_29, %dma_start3A_30] : memref<10240x32xf32, #tpu.memory_space<vmem_shared>> -> memref<10240x32xf32, #tpu.memory_space<vmem_shared>>
    tpu.enqueue_indirect_dma source(%dma_start3A_31 : memref<10240x32xf32, #tpu.memory_space<vmem_shared>>) target(%arg11 : memref<128x32xf32, #tpu.memory_space<vmem>>) offsets(%dma_start3A_28 : memref<128xi32, #tpu.memory_space<vmem>>) semaphore(%arg21 : memref<!tpu.dma_semaphore, #tpu.memory_space<semaphore_mem>>)
    %dma_wait3A = arith.constant 0 : i32
    %dma_wait3A_32 = arith.constant 0 : i32
    %dma_wait3A_33 = tpu.memref_slice %arg6[%dma_wait3A, %dma_wait3A_32] : memref<80x128xi32, #tpu.memory_space<vmem>> -> memref<1x128xi32, #tpu.memory_space<vmem>>
    %dma_wait3A_34 = tpu.memref_squeeze %dma_wait3A_33 : memref<1x128xi32, #tpu.memory_space<vmem>> -> memref<128xi32, #tpu.memory_space<vmem>>
    %dma_wait3A_35 = arith.constant 0 : i32
    %dma_wait3A_36 = arith.constant 0 : i32
    %dma_wait3A_37 = tpu.memref_slice %arg16[%dma_wait3A_35, %dma_wait3A_36] : memref<10240x32xf32, #tpu.memory_space<vmem_shared>> -> memref<10240x32xf32, #tpu.memory_space<vmem_shared>>
    tpu.wait_indirect_dma semaphore(%arg18 : memref<!tpu.dma_semaphore, #tpu.memory_space<semaphore_mem>>) src(%dma_wait3A_37 : memref<10240x32xf32, #tpu.memory_space<vmem_shared>>) dst(%arg8 : memref<128x32xf32, #tpu.memory_space<vmem>>)
    %dma_start3A_38 = arith.constant 0 : i32
    %dma_start3A_39 = arith.constant 0 : i32
    %dma_start3A_40 = tpu.memref_slice %arg7[%dma_start3A_38, %dma_start3A_39] : memref<80x128xi32, #tpu.memory_space<vmem>> -> memref<1x128xi32, #tpu.memory_space<vmem>>
    %dma_start3A_41 = tpu.memref_squeeze %dma_start3A_40 : memref<1x128xi32, #tpu.memory_space<vmem>> -> memref<128xi32, #tpu.memory_space<vmem>>
    %dma_start3A_42 = arith.constant 0 : i32
    %dma_start3A_43 = arith.constant 0 : i32
    %dma_start3A_44 = tpu.memref_slice %arg17[%dma_start3A_42, %dma_start3A_43] : memref<10240x32xf32, #tpu.memory_space<vmem_shared>> -> memref<10240x32xf32, #tpu.memory_space<vmem_shared>>
    tpu.enqueue_indirect_dma source(%arg8 : memref<128x32xf32, #tpu.memory_space<vmem>>) target(%dma_start3A_44 : memref<10240x32xf32, #tpu.memory_space<vmem_shared>>) offsets(%dma_start3A_41 : memref<128xi32, #tpu.memory_space<vmem>>) semaphore(%arg26 : memref<!tpu.dma_semaphore, #tpu.memory_space<semaphore_mem>>) {add = true}
    %dma_start3A_45 = arith.constant 4 : i32
    %dma_start3A_46 = arith.constant 0 : i32
    %dma_start3A_47 = tpu.memref_slice %arg6[%dma_start3A_45, %dma_start3A_46] : memref<80x128xi32, #tpu.memory_space<vmem>> -> memref<1x128xi32, #tpu.memory_space<vmem>>
    %dma_start3A_48 = tpu.memref_squeeze %dma_start3A_47 : memref<1x128xi32, #tpu.memory_space<vmem>> -> memref<128xi32, #tpu.memory_space<vmem>>
    %dma_start3A_49 = arith.constant 0 : i32
    %dma_start3A_50 = arith.constant 0 : i32
    %dma_start3A_51 = tpu.memref_slice %arg16[%dma_start3A_49, %dma_start3A_50] : memref<10240x32xf32, #tpu.memory_space<vmem_shared>> -> memref<10240x32xf32, #tpu.memory_space<vmem_shared>>
    tpu.enqueue_indirect_dma source(%dma_start3A_51 : memref<10240x32xf32, #tpu.memory_space<vmem_shared>>) target(%arg12 : memref<128x32xf32, #tpu.memory_space<vmem>>) offsets(%dma_start3A_48 : memref<128xi32, #tpu.memory_space<vmem>>) semaphore(%arg22 : memref<!tpu.dma_semaphore, #tpu.memory_space<semaphore_mem>>)
    %dma_wait3A_52 = arith.constant 1 : i32
    %dma_wait3A_53 = arith.constant 0 : i32
    %dma_wait3A_54 = tpu.memref_slice %arg6[%dma_wait3A_52, %dma_wait3A_53] : memref<80x128xi32, #tpu.memory_space<vmem>> -> memref<1x128xi32, #tpu.memory_space<vmem>>
    %dma_wait3A_55 = tpu.memref_squeeze %dma_wait3A_54 : memref<1x128xi32, #tpu.memory_space<vmem>> -> memref<128xi32, #tpu.memory_space<vmem>>
    %dma_wait3A_56 = arith.constant 0 : i32
    %dma_wait3A_57 = arith.constant 0 : i32
    %dma_wait3A_58 = tpu.memref_slice %arg16[%dma_wait3A_56, %dma_wait3A_57] : memref<10240x32xf32, #tpu.memory_space<vmem_shared>> -> memref<10240x32xf32, #tpu.memory_space<vmem_shared>>
    tpu.wait_indirect_dma semaphore(%arg19 : memref<!tpu.dma_semaphore, #tpu.memory_space<semaphore_mem>>) src(%dma_wait3A_58 : memref<10240x32xf32, #tpu.memory_space<vmem_shared>>) dst(%arg9 : memref<128x32xf32, #tpu.memory_space<vmem>>)
    %dma_start3A_59 = arith.constant 1 : i32
    %dma_start3A_60 = arith.constant 0 : i32
    %dma_start3A_61 = tpu.memref_slice %arg7[%dma_start3A_59, %dma_start3A_60] : memref<80x128xi32, #tpu.memory_space<vmem>> -> memref<1x128xi32, #tpu.memory_space<vmem>>
    %dma_start3A_62 = tpu.memref_squeeze %dma_start3A_61 : memref<1x128xi32, #tpu.memory_space<vmem>> -> memref<128xi32, #tpu.memory_space<vmem>>
    %dma_start3A_63 = arith.constant 0 : i32
    %dma_start3A_64 = arith.constant 0 : i32
    %dma_start3A_65 = tpu.memref_slice %arg17[%dma_start3A_63, %dma_start3A_64] : memref<10240x32xf32, #tpu.memory_space<vmem_shared>> -> memref<10240x32xf32, #tpu.memory_space<vmem_shared>>
    tpu.enqueue_indirect_dma source(%arg9 : memref<128x32xf32, #tpu.memory_space<vmem>>) target(%dma_start3A_65 : memref<10240x32xf32, #tpu.memory_space<vmem_shared>>) offsets(%dma_start3A_62 : memref<128xi32, #tpu.memory_space<vmem>>) semaphore(%arg27 : memref<!tpu.dma_semaphore, #tpu.memory_space<semaphore_mem>>) {add = true}
    %dma_start3A_66 = arith.constant 5 : i32
    %dma_start3A_67 = arith.constant 0 : i32
    %dma_start3A_68 = tpu.memref_slice %arg6[%dma_start3A_66, %dma_start3A_67] : memref<80x128xi32, #tpu.memory_space<vmem>> -> memref<1x128xi32, #tpu.memory_space<vmem>>
    %dma_start3A_69 = tpu.memref_squeeze %dma_start3A_68 : memref<1x128xi32, #tpu.memory_space<vmem>> -> memref<128xi32, #tpu.memory_space<vmem>>
    %dma_start3A_70 = arith.constant 0 : i32
    %dma_start3A_71 = arith.constant 0 : i32
    %dma_start3A_72 = tpu.memref_slice %arg16[%dma_start3A_70, %dma_start3A_71] : memref<10240x32xf32, #tpu.memory_space<vmem_shared>> -> memref<10240x32xf32, #tpu.memory_space<vmem_shared>>
    tpu.enqueue_indirect_dma source(%dma_start3A_72 : memref<10240x32xf32, #tpu.memory_space<vmem_shared>>) target(%arg13 : memref<128x32xf32, #tpu.memory_space<vmem>>) offsets(%dma_start3A_69 : memref<128xi32, #tpu.memory_space<vmem>>) semaphore(%arg23 : memref<!tpu.dma_semaphore, #tpu.memory_space<semaphore_mem>>)
    %dma_wait3A_73 = arith.constant 2 : i32
    %dma_wait3A_74 = arith.constant 0 : i32
    %dma_wait3A_75 = tpu.memref_slice %arg6[%dma_wait3A_73, %dma_wait3A_74] : memref<80x128xi32, #tpu.memory_space<vmem>> -> memref<1x128xi32, #tpu.memory_space<vmem>>
    %dma_wait3A_76 = tpu.memref_squeeze %dma_wait3A_75 : memref<1x128xi32, #tpu.memory_space<vmem>> -> memref<128xi32, #tpu.memory_space<vmem>>
    %dma_wait3A_77 = arith.constant 0 : i32
    %dma_wait3A_78 = arith.constant 0 : i32
    %dma_wait3A_79 = tpu.memref_slice %arg16[%dma_wait3A_77, %dma_wait3A_78] : memref<10240x32xf32, #tpu.memory_space<vmem_shared>> -> memref<10240x32xf32, #tpu.memory_space<vmem_shared>>
    tpu.wait_indirect_dma semaphore(%arg20 : memref<!tpu.dma_semaphore, #tpu.memory_space<semaphore_mem>>) src(%dma_wait3A_79 : memref<10240x32xf32, #tpu.memory_space<vmem_shared>>) dst(%arg10 : memref<128x32xf32, #tpu.memory_space<vmem>>)
    %dma_start3A_80 = arith.constant 2 : i32
    %dma_start3A_81 = arith.constant 0 : i32
    %dma_start3A_82 = tpu.memref_slice %arg7[%dma_start3A_80, %dma_start3A_81] : memref<80x128xi32, #tpu.memory_space<vmem>> -> memref<1x128xi32, #tpu.memory_space<vmem>>
    %dma_start3A_83 = tpu.memref_squeeze %dma_start3A_82 : memref<1x128xi32, #tpu.memory_space<vmem>> -> memref<128xi32, #tpu.memory_space<vmem>>
    %dma_start3A_84 = arith.constant 0 : i32
    %dma_start3A_85 = arith.constant 0 : i32
    %dma_start3A_86 = tpu.memref_slice %arg17[%dma_start3A_84, %dma_start3A_85] : memref<10240x32xf32, #tpu.memory_space<vmem_shared>> -> memref<10240x32xf32, #tpu.memory_space<vmem_shared>>
    tpu.enqueue_indirect_dma source(%arg10 : memref<128x32xf32, #tpu.memory_space<vmem>>) target(%dma_start3A_86 : memref<10240x32xf32, #tpu.memory_space<vmem_shared>>) offsets(%dma_start3A_83 : memref<128xi32, #tpu.memory_space<vmem>>) semaphore(%arg28 : memref<!tpu.dma_semaphore, #tpu.memory_space<semaphore_mem>>) {add = true}
    %dma_start3A_87 = arith.constant 6 : i32
    %dma_start3A_88 = arith.constant 0 : i32
    %dma_start3A_89 = tpu.memref_slice %arg6[%dma_start3A_87, %dma_start3A_88] : memref<80x128xi32, #tpu.memory_space<vmem>> -> memref<1x128xi32, #tpu.memory_space<vmem>>
    %dma_start3A_90 = tpu.memref_squeeze %dma_start3A_89 : memref<1x128xi32, #tpu.memory_space<vmem>> -> memref<128xi32, #tpu.memory_space<vmem>>
    %dma_start3A_91 = arith.constant 0 : i32
    %dma_start3A_92 = arith.constant 0 : i32
    %dma_start3A_93 = tpu.memref_slice %arg16[%dma_start3A_91, %dma_start3A_92] : memref<10240x32xf32, #tpu.memory_space<vmem_shared>> -> memref<10240x32xf32, #tpu.memory_space<vmem_shared>>
    tpu.enqueue_indirect_dma source(%dma_start3A_93 : memref<10240x32xf32, #tpu.memory_space<vmem_shared>>) target(%arg14 : memref<128x32xf32, #tpu.memory_space<vmem>>) offsets(%dma_start3A_90 : memref<128xi32, #tpu.memory_space<vmem>>) semaphore(%arg24 : memref<!tpu.dma_semaphore, #tpu.memory_space<semaphore_mem>>)
    %dma_wait3A_94 = arith.constant 3 : i32
    %dma_wait3A_95 = arith.constant 0 : i32
    %dma_wait3A_96 = tpu.memref_slice %arg6[%dma_wait3A_94, %dma_wait3A_95] : memref<80x128xi32, #tpu.memory_space<vmem>> -> memref<1x128xi32, #tpu.memory_space<vmem>>
    %dma_wait3A_97 = tpu.memref_squeeze %dma_wait3A_96 : memref<1x128xi32, #tpu.memory_space<vmem>> -> memref<128xi32, #tpu.memory_space<vmem>>
    %dma_wait3A_98 = arith.constant 0 : i32
    %dma_wait3A_99 = arith.constant 0 : i32
    %dma_wait3A_100 = tpu.memref_slice %arg16[%dma_wait3A_98, %dma_wait3A_99] : memref<10240x32xf32, #tpu.memory_space<vmem_shared>> -> memref<10240x32xf32, #tpu.memory_space<vmem_shared>>
    tpu.wait_indirect_dma semaphore(%arg21 : memref<!tpu.dma_semaphore, #tpu.memory_space<semaphore_mem>>) src(%dma_wait3A_100 : memref<10240x32xf32, #tpu.memory_space<vmem_shared>>) dst(%arg11 : memref<128x32xf32, #tpu.memory_space<vmem>>)
    %dma_start3A_101 = arith.constant 3 : i32
    %dma_start3A_102 = arith.constant 0 : i32
    %dma_start3A_103 = tpu.memref_slice %arg7[%dma_start3A_101, %dma_start3A_102] : memref<80x128xi32, #tpu.memory_space<vmem>> -> memref<1x128xi32, #tpu.memory_space<vmem>>
    %dma_start3A_104 = tpu.memref_squeeze %dma_start3A_103 : memref<1x128xi32, #tpu.memory_space<vmem>> -> memref<128xi32, #tpu.memory_space<vmem>>
    %dma_start3A_105 = arith.constant 0 : i32
    %dma_start3A_106 = arith.constant 0 : i32
    %dma_start3A_107 = tpu.memref_slice %arg17[%dma_start3A_105, %dma_start3A_106] : memref<10240x32xf32, #tpu.memory_space<vmem_shared>> -> memref<10240x32xf32, #tpu.memory_space<vmem_shared>>
    tpu.enqueue_indirect_dma source(%arg11 : memref<128x32xf32, #tpu.memory_space<vmem>>) target(%dma_start3A_107 : memref<10240x32xf32, #tpu.memory_space<vmem_shared>>) offsets(%dma_start3A_104 : memref<128xi32, #tpu.memory_space<vmem>>) semaphore(%arg29 : memref<!tpu.dma_semaphore, #tpu.memory_space<semaphore_mem>>) {add = true}
    %dma_start3A_108 = arith.constant 7 : i32
    %dma_start3A_109 = arith.constant 0 : i32
    %dma_start3A_110 = tpu.memref_slice %arg6[%dma_start3A_108, %dma_start3A_109] : memref<80x128xi32, #tpu.memory_space<vmem>> -> memref<1x128xi32, #tpu.memory_space<vmem>>
    %dma_start3A_111 = tpu.memref_squeeze %dma_start3A_110 : memref<1x128xi32, #tpu.memory_space<vmem>> -> memref<128xi32, #tpu.memory_space<vmem>>
    %dma_start3A_112 = arith.constant 0 : i32
    %dma_start3A_113 = arith.constant 0 : i32
    %dma_start3A_114 = tpu.memref_slice %arg16[%dma_start3A_112, %dma_start3A_113] : memref<10240x32xf32, #tpu.memory_space<vmem_shared>> -> memref<10240x32xf32, #tpu.memory_space<vmem_shared>>
    tpu.enqueue_indirect_dma source(%dma_start3A_114 : memref<10240x32xf32, #tpu.memory_space<vmem_shared>>) target(%arg15 : memref<128x32xf32, #tpu.memory_space<vmem>>) offsets(%dma_start3A_111 : memref<128xi32, #tpu.memory_space<vmem>>) semaphore(%arg25 : memref<!tpu.dma_semaphore, #tpu.memory_space<semaphore_mem>>)
    %scan3A = arith.constant 0 : i32
    %scan3A_115 = arith.constant 0 : i32
    %scan3A_116 = arith.constant 9 : i32
    %scan3A_117 = arith.addi %scan3A_115, %scan3A_116 : i32
    %scan3A_118 = arith.constant 1 : i32
    %scan3A_119 = scf.for %scan3A_234 = %scan3A_115 to %scan3A_117 step %scan3A_118 iter_args(%scan3A_235 = %scan3A) -> (i32)  : i32 {
      %mul3A_236 = arith.constant 8 : i32
      %mul3A_237 = arith.muli %scan3A_234, %mul3A_236 : i32
      %add3A_238 = arith.constant 4 : i32
      %add3A_239 = arith.addi %add3A_238, %mul3A_237 : i32
      %add3A_240 = arith.constant 0 : i32
      %add3A_241 = arith.addi %add3A_239, %add3A_240 : i32
      %dma_wait3A_242 = arith.constant 0 : i32
      %dma_wait3A_243 = tpu.memref_slice %arg6[%add3A_241, %dma_wait3A_242] : memref<80x128xi32, #tpu.memory_space<vmem>> -> memref<1x128xi32, #tpu.memory_space<vmem>>
      %dma_wait3A_244 = tpu.memref_squeeze %dma_wait3A_243 : memref<1x128xi32, #tpu.memory_space<vmem>> -> memref<128xi32, #tpu.memory_space<vmem>>
      %dma_wait3A_245 = arith.constant 0 : i32
      %dma_wait3A_246 = arith.constant 0 : i32
      %dma_wait3A_247 = tpu.memref_slice %arg16[%dma_wait3A_245, %dma_wait3A_246] : memref<10240x32xf32, #tpu.memory_space<vmem_shared>> -> memref<10240x32xf32, #tpu.memory_space<vmem_shared>>
      tpu.wait_indirect_dma semaphore(%arg22 : memref<!tpu.dma_semaphore, #tpu.memory_space<semaphore_mem>>) src(%dma_wait3A_247 : memref<10240x32xf32, #tpu.memory_space<vmem_shared>>) dst(%arg12 : memref<128x32xf32, #tpu.memory_space<vmem>>)
      %dma_start3A_248 = arith.constant 0 : i32
      %dma_start3A_249 = tpu.memref_slice %arg7[%add3A_241, %dma_start3A_248] : memref<80x128xi32, #tpu.memory_space<vmem>> -> memref<1x128xi32, #tpu.memory_space<vmem>>
      %dma_start3A_250 = tpu.memref_squeeze %dma_start3A_249 : memref<1x128xi32, #tpu.memory_space<vmem>> -> memref<128xi32, #tpu.memory_space<vmem>>
      %dma_start3A_251 = arith.constant 0 : i32
      %dma_start3A_252 = arith.constant 0 : i32
      %dma_start3A_253 = tpu.memref_slice %arg17[%dma_start3A_251, %dma_start3A_252] : memref<10240x32xf32, #tpu.memory_space<vmem_shared>> -> memref<10240x32xf32, #tpu.memory_space<vmem_shared>>
      tpu.enqueue_indirect_dma source(%arg12 : memref<128x32xf32, #tpu.memory_space<vmem>>) target(%dma_start3A_253 : memref<10240x32xf32, #tpu.memory_space<vmem_shared>>) offsets(%dma_start3A_250 : memref<128xi32, #tpu.memory_space<vmem>>) semaphore(%arg30 : memref<!tpu.dma_semaphore, #tpu.memory_space<semaphore_mem>>) {add = true}
      %dma_wait3A_254 = arith.constant 0 : i32
      %dma_wait3A_255 = arith.constant 0 : i32
      %dma_wait3A_256 = tpu.memref_slice %arg7[%dma_wait3A_254, %dma_wait3A_255] : memref<80x128xi32, #tpu.memory_space<vmem>> -> memref<1x128xi32, #tpu.memory_space<vmem>>
      %dma_wait3A_257 = tpu.memref_squeeze %dma_wait3A_256 : memref<1x128xi32, #tpu.memory_space<vmem>> -> memref<128xi32, #tpu.memory_space<vmem>>
      %dma_wait3A_258 = arith.constant 0 : i32
      %dma_wait3A_259 = arith.constant 0 : i32
      %dma_wait3A_260 = tpu.memref_slice %arg17[%dma_wait3A_258, %dma_wait3A_259] : memref<10240x32xf32, #tpu.memory_space<vmem_shared>> -> memref<10240x32xf32, #tpu.memory_space<vmem_shared>>
      tpu.wait_indirect_dma semaphore(%arg26 : memref<!tpu.dma_semaphore, #tpu.memory_space<semaphore_mem>>) src(%arg8 : memref<128x32xf32, #tpu.memory_space<vmem>>) dst(%dma_wait3A_260 : memref<10240x32xf32, #tpu.memory_space<vmem_shared>>)
      %add3A_261 = arith.constant 4 : i32
      %add3A_262 = arith.addi %add3A_241, %add3A_261 : i32
      %dma_start3A_263 = arith.constant 0 : i32
      %dma_start3A_264 = tpu.memref_slice %arg6[%add3A_262, %dma_start3A_263] : memref<80x128xi32, #tpu.memory_space<vmem>> -> memref<1x128xi32, #tpu.memory_space<vmem>>
      %dma_start3A_265 = tpu.memref_squeeze %dma_start3A_264 : memref<1x128xi32, #tpu.memory_space<vmem>> -> memref<128xi32, #tpu.memory_space<vmem>>
      %dma_start3A_266 = arith.constant 0 : i32
      %dma_start3A_267 = arith.constant 0 : i32
      %dma_start3A_268 = tpu.memref_slice %arg16[%dma_start3A_266, %dma_start3A_267] : memref<10240x32xf32, #tpu.memory_space<vmem_shared>> -> memref<10240x32xf32, #tpu.memory_space<vmem_shared>>
      tpu.enqueue_indirect_dma source(%dma_start3A_268 : memref<10240x32xf32, #tpu.memory_space<vmem_shared>>) target(%arg8 : memref<128x32xf32, #tpu.memory_space<vmem>>) offsets(%dma_start3A_265 : memref<128xi32, #tpu.memory_space<vmem>>) semaphore(%arg18 : memref<!tpu.dma_semaphore, #tpu.memory_space<semaphore_mem>>)
      %mul3A_269 = arith.constant 8 : i32
      %mul3A_270 = arith.muli %scan3A_234, %mul3A_269 : i32
      %add3A_271 = arith.constant 4 : i32
      %add3A_272 = arith.addi %add3A_271, %mul3A_270 : i32
      %add3A_273 = arith.constant 1 : i32
      %add3A_274 = arith.addi %add3A_272, %add3A_273 : i32
      %dma_wait3A_275 = arith.constant 0 : i32
      %dma_wait3A_276 = tpu.memref_slice %arg6[%add3A_274, %dma_wait3A_275] : memref<80x128xi32, #tpu.memory_space<vmem>> -> memref<1x128xi32, #tpu.memory_space<vmem>>
      %dma_wait3A_277 = tpu.memref_squeeze %dma_wait3A_276 : memref<1x128xi32, #tpu.memory_space<vmem>> -> memref<128xi32, #tpu.memory_space<vmem>>
      %dma_wait3A_278 = arith.constant 0 : i32
      %dma_wait3A_279 = arith.constant 0 : i32
      %dma_wait3A_280 = tpu.memref_slice %arg16[%dma_wait3A_278, %dma_wait3A_279] : memref<10240x32xf32, #tpu.memory_space<vmem_shared>> -> memref<10240x32xf32, #tpu.memory_space<vmem_shared>>
      tpu.wait_indirect_dma semaphore(%arg23 : memref<!tpu.dma_semaphore, #tpu.memory_space<semaphore_mem>>) src(%dma_wait3A_280 : memref<10240x32xf32, #tpu.memory_space<vmem_shared>>) dst(%arg13 : memref<128x32xf32, #tpu.memory_space<vmem>>)
      %dma_start3A_281 = arith.constant 0 : i32
      %dma_start3A_282 = tpu.memref_slice %arg7[%add3A_274, %dma_start3A_281] : memref<80x128xi32, #tpu.memory_space<vmem>> -> memref<1x128xi32, #tpu.memory_space<vmem>>
      %dma_start3A_283 = tpu.memref_squeeze %dma_start3A_282 : memref<1x128xi32, #tpu.memory_space<vmem>> -> memref<128xi32, #tpu.memory_space<vmem>>
      %dma_start3A_284 = arith.constant 0 : i32
      %dma_start3A_285 = arith.constant 0 : i32
      %dma_start3A_286 = tpu.memref_slice %arg17[%dma_start3A_284, %dma_start3A_285] : memref<10240x32xf32, #tpu.memory_space<vmem_shared>> -> memref<10240x32xf32, #tpu.memory_space<vmem_shared>>
      tpu.enqueue_indirect_dma source(%arg13 : memref<128x32xf32, #tpu.memory_space<vmem>>) target(%dma_start3A_286 : memref<10240x32xf32, #tpu.memory_space<vmem_shared>>) offsets(%dma_start3A_283 : memref<128xi32, #tpu.memory_space<vmem>>) semaphore(%arg31 : memref<!tpu.dma_semaphore, #tpu.memory_space<semaphore_mem>>) {add = true}
      %dma_wait3A_287 = arith.constant 0 : i32
      %dma_wait3A_288 = arith.constant 0 : i32
      %dma_wait3A_289 = tpu.memref_slice %arg7[%dma_wait3A_287, %dma_wait3A_288] : memref<80x128xi32, #tpu.memory_space<vmem>> -> memref<1x128xi32, #tpu.memory_space<vmem>>
      %dma_wait3A_290 = tpu.memref_squeeze %dma_wait3A_289 : memref<1x128xi32, #tpu.memory_space<vmem>> -> memref<128xi32, #tpu.memory_space<vmem>>
      %dma_wait3A_291 = arith.constant 0 : i32
      %dma_wait3A_292 = arith.constant 0 : i32
      %dma_wait3A_293 = tpu.memref_slice %arg17[%dma_wait3A_291, %dma_wait3A_292] : memref<10240x32xf32, #tpu.memory_space<vmem_shared>> -> memref<10240x32xf32, #tpu.memory_space<vmem_shared>>
      tpu.wait_indirect_dma semaphore(%arg27 : memref<!tpu.dma_semaphore, #tpu.memory_space<semaphore_mem>>) src(%arg9 : memref<128x32xf32, #tpu.memory_space<vmem>>) dst(%dma_wait3A_293 : memref<10240x32xf32, #tpu.memory_space<vmem_shared>>)
      %add3A_294 = arith.constant 4 : i32
      %add3A_295 = arith.addi %add3A_274, %add3A_294 : i32
      %dma_start3A_296 = arith.constant 0 : i32
      %dma_start3A_297 = tpu.memref_slice %arg6[%add3A_295, %dma_start3A_296] : memref<80x128xi32, #tpu.memory_space<vmem>> -> memref<1x128xi32, #tpu.memory_space<vmem>>
      %dma_start3A_298 = tpu.memref_squeeze %dma_start3A_297 : memref<1x128xi32, #tpu.memory_space<vmem>> -> memref<128xi32, #tpu.memory_space<vmem>>
      %dma_start3A_299 = arith.constant 0 : i32
      %dma_start3A_300 = arith.constant 0 : i32
      %dma_start3A_301 = tpu.memref_slice %arg16[%dma_start3A_299, %dma_start3A_300] : memref<10240x32xf32, #tpu.memory_space<vmem_shared>> -> memref<10240x32xf32, #tpu.memory_space<vmem_shared>>
      tpu.enqueue_indirect_dma source(%dma_start3A_301 : memref<10240x32xf32, #tpu.memory_space<vmem_shared>>) target(%arg9 : memref<128x32xf32, #tpu.memory_space<vmem>>) offsets(%dma_start3A_298 : memref<128xi32, #tpu.memory_space<vmem>>) semaphore(%arg19 : memref<!tpu.dma_semaphore, #tpu.memory_space<semaphore_mem>>)
      %mul3A_302 = arith.constant 8 : i32
      %mul3A_303 = arith.muli %scan3A_234, %mul3A_302 : i32
      %add3A_304 = arith.constant 4 : i32
      %add3A_305 = arith.addi %add3A_304, %mul3A_303 : i32
      %add3A_306 = arith.constant 2 : i32
      %add3A_307 = arith.addi %add3A_305, %add3A_306 : i32
      %dma_wait3A_308 = arith.constant 0 : i32
      %dma_wait3A_309 = tpu.memref_slice %arg6[%add3A_307, %dma_wait3A_308] : memref<80x128xi32, #tpu.memory_space<vmem>> -> memref<1x128xi32, #tpu.memory_space<vmem>>
      %dma_wait3A_310 = tpu.memref_squeeze %dma_wait3A_309 : memref<1x128xi32, #tpu.memory_space<vmem>> -> memref<128xi32, #tpu.memory_space<vmem>>
      %dma_wait3A_311 = arith.constant 0 : i32
      %dma_wait3A_312 = arith.constant 0 : i32
      %dma_wait3A_313 = tpu.memref_slice %arg16[%dma_wait3A_311, %dma_wait3A_312] : memref<10240x32xf32, #tpu.memory_space<vmem_shared>> -> memref<10240x32xf32, #tpu.memory_space<vmem_shared>>
      tpu.wait_indirect_dma semaphore(%arg24 : memref<!tpu.dma_semaphore, #tpu.memory_space<semaphore_mem>>) src(%dma_wait3A_313 : memref<10240x32xf32, #tpu.memory_space<vmem_shared>>) dst(%arg14 : memref<128x32xf32, #tpu.memory_space<vmem>>)
      %dma_start3A_314 = arith.constant 0 : i32
      %dma_start3A_315 = tpu.memref_slice %arg7[%add3A_307, %dma_start3A_314] : memref<80x128xi32, #tpu.memory_space<vmem>> -> memref<1x128xi32, #tpu.memory_space<vmem>>
      %dma_start3A_316 = tpu.memref_squeeze %dma_start3A_315 : memref<1x128xi32, #tpu.memory_space<vmem>> -> memref<128xi32, #tpu.memory_space<vmem>>
      %dma_start3A_317 = arith.constant 0 : i32
      %dma_start3A_318 = arith.constant 0 : i32
      %dma_start3A_319 = tpu.memref_slice %arg17[%dma_start3A_317, %dma_start3A_318] : memref<10240x32xf32, #tpu.memory_space<vmem_shared>> -> memref<10240x32xf32, #tpu.memory_space<vmem_shared>>
      tpu.enqueue_indirect_dma source(%arg14 : memref<128x32xf32, #tpu.memory_space<vmem>>) target(%dma_start3A_319 : memref<10240x32xf32, #tpu.memory_space<vmem_shared>>) offsets(%dma_start3A_316 : memref<128xi32, #tpu.memory_space<vmem>>) semaphore(%arg32 : memref<!tpu.dma_semaphore, #tpu.memory_space<semaphore_mem>>) {add = true}
      %dma_wait3A_320 = arith.constant 0 : i32
      %dma_wait3A_321 = arith.constant 0 : i32
      %dma_wait3A_322 = tpu.memref_slice %arg7[%dma_wait3A_320, %dma_wait3A_321] : memref<80x128xi32, #tpu.memory_space<vmem>> -> memref<1x128xi32, #tpu.memory_space<vmem>>
      %dma_wait3A_323 = tpu.memref_squeeze %dma_wait3A_322 : memref<1x128xi32, #tpu.memory_space<vmem>> -> memref<128xi32, #tpu.memory_space<vmem>>
      %dma_wait3A_324 = arith.constant 0 : i32
      %dma_wait3A_325 = arith.constant 0 : i32
      %dma_wait3A_326 = tpu.memref_slice %arg17[%dma_wait3A_324, %dma_wait3A_325] : memref<10240x32xf32, #tpu.memory_space<vmem_shared>> -> memref<10240x32xf32, #tpu.memory_space<vmem_shared>>
      tpu.wait_indirect_dma semaphore(%arg28 : memref<!tpu.dma_semaphore, #tpu.memory_space<semaphore_mem>>) src(%arg10 : memref<128x32xf32, #tpu.memory_space<vmem>>) dst(%dma_wait3A_326 : memref<10240x32xf32, #tpu.memory_space<vmem_shared>>)
      %add3A_327 = arith.constant 4 : i32
      %add3A_328 = arith.addi %add3A_307, %add3A_327 : i32
      %dma_start3A_329 = arith.constant 0 : i32
      %dma_start3A_330 = tpu.memref_slice %arg6[%add3A_328, %dma_start3A_329] : memref<80x128xi32, #tpu.memory_space<vmem>> -> memref<1x128xi32, #tpu.memory_space<vmem>>
      %dma_start3A_331 = tpu.memref_squeeze %dma_start3A_330 : memref<1x128xi32, #tpu.memory_space<vmem>> -> memref<128xi32, #tpu.memory_space<vmem>>
      %dma_start3A_332 = arith.constant 0 : i32
      %dma_start3A_333 = arith.constant 0 : i32
      %dma_start3A_334 = tpu.memref_slice %arg16[%dma_start3A_332, %dma_start3A_333] : memref<10240x32xf32, #tpu.memory_space<vmem_shared>> -> memref<10240x32xf32, #tpu.memory_space<vmem_shared>>
      tpu.enqueue_indirect_dma source(%dma_start3A_334 : memref<10240x32xf32, #tpu.memory_space<vmem_shared>>) target(%arg10 : memref<128x32xf32, #tpu.memory_space<vmem>>) offsets(%dma_start3A_331 : memref<128xi32, #tpu.memory_space<vmem>>) semaphore(%arg20 : memref<!tpu.dma_semaphore, #tpu.memory_space<semaphore_mem>>)
      %mul3A_335 = arith.constant 8 : i32
      %mul3A_336 = arith.muli %scan3A_234, %mul3A_335 : i32
      %add3A_337 = arith.constant 4 : i32
      %add3A_338 = arith.addi %add3A_337, %mul3A_336 : i32
      %add3A_339 = arith.constant 3 : i32
      %add3A_340 = arith.addi %add3A_338, %add3A_339 : i32
      %dma_wait3A_341 = arith.constant 0 : i32
      %dma_wait3A_342 = tpu.memref_slice %arg6[%add3A_340, %dma_wait3A_341] : memref<80x128xi32, #tpu.memory_space<vmem>> -> memref<1x128xi32, #tpu.memory_space<vmem>>
      %dma_wait3A_343 = tpu.memref_squeeze %dma_wait3A_342 : memref<1x128xi32, #tpu.memory_space<vmem>> -> memref<128xi32, #tpu.memory_space<vmem>>
      %dma_wait3A_344 = arith.constant 0 : i32
      %dma_wait3A_345 = arith.constant 0 : i32
      %dma_wait3A_346 = tpu.memref_slice %arg16[%dma_wait3A_344, %dma_wait3A_345] : memref<10240x32xf32, #tpu.memory_space<vmem_shared>> -> memref<10240x32xf32, #tpu.memory_space<vmem_shared>>
      tpu.wait_indirect_dma semaphore(%arg25 : memref<!tpu.dma_semaphore, #tpu.memory_space<semaphore_mem>>) src(%dma_wait3A_346 : memref<10240x32xf32, #tpu.memory_space<vmem_shared>>) dst(%arg15 : memref<128x32xf32, #tpu.memory_space<vmem>>)
      %dma_start3A_347 = arith.constant 0 : i32
      %dma_start3A_348 = tpu.memref_slice %arg7[%add3A_340, %dma_start3A_347] : memref<80x128xi32, #tpu.memory_space<vmem>> -> memref<1x128xi32, #tpu.memory_space<vmem>>
      %dma_start3A_349 = tpu.memref_squeeze %dma_start3A_348 : memref<1x128xi32, #tpu.memory_space<vmem>> -> memref<128xi32, #tpu.memory_space<vmem>>
      %dma_start3A_350 = arith.constant 0 : i32
      %dma_start3A_351 = arith.constant 0 : i32
      %dma_start3A_352 = tpu.memref_slice %arg17[%dma_start3A_350, %dma_start3A_351] : memref<10240x32xf32, #tpu.memory_space<vmem_shared>> -> memref<10240x32xf32, #tpu.memory_space<vmem_shared>>
      tpu.enqueue_indirect_dma source(%arg15 : memref<128x32xf32, #tpu.memory_space<vmem>>) target(%dma_start3A_352 : memref<10240x32xf32, #tpu.memory_space<vmem_shared>>) offsets(%dma_start3A_349 : memref<128xi32, #tpu.memory_space<vmem>>) semaphore(%arg33 : memref<!tpu.dma_semaphore, #tpu.memory_space<semaphore_mem>>) {add = true}
      %dma_wait3A_353 = arith.constant 0 : i32
      %dma_wait3A_354 = arith.constant 0 : i32
      %dma_wait3A_355 = tpu.memref_slice %arg7[%dma_wait3A_353, %dma_wait3A_354] : memref<80x128xi32, #tpu.memory_space<vmem>> -> memref<1x128xi32, #tpu.memory_space<vmem>>
      %dma_wait3A_356 = tpu.memref_squeeze %dma_wait3A_355 : memref<1x128xi32, #tpu.memory_space<vmem>> -> memref<128xi32, #tpu.memory_space<vmem>>
      %dma_wait3A_357 = arith.constant 0 : i32
      %dma_wait3A_358 = arith.constant 0 : i32
      %dma_wait3A_359 = tpu.memref_slice %arg17[%dma_wait3A_357, %dma_wait3A_358] : memref<10240x32xf32, #tpu.memory_space<vmem_shared>> -> memref<10240x32xf32, #tpu.memory_space<vmem_shared>>
      tpu.wait_indirect_dma semaphore(%arg29 : memref<!tpu.dma_semaphore, #tpu.memory_space<semaphore_mem>>) src(%arg11 : memref<128x32xf32, #tpu.memory_space<vmem>>) dst(%dma_wait3A_359 : memref<10240x32xf32, #tpu.memory_space<vmem_shared>>)
      %add3A_360 = arith.constant 4 : i32
      %add3A_361 = arith.addi %add3A_340, %add3A_360 : i32
      %dma_start3A_362 = arith.constant 0 : i32
      %dma_start3A_363 = tpu.memref_slice %arg6[%add3A_361, %dma_start3A_362] : memref<80x128xi32, #tpu.memory_space<vmem>> -> memref<1x128xi32, #tpu.memory_space<vmem>>
      %dma_start3A_364 = tpu.memref_squeeze %dma_start3A_363 : memref<1x128xi32, #tpu.memory_space<vmem>> -> memref<128xi32, #tpu.memory_space<vmem>>
      %dma_start3A_365 = arith.constant 0 : i32
      %dma_start3A_366 = arith.constant 0 : i32
      %dma_start3A_367 = tpu.memref_slice %arg16[%dma_start3A_365, %dma_start3A_366] : memref<10240x32xf32, #tpu.memory_space<vmem_shared>> -> memref<10240x32xf32, #tpu.memory_space<vmem_shared>>
      tpu.enqueue_indirect_dma source(%dma_start3A_367 : memref<10240x32xf32, #tpu.memory_space<vmem_shared>>) target(%arg11 : memref<128x32xf32, #tpu.memory_space<vmem>>) offsets(%dma_start3A_364 : memref<128xi32, #tpu.memory_space<vmem>>) semaphore(%arg21 : memref<!tpu.dma_semaphore, #tpu.memory_space<semaphore_mem>>)
      %mul3A_368 = arith.constant 8 : i32
      %mul3A_369 = arith.muli %scan3A_234, %mul3A_368 : i32
      %add3A_370 = arith.constant 4 : i32
      %add3A_371 = arith.addi %add3A_370, %mul3A_369 : i32
      %add3A_372 = arith.constant 4 : i32
      %add3A_373 = arith.addi %add3A_371, %add3A_372 : i32
      %dma_wait3A_374 = arith.constant 0 : i32
      %dma_wait3A_375 = tpu.memref_slice %arg6[%add3A_373, %dma_wait3A_374] : memref<80x128xi32, #tpu.memory_space<vmem>> -> memref<1x128xi32, #tpu.memory_space<vmem>>
      %dma_wait3A_376 = tpu.memref_squeeze %dma_wait3A_375 : memref<1x128xi32, #tpu.memory_space<vmem>> -> memref<128xi32, #tpu.memory_space<vmem>>
      %dma_wait3A_377 = arith.constant 0 : i32
      %dma_wait3A_378 = arith.constant 0 : i32
      %dma_wait3A_379 = tpu.memref_slice %arg16[%dma_wait3A_377, %dma_wait3A_378] : memref<10240x32xf32, #tpu.memory_space<vmem_shared>> -> memref<10240x32xf32, #tpu.memory_space<vmem_shared>>
      tpu.wait_indirect_dma semaphore(%arg18 : memref<!tpu.dma_semaphore, #tpu.memory_space<semaphore_mem>>) src(%dma_wait3A_379 : memref<10240x32xf32, #tpu.memory_space<vmem_shared>>) dst(%arg8 : memref<128x32xf32, #tpu.memory_space<vmem>>)
      %dma_start3A_380 = arith.constant 0 : i32
      %dma_start3A_381 = tpu.memref_slice %arg7[%add3A_373, %dma_start3A_380] : memref<80x128xi32, #tpu.memory_space<vmem>> -> memref<1x128xi32, #tpu.memory_space<vmem>>
      %dma_start3A_382 = tpu.memref_squeeze %dma_start3A_381 : memref<1x128xi32, #tpu.memory_space<vmem>> -> memref<128xi32, #tpu.memory_space<vmem>>
      %dma_start3A_383 = arith.constant 0 : i32
      %dma_start3A_384 = arith.constant 0 : i32
      %dma_start3A_385 = tpu.memref_slice %arg17[%dma_start3A_383, %dma_start3A_384] : memref<10240x32xf32, #tpu.memory_space<vmem_shared>> -> memref<10240x32xf32, #tpu.memory_space<vmem_shared>>
      tpu.enqueue_indirect_dma source(%arg8 : memref<128x32xf32, #tpu.memory_space<vmem>>) target(%dma_start3A_385 : memref<10240x32xf32, #tpu.memory_space<vmem_shared>>) offsets(%dma_start3A_382 : memref<128xi32, #tpu.memory_space<vmem>>) semaphore(%arg26 : memref<!tpu.dma_semaphore, #tpu.memory_space<semaphore_mem>>) {add = true}
      %dma_wait3A_386 = arith.constant 0 : i32
      %dma_wait3A_387 = arith.constant 0 : i32
      %dma_wait3A_388 = tpu.memref_slice %arg7[%dma_wait3A_386, %dma_wait3A_387] : memref<80x128xi32, #tpu.memory_space<vmem>> -> memref<1x128xi32, #tpu.memory_space<vmem>>
      %dma_wait3A_389 = tpu.memref_squeeze %dma_wait3A_388 : memref<1x128xi32, #tpu.memory_space<vmem>> -> memref<128xi32, #tpu.memory_space<vmem>>
      %dma_wait3A_390 = arith.constant 0 : i32
      %dma_wait3A_391 = arith.constant 0 : i32
      %dma_wait3A_392 = tpu.memref_slice %arg17[%dma_wait3A_390, %dma_wait3A_391] : memref<10240x32xf32, #tpu.memory_space<vmem_shared>> -> memref<10240x32xf32, #tpu.memory_space<vmem_shared>>
      tpu.wait_indirect_dma semaphore(%arg30 : memref<!tpu.dma_semaphore, #tpu.memory_space<semaphore_mem>>) src(%arg12 : memref<128x32xf32, #tpu.memory_space<vmem>>) dst(%dma_wait3A_392 : memref<10240x32xf32, #tpu.memory_space<vmem_shared>>)
      %add3A_393 = arith.constant 4 : i32
      %add3A_394 = arith.addi %add3A_373, %add3A_393 : i32
      %dma_start3A_395 = arith.constant 0 : i32
      %dma_start3A_396 = tpu.memref_slice %arg6[%add3A_394, %dma_start3A_395] : memref<80x128xi32, #tpu.memory_space<vmem>> -> memref<1x128xi32, #tpu.memory_space<vmem>>
      %dma_start3A_397 = tpu.memref_squeeze %dma_start3A_396 : memref<1x128xi32, #tpu.memory_space<vmem>> -> memref<128xi32, #tpu.memory_space<vmem>>
      %dma_start3A_398 = arith.constant 0 : i32
      %dma_start3A_399 = arith.constant 0 : i32
      %dma_start3A_400 = tpu.memref_slice %arg16[%dma_start3A_398, %dma_start3A_399] : memref<10240x32xf32, #tpu.memory_space<vmem_shared>> -> memref<10240x32xf32, #tpu.memory_space<vmem_shared>>
      tpu.enqueue_indirect_dma source(%dma_start3A_400 : memref<10240x32xf32, #tpu.memory_space<vmem_shared>>) target(%arg12 : memref<128x32xf32, #tpu.memory_space<vmem>>) offsets(%dma_start3A_397 : memref<128xi32, #tpu.memory_space<vmem>>) semaphore(%arg22 : memref<!tpu.dma_semaphore, #tpu.memory_space<semaphore_mem>>)
      %mul3A_401 = arith.constant 8 : i32
      %mul3A_402 = arith.muli %scan3A_234, %mul3A_401 : i32
      %add3A_403 = arith.constant 4 : i32
      %add3A_404 = arith.addi %add3A_403, %mul3A_402 : i32
      %add3A_405 = arith.constant 5 : i32
      %add3A_406 = arith.addi %add3A_404, %add3A_405 : i32
      %dma_wait3A_407 = arith.constant 0 : i32
      %dma_wait3A_408 = tpu.memref_slice %arg6[%add3A_406, %dma_wait3A_407] : memref<80x128xi32, #tpu.memory_space<vmem>> -> memref<1x128xi32, #tpu.memory_space<vmem>>
      %dma_wait3A_409 = tpu.memref_squeeze %dma_wait3A_408 : memref<1x128xi32, #tpu.memory_space<vmem>> -> memref<128xi32, #tpu.memory_space<vmem>>
      %dma_wait3A_410 = arith.constant 0 : i32
      %dma_wait3A_411 = arith.constant 0 : i32
      %dma_wait3A_412 = tpu.memref_slice %arg16[%dma_wait3A_410, %dma_wait3A_411] : memref<10240x32xf32, #tpu.memory_space<vmem_shared>> -> memref<10240x32xf32, #tpu.memory_space<vmem_shared>>
      tpu.wait_indirect_dma semaphore(%arg19 : memref<!tpu.dma_semaphore, #tpu.memory_space<semaphore_mem>>) src(%dma_wait3A_412 : memref<10240x32xf32, #tpu.memory_space<vmem_shared>>) dst(%arg9 : memref<128x32xf32, #tpu.memory_space<vmem>>)
      %dma_start3A_413 = arith.constant 0 : i32
      %dma_start3A_414 = tpu.memref_slice %arg7[%add3A_406, %dma_start3A_413] : memref<80x128xi32, #tpu.memory_space<vmem>> -> memref<1x128xi32, #tpu.memory_space<vmem>>
      %dma_start3A_415 = tpu.memref_squeeze %dma_start3A_414 : memref<1x128xi32, #tpu.memory_space<vmem>> -> memref<128xi32, #tpu.memory_space<vmem>>
      %dma_start3A_416 = arith.constant 0 : i32
      %dma_start3A_417 = arith.constant 0 : i32
      %dma_start3A_418 = tpu.memref_slice %arg17[%dma_start3A_416, %dma_start3A_417] : memref<10240x32xf32, #tpu.memory_space<vmem_shared>> -> memref<10240x32xf32, #tpu.memory_space<vmem_shared>>
      tpu.enqueue_indirect_dma source(%arg9 : memref<128x32xf32, #tpu.memory_space<vmem>>) target(%dma_start3A_418 : memref<10240x32xf32, #tpu.memory_space<vmem_shared>>) offsets(%dma_start3A_415 : memref<128xi32, #tpu.memory_space<vmem>>) semaphore(%arg27 : memref<!tpu.dma_semaphore, #tpu.memory_space<semaphore_mem>>) {add = true}
      %dma_wait3A_419 = arith.constant 0 : i32
      %dma_wait3A_420 = arith.constant 0 : i32
      %dma_wait3A_421 = tpu.memref_slice %arg7[%dma_wait3A_419, %dma_wait3A_420] : memref<80x128xi32, #tpu.memory_space<vmem>> -> memref<1x128xi32, #tpu.memory_space<vmem>>
      %dma_wait3A_422 = tpu.memref_squeeze %dma_wait3A_421 : memref<1x128xi32, #tpu.memory_space<vmem>> -> memref<128xi32, #tpu.memory_space<vmem>>
      %dma_wait3A_423 = arith.constant 0 : i32
      %dma_wait3A_424 = arith.constant 0 : i32
      %dma_wait3A_425 = tpu.memref_slice %arg17[%dma_wait3A_423, %dma_wait3A_424] : memref<10240x32xf32, #tpu.memory_space<vmem_shared>> -> memref<10240x32xf32, #tpu.memory_space<vmem_shared>>
      tpu.wait_indirect_dma semaphore(%arg31 : memref<!tpu.dma_semaphore, #tpu.memory_space<semaphore_mem>>) src(%arg13 : memref<128x32xf32, #tpu.memory_space<vmem>>) dst(%dma_wait3A_425 : memref<10240x32xf32, #tpu.memory_space<vmem_shared>>)
      %add3A_426 = arith.constant 4 : i32
      %add3A_427 = arith.addi %add3A_406, %add3A_426 : i32
      %dma_start3A_428 = arith.constant 0 : i32
      %dma_start3A_429 = tpu.memref_slice %arg6[%add3A_427, %dma_start3A_428] : memref<80x128xi32, #tpu.memory_space<vmem>> -> memref<1x128xi32, #tpu.memory_space<vmem>>
      %dma_start3A_430 = tpu.memref_squeeze %dma_start3A_429 : memref<1x128xi32, #tpu.memory_space<vmem>> -> memref<128xi32, #tpu.memory_space<vmem>>
      %dma_start3A_431 = arith.constant 0 : i32
      %dma_start3A_432 = arith.constant 0 : i32
      %dma_start3A_433 = tpu.memref_slice %arg16[%dma_start3A_431, %dma_start3A_432] : memref<10240x32xf32, #tpu.memory_space<vmem_shared>> -> memref<10240x32xf32, #tpu.memory_space<vmem_shared>>
      tpu.enqueue_indirect_dma source(%dma_start3A_433 : memref<10240x32xf32, #tpu.memory_space<vmem_shared>>) target(%arg13 : memref<128x32xf32, #tpu.memory_space<vmem>>) offsets(%dma_start3A_430 : memref<128xi32, #tpu.memory_space<vmem>>) semaphore(%arg23 : memref<!tpu.dma_semaphore, #tpu.memory_space<semaphore_mem>>)
      %mul3A_434 = arith.constant 8 : i32
      %mul3A_435 = arith.muli %scan3A_234, %mul3A_434 : i32
      %add3A_436 = arith.constant 4 : i32
      %add3A_437 = arith.addi %add3A_436, %mul3A_435 : i32
      %add3A_438 = arith.constant 6 : i32
      %add3A_439 = arith.addi %add3A_437, %add3A_438 : i32
      %dma_wait3A_440 = arith.constant 0 : i32
      %dma_wait3A_441 = tpu.memref_slice %arg6[%add3A_439, %dma_wait3A_440] : memref<80x128xi32, #tpu.memory_space<vmem>> -> memref<1x128xi32, #tpu.memory_space<vmem>>
      %dma_wait3A_442 = tpu.memref_squeeze %dma_wait3A_441 : memref<1x128xi32, #tpu.memory_space<vmem>> -> memref<128xi32, #tpu.memory_space<vmem>>
      %dma_wait3A_443 = arith.constant 0 : i32
      %dma_wait3A_444 = arith.constant 0 : i32
      %dma_wait3A_445 = tpu.memref_slice %arg16[%dma_wait3A_443, %dma_wait3A_444] : memref<10240x32xf32, #tpu.memory_space<vmem_shared>> -> memref<10240x32xf32, #tpu.memory_space<vmem_shared>>
      tpu.wait_indirect_dma semaphore(%arg20 : memref<!tpu.dma_semaphore, #tpu.memory_space<semaphore_mem>>) src(%dma_wait3A_445 : memref<10240x32xf32, #tpu.memory_space<vmem_shared>>) dst(%arg10 : memref<128x32xf32, #tpu.memory_space<vmem>>)
      %dma_start3A_446 = arith.constant 0 : i32
      %dma_start3A_447 = tpu.memref_slice %arg7[%add3A_439, %dma_start3A_446] : memref<80x128xi32, #tpu.memory_space<vmem>> -> memref<1x128xi32, #tpu.memory_space<vmem>>
      %dma_start3A_448 = tpu.memref_squeeze %dma_start3A_447 : memref<1x128xi32, #tpu.memory_space<vmem>> -> memref<128xi32, #tpu.memory_space<vmem>>
      %dma_start3A_449 = arith.constant 0 : i32
      %dma_start3A_450 = arith.constant 0 : i32
      %dma_start3A_451 = tpu.memref_slice %arg17[%dma_start3A_449, %dma_start3A_450] : memref<10240x32xf32, #tpu.memory_space<vmem_shared>> -> memref<10240x32xf32, #tpu.memory_space<vmem_shared>>
      tpu.enqueue_indirect_dma source(%arg10 : memref<128x32xf32, #tpu.memory_space<vmem>>) target(%dma_start3A_451 : memref<10240x32xf32, #tpu.memory_space<vmem_shared>>) offsets(%dma_start3A_448 : memref<128xi32, #tpu.memory_space<vmem>>) semaphore(%arg28 : memref<!tpu.dma_semaphore, #tpu.memory_space<semaphore_mem>>) {add = true}
      %dma_wait3A_452 = arith.constant 0 : i32
      %dma_wait3A_453 = arith.constant 0 : i32
      %dma_wait3A_454 = tpu.memref_slice %arg7[%dma_wait3A_452, %dma_wait3A_453] : memref<80x128xi32, #tpu.memory_space<vmem>> -> memref<1x128xi32, #tpu.memory_space<vmem>>
      %dma_wait3A_455 = tpu.memref_squeeze %dma_wait3A_454 : memref<1x128xi32, #tpu.memory_space<vmem>> -> memref<128xi32, #tpu.memory_space<vmem>>
      %dma_wait3A_456 = arith.constant 0 : i32
      %dma_wait3A_457 = arith.constant 0 : i32
      %dma_wait3A_458 = tpu.memref_slice %arg17[%dma_wait3A_456, %dma_wait3A_457] : memref<10240x32xf32, #tpu.memory_space<vmem_shared>> -> memref<10240x32xf32, #tpu.memory_space<vmem_shared>>
      tpu.wait_indirect_dma semaphore(%arg32 : memref<!tpu.dma_semaphore, #tpu.memory_space<semaphore_mem>>) src(%arg14 : memref<128x32xf32, #tpu.memory_space<vmem>>) dst(%dma_wait3A_458 : memref<10240x32xf32, #tpu.memory_space<vmem_shared>>)
      %add3A_459 = arith.constant 4 : i32
      %add3A_460 = arith.addi %add3A_439, %add3A_459 : i32
      %dma_start3A_461 = arith.constant 0 : i32
      %dma_start3A_462 = tpu.memref_slice %arg6[%add3A_460, %dma_start3A_461] : memref<80x128xi32, #tpu.memory_space<vmem>> -> memref<1x128xi32, #tpu.memory_space<vmem>>
      %dma_start3A_463 = tpu.memref_squeeze %dma_start3A_462 : memref<1x128xi32, #tpu.memory_space<vmem>> -> memref<128xi32, #tpu.memory_space<vmem>>
      %dma_start3A_464 = arith.constant 0 : i32
      %dma_start3A_465 = arith.constant 0 : i32
      %dma_start3A_466 = tpu.memref_slice %arg16[%dma_start3A_464, %dma_start3A_465] : memref<10240x32xf32, #tpu.memory_space<vmem_shared>> -> memref<10240x32xf32, #tpu.memory_space<vmem_shared>>
      tpu.enqueue_indirect_dma source(%dma_start3A_466 : memref<10240x32xf32, #tpu.memory_space<vmem_shared>>) target(%arg14 : memref<128x32xf32, #tpu.memory_space<vmem>>) offsets(%dma_start3A_463 : memref<128xi32, #tpu.memory_space<vmem>>) semaphore(%arg24 : memref<!tpu.dma_semaphore, #tpu.memory_space<semaphore_mem>>)
      %mul3A_467 = arith.constant 8 : i32
      %mul3A_468 = arith.muli %scan3A_234, %mul3A_467 : i32
      %add3A_469 = arith.constant 4 : i32
      %add3A_470 = arith.addi %add3A_469, %mul3A_468 : i32
      %add3A_471 = arith.constant 7 : i32
      %add3A_472 = arith.addi %add3A_470, %add3A_471 : i32
      %dma_wait3A_473 = arith.constant 0 : i32
      %dma_wait3A_474 = tpu.memref_slice %arg6[%add3A_472, %dma_wait3A_473] : memref<80x128xi32, #tpu.memory_space<vmem>> -> memref<1x128xi32, #tpu.memory_space<vmem>>
      %dma_wait3A_475 = tpu.memref_squeeze %dma_wait3A_474 : memref<1x128xi32, #tpu.memory_space<vmem>> -> memref<128xi32, #tpu.memory_space<vmem>>
      %dma_wait3A_476 = arith.constant 0 : i32
      %dma_wait3A_477 = arith.constant 0 : i32
      %dma_wait3A_478 = tpu.memref_slice %arg16[%dma_wait3A_476, %dma_wait3A_477] : memref<10240x32xf32, #tpu.memory_space<vmem_shared>> -> memref<10240x32xf32, #tpu.memory_space<vmem_shared>>
      tpu.wait_indirect_dma semaphore(%arg21 : memref<!tpu.dma_semaphore, #tpu.memory_space<semaphore_mem>>) src(%dma_wait3A_478 : memref<10240x32xf32, #tpu.memory_space<vmem_shared>>) dst(%arg11 : memref<128x32xf32, #tpu.memory_space<vmem>>)
      %dma_start3A_479 = arith.constant 0 : i32
      %dma_start3A_480 = tpu.memref_slice %arg7[%add3A_472, %dma_start3A_479] : memref<80x128xi32, #tpu.memory_space<vmem>> -> memref<1x128xi32, #tpu.memory_space<vmem>>
      %dma_start3A_481 = tpu.memref_squeeze %dma_start3A_480 : memref<1x128xi32, #tpu.memory_space<vmem>> -> memref<128xi32, #tpu.memory_space<vmem>>
      %dma_start3A_482 = arith.constant 0 : i32
      %dma_start3A_483 = arith.constant 0 : i32
      %dma_start3A_484 = tpu.memref_slice %arg17[%dma_start3A_482, %dma_start3A_483] : memref<10240x32xf32, #tpu.memory_space<vmem_shared>> -> memref<10240x32xf32, #tpu.memory_space<vmem_shared>>
      tpu.enqueue_indirect_dma source(%arg11 : memref<128x32xf32, #tpu.memory_space<vmem>>) target(%dma_start3A_484 : memref<10240x32xf32, #tpu.memory_space<vmem_shared>>) offsets(%dma_start3A_481 : memref<128xi32, #tpu.memory_space<vmem>>) semaphore(%arg29 : memref<!tpu.dma_semaphore, #tpu.memory_space<semaphore_mem>>) {add = true}
      %dma_wait3A_485 = arith.constant 0 : i32
      %dma_wait3A_486 = arith.constant 0 : i32
      %dma_wait3A_487 = tpu.memref_slice %arg7[%dma_wait3A_485, %dma_wait3A_486] : memref<80x128xi32, #tpu.memory_space<vmem>> -> memref<1x128xi32, #tpu.memory_space<vmem>>
      %dma_wait3A_488 = tpu.memref_squeeze %dma_wait3A_487 : memref<1x128xi32, #tpu.memory_space<vmem>> -> memref<128xi32, #tpu.memory_space<vmem>>
      %dma_wait3A_489 = arith.constant 0 : i32
      %dma_wait3A_490 = arith.constant 0 : i32
      %dma_wait3A_491 = tpu.memref_slice %arg17[%dma_wait3A_489, %dma_wait3A_490] : memref<10240x32xf32, #tpu.memory_space<vmem_shared>> -> memref<10240x32xf32, #tpu.memory_space<vmem_shared>>
      tpu.wait_indirect_dma semaphore(%arg33 : memref<!tpu.dma_semaphore, #tpu.memory_space<semaphore_mem>>) src(%arg15 : memref<128x32xf32, #tpu.memory_space<vmem>>) dst(%dma_wait3A_491 : memref<10240x32xf32, #tpu.memory_space<vmem_shared>>)
      %add3A_492 = arith.constant 4 : i32
      %add3A_493 = arith.addi %add3A_472, %add3A_492 : i32
      %dma_start3A_494 = arith.constant 0 : i32
      %dma_start3A_495 = tpu.memref_slice %arg6[%add3A_493, %dma_start3A_494] : memref<80x128xi32, #tpu.memory_space<vmem>> -> memref<1x128xi32, #tpu.memory_space<vmem>>
      %dma_start3A_496 = tpu.memref_squeeze %dma_start3A_495 : memref<1x128xi32, #tpu.memory_space<vmem>> -> memref<128xi32, #tpu.memory_space<vmem>>
      %dma_start3A_497 = arith.constant 0 : i32
      %dma_start3A_498 = arith.constant 0 : i32
      %dma_start3A_499 = tpu.memref_slice %arg16[%dma_start3A_497, %dma_start3A_498] : memref<10240x32xf32, #tpu.memory_space<vmem_shared>> -> memref<10240x32xf32, #tpu.memory_space<vmem_shared>>
      tpu.enqueue_indirect_dma source(%dma_start3A_499 : memref<10240x32xf32, #tpu.memory_space<vmem_shared>>) target(%arg15 : memref<128x32xf32, #tpu.memory_space<vmem>>) offsets(%dma_start3A_496 : memref<128xi32, #tpu.memory_space<vmem>>) semaphore(%arg25 : memref<!tpu.dma_semaphore, #tpu.memory_space<semaphore_mem>>)
      %scan3A_500 = arith.constant 0 : i32
      scf.yield %scan3A_500 : i32
    }
    %scan3A_120 = arith.constant 9 : i32
    %dma_wait3A_121 = arith.constant 76 : i32
    %dma_wait3A_122 = arith.constant 0 : i32
    %dma_wait3A_123 = tpu.memref_slice %arg6[%dma_wait3A_121, %dma_wait3A_122] : memref<80x128xi32, #tpu.memory_space<vmem>> -> memref<1x128xi32, #tpu.memory_space<vmem>>
    %dma_wait3A_124 = tpu.memref_squeeze %dma_wait3A_123 : memref<1x128xi32, #tpu.memory_space<vmem>> -> memref<128xi32, #tpu.memory_space<vmem>>
    %dma_wait3A_125 = arith.constant 0 : i32
    %dma_wait3A_126 = arith.constant 0 : i32
    %dma_wait3A_127 = tpu.memref_slice %arg16[%dma_wait3A_125, %dma_wait3A_126] : memref<10240x32xf32, #tpu.memory_space<vmem_shared>> -> memref<10240x32xf32, #tpu.memory_space<vmem_shared>>
    tpu.wait_indirect_dma semaphore(%arg22 : memref<!tpu.dma_semaphore, #tpu.memory_space<semaphore_mem>>) src(%dma_wait3A_127 : memref<10240x32xf32, #tpu.memory_space<vmem_shared>>) dst(%arg12 : memref<128x32xf32, #tpu.memory_space<vmem>>)
    %dma_start3A_128 = arith.constant 76 : i32
    %dma_start3A_129 = arith.constant 0 : i32
    %dma_start3A_130 = tpu.memref_slice %arg7[%dma_start3A_128, %dma_start3A_129] : memref<80x128xi32, #tpu.memory_space<vmem>> -> memref<1x128xi32, #tpu.memory_space<vmem>>
    %dma_start3A_131 = tpu.memref_squeeze %dma_start3A_130 : memref<1x128xi32, #tpu.memory_space<vmem>> -> memref<128xi32, #tpu.memory_space<vmem>>
    %dma_start3A_132 = arith.constant 0 : i32
    %dma_start3A_133 = arith.constant 0 : i32
    %dma_start3A_134 = tpu.memref_slice %arg17[%dma_start3A_132, %dma_start3A_133] : memref<10240x32xf32, #tpu.memory_space<vmem_shared>> -> memref<10240x32xf32, #tpu.memory_space<vmem_shared>>
    tpu.enqueue_indirect_dma source(%arg12 : memref<128x32xf32, #tpu.memory_space<vmem>>) target(%dma_start3A_134 : memref<10240x32xf32, #tpu.memory_space<vmem_shared>>) offsets(%dma_start3A_131 : memref<128xi32, #tpu.memory_space<vmem>>) semaphore(%arg30 : memref<!tpu.dma_semaphore, #tpu.memory_space<semaphore_mem>>) {add = true}
    %dma_wait3A_135 = arith.constant 77 : i32
    %dma_wait3A_136 = arith.constant 0 : i32
    %dma_wait3A_137 = tpu.memref_slice %arg6[%dma_wait3A_135, %dma_wait3A_136] : memref<80x128xi32, #tpu.memory_space<vmem>> -> memref<1x128xi32, #tpu.memory_space<vmem>>
    %dma_wait3A_138 = tpu.memref_squeeze %dma_wait3A_137 : memref<1x128xi32, #tpu.memory_space<vmem>> -> memref<128xi32, #tpu.memory_space<vmem>>
    %dma_wait3A_139 = arith.constant 0 : i32
    %dma_wait3A_140 = arith.constant 0 : i32
    %dma_wait3A_141 = tpu.memref_slice %arg16[%dma_wait3A_139, %dma_wait3A_140] : memref<10240x32xf32, #tpu.memory_space<vmem_shared>> -> memref<10240x32xf32, #tpu.memory_space<vmem_shared>>
    tpu.wait_indirect_dma semaphore(%arg23 : memref<!tpu.dma_semaphore, #tpu.memory_space<semaphore_mem>>) src(%dma_wait3A_141 : memref<10240x32xf32, #tpu.memory_space<vmem_shared>>) dst(%arg13 : memref<128x32xf32, #tpu.memory_space<vmem>>)
    %dma_start3A_142 = arith.constant 77 : i32
    %dma_start3A_143 = arith.constant 0 : i32
    %dma_start3A_144 = tpu.memref_slice %arg7[%dma_start3A_142, %dma_start3A_143] : memref<80x128xi32, #tpu.memory_space<vmem>> -> memref<1x128xi32, #tpu.memory_space<vmem>>
    %dma_start3A_145 = tpu.memref_squeeze %dma_start3A_144 : memref<1x128xi32, #tpu.memory_space<vmem>> -> memref<128xi32, #tpu.memory_space<vmem>>
    %dma_start3A_146 = arith.constant 0 : i32
    %dma_start3A_147 = arith.constant 0 : i32
    %dma_start3A_148 = tpu.memref_slice %arg17[%dma_start3A_146, %dma_start3A_147] : memref<10240x32xf32, #tpu.memory_space<vmem_shared>> -> memref<10240x32xf32, #tpu.memory_space<vmem_shared>>
    tpu.enqueue_indirect_dma source(%arg13 : memref<128x32xf32, #tpu.memory_space<vmem>>) target(%dma_start3A_148 : memref<10240x32xf32, #tpu.memory_space<vmem_shared>>) offsets(%dma_start3A_145 : memref<128xi32, #tpu.memory_space<vmem>>) semaphore(%arg31 : memref<!tpu.dma_semaphore, #tpu.memory_space<semaphore_mem>>) {add = true}
    %dma_wait3A_149 = arith.constant 78 : i32
    %dma_wait3A_150 = arith.constant 0 : i32
    %dma_wait3A_151 = tpu.memref_slice %arg6[%dma_wait3A_149, %dma_wait3A_150] : memref<80x128xi32, #tpu.memory_space<vmem>> -> memref<1x128xi32, #tpu.memory_space<vmem>>
    %dma_wait3A_152 = tpu.memref_squeeze %dma_wait3A_151 : memref<1x128xi32, #tpu.memory_space<vmem>> -> memref<128xi32, #tpu.memory_space<vmem>>
    %dma_wait3A_153 = arith.constant 0 : i32
    %dma_wait3A_154 = arith.constant 0 : i32
    %dma_wait3A_155 = tpu.memref_slice %arg16[%dma_wait3A_153, %dma_wait3A_154] : memref<10240x32xf32, #tpu.memory_space<vmem_shared>> -> memref<10240x32xf32, #tpu.memory_space<vmem_shared>>
    tpu.wait_indirect_dma semaphore(%arg24 : memref<!tpu.dma_semaphore, #tpu.memory_space<semaphore_mem>>) src(%dma_wait3A_155 : memref<10240x32xf32, #tpu.memory_space<vmem_shared>>) dst(%arg14 : memref<128x32xf32, #tpu.memory_space<vmem>>)
    %dma_start3A_156 = arith.constant 78 : i32
    %dma_start3A_157 = arith.constant 0 : i32
    %dma_start3A_158 = tpu.memref_slice %arg7[%dma_start3A_156, %dma_start3A_157] : memref<80x128xi32, #tpu.memory_space<vmem>> -> memref<1x128xi32, #tpu.memory_space<vmem>>
    %dma_start3A_159 = tpu.memref_squeeze %dma_start3A_158 : memref<1x128xi32, #tpu.memory_space<vmem>> -> memref<128xi32, #tpu.memory_space<vmem>>
    %dma_start3A_160 = arith.constant 0 : i32
    %dma_start3A_161 = arith.constant 0 : i32
    %dma_start3A_162 = tpu.memref_slice %arg17[%dma_start3A_160, %dma_start3A_161] : memref<10240x32xf32, #tpu.memory_space<vmem_shared>> -> memref<10240x32xf32, #tpu.memory_space<vmem_shared>>
    tpu.enqueue_indirect_dma source(%arg14 : memref<128x32xf32, #tpu.memory_space<vmem>>) target(%dma_start3A_162 : memref<10240x32xf32, #tpu.memory_space<vmem_shared>>) offsets(%dma_start3A_159 : memref<128xi32, #tpu.memory_space<vmem>>) semaphore(%arg32 : memref<!tpu.dma_semaphore, #tpu.memory_space<semaphore_mem>>) {add = true}
    %dma_wait3A_163 = arith.constant 79 : i32
    %dma_wait3A_164 = arith.constant 0 : i32
    %dma_wait3A_165 = tpu.memref_slice %arg6[%dma_wait3A_163, %dma_wait3A_164] : memref<80x128xi32, #tpu.memory_space<vmem>> -> memref<1x128xi32, #tpu.memory_space<vmem>>
    %dma_wait3A_166 = tpu.memref_squeeze %dma_wait3A_165 : memref<1x128xi32, #tpu.memory_space<vmem>> -> memref<128xi32, #tpu.memory_space<vmem>>
    %dma_wait3A_167 = arith.constant 0 : i32
    %dma_wait3A_168 = arith.constant 0 : i32
    %dma_wait3A_169 = tpu.memref_slice %arg16[%dma_wait3A_167, %dma_wait3A_168] : memref<10240x32xf32, #tpu.memory_space<vmem_shared>> -> memref<10240x32xf32, #tpu.memory_space<vmem_shared>>
    tpu.wait_indirect_dma semaphore(%arg25 : memref<!tpu.dma_semaphore, #tpu.memory_space<semaphore_mem>>) src(%dma_wait3A_169 : memref<10240x32xf32, #tpu.memory_space<vmem_shared>>) dst(%arg15 : memref<128x32xf32, #tpu.memory_space<vmem>>)
    %dma_start3A_170 = arith.constant 79 : i32
    %dma_start3A_171 = arith.constant 0 : i32
    %dma_start3A_172 = tpu.memref_slice %arg7[%dma_start3A_170, %dma_start3A_171] : memref<80x128xi32, #tpu.memory_space<vmem>> -> memref<1x128xi32, #tpu.memory_space<vmem>>
    %dma_start3A_173 = tpu.memref_squeeze %dma_start3A_172 : memref<1x128xi32, #tpu.memory_space<vmem>> -> memref<128xi32, #tpu.memory_space<vmem>>
    %dma_start3A_174 = arith.constant 0 : i32
    %dma_start3A_175 = arith.constant 0 : i32
    %dma_start3A_176 = tpu.memref_slice %arg17[%dma_start3A_174, %dma_start3A_175] : memref<10240x32xf32, #tpu.memory_space<vmem_shared>> -> memref<10240x32xf32, #tpu.memory_space<vmem_shared>>
    tpu.enqueue_indirect_dma source(%arg15 : memref<128x32xf32, #tpu.memory_space<vmem>>) target(%dma_start3A_176 : memref<10240x32xf32, #tpu.memory_space<vmem_shared>>) offsets(%dma_start3A_173 : memref<128xi32, #tpu.memory_space<vmem>>) semaphore(%arg33 : memref<!tpu.dma_semaphore, #tpu.memory_space<semaphore_mem>>) {add = true}
    %dma_wait3A_177 = arith.constant 0 : i32
    %dma_wait3A_178 = arith.constant 0 : i32
    %dma_wait3A_179 = tpu.memref_slice %arg7[%dma_wait3A_177, %dma_wait3A_178] : memref<80x128xi32, #tpu.memory_space<vmem>> -> memref<1x128xi32, #tpu.memory_space<vmem>>
    %dma_wait3A_180 = tpu.memref_squeeze %dma_wait3A_179 : memref<1x128xi32, #tpu.memory_space<vmem>> -> memref<128xi32, #tpu.memory_space<vmem>>
    %dma_wait3A_181 = arith.constant 0 : i32
    %dma_wait3A_182 = arith.constant 0 : i32
    %dma_wait3A_183 = tpu.memref_slice %arg17[%dma_wait3A_181, %dma_wait3A_182] : memref<10240x32xf32, #tpu.memory_space<vmem_shared>> -> memref<10240x32xf32, #tpu.memory_space<vmem_shared>>
    tpu.wait_indirect_dma semaphore(%arg26 : memref<!tpu.dma_semaphore, #tpu.memory_space<semaphore_mem>>) src(%arg8 : memref<128x32xf32, #tpu.memory_space<vmem>>) dst(%dma_wait3A_183 : memref<10240x32xf32, #tpu.memory_space<vmem_shared>>)
    %dma_wait3A_184 = arith.constant 0 : i32
    %dma_wait3A_185 = arith.constant 0 : i32
    %dma_wait3A_186 = tpu.memref_slice %arg7[%dma_wait3A_184, %dma_wait3A_185] : memref<80x128xi32, #tpu.memory_space<vmem>> -> memref<1x128xi32, #tpu.memory_space<vmem>>
    %dma_wait3A_187 = tpu.memref_squeeze %dma_wait3A_186 : memref<1x128xi32, #tpu.memory_space<vmem>> -> memref<128xi32, #tpu.memory_space<vmem>>
    %dma_wait3A_188 = arith.constant 0 : i32
    %dma_wait3A_189 = arith.constant 0 : i32
    %dma_wait3A_190 = tpu.memref_slice %arg17[%dma_wait3A_188, %dma_wait3A_189] : memref<10240x32xf32, #tpu.memory_space<vmem_shared>> -> memref<10240x32xf32, #tpu.memory_space<vmem_shared>>
    tpu.wait_indirect_dma semaphore(%arg27 : memref<!tpu.dma_semaphore, #tpu.memory_space<semaphore_mem>>) src(%arg9 : memref<128x32xf32, #tpu.memory_space<vmem>>) dst(%dma_wait3A_190 : memref<10240x32xf32, #tpu.memory_space<vmem_shared>>)
    %dma_wait3A_191 = arith.constant 0 : i32
    %dma_wait3A_192 = arith.constant 0 : i32
    %dma_wait3A_193 = tpu.memref_slice %arg7[%dma_wait3A_191, %dma_wait3A_192] : memref<80x128xi32, #tpu.memory_space<vmem>> -> memref<1x128xi32, #tpu.memory_space<vmem>>
    %dma_wait3A_194 = tpu.memref_squeeze %dma_wait3A_193 : memref<1x128xi32, #tpu.memory_space<vmem>> -> memref<128xi32, #tpu.memory_space<vmem>>
    %dma_wait3A_195 = arith.constant 0 : i32
    %dma_wait3A_196 = arith.constant 0 : i32
    %dma_wait3A_197 = tpu.memref_slice %arg17[%dma_wait3A_195, %dma_wait3A_196] : memref<10240x32xf32, #tpu.memory_space<vmem_shared>> -> memref<10240x32xf32, #tpu.memory_space<vmem_shared>>
    tpu.wait_indirect_dma semaphore(%arg28 : memref<!tpu.dma_semaphore, #tpu.memory_space<semaphore_mem>>) src(%arg10 : memref<128x32xf32, #tpu.memory_space<vmem>>) dst(%dma_wait3A_197 : memref<10240x32xf32, #tpu.memory_space<vmem_shared>>)
    %dma_wait3A_198 = arith.constant 0 : i32
    %dma_wait3A_199 = arith.constant 0 : i32
    %dma_wait3A_200 = tpu.memref_slice %arg7[%dma_wait3A_198, %dma_wait3A_199] : memref<80x128xi32, #tpu.memory_space<vmem>> -> memref<1x128xi32, #tpu.memory_space<vmem>>
    %dma_wait3A_201 = tpu.memref_squeeze %dma_wait3A_200 : memref<1x128xi32, #tpu.memory_space<vmem>> -> memref<128xi32, #tpu.memory_space<vmem>>
    %dma_wait3A_202 = arith.constant 0 : i32
    %dma_wait3A_203 = arith.constant 0 : i32
    %dma_wait3A_204 = tpu.memref_slice %arg17[%dma_wait3A_202, %dma_wait3A_203] : memref<10240x32xf32, #tpu.memory_space<vmem_shared>> -> memref<10240x32xf32, #tpu.memory_space<vmem_shared>>
    tpu.wait_indirect_dma semaphore(%arg29 : memref<!tpu.dma_semaphore, #tpu.memory_space<semaphore_mem>>) src(%arg11 : memref<128x32xf32, #tpu.memory_space<vmem>>) dst(%dma_wait3A_204 : memref<10240x32xf32, #tpu.memory_space<vmem_shared>>)
    %dma_wait3A_205 = arith.constant 0 : i32
    %dma_wait3A_206 = arith.constant 0 : i32
    %dma_wait3A_207 = tpu.memref_slice %arg7[%dma_wait3A_205, %dma_wait3A_206] : memref<80x128xi32, #tpu.memory_space<vmem>> -> memref<1x128xi32, #tpu.memory_space<vmem>>
    %dma_wait3A_208 = tpu.memref_squeeze %dma_wait3A_207 : memref<1x128xi32, #tpu.memory_space<vmem>> -> memref<128xi32, #tpu.memory_space<vmem>>
    %dma_wait3A_209 = arith.constant 0 : i32
    %dma_wait3A_210 = arith.constant 0 : i32
    %dma_wait3A_211 = tpu.memref_slice %arg17[%dma_wait3A_209, %dma_wait3A_210] : memref<10240x32xf32, #tpu.memory_space<vmem_shared>> -> memref<10240x32xf32, #tpu.memory_space<vmem_shared>>
    tpu.wait_indirect_dma semaphore(%arg30 : memref<!tpu.dma_semaphore, #tpu.memory_space<semaphore_mem>>) src(%arg12 : memref<128x32xf32, #tpu.memory_space<vmem>>) dst(%dma_wait3A_211 : memref<10240x32xf32, #tpu.memory_space<vmem_shared>>)
    %dma_wait3A_212 = arith.constant 0 : i32
    %dma_wait3A_213 = arith.constant 0 : i32
    %dma_wait3A_214 = tpu.memref_slice %arg7[%dma_wait3A_212, %dma_wait3A_213] : memref<80x128xi32, #tpu.memory_space<vmem>> -> memref<1x128xi32, #tpu.memory_space<vmem>>
    %dma_wait3A_215 = tpu.memref_squeeze %dma_wait3A_214 : memref<1x128xi32, #tpu.memory_space<vmem>> -> memref<128xi32, #tpu.memory_space<vmem>>
    %dma_wait3A_216 = arith.constant 0 : i32
    %dma_wait3A_217 = arith.constant 0 : i32
    %dma_wait3A_218 = tpu.memref_slice %arg17[%dma_wait3A_216, %dma_wait3A_217] : memref<10240x32xf32, #tpu.memory_space<vmem_shared>> -> memref<10240x32xf32, #tpu.memory_space<vmem_shared>>
    tpu.wait_indirect_dma semaphore(%arg31 : memref<!tpu.dma_semaphore, #tpu.memory_space<semaphore_mem>>) src(%arg13 : memref<128x32xf32, #tpu.memory_space<vmem>>) dst(%dma_wait3A_218 : memref<10240x32xf32, #tpu.memory_space<vmem_shared>>)
    %dma_wait3A_219 = arith.constant 0 : i32
    %dma_wait3A_220 = arith.constant 0 : i32
    %dma_wait3A_221 = tpu.memref_slice %arg7[%dma_wait3A_219, %dma_wait3A_220] : memref<80x128xi32, #tpu.memory_space<vmem>> -> memref<1x128xi32, #tpu.memory_space<vmem>>
    %dma_wait3A_222 = tpu.memref_squeeze %dma_wait3A_221 : memref<1x128xi32, #tpu.memory_space<vmem>> -> memref<128xi32, #tpu.memory_space<vmem>>
    %dma_wait3A_223 = arith.constant 0 : i32
    %dma_wait3A_224 = arith.constant 0 : i32
    %dma_wait3A_225 = tpu.memref_slice %arg17[%dma_wait3A_223, %dma_wait3A_224] : memref<10240x32xf32, #tpu.memory_space<vmem_shared>> -> memref<10240x32xf32, #tpu.memory_space<vmem_shared>>
    tpu.wait_indirect_dma semaphore(%arg32 : memref<!tpu.dma_semaphore, #tpu.memory_space<semaphore_mem>>) src(%arg14 : memref<128x32xf32, #tpu.memory_space<vmem>>) dst(%dma_wait3A_225 : memref<10240x32xf32, #tpu.memory_space<vmem_shared>>)
    %dma_wait3A_226 = arith.constant 0 : i32
    %dma_wait3A_227 = arith.constant 0 : i32
    %dma_wait3A_228 = tpu.memref_slice %arg7[%dma_wait3A_226, %dma_wait3A_227] : memref<80x128xi32, #tpu.memory_space<vmem>> -> memref<1x128xi32, #tpu.memory_space<vmem>>
    %dma_wait3A_229 = tpu.memref_squeeze %dma_wait3A_228 : memref<1x128xi32, #tpu.memory_space<vmem>> -> memref<128xi32, #tpu.memory_space<vmem>>
    %dma_wait3A_230 = arith.constant 0 : i32
    %dma_wait3A_231 = arith.constant 0 : i32
    %dma_wait3A_232 = tpu.memref_slice %arg17[%dma_wait3A_230, %dma_wait3A_231] : memref<10240x32xf32, #tpu.memory_space<vmem_shared>> -> memref<10240x32xf32, #tpu.memory_space<vmem_shared>>
    tpu.wait_indirect_dma semaphore(%arg33 : memref<!tpu.dma_semaphore, #tpu.memory_space<semaphore_mem>>) src(%arg15 : memref<128x32xf32, #tpu.memory_space<vmem>>) dst(%dma_wait3A_232 : memref<10240x32xf32, #tpu.memory_space<vmem_shared>>)
    %barrier3A_233 = arith.constant 0 : index
    tpu.barrier barrier_id(%barrier3A_233)
    "tpu.region"() ({
      %run_scoped3A_234 = tpu.sem_alloc : memref<!tpu.dma_semaphore, #tpu.memory_space<semaphore_mem>>
      %dma_start3A_235 = arith.constant 0 : i32
      %dma_start3A_236 = tpu.memref_slice %arg5[%arg0, %mul3A_2, %dma_start3A_235] : memref<2x10240x32xf32, #tpu.memory_space<hbm>> -> memref<1x640x32xf32, #tpu.memory_space<hbm>>
      %dma_start3A_237 = tpu.memref_squeeze %dma_start3A_236 : memref<1x640x32xf32, #tpu.memory_space<hbm>> -> memref<640x32xf32, #tpu.memory_space<hbm>>
      %dma_start3A_238 = arith.constant 0 : i32
      %dma_start3A_239 = tpu.memref_slice %arg17[%mul3A_2, %dma_start3A_238] : memref<10240x32xf32, #tpu.memory_space<vmem_shared>> -> memref<640x32xf32, #tpu.memory_space<vmem_shared>>
      tpu.enqueue_dma source(%dma_start3A_239 : memref<640x32xf32, #tpu.memory_space<vmem_shared>>) target(%dma_start3A_237 : memref<640x32xf32, #tpu.memory_space<hbm>>) target_semaphore(%run_scoped3A_234 : memref<!tpu.dma_semaphore, #tpu.memory_space<semaphore_mem>>)
      %dma_wait3A_240 = arith.constant 0 : i32
      %dma_wait3A_241 = tpu.memref_slice %arg5[%arg0, %mul3A_2, %dma_wait3A_240] : memref<2x10240x32xf32, #tpu.memory_space<hbm>> -> memref<1x640x32xf32, #tpu.memory_space<hbm>>
      %dma_wait3A_242 = tpu.memref_squeeze %dma_wait3A_241 : memref<1x640x32xf32, #tpu.memory_space<hbm>> -> memref<640x32xf32, #tpu.memory_space<hbm>>
      %dma_wait3A_243 = arith.constant 0 : i32
      %dma_wait3A_244 = tpu.memref_slice %arg17[%mul3A_2, %dma_wait3A_243] : memref<10240x32xf32, #tpu.memory_space<vmem_shared>> -> memref<640x32xf32, #tpu.memory_space<vmem_shared>>
      tpu.wait_dma2 semaphore(%run_scoped3A_234 : memref<!tpu.dma_semaphore, #tpu.memory_space<semaphore_mem>>) src(%dma_wait3A_244 : memref<640x32xf32, #tpu.memory_space<vmem_shared>>) dst(%dma_wait3A_242 : memref<640x32xf32, #tpu.memory_space<hbm>>)
      tpu.yield
    }) : () -> ()
    return
  }
}

module attributes {stable_mosaic.version = 14 : i64} {
  func.func @_stage_a_body(%arg0: memref<10000x128xf32, #tpu.memory_space<vmem>>, %arg1: memref<128xf32, #tpu.memory_space<vmem>>, %arg2: memref<128xf32, #tpu.memory_space<vmem>>, %arg3: memref<128xf32, #tpu.memory_space<vmem>>, %arg4: memref<128xf32, #tpu.memory_space<vmem>>, %arg5: memref<128x32xf32, #tpu.memory_space<vmem>>, %arg6: memref<32xf32, #tpu.memory_space<vmem>>, %arg7: memref<32xf32, #tpu.memory_space<vmem>>, %arg8: memref<32xf32, #tpu.memory_space<vmem>>, %arg9: memref<32xf32, #tpu.memory_space<vmem>>, %arg10: memref<32xf32, #tpu.memory_space<vmem>>, %arg11: memref<32x32xf32, #tpu.memory_space<vmem>>, %arg12: memref<32xf32, #tpu.memory_space<vmem>>, %arg13: memref<10000x32xf32, #tpu.memory_space<vmem>>, %arg14: memref<10240x32xf32, #tpu.memory_space<vmem>>) attributes {dimension_semantics = [], scalar_prefetch = 0 : i64, scratch_operands = 0 : i64, tpu.core_type = #tpu.core_type<tc>} {
    %get3A = arith.constant 0 : index
    %get3A_0 = vector.load %arg1[%get3A] : memref<128xf32, #tpu.memory_space<vmem>>, vector<128xf32>
    %get3A_1 = arith.constant 0 : index
    %get3A_2 = vector.load %arg4[%get3A_1] : memref<128xf32, #tpu.memory_space<vmem>>, vector<128xf32>
    %add3A = arith.constant 1.000000e-03 : f32
    %add3A_3 = vector.broadcast %add3A : f32 to vector<128xf32>
    %add3A_4 = arith.addf %get3A_2, %add3A_3 : vector<128xf32>
    %sqrt3A = math.sqrt %add3A_4 : vector<128xf32>
    %div3A = arith.divf %get3A_0, %sqrt3A : vector<128xf32>
    %get3A_5 = arith.constant 0 : index
    %get3A_6 = vector.load %arg2[%get3A_5] : memref<128xf32, #tpu.memory_space<vmem>>, vector<128xf32>
    %get3A_7 = arith.constant 0 : index
    %get3A_8 = vector.load %arg3[%get3A_7] : memref<128xf32, #tpu.memory_space<vmem>>, vector<128xf32>
    %mul3A = arith.mulf %get3A_8, %div3A : vector<128xf32>
    %sub3A = arith.subf %get3A_6, %mul3A : vector<128xf32>
    %get3A_9 = arith.constant 0 : index
    %get3A_10 = arith.constant 0 : index
    %get3A_11 = vector.load %arg5[%get3A_9, %get3A_10] : memref<128x32xf32, #tpu.memory_space<vmem>>, vector<128x32xf32>
    %broadcast_in_dim3A = vector.shape_cast %div3A : vector<128xf32> to vector<128x1xf32>
    %mul3A_12 = vector.broadcast %broadcast_in_dim3A : vector<128x1xf32> to vector<128x32xf32>
    %mul3A_13 = arith.mulf %get3A_11, %mul3A_12 : vector<128x32xf32>
    %reshape3A = vector.shape_cast %sub3A : vector<128xf32> to vector<1x128xf32>
    %get3A_14 = arith.constant 0 : index
    %get3A_15 = arith.constant 0 : index
    %get3A_16 = vector.load %arg5[%get3A_14, %get3A_15] : memref<128x32xf32, #tpu.memory_space<vmem>>, vector<128x32xf32>
    %dot_general3A = arith.constant dense<0.000000e+00> : vector<1x32xf32>
    %dot_general3A_17 = tpu.matmul %reshape3A, %get3A_16, %dot_general3A {dimension_numbers = #tpu.dot_dimension_numbers<[1], [0], [0], [1], [0, 0, 1, 1], [], []>, transpose_lhs_hint = false} : vector<1x128xf32>, vector<128x32xf32>, vector<1x32xf32> -> vector<1x32xf32>
    %get3A_18 = arith.constant 0 : index
    %get3A_19 = vector.load %arg6[%get3A_18] : memref<32xf32, #tpu.memory_space<vmem>>, vector<32xf32>
    %broadcast_in_dim3A_20 = vector.shape_cast %get3A_19 : vector<32xf32> to vector<1x32xf32>
    %add3A_21 = arith.addf %dot_general3A_17, %broadcast_in_dim3A_20 : vector<1x32xf32>
    %get3A_22 = arith.constant 0 : index
    %get3A_23 = vector.load %arg7[%get3A_22] : memref<32xf32, #tpu.memory_space<vmem>>, vector<32xf32>
    %get3A_24 = arith.constant 0 : index
    %get3A_25 = vector.load %arg10[%get3A_24] : memref<32xf32, #tpu.memory_space<vmem>>, vector<32xf32>
    %add3A_26 = arith.constant 1.000000e-03 : f32
    %add3A_27 = vector.broadcast %add3A_26 : f32 to vector<32xf32>
    %add3A_28 = arith.addf %get3A_25, %add3A_27 : vector<32xf32>
    %sqrt3A_29 = math.sqrt %add3A_28 : vector<32xf32>
    %div3A_30 = arith.divf %get3A_23, %sqrt3A_29 : vector<32xf32>
    %get3A_31 = arith.constant 0 : index
    %get3A_32 = vector.load %arg8[%get3A_31] : memref<32xf32, #tpu.memory_space<vmem>>, vector<32xf32>
    %get3A_33 = arith.constant 0 : index
    %get3A_34 = vector.load %arg9[%get3A_33] : memref<32xf32, #tpu.memory_space<vmem>>, vector<32xf32>
    %mul3A_35 = arith.mulf %get3A_34, %div3A_30 : vector<32xf32>
    %sub3A_36 = arith.subf %get3A_32, %mul3A_35 : vector<32xf32>
    %get3A_37 = arith.constant 0 : index
    %get3A_38 = arith.constant 0 : index
    %get3A_39 = vector.load %arg11[%get3A_37, %get3A_38] : memref<32x32xf32, #tpu.memory_space<vmem>>, vector<32x32xf32>
    %broadcast_in_dim3A_40 = vector.shape_cast %div3A_30 : vector<32xf32> to vector<32x1xf32>
    %mul3A_41 = vector.broadcast %broadcast_in_dim3A_40 : vector<32x1xf32> to vector<32x32xf32>
    %mul3A_42 = arith.mulf %get3A_39, %mul3A_41 : vector<32x32xf32>
    %reshape3A_43 = vector.shape_cast %sub3A_36 : vector<32xf32> to vector<1x32xf32>
    %get3A_44 = arith.constant 0 : index
    %get3A_45 = arith.constant 0 : index
    %get3A_46 = vector.load %arg11[%get3A_44, %get3A_45] : memref<32x32xf32, #tpu.memory_space<vmem>>, vector<32x32xf32>
    %dot_general3A_47 = arith.constant dense<0.000000e+00> : vector<1x32xf32>
    %dot_general3A_48 = tpu.matmul %reshape3A_43, %get3A_46, %dot_general3A_47 {dimension_numbers = #tpu.dot_dimension_numbers<[1], [0], [0], [1], [0, 0, 1, 1], [], []>, transpose_lhs_hint = false} : vector<1x32xf32>, vector<32x32xf32>, vector<1x32xf32> -> vector<1x32xf32>
    %get3A_49 = arith.constant 0 : index
    %get3A_50 = vector.load %arg12[%get3A_49] : memref<32xf32, #tpu.memory_space<vmem>>, vector<32xf32>
    %broadcast_in_dim3A_51 = vector.shape_cast %get3A_50 : vector<32xf32> to vector<1x32xf32>
    %add3A_52 = arith.addf %dot_general3A_48, %broadcast_in_dim3A_51 : vector<1x32xf32>
    %get3A_53 = arith.constant 0 : index
    %get3A_54 = arith.constant 0 : index
    %get3A_55 = vector.load %arg0[%get3A_53, %get3A_54] : memref<10000x128xf32, #tpu.memory_space<vmem>>, vector<10000x128xf32>
    %dot_general3A_56 = arith.constant dense<0.000000e+00> : vector<10000x32xf32>
    %dot_general3A_57 = tpu.matmul %get3A_55, %mul3A_13, %dot_general3A_56 {dimension_numbers = #tpu.dot_dimension_numbers<[1], [0], [0], [1], [0, 0, 1, 1], [], []>, transpose_lhs_hint = false} : vector<10000x128xf32>, vector<128x32xf32>, vector<10000x32xf32> -> vector<10000x32xf32>
    %add3A_58 = vector.broadcast %add3A_21 : vector<1x32xf32> to vector<10000x32xf32>
    %add3A_59 = arith.addf %dot_general3A_57, %add3A_58 : vector<10000x32xf32>
    %integer_pow3A = arith.mulf %add3A_59, %add3A_59 : vector<10000x32xf32>
    %integer_pow3A_60 = arith.mulf %add3A_59, %integer_pow3A : vector<10000x32xf32>
    %mul3A_61 = arith.constant 4.471500e-02 : f32
    %mul3A_62 = vector.broadcast %mul3A_61 : f32 to vector<10000x32xf32>
    %mul3A_63 = arith.mulf %mul3A_62, %integer_pow3A_60 : vector<10000x32xf32>
    %add3A_64 = arith.addf %add3A_59, %mul3A_63 : vector<10000x32xf32>
    %mul3A_65 = arith.constant 0.797884583 : f32
    %mul3A_66 = vector.broadcast %mul3A_65 : f32 to vector<10000x32xf32>
    %mul3A_67 = arith.mulf %mul3A_66, %add3A_64 : vector<10000x32xf32>
    %tanh3A = math.tanh %mul3A_67 : vector<10000x32xf32>
    %add3A_68 = arith.constant 1.000000e+00 : f32
    %add3A_69 = vector.broadcast %add3A_68 : f32 to vector<10000x32xf32>
    %add3A_70 = arith.addf %add3A_69, %tanh3A : vector<10000x32xf32>
    %mul3A_71 = arith.constant 5.000000e-01 : f32
    %mul3A_72 = vector.broadcast %mul3A_71 : f32 to vector<10000x32xf32>
    %mul3A_73 = arith.mulf %mul3A_72, %add3A_70 : vector<10000x32xf32>
    %mul3A_74 = arith.mulf %add3A_59, %mul3A_73 : vector<10000x32xf32>
    %swap3A = arith.constant 0 : index
    %swap3A_75 = arith.constant 0 : index
    %swap3A_76 = vector.load %arg13[%swap3A, %swap3A_75] : memref<10000x32xf32, #tpu.memory_space<vmem>>, vector<10000x32xf32>
    tpu.vector_store %arg13[%swap3A, %swap3A_75], %mul3A_74 {strides = array<i32>} : memref<10000x32xf32, #tpu.memory_space<vmem>>, vector<10000x32xf32>,
    %dot_general3A_77 = arith.constant dense<0.000000e+00> : vector<10000x32xf32>
    %dot_general3A_78 = tpu.matmul %mul3A_74, %mul3A_42, %dot_general3A_77 {dimension_numbers = #tpu.dot_dimension_numbers<[1], [0], [0], [1], [0, 0, 1, 1], [], []>, transpose_lhs_hint = false} : vector<10000x32xf32>, vector<32x32xf32>, vector<10000x32xf32> -> vector<10000x32xf32>
    %add3A_79 = vector.broadcast %add3A_52 : vector<1x32xf32> to vector<10000x32xf32>
    %add3A_80 = arith.addf %dot_general3A_78, %add3A_79 : vector<10000x32xf32>
    %integer_pow3A_81 = arith.mulf %add3A_80, %add3A_80 : vector<10000x32xf32>
    %integer_pow3A_82 = arith.mulf %add3A_80, %integer_pow3A_81 : vector<10000x32xf32>
    %mul3A_83 = arith.constant 4.471500e-02 : f32
    %mul3A_84 = vector.broadcast %mul3A_83 : f32 to vector<10000x32xf32>
    %mul3A_85 = arith.mulf %mul3A_84, %integer_pow3A_82 : vector<10000x32xf32>
    %add3A_86 = arith.addf %add3A_80, %mul3A_85 : vector<10000x32xf32>
    %mul3A_87 = arith.constant 0.797884583 : f32
    %mul3A_88 = vector.broadcast %mul3A_87 : f32 to vector<10000x32xf32>
    %mul3A_89 = arith.mulf %mul3A_88, %add3A_86 : vector<10000x32xf32>
    %tanh3A_90 = math.tanh %mul3A_89 : vector<10000x32xf32>
    %add3A_91 = arith.constant 1.000000e+00 : f32
    %add3A_92 = vector.broadcast %add3A_91 : f32 to vector<10000x32xf32>
    %add3A_93 = arith.addf %add3A_92, %tanh3A_90 : vector<10000x32xf32>
    %mul3A_94 = arith.constant 5.000000e-01 : f32
    %mul3A_95 = vector.broadcast %mul3A_94 : f32 to vector<10000x32xf32>
    %mul3A_96 = arith.mulf %mul3A_95, %add3A_93 : vector<10000x32xf32>
    %mul3A_97 = arith.mulf %add3A_80, %mul3A_96 : vector<10000x32xf32>
    %swap3A_98 = arith.constant 0 : index
    %swap3A_99 = arith.constant 0 : index
    %swap3A_100 = vector.load %arg14[%swap3A_98, %swap3A_99] : memref<10240x32xf32, #tpu.memory_space<vmem>>, vector<10000x32xf32>
    tpu.vector_store %arg14[%swap3A_98, %swap3A_99], %mul3A_97 {strides = array<i32>} : memref<10240x32xf32, #tpu.memory_space<vmem>>, vector<10000x32xf32>,
    %broadcast_in_dim3A_101 = arith.constant 0.000000e+00 : f32
    %broadcast_in_dim3A_102 = vector.broadcast %broadcast_in_dim3A_101 : f32 to vector<240x32xf32>
    %swap3A_103 = arith.constant 10000 : index
    %swap3A_104 = arith.constant 0 : index
    %swap3A_105 = vector.load %arg14[%swap3A_103, %swap3A_104] : memref<10240x32xf32, #tpu.memory_space<vmem>>, vector<240x32xf32>
    tpu.vector_store %arg14[%swap3A_103, %swap3A_104], %broadcast_in_dim3A_102 {strides = array<i32>} : memref<10240x32xf32, #tpu.memory_space<vmem>>, vector<240x32xf32>,
    return
  }
}

module attributes {stable_mosaic.version = 14 : i64} {
  func.func @_stage_b_body(%arg0: memref<10000x32xf32, #tpu.memory_space<vmem>>, %arg1: memref<2x10240x32xf32, #tpu.memory_space<vmem>>, %arg2: memref<2x10240x16xf32, #tpu.memory_space<vmem>>, %arg3: memref<64xf32, #tpu.memory_space<vmem>>, %arg4: memref<64xf32, #tpu.memory_space<vmem>>, %arg5: memref<64xf32, #tpu.memory_space<vmem>>, %arg6: memref<64xf32, #tpu.memory_space<vmem>>, %arg7: memref<64x32xf32, #tpu.memory_space<vmem>>, %arg8: memref<32xf32, #tpu.memory_space<vmem>>, %arg9: memref<32xf32, #tpu.memory_space<vmem>>, %arg10: memref<32xf32, #tpu.memory_space<vmem>>, %arg11: memref<32xf32, #tpu.memory_space<vmem>>, %arg12: memref<32xf32, #tpu.memory_space<vmem>>, %arg13: memref<32x32xf32, #tpu.memory_space<vmem>>, %arg14: memref<32xf32, #tpu.memory_space<vmem>>, %arg15: memref<10000x32xf32, #tpu.memory_space<vmem>>, %arg16: memref<10240x32xf32, #tpu.memory_space<vmem>>) attributes {dimension_semantics = [], scalar_prefetch = 0 : i64, scratch_operands = 0 : i64, tpu.core_type = #tpu.core_type<tc>} {
    %get3A = arith.constant 0 : index
    %get3A_0 = vector.load %arg3[%get3A] : memref<64xf32, #tpu.memory_space<vmem>>, vector<64xf32>
    %get3A_1 = arith.constant 0 : index
    %get3A_2 = vector.load %arg6[%get3A_1] : memref<64xf32, #tpu.memory_space<vmem>>, vector<64xf32>
    %add3A = arith.constant 1.000000e-03 : f32
    %add3A_3 = vector.broadcast %add3A : f32 to vector<64xf32>
    %add3A_4 = arith.addf %get3A_2, %add3A_3 : vector<64xf32>
    %sqrt3A = math.sqrt %add3A_4 : vector<64xf32>
    %div3A = arith.divf %get3A_0, %sqrt3A : vector<64xf32>
    %get3A_5 = arith.constant 0 : index
    %get3A_6 = vector.load %arg4[%get3A_5] : memref<64xf32, #tpu.memory_space<vmem>>, vector<64xf32>
    %get3A_7 = arith.constant 0 : index
    %get3A_8 = vector.load %arg5[%get3A_7] : memref<64xf32, #tpu.memory_space<vmem>>, vector<64xf32>
    %mul3A = arith.mulf %get3A_8, %div3A : vector<64xf32>
    %sub3A = arith.subf %get3A_6, %mul3A : vector<64xf32>
    %get3A_9 = arith.constant 0 : index
    %get3A_10 = arith.constant 0 : index
    %get3A_11 = vector.load %arg7[%get3A_9, %get3A_10] : memref<64x32xf32, #tpu.memory_space<vmem>>, vector<64x32xf32>
    %broadcast_in_dim3A = vector.shape_cast %div3A : vector<64xf32> to vector<64x1xf32>
    %mul3A_12 = vector.broadcast %broadcast_in_dim3A : vector<64x1xf32> to vector<64x32xf32>
    %mul3A_13 = arith.mulf %get3A_11, %mul3A_12 : vector<64x32xf32>
    %reshape3A = vector.shape_cast %sub3A : vector<64xf32> to vector<1x64xf32>
    %get3A_14 = arith.constant 0 : index
    %get3A_15 = arith.constant 0 : index
    %get3A_16 = vector.load %arg7[%get3A_14, %get3A_15] : memref<64x32xf32, #tpu.memory_space<vmem>>, vector<64x32xf32>
    %dot_general3A = arith.constant dense<0.000000e+00> : vector<1x32xf32>
    %dot_general3A_17 = tpu.matmul %reshape3A, %get3A_16, %dot_general3A {dimension_numbers = #tpu.dot_dimension_numbers<[1], [0], [0], [1], [0, 0, 1, 1], [], []>, transpose_lhs_hint = false} : vector<1x64xf32>, vector<64x32xf32>, vector<1x32xf32> -> vector<1x32xf32>
    %get3A_18 = arith.constant 0 : index
    %get3A_19 = vector.load %arg8[%get3A_18] : memref<32xf32, #tpu.memory_space<vmem>>, vector<32xf32>
    %broadcast_in_dim3A_20 = vector.shape_cast %get3A_19 : vector<32xf32> to vector<1x32xf32>
    %add3A_21 = arith.addf %dot_general3A_17, %broadcast_in_dim3A_20 : vector<1x32xf32>
    %get3A_22 = arith.constant 0 : index
    %get3A_23 = vector.load %arg9[%get3A_22] : memref<32xf32, #tpu.memory_space<vmem>>, vector<32xf32>
    %get3A_24 = arith.constant 0 : index
    %get3A_25 = vector.load %arg12[%get3A_24] : memref<32xf32, #tpu.memory_space<vmem>>, vector<32xf32>
    %add3A_26 = arith.constant 1.000000e-03 : f32
    %add3A_27 = vector.broadcast %add3A_26 : f32 to vector<32xf32>
    %add3A_28 = arith.addf %get3A_25, %add3A_27 : vector<32xf32>
    %sqrt3A_29 = math.sqrt %add3A_28 : vector<32xf32>
    %div3A_30 = arith.divf %get3A_23, %sqrt3A_29 : vector<32xf32>
    %get3A_31 = arith.constant 0 : index
    %get3A_32 = vector.load %arg10[%get3A_31] : memref<32xf32, #tpu.memory_space<vmem>>, vector<32xf32>
    %get3A_33 = arith.constant 0 : index
    %get3A_34 = vector.load %arg11[%get3A_33] : memref<32xf32, #tpu.memory_space<vmem>>, vector<32xf32>
    %mul3A_35 = arith.mulf %get3A_34, %div3A_30 : vector<32xf32>
    %sub3A_36 = arith.subf %get3A_32, %mul3A_35 : vector<32xf32>
    %get3A_37 = arith.constant 0 : index
    %get3A_38 = arith.constant 0 : index
    %get3A_39 = vector.load %arg13[%get3A_37, %get3A_38] : memref<32x32xf32, #tpu.memory_space<vmem>>, vector<32x32xf32>
    %broadcast_in_dim3A_40 = vector.shape_cast %div3A_30 : vector<32xf32> to vector<32x1xf32>
    %mul3A_41 = vector.broadcast %broadcast_in_dim3A_40 : vector<32x1xf32> to vector<32x32xf32>
    %mul3A_42 = arith.mulf %get3A_39, %mul3A_41 : vector<32x32xf32>
    %reshape3A_43 = vector.shape_cast %sub3A_36 : vector<32xf32> to vector<1x32xf32>
    %get3A_44 = arith.constant 0 : index
    %get3A_45 = arith.constant 0 : index
    %get3A_46 = vector.load %arg13[%get3A_44, %get3A_45] : memref<32x32xf32, #tpu.memory_space<vmem>>, vector<32x32xf32>
    %dot_general3A_47 = arith.constant dense<0.000000e+00> : vector<1x32xf32>
    %dot_general3A_48 = tpu.matmul %reshape3A_43, %get3A_46, %dot_general3A_47 {dimension_numbers = #tpu.dot_dimension_numbers<[1], [0], [0], [1], [0, 0, 1, 1], [], []>, transpose_lhs_hint = false} : vector<1x32xf32>, vector<32x32xf32>, vector<1x32xf32> -> vector<1x32xf32>
    %get3A_49 = arith.constant 0 : index
    %get3A_50 = vector.load %arg14[%get3A_49] : memref<32xf32, #tpu.memory_space<vmem>>, vector<32xf32>
    %broadcast_in_dim3A_51 = vector.shape_cast %get3A_50 : vector<32xf32> to vector<1x32xf32>
    %add3A_52 = arith.addf %dot_general3A_48, %broadcast_in_dim3A_51 : vector<1x32xf32>
    %get3A_53 = arith.constant 0 : index
    %get3A_54 = arith.constant 0 : index
    %get3A_55 = arith.constant 0 : index
    %get3A_56 = vector.load %arg2[%get3A_53, %get3A_54, %get3A_55] : memref<2x10240x16xf32, #tpu.memory_space<vmem>>, vector<1x10000x1xf32>
    %get3A_57 = vector.shape_cast %get3A_56 : vector<1x10000x1xf32> to vector<10000x1xf32>
    %get3A_58 = arith.constant 1 : index
    %get3A_59 = arith.constant 0 : index
    %get3A_60 = arith.constant 0 : index
    %get3A_61 = vector.load %arg2[%get3A_58, %get3A_59, %get3A_60] : memref<2x10240x16xf32, #tpu.memory_space<vmem>>, vector<1x10000x1xf32>
    %get3A_62 = vector.shape_cast %get3A_61 : vector<1x10000x1xf32> to vector<10000x1xf32>
    %add3A_63 = arith.addf %get3A_57, %get3A_62 : vector<10000x1xf32>
    %max3A = arith.constant 1.000000e+00 : f32
    %max3A_64 = vector.broadcast %max3A : f32 to vector<10000x1xf32>
    %max3A_65 = arith.maximumf %add3A_63, %max3A_64 : vector<10000x1xf32>
    %div3A_66 = arith.constant 1.000000e+00 : f32
    %div3A_67 = vector.broadcast %div3A_66 : f32 to vector<10000x1xf32>
    %div3A_68 = arith.divf %div3A_67, %max3A_65 : vector<10000x1xf32>
    %get3A_69 = arith.constant 0 : index
    %get3A_70 = arith.constant 0 : index
    %get3A_71 = arith.constant 0 : index
    %get3A_72 = vector.load %arg1[%get3A_69, %get3A_70, %get3A_71] : memref<2x10240x32xf32, #tpu.memory_space<vmem>>, vector<1x10000x32xf32>
    %get3A_73 = vector.shape_cast %get3A_72 : vector<1x10000x32xf32> to vector<10000x32xf32>
    %get3A_74 = arith.constant 1 : index
    %get3A_75 = arith.constant 0 : index
    %get3A_76 = arith.constant 0 : index
    %get3A_77 = vector.load %arg1[%get3A_74, %get3A_75, %get3A_76] : memref<2x10240x32xf32, #tpu.memory_space<vmem>>, vector<1x10000x32xf32>
    %get3A_78 = vector.shape_cast %get3A_77 : vector<1x10000x32xf32> to vector<10000x32xf32>
    %add3A_79 = arith.addf %get3A_73, %get3A_78 : vector<10000x32xf32>
    %mul3A_80 = vector.broadcast %div3A_68 : vector<10000x1xf32> to vector<10000x32xf32>
    %mul3A_81 = arith.mulf %add3A_79, %mul3A_80 : vector<10000x32xf32>
    %get3A_82 = arith.constant 0 : index
    %get3A_83 = arith.constant 0 : index
    %get3A_84 = vector.load %arg0[%get3A_82, %get3A_83] : memref<10000x32xf32, #tpu.memory_space<vmem>>, vector<10000x32xf32>
    %slice3A = vector.extract_strided_slice %mul3A_13 {offsets = [0, 0], sizes = [32, 32], strides = [1, 1]} : vector<64x32xf32> to vector<32x32xf32>
    %dot_general3A_85 = arith.constant dense<0.000000e+00> : vector<10000x32xf32>
    %dot_general3A_86 = tpu.matmul %get3A_84, %slice3A, %dot_general3A_85 {dimension_numbers = #tpu.dot_dimension_numbers<[1], [0], [0], [1], [0, 0, 1, 1], [], []>, transpose_lhs_hint = false} : vector<10000x32xf32>, vector<32x32xf32>, vector<10000x32xf32> -> vector<10000x32xf32>
    %slice3A_87 = vector.extract_strided_slice %mul3A_13 {offsets = [32, 0], sizes = [32, 32], strides = [1, 1]} : vector<64x32xf32> to vector<32x32xf32>
    %dot_general3A_88 = arith.constant dense<0.000000e+00> : vector<10000x32xf32>
    %dot_general3A_89 = tpu.matmul %mul3A_81, %slice3A_87, %dot_general3A_88 {dimension_numbers = #tpu.dot_dimension_numbers<[1], [0], [0], [1], [0, 0, 1, 1], [], []>, transpose_lhs_hint = false} : vector<10000x32xf32>, vector<32x32xf32>, vector<10000x32xf32> -> vector<10000x32xf32>
    %add3A_90 = arith.addf %dot_general3A_86, %dot_general3A_89 : vector<10000x32xf32>
    %add3A_91 = vector.broadcast %add3A_21 : vector<1x32xf32> to vector<10000x32xf32>
    %add3A_92 = arith.addf %add3A_90, %add3A_91 : vector<10000x32xf32>
    %integer_pow3A = arith.mulf %add3A_92, %add3A_92 : vector<10000x32xf32>
    %integer_pow3A_93 = arith.mulf %add3A_92, %integer_pow3A : vector<10000x32xf32>
    %mul3A_94 = arith.constant 4.471500e-02 : f32
    %mul3A_95 = vector.broadcast %mul3A_94 : f32 to vector<10000x32xf32>
    %mul3A_96 = arith.mulf %mul3A_95, %integer_pow3A_93 : vector<10000x32xf32>
    %add3A_97 = arith.addf %add3A_92, %mul3A_96 : vector<10000x32xf32>
    %mul3A_98 = arith.constant 0.797884583 : f32
    %mul3A_99 = vector.broadcast %mul3A_98 : f32 to vector<10000x32xf32>
    %mul3A_100 = arith.mulf %mul3A_99, %add3A_97 : vector<10000x32xf32>
    %tanh3A = math.tanh %mul3A_100 : vector<10000x32xf32>
    %add3A_101 = arith.constant 1.000000e+00 : f32
    %add3A_102 = vector.broadcast %add3A_101 : f32 to vector<10000x32xf32>
    %add3A_103 = arith.addf %add3A_102, %tanh3A : vector<10000x32xf32>
    %mul3A_104 = arith.constant 5.000000e-01 : f32
    %mul3A_105 = vector.broadcast %mul3A_104 : f32 to vector<10000x32xf32>
    %mul3A_106 = arith.mulf %mul3A_105, %add3A_103 : vector<10000x32xf32>
    %mul3A_107 = arith.mulf %add3A_92, %mul3A_106 : vector<10000x32xf32>
    %add3A_108 = arith.addf %mul3A_107, %get3A_84 : vector<10000x32xf32>
    %swap3A = arith.constant 0 : index
    %swap3A_109 = arith.constant 0 : index
    %swap3A_110 = vector.load %arg15[%swap3A, %swap3A_109] : memref<10000x32xf32, #tpu.memory_space<vmem>>, vector<10000x32xf32>
    tpu.vector_store %arg15[%swap3A, %swap3A_109], %add3A_108 {strides = array<i32>} : memref<10000x32xf32, #tpu.memory_space<vmem>>, vector<10000x32xf32>,
    %dot_general3A_111 = arith.constant dense<0.000000e+00> : vector<10000x32xf32>
    %dot_general3A_112 = tpu.matmul %add3A_108, %mul3A_42, %dot_general3A_111 {dimension_numbers = #tpu.dot_dimension_numbers<[1], [0], [0], [1], [0, 0, 1, 1], [], []>, transpose_lhs_hint = false} : vector<10000x32xf32>, vector<32x32xf32>, vector<10000x32xf32> -> vector<10000x32xf32>
    %add3A_113 = vector.broadcast %add3A_52 : vector<1x32xf32> to vector<10000x32xf32>
    %add3A_114 = arith.addf %dot_general3A_112, %add3A_113 : vector<10000x32xf32>
    %integer_pow3A_115 = arith.mulf %add3A_114, %add3A_114 : vector<10000x32xf32>
    %integer_pow3A_116 = arith.mulf %add3A_114, %integer_pow3A_115 : vector<10000x32xf32>
    %mul3A_117 = arith.constant 4.471500e-02 : f32
    %mul3A_118 = vector.broadcast %mul3A_117 : f32 to vector<10000x32xf32>
    %mul3A_119 = arith.mulf %mul3A_118, %integer_pow3A_116 : vector<10000x32xf32>
    %add3A_120 = arith.addf %add3A_114, %mul3A_119 : vector<10000x32xf32>
    %mul3A_121 = arith.constant 0.797884583 : f32
    %mul3A_122 = vector.broadcast %mul3A_121 : f32 to vector<10000x32xf32>
    %mul3A_123 = arith.mulf %mul3A_122, %add3A_120 : vector<10000x32xf32>
    %tanh3A_124 = math.tanh %mul3A_123 : vector<10000x32xf32>
    %add3A_125 = arith.constant 1.000000e+00 : f32
    %add3A_126 = vector.broadcast %add3A_125 : f32 to vector<10000x32xf32>
    %add3A_127 = arith.addf %add3A_126, %tanh3A_124 : vector<10000x32xf32>
    %mul3A_128 = arith.constant 5.000000e-01 : f32
    %mul3A_129 = vector.broadcast %mul3A_128 : f32 to vector<10000x32xf32>
    %mul3A_130 = arith.mulf %mul3A_129, %add3A_127 : vector<10000x32xf32>
    %mul3A_131 = arith.mulf %add3A_114, %mul3A_130 : vector<10000x32xf32>
    %swap3A_132 = arith.constant 0 : index
    %swap3A_133 = arith.constant 0 : index
    %swap3A_134 = vector.load %arg16[%swap3A_132, %swap3A_133] : memref<10240x32xf32, #tpu.memory_space<vmem>>, vector<10000x32xf32>
    tpu.vector_store %arg16[%swap3A_132, %swap3A_133], %mul3A_131 {strides = array<i32>} : memref<10240x32xf32, #tpu.memory_space<vmem>>, vector<10000x32xf32>,
    %broadcast_in_dim3A_135 = arith.constant 0.000000e+00 : f32
    %broadcast_in_dim3A_136 = vector.broadcast %broadcast_in_dim3A_135 : f32 to vector<240x32xf32>
    %swap3A_137 = arith.constant 10000 : index
    %swap3A_138 = arith.constant 0 : index
    %swap3A_139 = vector.load %arg16[%swap3A_137, %swap3A_138] : memref<10240x32xf32, #tpu.memory_space<vmem>>, vector<240x32xf32>
    tpu.vector_store %arg16[%swap3A_137, %swap3A_138], %broadcast_in_dim3A_136 {strides = array<i32>} : memref<10240x32xf32, #tpu.memory_space<vmem>>, vector<240x32xf32>,
    return
  }
}

module attributes {stable_mosaic.version = 14 : i64} {
  func.func @_stage_c_body(%arg0: memref<10000x32xf32, #tpu.memory_space<vmem>>, %arg1: memref<2x10240x32xf32, #tpu.memory_space<vmem>>, %arg2: memref<2x10240x16xf32, #tpu.memory_space<vmem>>, %arg3: memref<64xf32, #tpu.memory_space<vmem>>, %arg4: memref<64xf32, #tpu.memory_space<vmem>>, %arg5: memref<64xf32, #tpu.memory_space<vmem>>, %arg6: memref<64xf32, #tpu.memory_space<vmem>>, %arg7: memref<64x32xf32, #tpu.memory_space<vmem>>, %arg8: memref<32xf32, #tpu.memory_space<vmem>>, %arg9: memref<32xf32, #tpu.memory_space<vmem>>, %arg10: memref<32xf32, #tpu.memory_space<vmem>>, %arg11: memref<32xf32, #tpu.memory_space<vmem>>, %arg12: memref<32xf32, #tpu.memory_space<vmem>>, %arg13: memref<32x32xf32, #tpu.memory_space<vmem>>, %arg14: memref<32xf32, #tpu.memory_space<vmem>>, %arg15: memref<32x16xf32, #tpu.memory_space<vmem>>, %arg16: memref<16xf32, #tpu.memory_space<vmem>>, %arg17: memref<10000x16xf32, #tpu.memory_space<vmem>>) attributes {dimension_semantics = [], scalar_prefetch = 0 : i64, scratch_operands = 0 : i64, tpu.core_type = #tpu.core_type<tc>} {
    %get3A = arith.constant 0 : index
    %get3A_0 = vector.load %arg3[%get3A] : memref<64xf32, #tpu.memory_space<vmem>>, vector<64xf32>
    %get3A_1 = arith.constant 0 : index
    %get3A_2 = vector.load %arg6[%get3A_1] : memref<64xf32, #tpu.memory_space<vmem>>, vector<64xf32>
    %add3A = arith.constant 1.000000e-03 : f32
    %add3A_3 = vector.broadcast %add3A : f32 to vector<64xf32>
    %add3A_4 = arith.addf %get3A_2, %add3A_3 : vector<64xf32>
    %sqrt3A = math.sqrt %add3A_4 : vector<64xf32>
    %div3A = arith.divf %get3A_0, %sqrt3A : vector<64xf32>
    %get3A_5 = arith.constant 0 : index
    %get3A_6 = vector.load %arg4[%get3A_5] : memref<64xf32, #tpu.memory_space<vmem>>, vector<64xf32>
    %get3A_7 = arith.constant 0 : index
    %get3A_8 = vector.load %arg5[%get3A_7] : memref<64xf32, #tpu.memory_space<vmem>>, vector<64xf32>
    %mul3A = arith.mulf %get3A_8, %div3A : vector<64xf32>
    %sub3A = arith.subf %get3A_6, %mul3A : vector<64xf32>
    %get3A_9 = arith.constant 0 : index
    %get3A_10 = arith.constant 0 : index
    %get3A_11 = vector.load %arg7[%get3A_9, %get3A_10] : memref<64x32xf32, #tpu.memory_space<vmem>>, vector<64x32xf32>
    %broadcast_in_dim3A = vector.shape_cast %div3A : vector<64xf32> to vector<64x1xf32>
    %mul3A_12 = vector.broadcast %broadcast_in_dim3A : vector<64x1xf32> to vector<64x32xf32>
    %mul3A_13 = arith.mulf %get3A_11, %mul3A_12 : vector<64x32xf32>
    %reshape3A = vector.shape_cast %sub3A : vector<64xf32> to vector<1x64xf32>
    %get3A_14 = arith.constant 0 : index
    %get3A_15 = arith.constant 0 : index
    %get3A_16 = vector.load %arg7[%get3A_14, %get3A_15] : memref<64x32xf32, #tpu.memory_space<vmem>>, vector<64x32xf32>
    %dot_general3A = arith.constant dense<0.000000e+00> : vector<1x32xf32>
    %dot_general3A_17 = tpu.matmul %reshape3A, %get3A_16, %dot_general3A {dimension_numbers = #tpu.dot_dimension_numbers<[1], [0], [0], [1], [0, 0, 1, 1], [], []>, transpose_lhs_hint = false} : vector<1x64xf32>, vector<64x32xf32>, vector<1x32xf32> -> vector<1x32xf32>
    %get3A_18 = arith.constant 0 : index
    %get3A_19 = vector.load %arg8[%get3A_18] : memref<32xf32, #tpu.memory_space<vmem>>, vector<32xf32>
    %broadcast_in_dim3A_20 = vector.shape_cast %get3A_19 : vector<32xf32> to vector<1x32xf32>
    %add3A_21 = arith.addf %dot_general3A_17, %broadcast_in_dim3A_20 : vector<1x32xf32>
    %get3A_22 = arith.constant 0 : index
    %get3A_23 = vector.load %arg9[%get3A_22] : memref<32xf32, #tpu.memory_space<vmem>>, vector<32xf32>
    %get3A_24 = arith.constant 0 : index
    %get3A_25 = vector.load %arg12[%get3A_24] : memref<32xf32, #tpu.memory_space<vmem>>, vector<32xf32>
    %add3A_26 = arith.constant 1.000000e-03 : f32
    %add3A_27 = vector.broadcast %add3A_26 : f32 to vector<32xf32>
    %add3A_28 = arith.addf %get3A_25, %add3A_27 : vector<32xf32>
    %sqrt3A_29 = math.sqrt %add3A_28 : vector<32xf32>
    %div3A_30 = arith.divf %get3A_23, %sqrt3A_29 : vector<32xf32>
    %get3A_31 = arith.constant 0 : index
    %get3A_32 = vector.load %arg10[%get3A_31] : memref<32xf32, #tpu.memory_space<vmem>>, vector<32xf32>
    %get3A_33 = arith.constant 0 : index
    %get3A_34 = vector.load %arg11[%get3A_33] : memref<32xf32, #tpu.memory_space<vmem>>, vector<32xf32>
    %mul3A_35 = arith.mulf %get3A_34, %div3A_30 : vector<32xf32>
    %sub3A_36 = arith.subf %get3A_32, %mul3A_35 : vector<32xf32>
    %get3A_37 = arith.constant 0 : index
    %get3A_38 = arith.constant 0 : index
    %get3A_39 = vector.load %arg13[%get3A_37, %get3A_38] : memref<32x32xf32, #tpu.memory_space<vmem>>, vector<32x32xf32>
    %broadcast_in_dim3A_40 = vector.shape_cast %div3A_30 : vector<32xf32> to vector<32x1xf32>
    %mul3A_41 = vector.broadcast %broadcast_in_dim3A_40 : vector<32x1xf32> to vector<32x32xf32>
    %mul3A_42 = arith.mulf %get3A_39, %mul3A_41 : vector<32x32xf32>
    %reshape3A_43 = vector.shape_cast %sub3A_36 : vector<32xf32> to vector<1x32xf32>
    %get3A_44 = arith.constant 0 : index
    %get3A_45 = arith.constant 0 : index
    %get3A_46 = vector.load %arg13[%get3A_44, %get3A_45] : memref<32x32xf32, #tpu.memory_space<vmem>>, vector<32x32xf32>
    %dot_general3A_47 = arith.constant dense<0.000000e+00> : vector<1x32xf32>
    %dot_general3A_48 = tpu.matmul %reshape3A_43, %get3A_46, %dot_general3A_47 {dimension_numbers = #tpu.dot_dimension_numbers<[1], [0], [0], [1], [0, 0, 1, 1], [], []>, transpose_lhs_hint = false} : vector<1x32xf32>, vector<32x32xf32>, vector<1x32xf32> -> vector<1x32xf32>
    %get3A_49 = arith.constant 0 : index
    %get3A_50 = vector.load %arg14[%get3A_49] : memref<32xf32, #tpu.memory_space<vmem>>, vector<32xf32>
    %broadcast_in_dim3A_51 = vector.shape_cast %get3A_50 : vector<32xf32> to vector<1x32xf32>
    %add3A_52 = arith.addf %dot_general3A_48, %broadcast_in_dim3A_51 : vector<1x32xf32>
    %get3A_53 = arith.constant 0 : index
    %get3A_54 = arith.constant 0 : index
    %get3A_55 = arith.constant 0 : index
    %get3A_56 = vector.load %arg2[%get3A_53, %get3A_54, %get3A_55] : memref<2x10240x16xf32, #tpu.memory_space<vmem>>, vector<1x10000x1xf32>
    %get3A_57 = vector.shape_cast %get3A_56 : vector<1x10000x1xf32> to vector<10000x1xf32>
    %get3A_58 = arith.constant 1 : index
    %get3A_59 = arith.constant 0 : index
    %get3A_60 = arith.constant 0 : index
    %get3A_61 = vector.load %arg2[%get3A_58, %get3A_59, %get3A_60] : memref<2x10240x16xf32, #tpu.memory_space<vmem>>, vector<1x10000x1xf32>
    %get3A_62 = vector.shape_cast %get3A_61 : vector<1x10000x1xf32> to vector<10000x1xf32>
    %add3A_63 = arith.addf %get3A_57, %get3A_62 : vector<10000x1xf32>
    %max3A = arith.constant 1.000000e+00 : f32
    %max3A_64 = vector.broadcast %max3A : f32 to vector<10000x1xf32>
    %max3A_65 = arith.maximumf %add3A_63, %max3A_64 : vector<10000x1xf32>
    %div3A_66 = arith.constant 1.000000e+00 : f32
    %div3A_67 = vector.broadcast %div3A_66 : f32 to vector<10000x1xf32>
    %div3A_68 = arith.divf %div3A_67, %max3A_65 : vector<10000x1xf32>
    %get3A_69 = arith.constant 0 : index
    %get3A_70 = arith.constant 0 : index
    %get3A_71 = arith.constant 0 : index
    %get3A_72 = vector.load %arg1[%get3A_69, %get3A_70, %get3A_71] : memref<2x10240x32xf32, #tpu.memory_space<vmem>>, vector<1x10000x32xf32>
    %get3A_73 = vector.shape_cast %get3A_72 : vector<1x10000x32xf32> to vector<10000x32xf32>
    %get3A_74 = arith.constant 1 : index
    %get3A_75 = arith.constant 0 : index
    %get3A_76 = arith.constant 0 : index
    %get3A_77 = vector.load %arg1[%get3A_74, %get3A_75, %get3A_76] : memref<2x10240x32xf32, #tpu.memory_space<vmem>>, vector<1x10000x32xf32>
    %get3A_78 = vector.shape_cast %get3A_77 : vector<1x10000x32xf32> to vector<10000x32xf32>
    %add3A_79 = arith.addf %get3A_73, %get3A_78 : vector<10000x32xf32>
    %mul3A_80 = vector.broadcast %div3A_68 : vector<10000x1xf32> to vector<10000x32xf32>
    %mul3A_81 = arith.mulf %add3A_79, %mul3A_80 : vector<10000x32xf32>
    %get3A_82 = arith.constant 0 : index
    %get3A_83 = arith.constant 0 : index
    %get3A_84 = vector.load %arg0[%get3A_82, %get3A_83] : memref<10000x32xf32, #tpu.memory_space<vmem>>, vector<10000x32xf32>
    %slice3A = vector.extract_strided_slice %mul3A_13 {offsets = [0, 0], sizes = [32, 32], strides = [1, 1]} : vector<64x32xf32> to vector<32x32xf32>
    %dot_general3A_85 = arith.constant dense<0.000000e+00> : vector<10000x32xf32>
    %dot_general3A_86 = tpu.matmul %get3A_84, %slice3A, %dot_general3A_85 {dimension_numbers = #tpu.dot_dimension_numbers<[1], [0], [0], [1], [0, 0, 1, 1], [], []>, transpose_lhs_hint = false} : vector<10000x32xf32>, vector<32x32xf32>, vector<10000x32xf32> -> vector<10000x32xf32>
    %slice3A_87 = vector.extract_strided_slice %mul3A_13 {offsets = [32, 0], sizes = [32, 32], strides = [1, 1]} : vector<64x32xf32> to vector<32x32xf32>
    %dot_general3A_88 = arith.constant dense<0.000000e+00> : vector<10000x32xf32>
    %dot_general3A_89 = tpu.matmul %mul3A_81, %slice3A_87, %dot_general3A_88 {dimension_numbers = #tpu.dot_dimension_numbers<[1], [0], [0], [1], [0, 0, 1, 1], [], []>, transpose_lhs_hint = false} : vector<10000x32xf32>, vector<32x32xf32>, vector<10000x32xf32> -> vector<10000x32xf32>
    %add3A_90 = arith.addf %dot_general3A_86, %dot_general3A_89 : vector<10000x32xf32>
    %add3A_91 = vector.broadcast %add3A_21 : vector<1x32xf32> to vector<10000x32xf32>
    %add3A_92 = arith.addf %add3A_90, %add3A_91 : vector<10000x32xf32>
    %integer_pow3A = arith.mulf %add3A_92, %add3A_92 : vector<10000x32xf32>
    %integer_pow3A_93 = arith.mulf %add3A_92, %integer_pow3A : vector<10000x32xf32>
    %mul3A_94 = arith.constant 4.471500e-02 : f32
    %mul3A_95 = vector.broadcast %mul3A_94 : f32 to vector<10000x32xf32>
    %mul3A_96 = arith.mulf %mul3A_95, %integer_pow3A_93 : vector<10000x32xf32>
    %add3A_97 = arith.addf %add3A_92, %mul3A_96 : vector<10000x32xf32>
    %mul3A_98 = arith.constant 0.797884583 : f32
    %mul3A_99 = vector.broadcast %mul3A_98 : f32 to vector<10000x32xf32>
    %mul3A_100 = arith.mulf %mul3A_99, %add3A_97 : vector<10000x32xf32>
    %tanh3A = math.tanh %mul3A_100 : vector<10000x32xf32>
    %add3A_101 = arith.constant 1.000000e+00 : f32
    %add3A_102 = vector.broadcast %add3A_101 : f32 to vector<10000x32xf32>
    %add3A_103 = arith.addf %add3A_102, %tanh3A : vector<10000x32xf32>
    %mul3A_104 = arith.constant 5.000000e-01 : f32
    %mul3A_105 = vector.broadcast %mul3A_104 : f32 to vector<10000x32xf32>
    %mul3A_106 = arith.mulf %mul3A_105, %add3A_103 : vector<10000x32xf32>
    %mul3A_107 = arith.mulf %add3A_92, %mul3A_106 : vector<10000x32xf32>
    %add3A_108 = arith.addf %mul3A_107, %get3A_84 : vector<10000x32xf32>
    %dot_general3A_109 = arith.constant dense<0.000000e+00> : vector<10000x32xf32>
    %dot_general3A_110 = tpu.matmul %add3A_108, %mul3A_42, %dot_general3A_109 {dimension_numbers = #tpu.dot_dimension_numbers<[1], [0], [0], [1], [0, 0, 1, 1], [], []>, transpose_lhs_hint = false} : vector<10000x32xf32>, vector<32x32xf32>, vector<10000x32xf32> -> vector<10000x32xf32>
    %add3A_111 = vector.broadcast %add3A_52 : vector<1x32xf32> to vector<10000x32xf32>
    %add3A_112 = arith.addf %dot_general3A_110, %add3A_111 : vector<10000x32xf32>
    %integer_pow3A_113 = arith.mulf %add3A_112, %add3A_112 : vector<10000x32xf32>
    %integer_pow3A_114 = arith.mulf %add3A_112, %integer_pow3A_113 : vector<10000x32xf32>
    %mul3A_115 = arith.constant 4.471500e-02 : f32
    %mul3A_116 = vector.broadcast %mul3A_115 : f32 to vector<10000x32xf32>
    %mul3A_117 = arith.mulf %mul3A_116, %integer_pow3A_114 : vector<10000x32xf32>
    %add3A_118 = arith.addf %add3A_112, %mul3A_117 : vector<10000x32xf32>
    %mul3A_119 = arith.constant 0.797884583 : f32
    %mul3A_120 = vector.broadcast %mul3A_119 : f32 to vector<10000x32xf32>
    %mul3A_121 = arith.mulf %mul3A_120, %add3A_118 : vector<10000x32xf32>
    %tanh3A_122 = math.tanh %mul3A_121 : vector<10000x32xf32>
    %add3A_123 = arith.constant 1.000000e+00 : f32
    %add3A_124 = vector.broadcast %add3A_123 : f32 to vector<10000x32xf32>
    %add3A_125 = arith.addf %add3A_124, %tanh3A_122 : vector<10000x32xf32>
    %mul3A_126 = arith.constant 5.000000e-01 : f32
    %mul3A_127 = vector.broadcast %mul3A_126 : f32 to vector<10000x32xf32>
    %mul3A_128 = arith.mulf %mul3A_127, %add3A_125 : vector<10000x32xf32>
    %mul3A_129 = arith.mulf %add3A_112, %mul3A_128 : vector<10000x32xf32>
    %get3A_130 = arith.constant 0 : index
    %get3A_131 = arith.constant 0 : index
    %get3A_132 = vector.load %arg15[%get3A_130, %get3A_131] : memref<32x16xf32, #tpu.memory_space<vmem>>, vector<32x16xf32>
    %dot_general3A_133 = arith.constant dense<0.000000e+00> : vector<10000x16xf32>
    %dot_general3A_134 = tpu.matmul %mul3A_129, %get3A_132, %dot_general3A_133 {dimension_numbers = #tpu.dot_dimension_numbers<[1], [0], [0], [1], [0, 0, 1, 1], [], []>, transpose_lhs_hint = false} : vector<10000x32xf32>, vector<32x16xf32>, vector<10000x16xf32> -> vector<10000x16xf32>
    %get3A_135 = arith.constant 0 : index
    %get3A_136 = vector.load %arg16[%get3A_135] : memref<16xf32, #tpu.memory_space<vmem>>, vector<16xf32>
    %broadcast_in_dim3A_137 = vector.shape_cast %get3A_136 : vector<16xf32> to vector<1x16xf32>
    %add3A_138 = vector.broadcast %broadcast_in_dim3A_137 : vector<1x16xf32> to vector<10000x16xf32>
    %add3A_139 = arith.addf %dot_general3A_134, %add3A_138 : vector<10000x16xf32>
    %swap3A = arith.constant 0 : index
    %swap3A_140 = arith.constant 0 : index
    %swap3A_141 = vector.load %arg17[%swap3A, %swap3A_140] : memref<10000x16xf32, #tpu.memory_space<vmem>>, vector<10000x16xf32>
    tpu.vector_store %arg17[%swap3A, %swap3A_140], %add3A_139 {strides = array<i32>} : memref<10000x16xf32, #tpu.memory_space<vmem>>, vector<10000x16xf32>,
    return
  }
}

</mosaic_0001>

<sc_bundles>
// kernel: kernel.11.cloned.1.call-start
scs
__scs_entry_jumppad:
0x0: {  	(pc) =	sbr.rel $0x88, $3  }
0x1: {  	(tag) =	ssettag $0x0;
	lr =	simm.s32 $0x1  }
0x2: {  	[smem:$0x3F78] =	sst lr;
	_ =	strace $0xD0000000  }
0x3: {  	_ = 	snop  }
0x4: {  	_ = 	snop  }
0x5: {  	_ = 	snop  }
0x6: {  	_ = 	snop  }
0x7: {  	_ = 	snop  }
__scs_overlays_trampoline_lowered:
0x8: {  	[smem:$0x3F87] =	sst s0  }
0x9: {  	[smem:$0x3F88] =	sst s1  }
0xa: {  	[smem:$0x3F89] =	sst s2  }
0xb: {  	[smem:$0x3F8A] =	sst s3  }
0xc: {  	[smem:$0x3F8B] =	sst s4  }
0xd: {  	[smem:$0x3F8C] =	sst s5  }
0xe: {  	[smem:$0x3F8D] =	sst s6  }
0xf: {  	[smem:$0x3F8E] =	sst s7  }
0x10: {  	[smem:$0x3F8F] =	sst s8  }
0x11: {  	[smem:$0x3F90] =	sst s9;
	s0 =	simm.s32 @!p0 $0x0  }
0x12: {  	s1 =	sld [smem:$0x3F76];
	s0 =	simm.s32 @p0 $0x1  }
0x13: {  	[smem:$0x3F91] =	sst s0;
	s0 =	simm.s32 @!p1 $0x0  }
0x14: {  	s2 =	sld [smem:$0x3F75];
	s0 =	simm.s32 @p1 $0x1  }
0x15: {  	[smem:$0x3F92] =	sst s0;
	s0 =	simm.s32 @!p2 $0x0  }
0x16: {  	s3 =	sld [smem:$0x3FDB];
	s0 =	simm.s32 @p2 $0x1  }
0x17: {  	s4 =	simm.s32 $0x1BF5;
	[smem:$0x3F94] =	sst s0  }
0x18: {  	s0 =	sld [smem:$0x3F77];
	_ =	swait.ge [sflag:s4], $0x0  }
0x19: {  	s7 =	sld [smem:$0x3F78]  }
0x1a: {  	s8 =	sadd.s32 $0xFFFFE003, lr  }
0x1b: {  	s9 =	sadd.s32 $0xFFFFFEF7, lr;
	s5 =	simm.s32 $0xFFFFFFFF;
	p2 =	slt.u32 s8, $0xFFFFF086  }
0x1c: {  	p1 =	slt.u32 s9, $0xF7A;
	s5 =	simm.s32 @!p2 $0x0  }
0x1d: {  	s5 =	simm.s32 @p1 $0x1;
	p0 =	seq.s32 s7, s2  }
0x1e: {  	s7 =	smul.u32 @!p0 $0xF7A, s2;
	p2 =	seq.s32 @!p0 s5, $0x0  }
0x1f: {  	s9 =	smul.u32 $0xF7A, s1;
	s8 =	simm.s32 @!p0 $0x1BF5;
	p2 =	por !p2, p0  }
0x20: {  	[sflag:s8] =	ssyncset.s32 @!p0 $0xFFFFF086;
	s6 =	sadd.s32 @!p0 s3, s7;
	s7 =	simm.s32 @!p0 $0x108  }
0x21: {  	s3 =	sadd.s32 s3, s9;
	s6 =	sadd.s32 @!p0 $0x88, s6;
	s7 =	simm.s32 @p2 $0x1082  }
0x22: {  	[simem:s7], [sflag:s8] =	dma.local @!p0 [hbm:s6], $0xF7A  }
0x23: {  	s9 =	sor.u32 $0xD0000000, s2;
	s6 =	simm.s32 $0x108;
	_ =	swait.ge @!p0 [sflag:s8], $0x0  }
0x24: {  	s3 =	sadd.s32 $0x88, s3;
	s6 =	simm.s32 @!p1 $0x1082;
	[sflag:s4] =	ssyncset.s32 $0xFFFFF086  }
0x25: {  	[simem:s6], [sflag:s4] =	dma.local [hbm:s3], $0xF7A  }
0x26: {  	[smem:$0x3F78] =	sst s1;
	(tag) =	ssettag s2;
	_ =	strace s9  }
0x27: {  	s1 =	sld [smem:$0x3F88]  }
0x28: {  	s2 =	sld [smem:$0x3F89]  }
0x29: {  	s4 =	sld [smem:$0x3F8B]  }
0x2a: {  	p0 =	seq.s32 s5, $0x0;
	s5 =	sld [smem:$0x3F8C]  }
0x2b: {  	s6 =	sld [smem:$0x3F8D]  }
0x2c: {  	s7 =	sld [smem:$0x3F8E]  }
0x2d: {  	s3 =	simm.s32 $0x108;
	s8 =	sld [smem:$0x3F8F]  }
0x2e: {  	s3 =	simm.s32 @!p0 $0x1082;
	s9 =	sld [smem:$0x3F90]  }
0x2f: {  	lr =	sadd.s32 s0, s3;
	s0 =	sld [smem:$0x3F87]  }
0x30: {  	s3 =	sld [smem:$0x3F8A]  }
0x31: {  	[smem:$0x3F93] =	sst s10  }
0x32: {  	s10 =	sld [smem:$0x3F91];
	_ =	sdelay $0x3  }
0x33: {  	p0 =	seq.s32 s10, $0x1;
	s10 =	sld [smem:$0x3F93];
	_ =	sdelay $0x3  }
0x34: {  	[smem:$0x3F93] =	sst s10  }
0x35: {  	s10 =	sld [smem:$0x3F92];
	_ =	sdelay $0x3  }
0x36: {  	p1 =	seq.s32 s10, $0x1;
	s10 =	sld [smem:$0x3F93];
	_ =	sdelay $0x3  }
0x37: {  	[smem:$0x3F93] =	sst s10  }
0x38: {  	s10 =	sld [smem:$0x3F94]  }
0x39: {  	_ = 	snop;
	(pc) =	sbr.ind lr, $3  }
0x3a: {  	_ = 	snop  }
0x3b: {  	_ = 	snop  }
0x3c: {  	p2 =	seq.s32 s10, $0x1;
	s10 =	sld [smem:$0x3F93]  }
0x3d: {  	_ =	shalt  }
0x3e: {  	_ =	shalt  }
0x3f: {  	_ =	shalt  }
0x40: {  	_ =	shalt  }
0x41: {  	_ =	shalt  }
0x42: {  	_ =	shalt  }
0x43: {  	_ =	shalt  }
0x44: {  	_ =	shalt  }
0x45: {  	_ =	shalt  }
0x46: {  	_ =	shalt  }
0x47: {  	_ =	shalt  }
0x48: {  	_ =	shalt  }
0x49: {  	_ =	shalt  }
0x4a: {  	_ =	shalt  }
0x4b: {  	_ =	shalt  }
0x4c: {  	_ =	shalt  }
0x4d: {  	_ =	shalt  }
0x4e: {  	_ =	shalt  }
0x4f: {  	_ =	shalt  }
0x50: {  	_ =	shalt  }
0x51: {  	_ =	shalt  }
0x52: {  	_ =	shalt  }
0x53: {  	_ =	shalt  }
0x54: {  	_ =	shalt  }
0x55: {  	_ =	shalt  }
0x56: {  	_ =	shalt  }
0x57: {  	_ =	shalt  }
0x58: {  	_ =	shalt  }
0x59: {  	_ =	shalt  }
0x5a: {  	_ =	shalt  }
0x5b: {  	_ =	shalt  }
0x5c: {  	_ =	shalt  }
0x5d: {  	_ =	shalt  }
0x5e: {  	_ =	shalt  }
0x5f: {  	_ =	shalt  }
0x60: {  	_ =	shalt  }
0x61: {  	_ =	shalt  }
0x62: {  	_ =	shalt  }
0x63: {  	_ =	shalt  }
0x64: {  	_ =	shalt  }
0x65: {  	_ =	shalt  }
0x66: {  	_ =	shalt  }
0x67: {  	_ =	shalt  }
0x68: {  	_ =	shalt  }
0x69: {  	_ =	shalt  }
0x6a: {  	_ =	shalt  }
0x6b: {  	_ =	shalt  }
0x6c: {  	_ =	shalt  }
0x6d: {  	_ =	shalt  }
0x6e: {  	_ =	shalt  }
0x6f: {  	_ =	shalt  }
0x70: {  	_ =	shalt  }
0x71: {  	_ =	shalt  }
0x72: {  	_ =	shalt  }
0x73: {  	_ =	shalt  }
0x74: {  	_ =	shalt  }
0x75: {  	_ =	shalt  }
0x76: {  	_ =	shalt  }
0x77: {  	_ =	shalt  }
0x78: {  	_ =	shalt  }
0x79: {  	_ =	shalt  }
0x7a: {  	_ =	shalt  }
0x7b: {  	_ =	shalt  }
0x7c: {  	_ =	shalt  }
0x7d: {  	_ =	shalt  }
0x7e: {  	_ =	shalt  }
0x7f: {  	_ =	shalt  }
0x80: {  	_ =	shalt  }
0x81: {  	_ =	shalt  }
0x82: {  	_ =	shalt  }
0x83: {  	_ =	shalt  }
0x84: {  	_ =	shalt  }
0x85: {  	_ =	shalt  }
0x86: {  	_ =	shalt  }
0x87: {  	_ =	shalt  }
.Lfunc_end0:
.L_simem_size_0:
called_computation.1_lowered:
.L_overlay_start_0:
0x88: {  	s2 =	sld [smem:$0x3FD9]  }
0x89: {  	s3 =	sld [smem:$0x3FFE];
	_ =	sdelay $0x1  }
0x8a: {  	s1 =	srdreg.scid  }
0x8b: {  	s0 =	sand.u32 $0x1, s1  }
0x8c: {  	s16 =	sshll.u32 s0, $0xA;
	s2 =	sadd.s32 s3, s2  }
0x8d: {  	s2 =	sadd.s32 s2, s16  }
0x8e: {  	[smem:$0x3F9F] =	sst s2  }
0x8f: {  	_ = 	snop  }
0x90: {  	(tm) =	ssettm $0x1  }
0x91: {  	s17 =	sld [smem:$0x3FFB];
	_ =	sdelay $0x3  }
0x92: {  	_ =	strace s17  }
0x93: {  	s2 =	sld [smem:$0x3FFC];
	_ =	sdelay $0x3  }
0x94: {  	_ =	strace s2  }
0x95: {  	s2 =	sld [smem:$0x3FFD];
	_ =	sdelay $0x3  }
0x96: {  	_ =	strace s2  }
0x97: {  	_ =	strace $0x8FFFFFFF  }
0x98: {  	s18 =	sld [smem:$0x3FDB];
	_ =	sdelay $0x1  }
0x99: {  	s19 =	simm.s32 $_scs_section_size  }
0x9a: {  	s4 =	simm.s32 $_size__tile_overlayer_lowered;
	s5 =	simm.s32 $_tile_overlayer_lowered  }
0x9b: {  	s22 =	simm.s32 $0x1BFF;
	s21 =	sshll.u32 s5, $0x1;
	s2 =	sadd.s32 s19, s18  }
0x9c: {  	s6 =	simm.s32 $0x0;
	s20 =	sshll.u32 s4, $0x1;
	s4 =	sadd.s32 s21, s2  }
0x9d: {  	[timem:s6], [sflag:s22] =	dma.local [hbm:s4], s20  }
0x9e: {  	_ =	swait.ge [sflag:s22], s20  }
0x9f: {  	s3 =	ssub.s32 $0x0, s20;
	[sflag:s22] =	ssyncset.done $0x0  }
0xa0: {  	[sflag:s22] =	ssyncadd.s32 s3;
	_ =	sdelay $0x1  }
0xa1: {  	s23 =	simm.s32 $0x1B8B  }
0xa2: {  	_ =	swait.ge [sflag:s23], $0x1  }
0xa3: {  	[sflag:s23] =	ssyncset.done $0x0  }
0xa4: {  	s25 =	simm.s32 $0x1B8E;
	s24 =	sld [smem:$0x3FFE];
	[sflag:s23] =	ssyncadd.s32 $0xFFFFFFFF  }
0xa5: {  	s26 =	simm.s32 $execute0_lowered;
	[smem:$0x3FD2] =	sst s25  }
0xa6: {  	s4 =	sshll.u32 s26, $0x1;
	_ =	strace $0x80000049;
	[dreg:$0x1] =	wrdreg $0xFFFFFFFF  }
0xa7: {  	s28 =	simm.s32 $_size_execute0_lowered;
	s2 =	sadd.s32 s2, s4;
	[dreg:$0x0] =	wrdreg $0x0  }
0xa8: {  	s4 =	sshll.u32 s28, $0x1;
	[dreg:$0x2] =	wrdreg s2  }
0xa9: {  	[dreg:$0x3] =	wrdreg s4  }
0xaa: {  	[dreg:$0x4] =	wrdreg $0xC0  }
0xab: {  	_ =	task [dreg:s6], $0x5FFFF  }
0xac: {  	[dreg:$0x1] =	wrdreg $0xFFFFFFFF  }
0xad: {  	[dreg:$0x0] =	wrdreg $0x60  }
0xae: {  	[dreg:$0x2] =	wrdreg s24  }
0xaf: {  	[dreg:$0x3] =	wrdreg $0x120000  }
0xb0: {  	[dreg:$0x4] =	wrdreg $0xD0000  }
0xb1: {  	[dreg:$0x5] =	wrdreg $0x9  }
0xb2: {  	_ =	task.clear_ibuf [dreg:s6], $0x6FFFF;
	_ =	strace $0x90000049  }
0xb3: {  	s29 =	simm.s32 $0x9;
	_ =	strace $0x8000004B  }
0xb4: {  	_ =	swait.ge [sflag:s29], $0x1  }
0xb5: {  	[sflag:s29] =	ssyncadd.s32 $0xFFFFFFFF  }
0xb6: {  	_ =	strace $0x9000004B  }
0xb7: {  	_ =	sfence  }
0xb8: {  	s30 =	sld [smem:$0x0];
	_ =	sdelay $0x2  }
0xb9: {  	s31 =	sshll.u32 s1, $0xD;
	s1 =	sshrl.u32 s1, $0x2  }
0xba: {  	s3 =	sand.u32 $0x4000, s31;
	s1 =	sadd.s32 s1, s30  }
0xbb: {  	s0 =	sor.u32 s3, s0;
	s1 =	sshll.u32 s1, $0x11  }
0xbc: {  	s0 =	sor.u32 s1, s0  }
0xbd: {  	s0 =	sadd.s32 $0x8F2B, s0  }
0xbe: {  	[sflag:s0] =	ssyncadd.remote.s32 $0x1  }
0xbf: {  	_ =	sfence.sel $0xFFFF  }
0xc0: {  	[dreg:$0x0] =	wrdreg $0xFFFFFFFF;
	(pc) =	sbr.abs _section_cstart, $3  }
0xc1: {  	[dreg:$0x1] =	wrdreg $0xFFFFFFFF  }
0xc2: {  	_ =	task.clear_ibuf [dreg:s6], $0x2FFFF;
	_ =	strace $0x9FFFFFFF  }
0xc3: {  	(tm) =	ssettm $0x7FFFFFFF  }
tec
execute0_lowered:
.L_overlay_start_1:
0x0: {  	(tag) =	ssettag $0x1  }
0x1: {  	s0 =	rddreg [dreg:$0x0]  }
0x2: {  	s2 =	rddreg [dreg:$0x1];
	s1 =	srdreg.scid  }
0x3: {  	s3 =	rddreg [dreg:$0x2];
	s8 =	stileid.u32;
	s7 =	simm.s32 $0x0  }
0x4: {  	s16 =	simm.s32 $0x80;
	s17 =	simm.s32 $0x5000;
	s18 =	simm.s32 $0x6000  }
0x5: {  	s20 =	simm.s32 $0x7000;
	s30 =	simm.s32 $0xA000;
	s31 =	simm.s32 $0x3  }
0x6: {  	s19 =	simm.s32 $0xB000;
	s21 =	simm.s32 $0x4;
	s29 =	simm.s32 $0xC000  }
0x7: {  	s28 =	simm.s32 $0xA;
	s14 =	simm.s32 $0xC;
	s10 =	simm.s32 $0xE  }
0x8: {  	s11 =	simm.s32 $0xF;
	s15 =	simm.s32 $0x10;
	s1 =	sand.u32 $0x1, s1  }
0x9: {  	s4 =	smul.u32 $0x5000, s8;
	[smem:$0x7FF] =	sst s7;
	s5 =	sshll.u32 s1, $0x4  }
0xa: {  	s6 =	smul.u32 $0x50000, s1;
	_ =	strace $0x8000004A;
	s1 =	ssub.s32 $0x2, s1  }
0xb: {  	s5 =	sor.u32 s8, s5;
	s22 =	sshrl.u32 s4, $0x3;
	s23 =	sshrl.u32 s1, $0x1  }
0xc: {  	s24 =	sadd.s32 s4, s2;
	s8 =	sshll.u32 s8, $0x6;
	s5 =	smul.u32 $0x2800, s5  }
0xd: {  	s7 =	sadd.s32 s22, s0;
	s6 =	sadd.s32 s4, s6;
	s1 =	ssub.s32 s1, s23  }
0xe: {  	s12 =	sor.u32 $0x1C11, s8;
	s4 =	sadd.s32 s4, s3;
	s13 =	sshrl.u32 s24, $0x3  }
0xf: {  	s22 =	simm.s32 $0x8000;
	s23 =	simm.s32 $0x1;
	[dreg:$0x5] =	wrdreg s12  }
0x10: {  	s24 =	simm.s32 $0x6;
	s9 =	sadd.s32 $0x24400, s7;
	[dreg:$0xb] =	wrdreg s13  }
0x11: {  	s8 =	simm.s32 $0x8;
	s26 =	sadd.s32 $0x6400, s7;
	[dreg:$0x4] =	wrdreg s9  }
0x12: {  	s6 =	sshrl.u32 s6, $0x3;
	s1 =	smax.u32 s1, $0x1;
	[dreg:$0x8] =	wrdreg s26  }
0x13: {  	s7 =	simm.s32 $0xB;
	s5 =	sshrl.u32 s5, $0x3;
	[dreg:$0xa] =	wrdreg s1  }
0x14: {  	s5 =	sadd.s32 s5, s0;
	s0 =	sadd.s32 s6, s0;
	s6 =	simm.s32 $0x0  }
0x15: {  	s26 =	simm.s32 $0x2;
	s25 =	sadd.s32 $0x1A400, s5;
	[dreg:$0xd] =	wrdreg s6  }
0x16: {  	s1 =	simm.s32 $0x9;
	s5 =	sadd.s32 $0x10400, s5;
	[dreg:$0x6] =	wrdreg s25  }
0x17: {  	s9 =	simm.s32 $0xD;
	s0 =	sadd.s32 $0x2E400, s0;
	[dreg:$0x7] =	wrdreg s5  }
0x18: {  	[dreg:$0x9] =	wrdreg s0;
	s5 =	sshrl.u32 s4, $0x3;
	s25 =	simm.s32 $0x9000  }
0x19: {  	s0 =	simm.s32 $0x5;
	[dreg:$0xc] =	wrdreg s5;
	s5 =	simm.s32 $0x7  }
.LBB2_1:
0x1a: {  	s4 =	simm.s32 $0x11;
	s6 =	rddreg [dreg:$0x4]  }
0x1b: {  	[spmem:s13], [sflag:s12] =	dma.local [hbm:s6], $0xA00  }
0x1c: {  	_ =	swait.ge [sflag:s4], $0xA00  }
0x1d: {  	[sflag:s4] =	ssyncset.done $0x0  }
0x1e: {  	s13 =	simm.s32 $0x0;
	s12 =	rddreg [dreg:$0x6];
	[sflag:s4] =	ssyncadd.s32 $0xFFFFF600  }
0x1f: {  	[tilespmem:s13], [sflag:$0x11] =	stream.linear.gather [hbm4b:s12+s13], $0x2800, $0x38;
	[tilespmem:$0x17000] =	vst v63  }
0x20: {  	_ =	swait.ge [sflag:s4], $0x2800  }
0x21: {  	s6 =	simm.s32 $0x2800;
	[sflag:s4] =	ssyncset.done $0x0  }
0x22: {  	s12 =	simm.s32 $0x0;
	s13 =	rddreg [dreg:$0x7];
	[sflag:s4] =	ssyncadd.s32 $0xFFFFD800  }
0x23: {  	[tilespmem:s6], [sflag:$0x11] =	stream.linear.gather [hbm4b:s13+s12], $0x2800, $0x38;
	[tilespmem:$0x17000] =	vst v63  }
0x24: {  	_ =	swait.ge [sflag:s4], $0x2800  }
0x25: {  	s12 =	rddreg [dreg:$0x5]  }
0x26: {  	[sflag:s4] =	ssyncset.done $0x0;
	s13 =	rddreg [dreg:$0x8]  }
0x27: {  	s6 =	rddreg [dreg:$0xc];
	[sflag:s4] =	ssyncadd.s32 $0xFFFFD800  }
0x28: {  	[spmem:s6], [sflag:s12] =	dma.local [hbm:s13], $0xA00  }
0x29: {  	_ =	swait.ge [sflag:s4], $0xA00  }
0x2a: {  	[sflag:s4] =	ssyncset.done $0x0  }
0x2b: {  	[sflag:s4] =	ssyncadd.s32 $0xFFFFF600  }
0x2c: {  	s12 =	simm.s32 $0x0;
	[bflag:$0x0] =	sbarrier.arrive $0xFFFF  }
0x2d: {  	[tilespmem:s17], [sflag:$0x1] =	stream.indirect.gather [spmem:s3], $0x20, s12, s16, $0xb8;
	[tilespmem:$0x17000] =	vst v63  }
0x2e: {  	_ = 	snop  }
0x2f: {  	[tilespmem:s18], [sflag:$0x2] =	stream.indirect.gather [spmem:s3], $0x20, s16, s16, $0xb8;
	[tilespmem:$0x17000] =	vst v63  }
0x30: {  	s13 =	simm.s32 $0x100  }
0x31: {  	[tilespmem:s20], [sflag:$0x3] =	stream.indirect.gather [spmem:s3], $0x20, s13, s16, $0xb8;
	[tilespmem:$0x17000] =	vst v63  }
0x32: {  	s6 =	simm.s32 $0x180  }
0x33: {  	[tilespmem:s22], [sflag:$0x4] =	stream.indirect.gather [spmem:s3], $0x20, s6, s16, $0xb8;
	[tilespmem:$0x17000] =	vst v63  }
0x34: {  	_ =	swait.ge [sflag:s23], $0x1000  }
0x35: {  	[sflag:s23] =	ssyncset.done $0x0  }
0x36: {  	s12 =	simm.s32 $0x2800;
	[sflag:s23] =	ssyncadd.s32 $0xFFFFF000  }
0x37: {  	[spmem:s2] =	stream.indirect.scatter.add.f32 [tilespmem:s17], [sflag:$0x9], $0x20, s12, s16, $0xb8;
	[tilespmem:$0x17000] =	vst v63  }
0x38: {  	s13 =	simm.s32 $0x200  }
0x39: {  	[tilespmem:s25], [sflag:$0x5] =	stream.indirect.gather [spmem:s3], $0x20, s13, s16, $0xb8;
	[tilespmem:$0x17000] =	vst v63  }
0x3a: {  	_ =	swait.ge [sflag:s26], $0x1000  }
0x3b: {  	[sflag:s26] =	ssyncset.done $0x0  }
0x3c: {  	s6 =	simm.s32 $0x2880;
	[sflag:s26] =	ssyncadd.s32 $0xFFFFF000  }
0x3d: {  	[spmem:s2] =	stream.indirect.scatter.add.f32 [tilespmem:s18], [sflag:$0xA], $0x20, s6, s16, $0xb8;
	[tilespmem:$0x17000] =	vst v63  }
0x3e: {  	s12 =	simm.s32 $0x280  }
0x3f: {  	[tilespmem:s30], [sflag:$0x6] =	stream.indirect.gather [spmem:s3], $0x20, s12, s16, $0xb8;
	[tilespmem:$0x17000] =	vst v63  }
0x40: {  	_ =	swait.ge [sflag:s31], $0x1000  }
0x41: {  	[sflag:s31] =	ssyncset.done $0x0  }
0x42: {  	s13 =	simm.s32 $0x2900;
	[sflag:s31] =	ssyncadd.s32 $0xFFFFF000  }
0x43: {  	[spmem:s2] =	stream.indirect.scatter.add.f32 [tilespmem:s20], [sflag:$0xB], $0x20, s13, s16, $0xb8;
	[tilespmem:$0x17000] =	vst v63  }
0x44: {  	s6 =	simm.s32 $0x300  }
0x45: {  	[tilespmem:s19], [sflag:$0x7] =	stream.indirect.gather [spmem:s3], $0x20, s6, s16, $0xb8;
	[tilespmem:$0x17000] =	vst v63  }
0x46: {  	_ =	swait.ge [sflag:s21], $0x1000  }
0x47: {  	[sflag:s21] =	ssyncset.done $0x0  }
0x48: {  	s12 =	simm.s32 $0x2980;
	[sflag:s21] =	ssyncadd.s32 $0xFFFFF000  }
0x49: {  	[spmem:s2] =	stream.indirect.scatter.add.f32 [tilespmem:s22], [sflag:$0xC], $0x20, s12, s16, $0xb8;
	[tilespmem:$0x17000] =	vst v63  }
0x4a: {  	s13 =	simm.s32 $0x380  }
0x4b: {  	[tilespmem:s29], [sflag:$0x8] =	stream.indirect.gather [spmem:s3], $0x20, s13, s16, $0xb8;
	[tilespmem:$0x17000] =	vst v63  }
0x4c: {  	_ =	swait.ge [sflag:s0], $0x1000  }
0x4d: {  	[sflag:s0] =	ssyncset.done $0x0  }
0x4e: {  	s4 =	simm.s32 $0x2A00;
	[sflag:s0] =	ssyncadd.s32 $0xFFFFF000  }
0x4f: {  	[spmem:s2] =	stream.indirect.scatter.add.f32 [tilespmem:s25], [sflag:$0xD], $0x20, s4, s16, $0xb8;
	[tilespmem:$0x17000] =	vst v63  }
0x50: {  	_ =	swait.ge [sflag:s1], $0x1000  }
0x51: {  	[sflag:s1] =	ssyncset.done $0x0  }
0x52: {  	s12 =	simm.s32 $0x400;
	[sflag:s1] =	ssyncadd.s32 $0xFFFFF000  }
0x53: {  	[tilespmem:s17], [sflag:$0x1] =	stream.indirect.gather [spmem:s3], $0x20, s12, s16, $0xb8;
	[tilespmem:$0x17000] =	vst v63  }
0x54: {  	_ =	swait.ge [sflag:s24], $0x1000  }
0x55: {  	[sflag:s24] =	ssyncset.done $0x0  }
0x56: {  	s13 =	simm.s32 $0x2A80;
	[sflag:s24] =	ssyncadd.s32 $0xFFFFF000  }
0x57: {  	[spmem:s2] =	stream.indirect.scatter.add.f32 [tilespmem:s30], [sflag:$0xE], $0x20, s13, s16, $0xb8;
	[tilespmem:$0x17000] =	vst v63  }
0x58: {  	_ =	swait.ge [sflag:s28], $0x1000  }
0x59: {  	[sflag:s28] =	ssyncset.done $0x0  }
0x5a: {  	s4 =	simm.s32 $0x480;
	[sflag:s28] =	ssyncadd.s32 $0xFFFFF000  }
0x5b: {  	[tilespmem:s18], [sflag:$0x2] =	stream.indirect.gather [spmem:s3], $0x20, s4, s16, $0xb8;
	[tilespmem:$0x17000] =	vst v63  }
0x5c: {  	_ =	swait.ge [sflag:s5], $0x1000  }
0x5d: {  	[sflag:s5] =	ssyncset.done $0x0  }
0x5e: {  	s12 =	simm.s32 $0x2B00;
	[sflag:s5] =	ssyncadd.s32 $0xFFFFF000  }
0x5f: {  	[spmem:s2] =	stream.indirect.scatter.add.f32 [tilespmem:s19], [sflag:$0xF], $0x20, s12, s16, $0xb8;
	[tilespmem:$0x17000] =	vst v63  }
0x60: {  	_ =	swait.ge [sflag:s7], $0x1000  }
0x61: {  	[sflag:s7] =	ssyncset.done $0x0  }
0x62: {  	s13 =	simm.s32 $0x500;
	[sflag:s7] =	ssyncadd.s32 $0xFFFFF000  }
0x63: {  	[tilespmem:s20], [sflag:$0x3] =	stream.indirect.gather [spmem:s3], $0x20, s13, s16, $0xb8;
	[tilespmem:$0x17000] =	vst v63  }
0x64: {  	_ =	swait.ge [sflag:s8], $0x1000  }
0x65: {  	[sflag:s8] =	ssyncset.done $0x0  }
0x66: {  	s4 =	simm.s32 $0x2B80;
	[sflag:s8] =	ssyncadd.s32 $0xFFFFF000  }
0x67: {  	[spmem:s2] =	stream.indirect.scatter.add.f32 [tilespmem:s29], [sflag:$0x10], $0x20, s4, s16, $0xb8;
	[tilespmem:$0x17000] =	vst v63  }
0x68: {  	_ =	swait.ge [sflag:s14], $0x1000  }
0x69: {  	[sflag:s14] =	ssyncset.done $0x0  }
0x6a: {  	s12 =	simm.s32 $0x580;
	[sflag:s14] =	ssyncadd.s32 $0xFFFFF000  }
0x6b: {  	[tilespmem:s22], [sflag:$0x4] =	stream.indirect.gather [spmem:s3], $0x20, s12, s16, $0xb8;
	[tilespmem:$0x17000] =	vst v63  }
0x6c: {  	_ =	swait.ge [sflag:s23], $0x1000  }
0x6d: {  	[sflag:s23] =	ssyncset.done $0x0  }
0x6e: {  	s13 =	simm.s32 $0x2C00;
	[sflag:s23] =	ssyncadd.s32 $0xFFFFF000  }
0x6f: {  	[spmem:s2] =	stream.indirect.scatter.add.f32 [tilespmem:s17], [sflag:$0x9], $0x20, s13, s16, $0xb8;
	[tilespmem:$0x17000] =	vst v63  }
0x70: {  	_ =	swait.ge [sflag:s9], $0x1000  }
0x71: {  	[sflag:s9] =	ssyncset.done $0x0  }
0x72: {  	s4 =	simm.s32 $0x600;
	[sflag:s9] =	ssyncadd.s32 $0xFFFFF000  }
0x73: {  	[tilespmem:s25], [sflag:$0x5] =	stream.indirect.gather [spmem:s3], $0x20, s4, s16, $0xb8;
	[tilespmem:$0x17000] =	vst v63  }
0x74: {  	_ =	swait.ge [sflag:s26], $0x1000  }
0x75: {  	[sflag:s26] =	ssyncset.done $0x0  }
0x76: {  	s12 =	simm.s32 $0x2C80;
	[sflag:s26] =	ssyncadd.s32 $0xFFFFF000  }
0x77: {  	[spmem:s2] =	stream.indirect.scatter.add.f32 [tilespmem:s18], [sflag:$0xA], $0x20, s12, s16, $0xb8;
	[tilespmem:$0x17000] =	vst v63  }
0x78: {  	_ =	swait.ge [sflag:s10], $0x1000  }
0x79: {  	[sflag:s10] =	ssyncset.done $0x0  }
0x7a: {  	s13 =	simm.s32 $0x680;
	[sflag:s10] =	ssyncadd.s32 $0xFFFFF000  }
0x7b: {  	[tilespmem:s30], [sflag:$0x6] =	stream.indirect.gather [spmem:s3], $0x20, s13, s16, $0xb8;
	[tilespmem:$0x17000] =	vst v63  }
0x7c: {  	_ =	swait.ge [sflag:s31], $0x1000  }
0x7d: {  	[sflag:s31] =	ssyncset.done $0x0  }
0x7e: {  	s4 =	simm.s32 $0x2D00;
	[sflag:s31] =	ssyncadd.s32 $0xFFFFF000  }
0x7f: {  	[spmem:s2] =	stream.indirect.scatter.add.f32 [tilespmem:s20], [sflag:$0xB], $0x20, s4, s16, $0xb8;
	[tilespmem:$0x17000] =	vst v63  }
0x80: {  	_ =	swait.ge [sflag:s11], $0x1000  }
0x81: {  	[sflag:s11] =	ssyncset.done $0x0  }
0x82: {  	s12 =	simm.s32 $0x700;
	[sflag:s11] =	ssyncadd.s32 $0xFFFFF000  }
0x83: {  	[tilespmem:s19], [sflag:$0x7] =	stream.indirect.gather [spmem:s3], $0x20, s12, s16, $0xb8;
	[tilespmem:$0x17000] =	vst v63  }
0x84: {  	_ =	swait.ge [sflag:s21], $0x1000  }
0x85: {  	[sflag:s21] =	ssyncset.done $0x0  }
0x86: {  	s13 =	simm.s32 $0x2D80;
	[sflag:s21] =	ssyncadd.s32 $0xFFFFF000  }
0x87: {  	[spmem:s2] =	stream.indirect.scatter.add.f32 [tilespmem:s22], [sflag:$0xC], $0x20, s13, s16, $0xb8;
	[tilespmem:$0x17000] =	vst v63  }
0x88: {  	_ =	swait.ge [sflag:s15], $0x1000  }
0x89: {  	[sflag:s15] =	ssyncset.done $0x0  }
0x8a: {  	s6 =	simm.s32 $0x780;
	s12 =	simm.s32 $0x1000;
	[sflag:s15] =	ssyncadd.s32 $0xFFFFF000  }
.LBB2_2:
0x8b: {  	[tilespmem:s29], [sflag:$0x8] =	stream.indirect.gather [spmem:s3], $0x20, s6, s16, $0xb8;
	[tilespmem:$0x17000] =	vst v63  }
0x8c: {  	s6 =	smov.u32 s12  }
0x8d: {  	p0 =	sne.s32 s12, $0x8000;
	s12 =	sadd.s32 $0x1000, s12;
	_ =	swait.ge [sflag:s0], $0x1000  }
0x8e: {  	s6 =	sshra.s32 s6, $0x2;
	[sflag:s0] =	ssyncset.done $0x0  }
0x8f: {  	s13 =	sadd.s32 $0x2A00, s6;
	[sflag:s0] =	ssyncadd.s32 $0xFFFFF000  }
0x90: {  	[spmem:s2] =	stream.indirect.scatter.add.f32 [tilespmem:s25], [sflag:$0xD], $0x20, s13, s16, $0xb8;
	[tilespmem:$0x17000] =	vst v63  }
0x91: {  	_ =	swait.ge [sflag:s1], $0x1000  }
0x92: {  	[sflag:s1] =	ssyncset.done $0x0  }
0x93: {  	s13 =	sadd.s32 $0x400, s6;
	[sflag:s1] =	ssyncadd.s32 $0xFFFFF000  }
0x94: {  	[tilespmem:s17], [sflag:$0x1] =	stream.indirect.gather [spmem:s3], $0x20, s13, s16, $0xb8;
	[tilespmem:$0x17000] =	vst v63  }
0x95: {  	_ =	swait.ge [sflag:s24], $0x1000  }
0x96: {  	[sflag:s24] =	ssyncset.done $0x0  }
0x97: {  	s13 =	sadd.s32 $0x2A80, s6;
	[sflag:s24] =	ssyncadd.s32 $0xFFFFF000  }
0x98: {  	[spmem:s2] =	stream.indirect.scatter.add.f32 [tilespmem:s30], [sflag:$0xE], $0x20, s13, s16, $0xb8;
	[tilespmem:$0x17000] =	vst v63  }
0x99: {  	_ =	swait.ge [sflag:s28], $0x1000  }
0x9a: {  	[sflag:s28] =	ssyncset.done $0x0  }
0x9b: {  	s13 =	sadd.s32 $0x480, s6;
	[sflag:s28] =	ssyncadd.s32 $0xFFFFF000  }
0x9c: {  	[tilespmem:s18], [sflag:$0x2] =	stream.indirect.gather [spmem:s3], $0x20, s13, s16, $0xb8;
	[tilespmem:$0x17000] =	vst v63  }
0x9d: {  	_ =	swait.ge [sflag:s5], $0x1000  }
0x9e: {  	[sflag:s5] =	ssyncset.done $0x0  }
0x9f: {  	s13 =	sadd.s32 $0x2B00, s6;
	[sflag:s5] =	ssyncadd.s32 $0xFFFFF000  }
0xa0: {  	[spmem:s2] =	stream.indirect.scatter.add.f32 [tilespmem:s19], [sflag:$0xF], $0x20, s13, s16, $0xb8;
	[tilespmem:$0x17000] =	vst v63  }
0xa1: {  	_ =	swait.ge [sflag:s7], $0x1000  }
0xa2: {  	[sflag:s7] =	ssyncset.done $0x0  }
0xa3: {  	s13 =	sadd.s32 $0x500, s6;
	[sflag:s7] =	ssyncadd.s32 $0xFFFFF000  }
0xa4: {  	[tilespmem:s20], [sflag:$0x3] =	stream.indirect.gather [spmem:s3], $0x20, s13, s16, $0xb8;
	[tilespmem:$0x17000] =	vst v63  }
0xa5: {  	_ =	swait.ge [sflag:s8], $0x1000  }
0xa6: {  	[sflag:s8] =	ssyncset.done $0x0  }
0xa7: {  	s13 =	sadd.s32 $0x2B80, s6;
	[sflag:s8] =	ssyncadd.s32 $0xFFFFF000  }
0xa8: {  	[spmem:s2] =	stream.indirect.scatter.add.f32 [tilespmem:s29], [sflag:$0x10], $0x20, s13, s16, $0xb8;
	[tilespmem:$0x17000] =	vst v63  }
0xa9: {  	_ =	swait.ge [sflag:s14], $0x1000  }
0xaa: {  	[sflag:s14] =	ssyncset.done $0x0  }
0xab: {  	s13 =	sadd.s32 $0x580, s6;
	[sflag:s14] =	ssyncadd.s32 $0xFFFFF000  }
0xac: {  	[tilespmem:s22], [sflag:$0x4] =	stream.indirect.gather [spmem:s3], $0x20, s13, s16, $0xb8;
	[tilespmem:$0x17000] =	vst v63  }
0xad: {  	_ =	swait.ge [sflag:s23], $0x1000  }
0xae: {  	[sflag:s23] =	ssyncset.done $0x0  }
0xaf: {  	s13 =	sadd.s32 $0x2C00, s6;
	[sflag:s23] =	ssyncadd.s32 $0xFFFFF000  }
0xb0: {  	[spmem:s2] =	stream.indirect.scatter.add.f32 [tilespmem:s17], [sflag:$0x9], $0x20, s13, s16, $0xb8;
	[tilespmem:$0x17000] =	vst v63  }
0xb1: {  	_ =	swait.ge [sflag:s9], $0x1000  }
0xb2: {  	[sflag:s9] =	ssyncset.done $0x0  }
0xb3: {  	s13 =	sadd.s32 $0x600, s6;
	[sflag:s9] =	ssyncadd.s32 $0xFFFFF000  }
0xb4: {  	[tilespmem:s25], [sflag:$0x5] =	stream.indirect.gather [spmem:s3], $0x20, s13, s16, $0xb8;
	[tilespmem:$0x17000] =	vst v63  }
0xb5: {  	_ =	swait.ge [sflag:s26], $0x1000  }
0xb6: {  	[sflag:s26] =	ssyncset.done $0x0  }
0xb7: {  	s13 =	sadd.s32 $0x2C80, s6;
	[sflag:s26] =	ssyncadd.s32 $0xFFFFF000  }
0xb8: {  	[spmem:s2] =	stream.indirect.scatter.add.f32 [tilespmem:s18], [sflag:$0xA], $0x20, s13, s16, $0xb8;
	[tilespmem:$0x17000] =	vst v63  }
0xb9: {  	_ =	swait.ge [sflag:s10], $0x1000  }
0xba: {  	[sflag:s10] =	ssyncset.done $0x0  }
0xbb: {  	s13 =	sadd.s32 $0x680, s6;
	[sflag:s10] =	ssyncadd.s32 $0xFFFFF000  }
0xbc: {  	[tilespmem:s30], [sflag:$0x6] =	stream.indirect.gather [spmem:s3], $0x20, s13, s16, $0xb8;
	[tilespmem:$0x17000] =	vst v63  }
0xbd: {  	_ =	swait.ge [sflag:s31], $0x1000  }
0xbe: {  	[sflag:s31] =	ssyncset.done $0x0  }
0xbf: {  	s13 =	sadd.s32 $0x2D00, s6;
	[sflag:s31] =	ssyncadd.s32 $0xFFFFF000  }
0xc0: {  	[spmem:s2] =	stream.indirect.scatter.add.f32 [tilespmem:s20], [sflag:$0xB], $0x20, s13, s16, $0xb8;
	[tilespmem:$0x17000] =	vst v63  }
0xc1: {  	_ =	swait.ge [sflag:s11], $0x1000  }
0xc2: {  	[sflag:s11] =	ssyncset.done $0x0  }
0xc3: {  	s13 =	sadd.s32 $0x700, s6;
	[sflag:s11] =	ssyncadd.s32 $0xFFFFF000  }
0xc4: {  	[tilespmem:s19], [sflag:$0x7] =	stream.indirect.gather [spmem:s3], $0x20, s13, s16, $0xb8;
	[tilespmem:$0x17000] =	vst v63  }
0xc5: {  	_ =	swait.ge [sflag:s21], $0x1000  }
0xc6: {  	[sflag:s21] =	ssyncset.done $0x0  }
.Ltmp0:
0xc7: {  	s13 =	sadd.s32 $0x2D80, s6;
	[sflag:s21] =	ssyncadd.s32 $0xFFFFF000;
	(pc) =	sbr.rel @p0 .LBB2_2-.Ltmp0, $4  }
0xc8: {  	[spmem:s2] =	stream.indirect.scatter.add.f32 [tilespmem:s22], [sflag:$0xC], $0x20, s13, s16, $0xb8;
	[tilespmem:$0x17000] =	vst v63  }
0xc9: {  	_ =	swait.ge [sflag:s15], $0x1000  }
0xca: {  	[sflag:s15] =	ssyncset.done $0x0  }
0xcb: {  	s6 =	sadd.s32 $0x780, s6;
	[sflag:s15] =	ssyncadd.s32 $0xFFFFF000  }
0xcc: {  	[tilespmem:s29], [sflag:$0x8] =	stream.indirect.gather [spmem:s3], $0x20, s6, s16, $0xb8;
	[tilespmem:$0x17000] =	vst v63  }
0xcd: {  	_ =	swait.ge [sflag:s0], $0x1000  }
0xce: {  	[sflag:s0] =	ssyncset.done $0x0  }
0xcf: {  	s4 =	simm.s32 $0x4E00;
	[sflag:s0] =	ssyncadd.s32 $0xFFFFF000  }
0xd0: {  	[spmem:s2] =	stream.indirect.scatter.add.f32 [tilespmem:s25], [sflag:$0xD], $0x20, s4, s16, $0xb8;
	[tilespmem:$0x17000] =	vst v63  }
0xd1: {  	_ =	swait.ge [sflag:s24], $0x1000  }
0xd2: {  	[sflag:s24] =	ssyncset.done $0x0  }
0xd3: {  	s6 =	simm.s32 $0x4E80;
	[sflag:s24] =	ssyncadd.s32 $0xFFFFF000  }
0xd4: {  	[spmem:s2] =	stream.indirect.scatter.add.f32 [tilespmem:s30], [sflag:$0xE], $0x20, s6, s16, $0xb8;
	[tilespmem:$0x17000] =	vst v63  }
0xd5: {  	_ =	swait.ge [sflag:s5], $0x1000  }
0xd6: {  	[sflag:s5] =	ssyncset.done $0x0  }
0xd7: {  	s12 =	simm.s32 $0x4F00;
	[sflag:s5] =	ssyncadd.s32 $0xFFFFF000  }
0xd8: {  	[spmem:s2] =	stream.indirect.scatter.add.f32 [tilespmem:s19], [sflag:$0xF], $0x20, s12, s16, $0xb8;
	[tilespmem:$0x17000] =	vst v63  }
0xd9: {  	_ =	swait.ge [sflag:s8], $0x1000  }
0xda: {  	[sflag:s8] =	ssyncset.done $0x0  }
0xdb: {  	s13 =	simm.s32 $0x4F80;
	[sflag:s8] =	ssyncadd.s32 $0xFFFFF000  }
0xdc: {  	[spmem:s2] =	stream.indirect.scatter.add.f32 [tilespmem:s29], [sflag:$0x10], $0x20, s13, s16, $0xb8;
	[tilespmem:$0x17000] =	vst v63  }
0xdd: {  	_ =	swait.ge [sflag:s1], $0x1000  }
0xde: {  	[sflag:s1] =	ssyncset.done $0x0  }
0xdf: {  	[sflag:s1] =	ssyncadd.s32 $0xFFFFF000  }
0xe0: {  	_ =	swait.ge [sflag:s28], $0x1000  }
0xe1: {  	[sflag:s28] =	ssyncset.done $0x0  }
0xe2: {  	[sflag:s28] =	ssyncadd.s32 $0xFFFFF000  }
0xe3: {  	_ =	swait.ge [sflag:s7], $0x1000  }
0xe4: {  	[sflag:s7] =	ssyncset.done $0x0  }
0xe5: {  	[sflag:s7] =	ssyncadd.s32 $0xFFFFF000  }
0xe6: {  	_ =	swait.ge [sflag:s14], $0x1000  }
0xe7: {  	[sflag:s14] =	ssyncset.done $0x0  }
0xe8: {  	[sflag:s14] =	ssyncadd.s32 $0xFFFFF000  }
0xe9: {  	_ =	swait.ge [sflag:s9], $0x1000  }
0xea: {  	[sflag:s9] =	ssyncset.done $0x0  }
0xeb: {  	[sflag:s9] =	ssyncadd.s32 $0xFFFFF000  }
0xec: {  	_ =	swait.ge [sflag:s10], $0x1000  }
0xed: {  	[sflag:s10] =	ssyncset.done $0x0  }
0xee: {  	[sflag:s10] =	ssyncadd.s32 $0xFFFFF000  }
0xef: {  	_ =	swait.ge [sflag:s11], $0x1000  }
0xf0: {  	[sflag:s11] =	ssyncset.done $0x0  }
0xf1: {  	[sflag:s11] =	ssyncadd.s32 $0xFFFFF000  }
0xf2: {  	_ =	swait.ge [sflag:s15], $0x1000  }
0xf3: {  	[sflag:s15] =	ssyncset.done $0x0  }
0xf4: {  	[sflag:s15] =	ssyncadd.s32 $0xFFFFF000  }
0xf5: {  	[bflag:$0x0] =	sbarrier.arrive $0xFFFF  }
0xf6: {  	s12 =	rddreg [dreg:$0x5]  }
0xf7: {  	s4 =	rddreg [dreg:$0x9]  }
0xf8: {  	s6 =	simm.s32 $0x11;
	s13 =	rddreg [dreg:$0xb]  }
0xf9: {  	[hbm:s4], [sflag:s12] =	dma.local [spmem:s13], $0xA00  }
0xfa: {  	_ =	swait.ge [sflag:s6], $0xA00  }
0xfb: {  	s4 =	rddreg [dreg:$0xd]  }
0xfc: {  	[sflag:s6] =	ssyncset.done $0x0;
	s6 =	rddreg [dreg:$0xa];
	s4 =	sadd.s32 $0x1, s4  }
0xfd: {  	p0 =	sne.s32 s4, s6  }
.Ltmp1:
0xfe: {  	_ = 	snop;
	(pc) =	sbr.rel @p0 .LBB2_1-.Ltmp1, $3  }
0xff: {  	_ =	sdelay $0x1  }
0x100: {  	s6 =	simm.s32 $0x11  }
0x101: {  	[dreg:$0xd] =	wrdreg s4;
	[sflag:s6] =	ssyncadd.s32 $0xFFFFF600  }
0x102: {  	_ =	sfence.sel $0x180000  }
0x103: {  	[bflag:$0x0] =	sbarrier.arrive $0xFFFF  }
0x104: {  	_ =	strace $0x9000004A  }
0x105: {  	s0 =	stileid.u32;
	[bflag:$0x2] =	sbarrier.arrive $0xFFFF  }
0x106: {  	p0 =	sne.s32 s0, $0x0;
	s0 =	rddreg [dreg:$0x3]  }
0x107: {  	s0 =	sadd.s32 @!p0 $0x100000, s0  }
0x108: {  	[sflag:s0] =	ssyncadd.tile.s32 @!p0 $0x1;
	_ =	shalt  }
.Lfunc_end2:
_tile_overlayer_lowered:
.L_overlay_start_2:
0x109: {  	(tag) =	ssettag $0x2  }
0x10a: {  	s0 =	rddreg [dreg:$0x0];
	s2 =	stileid.u32  }
0x10b: {  	s1 =	rddreg [dreg:$0x1];
	p0 =	sne.s32 s2, $0x0  }
0x10c: {  	s3 =	rddreg [dreg:$0x2];
	[bflag:$0x3] =	sbarrier.arrive $0xFFFF;
	s2 =	simm.s32 @!p0 $0x1C11  }
0x10d: {  	[timem:s3], [sflag:s2] =	dma.local @!p0 [hbm:s0], s1  }
0x10e: {  	s0 =	simm.s32 @!p0 $0x11  }
0x10f: {  	_ =	swait.ge @!p0 [sflag:s0], s1  }
0x110: {  	s1 =	ssub.s32 @!p0 $0x0, s1;
	[sflag:s0] =	ssyncset.done @!p0 $0x0  }
0x111: {  	[sflag:s0] =	ssyncadd.s32 @!p0 s1  }
0x112: {  	[bflag:$0x3] =	sbarrier.arrive $0xFFFF  }
0x113: {  	_ =	shalt  }

// kernel: kernel.14.cloned.1.call-start
scs
__scs_entry_jumppad:
0x0: {  	(pc) =	sbr.rel $0x88, $3  }
0x1: {  	(tag) =	ssettag $0x0;
	lr =	simm.s32 $0x1  }
0x2: {  	[smem:$0x3F78] =	sst lr;
	_ =	strace $0xD0000000  }
0x3: {  	_ = 	snop  }
0x4: {  	_ = 	snop  }
0x5: {  	_ = 	snop  }
0x6: {  	_ = 	snop  }
0x7: {  	_ = 	snop  }
__scs_overlays_trampoline_lowered:
0x8: {  	[smem:$0x3F87] =	sst s0  }
0x9: {  	[smem:$0x3F88] =	sst s1  }
0xa: {  	[smem:$0x3F89] =	sst s2  }
0xb: {  	[smem:$0x3F8A] =	sst s3  }
0xc: {  	[smem:$0x3F8B] =	sst s4  }
0xd: {  	[smem:$0x3F8C] =	sst s5  }
0xe: {  	[smem:$0x3F8D] =	sst s6  }
0xf: {  	[smem:$0x3F8E] =	sst s7  }
0x10: {  	[smem:$0x3F8F] =	sst s8  }
0x11: {  	[smem:$0x3F90] =	sst s9;
	s0 =	simm.s32 @!p0 $0x0  }
0x12: {  	s1 =	sld [smem:$0x3F76];
	s0 =	simm.s32 @p0 $0x1  }
0x13: {  	[smem:$0x3F91] =	sst s0;
	s0 =	simm.s32 @!p1 $0x0  }
0x14: {  	s2 =	sld [smem:$0x3F75];
	s0 =	simm.s32 @p1 $0x1  }
0x15: {  	[smem:$0x3F92] =	sst s0;
	s0 =	simm.s32 @!p2 $0x0  }
0x16: {  	s3 =	sld [smem:$0x3FDB];
	s0 =	simm.s32 @p2 $0x1  }
0x17: {  	s4 =	simm.s32 $0x1BF5;
	[smem:$0x3F94] =	sst s0  }
0x18: {  	s0 =	sld [smem:$0x3F77];
	_ =	swait.ge [sflag:s4], $0x0  }
0x19: {  	s7 =	sld [smem:$0x3F78]  }
0x1a: {  	s8 =	sadd.s32 $0xFFFFE003, lr  }
0x1b: {  	s9 =	sadd.s32 $0xFFFFFEF7, lr;
	s5 =	simm.s32 $0xFFFFFFFF;
	p2 =	slt.u32 s8, $0xFFFFF086  }
0x1c: {  	p1 =	slt.u32 s9, $0xF7A;
	s5 =	simm.s32 @!p2 $0x0  }
0x1d: {  	s5 =	simm.s32 @p1 $0x1;
	p0 =	seq.s32 s7, s2  }
0x1e: {  	s7 =	smul.u32 @!p0 $0xF7A, s2;
	p2 =	seq.s32 @!p0 s5, $0x0  }
0x1f: {  	s9 =	smul.u32 $0xF7A, s1;
	s8 =	simm.s32 @!p0 $0x1BF5;
	p2 =	por !p2, p0  }
0x20: {  	[sflag:s8] =	ssyncset.s32 @!p0 $0xFFFFF086;
	s6 =	sadd.s32 @!p0 s3, s7;
	s7 =	simm.s32 @!p0 $0x108  }
0x21: {  	s3 =	sadd.s32 s3, s9;
	s6 =	sadd.s32 @!p0 $0x88, s6;
	s7 =	simm.s32 @p2 $0x1082  }
0x22: {  	[simem:s7], [sflag:s8] =	dma.local @!p0 [hbm:s6], $0xF7A  }
0x23: {  	s9 =	sor.u32 $0xD0000000, s2;
	s6 =	simm.s32 $0x108;
	_ =	swait.ge @!p0 [sflag:s8], $0x0  }
0x24: {  	s3 =	sadd.s32 $0x88, s3;
	s6 =	simm.s32 @!p1 $0x1082;
	[sflag:s4] =	ssyncset.s32 $0xFFFFF086  }
0x25: {  	[simem:s6], [sflag:s4] =	dma.local [hbm:s3], $0xF7A  }
0x26: {  	[smem:$0x3F78] =	sst s1;
	(tag) =	ssettag s2;
	_ =	strace s9  }
0x27: {  	s1 =	sld [smem:$0x3F88]  }
0x28: {  	s2 =	sld [smem:$0x3F89]  }
0x29: {  	s4 =	sld [smem:$0x3F8B]  }
0x2a: {  	p0 =	seq.s32 s5, $0x0;
	s5 =	sld [smem:$0x3F8C]  }
0x2b: {  	s6 =	sld [smem:$0x3F8D]  }
0x2c: {  	s7 =	sld [smem:$0x3F8E]  }
0x2d: {  	s3 =	simm.s32 $0x108;
	s8 =	sld [smem:$0x3F8F]  }
0x2e: {  	s3 =	simm.s32 @!p0 $0x1082;
	s9 =	sld [smem:$0x3F90]  }
0x2f: {  	lr =	sadd.s32 s0, s3;
	s0 =	sld [smem:$0x3F87]  }
0x30: {  	s3 =	sld [smem:$0x3F8A]  }
0x31: {  	[smem:$0x3F93] =	sst s10  }
0x32: {  	s10 =	sld [smem:$0x3F91];
	_ =	sdelay $0x3  }
0x33: {  	p0 =	seq.s32 s10, $0x1;
	s10 =	sld [smem:$0x3F93];
	_ =	sdelay $0x3  }
0x34: {  	[smem:$0x3F93] =	sst s10  }
0x35: {  	s10 =	sld [smem:$0x3F92];
	_ =	sdelay $0x3  }
0x36: {  	p1 =	seq.s32 s10, $0x1;
	s10 =	sld [smem:$0x3F93];
	_ =	sdelay $0x3  }
0x37: {  	[smem:$0x3F93] =	sst s10  }
0x38: {  	s10 =	sld [smem:$0x3F94]  }
0x39: {  	_ = 	snop;
	(pc) =	sbr.ind lr, $3  }
0x3a: {  	_ = 	snop  }
0x3b: {  	_ = 	snop  }
0x3c: {  	p2 =	seq.s32 s10, $0x1;
	s10 =	sld [smem:$0x3F93]  }
0x3d: {  	_ =	shalt  }
0x3e: {  	_ =	shalt  }
0x3f: {  	_ =	shalt  }
0x40: {  	_ =	shalt  }
0x41: {  	_ =	shalt  }
0x42: {  	_ =	shalt  }
0x43: {  	_ =	shalt  }
0x44: {  	_ =	shalt  }
0x45: {  	_ =	shalt  }
0x46: {  	_ =	shalt  }
0x47: {  	_ =	shalt  }
0x48: {  	_ =	shalt  }
0x49: {  	_ =	shalt  }
0x4a: {  	_ =	shalt  }
0x4b: {  	_ =	shalt  }
0x4c: {  	_ =	shalt  }
0x4d: {  	_ =	shalt  }
0x4e: {  	_ =	shalt  }
0x4f: {  	_ =	shalt  }
0x50: {  	_ =	shalt  }
0x51: {  	_ =	shalt  }
0x52: {  	_ =	shalt  }
0x53: {  	_ =	shalt  }
0x54: {  	_ =	shalt  }
0x55: {  	_ =	shalt  }
0x56: {  	_ =	shalt  }
0x57: {  	_ =	shalt  }
0x58: {  	_ =	shalt  }
0x59: {  	_ =	shalt  }
0x5a: {  	_ =	shalt  }
0x5b: {  	_ =	shalt  }
0x5c: {  	_ =	shalt  }
0x5d: {  	_ =	shalt  }
0x5e: {  	_ =	shalt  }
0x5f: {  	_ =	shalt  }
0x60: {  	_ =	shalt  }
0x61: {  	_ =	shalt  }
0x62: {  	_ =	shalt  }
0x63: {  	_ =	shalt  }
0x64: {  	_ =	shalt  }
0x65: {  	_ =	shalt  }
0x66: {  	_ =	shalt  }
0x67: {  	_ =	shalt  }
0x68: {  	_ =	shalt  }
0x69: {  	_ =	shalt  }
0x6a: {  	_ =	shalt  }
0x6b: {  	_ =	shalt  }
0x6c: {  	_ =	shalt  }
0x6d: {  	_ =	shalt  }
0x6e: {  	_ =	shalt  }
0x6f: {  	_ =	shalt  }
0x70: {  	_ =	shalt  }
0x71: {  	_ =	shalt  }
0x72: {  	_ =	shalt  }
0x73: {  	_ =	shalt  }
0x74: {  	_ =	shalt  }
0x75: {  	_ =	shalt  }
0x76: {  	_ =	shalt  }
0x77: {  	_ =	shalt  }
0x78: {  	_ =	shalt  }
0x79: {  	_ =	shalt  }
0x7a: {  	_ =	shalt  }
0x7b: {  	_ =	shalt  }
0x7c: {  	_ =	shalt  }
0x7d: {  	_ =	shalt  }
0x7e: {  	_ =	shalt  }
0x7f: {  	_ =	shalt  }
0x80: {  	_ =	shalt  }
0x81: {  	_ =	shalt  }
0x82: {  	_ =	shalt  }
0x83: {  	_ =	shalt  }
0x84: {  	_ =	shalt  }
0x85: {  	_ =	shalt  }
0x86: {  	_ =	shalt  }
0x87: {  	_ =	shalt  }
.Lfunc_end0:
.L_simem_size_0:
called_computation.2_lowered:
.L_overlay_start_0:
0x88: {  	s2 =	sld [smem:$0x3FD9]  }
0x89: {  	s3 =	sld [smem:$0x3FFE];
	_ =	sdelay $0x1  }
0x8a: {  	s1 =	srdreg.scid  }
0x8b: {  	s0 =	sand.u32 $0x1, s1  }
0x8c: {  	s17 =	sshll.u32 s0, $0xA;
	s2 =	sadd.s32 s3, s2  }
0x8d: {  	s2 =	sadd.s32 s2, s17  }
0x8e: {  	[smem:$0x3F9F] =	sst s2  }
0x8f: {  	_ = 	snop  }
0x90: {  	s2 =	sld [smem:$0x3FC9]  }
0x91: {  	s18 =	sld [smem:$0x3FD0];
	(tm) =	ssettm $0x1  }
0x92: {  	s4 =	sld [smem:$0x3FFB];
	_ =	sdelay $0x3  }
0x93: {  	_ =	strace s4  }
0x94: {  	s4 =	sld [smem:$0x3FFC];
	_ =	sdelay $0x3  }
0x95: {  	_ =	strace s4  }
0x96: {  	s4 =	sld [smem:$0x3FFD];
	_ =	sdelay $0x3  }
0x97: {  	_ =	strace s4  }
0x98: {  	_ =	strace $0x8FFFFFFF  }
0x99: {  	s19 =	sld [smem:$0x3FDB];
	_ =	sdelay $0x1  }
0x9a: {  	s5 =	simm.s32 $_scs_section_size  }
0x9b: {  	s6 =	simm.s32 $_size__tile_overlayer_lowered;
	s7 =	simm.s32 $_tile_overlayer_lowered  }
0x9c: {  	s22 =	simm.s32 $0x1BFF;
	s21 =	sshll.u32 s7, $0x1;
	s4 =	sadd.s32 s5, s19  }
0x9d: {  	s8 =	simm.s32 $0x0;
	s20 =	sshll.u32 s6, $0x1;
	s6 =	sadd.s32 s21, s4  }
0x9e: {  	[timem:s8], [sflag:s22] =	dma.local [hbm:s6], s20  }
0x9f: {  	_ =	swait.ge [sflag:s22], s20  }
0xa0: {  	s5 =	ssub.s32 $0x0, s20;
	[sflag:s22] =	ssyncset.done $0x0  }
0xa1: {  	[sflag:s22] =	ssyncadd.s32 s5;
	_ =	sdelay $0x1  }
0xa2: {  	s23 =	simm.s32 $0x1B8B  }
0xa3: {  	_ =	swait.ge [sflag:s23], $0x1  }
0xa4: {  	[sflag:s23] =	ssyncset.done $0x0  }
0xa5: {  	s25 =	simm.s32 $0x1B8E;
	s24 =	sld [smem:$0x3FFE];
	[sflag:s23] =	ssyncadd.s32 $0xFFFFFFFF  }
0xa6: {  	s26 =	simm.s32 $execute0_lowered;
	[smem:$0x3FD2] =	sst s25  }
0xa7: {  	s6 =	sshll.u32 s26, $0x1;
	_ =	strace $0x8000004C;
	[dreg:$0x1] =	wrdreg $0xFFFFFFFF  }
0xa8: {  	s28 =	simm.s32 $_size_execute0_lowered;
	s4 =	sadd.s32 s4, s6;
	[dreg:$0x0] =	wrdreg $0x0  }
0xa9: {  	s6 =	sshll.u32 s28, $0x1;
	[dreg:$0x2] =	wrdreg s4  }
0xaa: {  	[dreg:$0x3] =	wrdreg s6  }
0xab: {  	[dreg:$0x4] =	wrdreg $0xC0  }
0xac: {  	_ =	task [dreg:s8], $0x5FFFF  }
0xad: {  	[dreg:$0x1] =	wrdreg $0xFFFFFFFF  }
0xae: {  	[dreg:$0x0] =	wrdreg $0x60  }
0xaf: {  	[dreg:$0x2] =	wrdreg s24  }
0xb0: {  	[dreg:$0x3] =	wrdreg s2  }
0xb1: {  	[dreg:$0x4] =	wrdreg s18  }
0xb2: {  	[dreg:$0x5] =	wrdreg $0x9  }
0xb3: {  	_ =	task.clear_ibuf [dreg:s8], $0x6FFFF;
	_ =	strace $0x9000004C  }
0xb4: {  	s29 =	simm.s32 $0x9;
	_ =	strace $0x8000004E  }
0xb5: {  	_ =	swait.ge [sflag:s29], $0x1  }
0xb6: {  	[sflag:s29] =	ssyncadd.s32 $0xFFFFFFFF  }
0xb7: {  	_ =	strace $0x9000004E  }
0xb8: {  	_ =	sfence  }
0xb9: {  	s30 =	sld [smem:$0x0];
	_ =	sdelay $0x2  }
0xba: {  	s31 =	sshll.u32 s1, $0xD;
	s1 =	sshrl.u32 s1, $0x2  }
0xbb: {  	s3 =	sand.u32 $0x4000, s31;
	s1 =	sadd.s32 s1, s30  }
0xbc: {  	s0 =	sor.u32 s3, s0;
	s1 =	sshll.u32 s1, $0x11  }
0xbd: {  	s0 =	sor.u32 s1, s0  }
0xbe: {  	s0 =	sadd.s32 $0x8F2B, s0  }
0xbf: {  	[sflag:s0] =	ssyncadd.remote.s32 $0x1  }
0xc0: {  	_ =	sfence.sel $0xFFFF  }
0xc1: {  	[dreg:$0x0] =	wrdreg $0xFFFFFFFF;
	(pc) =	sbr.abs _section_cstart, $3  }
0xc2: {  	[dreg:$0x1] =	wrdreg $0xFFFFFFFF  }
0xc3: {  	_ =	task.clear_ibuf [dreg:s8], $0x2FFFF;
	_ =	strace $0x9FFFFFFF  }
0xc4: {  	(tm) =	ssettm $0x7FFFFFFF  }
0xc5: {  	_ =	shalt  }
tec
execute0_lowered:
.L_overlay_start_1:
0x0: {  	(tag) =	ssettag $0x1  }
0x1: {  	s5 =	rddreg [dreg:$0x0]  }
0x2: {  	s1 =	srdreg.scid;
	s3 =	rddreg [dreg:$0x1]  }
0x3: {  	s0 =	stileid.u32;
	s7 =	rddreg [dreg:$0x2];
	s6 =	sand.u32 $0x1, s1  }
0x4: {  	s2 =	simm.s32 $0x0;
	s8 =	sshll.u32 s0, $0x5;
	s4 =	sshll.u32 s6, $0x9  }
0x5: {  	[smem:$0x7FF] =	sst s2;
	s8 =	sor.u32 s8, s4  }
0x6: {  	s1 =	rddreg [dreg:$0x3];
	_ =	strace $0x8000004D;
	s4 =	sshrl.u32 s8, $0x3  }
0x7: {  	s9 =	ssub.s32 $0x2, s6;
	s4 =	sadd.s32 s3, s4;
	s3 =	simm.s32 $0x1  }
0x8: {  	[tilespmem:s2], [sflag:$0x1] =	stream.linear.gather [hbm4b:s4+s2], $0x20, $0x38;
	[tilespmem:$0x220] =	vst v63  }
0x9: {  	s10 =	sshrl.u32 s9, $0x1;
	_ =	swait.ge [sflag:s3], $0x20  }
0xa: {  	s5 =	sadd.s32 $0x6400, s5;
	s9 =	ssub.s32 s9, s10;
	[sflag:s3] =	ssyncset.done $0x0  }
0xb: {  	s6 =	simm.s32 $0x20;
	s31 =	smax.u32 s9, $0x1;
	[sflag:s3] =	ssyncadd.s32 $0xFFFFFFE0  }
0xc: {  	[tilespmem:s6], [sflag:$0x1] =	stream.indirect.gather [hbm4b:s5+s6], $0x10, s2, s6, $0xb8;
	[tilespmem:$0x220] =	vst v63  }
0xd: {  	p0 =	sne.s32 s31, $0x1;
	_ =	swait.ge [sflag:s3], $0x200  }
.Ltmp0:
0xe: {  	s8 =	sshll.u32 s8, $0x1;
	[sflag:s3] =	ssyncset.done $0x0;
	(pc) =	sbr.rel @!p0 .LBB2_2-.Ltmp0, $4  }
0xf: {  	s7 =	sadd.s32 s7, s8;
	[sflag:s3] =	ssyncadd.s32 $0xFFFFFE00  }
0x10: {  	[hbm4b:s7+s2] =	stream.linear.scatter [tilespmem:s6], [sflag:$0x1], $0x200, $0x38;
	[tilespmem:$0x220] =	vst v63  }
0x11: {  	_ =	swait.ge [sflag:s3], $0x200  }
0x12: {  	s8 =	sadd.s32 $0xFFFFFFFF, s31;
	[sflag:s3] =	ssyncset.done $0x0  }
.LBB2_1:
0x13: {  	p0 =	sne.s32 s8, $0x1;
	s8 =	sadd.s32 $0xFFFFFFFF, s8;
	[sflag:s3] =	ssyncadd.s32 $0xFFFFFE00  }
0x14: {  	[tilespmem:s2], [sflag:$0x1] =	stream.linear.gather [hbm4b:s4+s2], $0x20, $0x38;
	[tilespmem:$0x220] =	vst v63  }
0x15: {  	_ =	swait.ge [sflag:s3], $0x20  }
0x16: {  	[sflag:s3] =	ssyncset.done $0x0  }
0x17: {  	[sflag:s3] =	ssyncadd.s32 $0xFFFFFFE0  }
0x18: {  	[tilespmem:s6], [sflag:$0x1] =	stream.indirect.gather [hbm4b:s5+s6], $0x10, s2, s6, $0xb8;
	[tilespmem:$0x220] =	vst v63  }
0x19: {  	_ =	swait.ge [sflag:s3], $0x200  }
.Ltmp1:
0x1a: {  	[sflag:s3] =	ssyncset.done $0x0;
	(pc) =	sbr.rel @p0 .LBB2_1-.Ltmp1, $4  }
0x1b: {  	[sflag:s3] =	ssyncadd.s32 $0xFFFFFE00  }
0x1c: {  	[hbm4b:s7+s2] =	stream.linear.scatter [tilespmem:s6], [sflag:$0x1], $0x200, $0x38;
	[tilespmem:$0x220] =	vst v63  }
0x1d: {  	_ =	swait.ge [sflag:s3], $0x200  }
0x1e: {  	[sflag:s3] =	ssyncset.done $0x0  }
.LBB2_2:
0x1f: {  	[sflag:s3] =	ssyncadd.s32 $0xFFFFFE00  }
0x20: {  	_ =	sfence.sel $0x180000  }
0x21: {  	[bflag:$0x0] =	sbarrier.arrive $0xFFFF  }
0x22: {  	p0 =	sne.s32 s0, $0x0;
	_ =	strace $0x9000004D  }
0x23: {  	s0 =	sadd.s32 @!p0 $0x100000, s1;
	[bflag:$0x2] =	sbarrier.arrive $0xFFFF  }
0x24: {  	[sflag:s0] =	ssyncadd.tile.s32 @!p0 $0x1;
	_ =	shalt  }
.Lfunc_end2:
_tile_overlayer_lowered:
.L_overlay_start_2:
0x25: {  	(tag) =	ssettag $0x2  }
0x26: {  	s0 =	rddreg [dreg:$0x0];
	s2 =	stileid.u32  }
0x27: {  	s1 =	rddreg [dreg:$0x1];
	p0 =	sne.s32 s2, $0x0  }
0x28: {  	s3 =	rddreg [dreg:$0x2];
	[bflag:$0x3] =	sbarrier.arrive $0xFFFF;
	s2 =	simm.s32 @!p0 $0x1C01  }
0x29: {  	[timem:s3], [sflag:s2] =	dma.local @!p0 [hbm:s0], s1  }
0x2a: {  	s0 =	simm.s32 @!p0 $0x1  }
0x2b: {  	_ =	swait.ge @!p0 [sflag:s0], s1  }
0x2c: {  	s1 =	ssub.s32 @!p0 $0x0, s1;
	[sflag:s0] =	ssyncset.done @!p0 $0x0  }
0x2d: {  	[sflag:s0] =	ssyncadd.s32 @!p0 s1  }
0x2e: {  	[bflag:$0x3] =	sbarrier.arrive $0xFFFF  }
0x2f: {  	_ =	shalt  }

// kernel: kernel.8.cloned.1.call-start
scs
__scs_entry_jumppad:
0x0: {  	(pc) =	sbr.rel $0x88, $3  }
0x1: {  	(tag) =	ssettag $0x0;
	lr =	simm.s32 $0x1  }
0x2: {  	[smem:$0x3F78] =	sst lr;
	_ =	strace $0xD0000000  }
0x3: {  	_ = 	snop  }
0x4: {  	_ = 	snop  }
0x5: {  	_ = 	snop  }
0x6: {  	_ = 	snop  }
0x7: {  	_ = 	snop  }
__scs_overlays_trampoline_lowered:
0x8: {  	[smem:$0x3F87] =	sst s0  }
0x9: {  	[smem:$0x3F88] =	sst s1  }
0xa: {  	[smem:$0x3F89] =	sst s2  }
0xb: {  	[smem:$0x3F8A] =	sst s3  }
0xc: {  	[smem:$0x3F8B] =	sst s4  }
0xd: {  	[smem:$0x3F8C] =	sst s5  }
0xe: {  	[smem:$0x3F8D] =	sst s6  }
0xf: {  	[smem:$0x3F8E] =	sst s7  }
0x10: {  	[smem:$0x3F8F] =	sst s8  }
0x11: {  	[smem:$0x3F90] =	sst s9;
	s0 =	simm.s32 @!p0 $0x0  }
0x12: {  	s1 =	sld [smem:$0x3F76];
	s0 =	simm.s32 @p0 $0x1  }
0x13: {  	[smem:$0x3F91] =	sst s0;
	s0 =	simm.s32 @!p1 $0x0  }
0x14: {  	s2 =	sld [smem:$0x3F75];
	s0 =	simm.s32 @p1 $0x1  }
0x15: {  	[smem:$0x3F92] =	sst s0;
	s0 =	simm.s32 @!p2 $0x0  }
0x16: {  	s3 =	sld [smem:$0x3FDB];
	s0 =	simm.s32 @p2 $0x1  }
0x17: {  	s4 =	simm.s32 $0x1BF5;
	[smem:$0x3F94] =	sst s0  }
0x18: {  	s0 =	sld [smem:$0x3F77];
	_ =	swait.ge [sflag:s4], $0x0  }
0x19: {  	s7 =	sld [smem:$0x3F78]  }
0x1a: {  	s8 =	sadd.s32 $0xFFFFE003, lr  }
0x1b: {  	s9 =	sadd.s32 $0xFFFFFEF7, lr;
	s5 =	simm.s32 $0xFFFFFFFF;
	p2 =	slt.u32 s8, $0xFFFFF086  }
0x1c: {  	p1 =	slt.u32 s9, $0xF7A;
	s5 =	simm.s32 @!p2 $0x0  }
0x1d: {  	s5 =	simm.s32 @p1 $0x1;
	p0 =	seq.s32 s7, s2  }
0x1e: {  	s7 =	smul.u32 @!p0 $0xF7A, s2;
	p2 =	seq.s32 @!p0 s5, $0x0  }
0x1f: {  	s9 =	smul.u32 $0xF7A, s1;
	s8 =	simm.s32 @!p0 $0x1BF5;
	p2 =	por !p2, p0  }
0x20: {  	[sflag:s8] =	ssyncset.s32 @!p0 $0xFFFFF086;
	s6 =	sadd.s32 @!p0 s3, s7;
	s7 =	simm.s32 @!p0 $0x108  }
0x21: {  	s3 =	sadd.s32 s3, s9;
	s6 =	sadd.s32 @!p0 $0x88, s6;
	s7 =	simm.s32 @p2 $0x1082  }
0x22: {  	[simem:s7], [sflag:s8] =	dma.local @!p0 [hbm:s6], $0xF7A  }
0x23: {  	s9 =	sor.u32 $0xD0000000, s2;
	s6 =	simm.s32 $0x108;
	_ =	swait.ge @!p0 [sflag:s8], $0x0  }
0x24: {  	s3 =	sadd.s32 $0x88, s3;
	s6 =	simm.s32 @!p1 $0x1082;
	[sflag:s4] =	ssyncset.s32 $0xFFFFF086  }
0x25: {  	[simem:s6], [sflag:s4] =	dma.local [hbm:s3], $0xF7A  }
0x26: {  	[smem:$0x3F78] =	sst s1;
	(tag) =	ssettag s2;
	_ =	strace s9  }
0x27: {  	s1 =	sld [smem:$0x3F88]  }
0x28: {  	s2 =	sld [smem:$0x3F89]  }
0x29: {  	s4 =	sld [smem:$0x3F8B]  }
0x2a: {  	p0 =	seq.s32 s5, $0x0;
	s5 =	sld [smem:$0x3F8C]  }
0x2b: {  	s6 =	sld [smem:$0x3F8D]  }
0x2c: {  	s7 =	sld [smem:$0x3F8E]  }
0x2d: {  	s3 =	simm.s32 $0x108;
	s8 =	sld [smem:$0x3F8F]  }
0x2e: {  	s3 =	simm.s32 @!p0 $0x1082;
	s9 =	sld [smem:$0x3F90]  }
0x2f: {  	lr =	sadd.s32 s0, s3;
	s0 =	sld [smem:$0x3F87]  }
0x30: {  	s3 =	sld [smem:$0x3F8A]  }
0x31: {  	[smem:$0x3F93] =	sst s10  }
0x32: {  	s10 =	sld [smem:$0x3F91];
	_ =	sdelay $0x3  }
0x33: {  	p0 =	seq.s32 s10, $0x1;
	s10 =	sld [smem:$0x3F93];
	_ =	sdelay $0x3  }
0x34: {  	[smem:$0x3F93] =	sst s10  }
0x35: {  	s10 =	sld [smem:$0x3F92];
	_ =	sdelay $0x3  }
0x36: {  	p1 =	seq.s32 s10, $0x1;
	s10 =	sld [smem:$0x3F93];
	_ =	sdelay $0x3  }
0x37: {  	[smem:$0x3F93] =	sst s10  }
0x38: {  	s10 =	sld [smem:$0x3F94]  }
0x39: {  	_ = 	snop;
	(pc) =	sbr.ind lr, $3  }
0x3a: {  	_ = 	snop  }
0x3b: {  	_ = 	snop  }
0x3c: {  	p2 =	seq.s32 s10, $0x1;
	s10 =	sld [smem:$0x3F93]  }
0x3d: {  	_ =	shalt  }
0x3e: {  	_ =	shalt  }
0x3f: {  	_ =	shalt  }
0x40: {  	_ =	shalt  }
0x41: {  	_ =	shalt  }
0x42: {  	_ =	shalt  }
0x43: {  	_ =	shalt  }
0x44: {  	_ =	shalt  }
0x45: {  	_ =	shalt  }
0x46: {  	_ =	shalt  }
0x47: {  	_ =	shalt  }
0x48: {  	_ =	shalt  }
0x49: {  	_ =	shalt  }
0x4a: {  	_ =	shalt  }
0x4b: {  	_ =	shalt  }
0x4c: {  	_ =	shalt  }
0x4d: {  	_ =	shalt  }
0x4e: {  	_ =	shalt  }
0x4f: {  	_ =	shalt  }
0x50: {  	_ =	shalt  }
0x51: {  	_ =	shalt  }
0x52: {  	_ =	shalt  }
0x53: {  	_ =	shalt  }
0x54: {  	_ =	shalt  }
0x55: {  	_ =	shalt  }
0x56: {  	_ =	shalt  }
0x57: {  	_ =	shalt  }
0x58: {  	_ =	shalt  }
0x59: {  	_ =	shalt  }
0x5a: {  	_ =	shalt  }
0x5b: {  	_ =	shalt  }
0x5c: {  	_ =	shalt  }
0x5d: {  	_ =	shalt  }
0x5e: {  	_ =	shalt  }
0x5f: {  	_ =	shalt  }
0x60: {  	_ =	shalt  }
0x61: {  	_ =	shalt  }
0x62: {  	_ =	shalt  }
0x63: {  	_ =	shalt  }
0x64: {  	_ =	shalt  }
0x65: {  	_ =	shalt  }
0x66: {  	_ =	shalt  }
0x67: {  	_ =	shalt  }
0x68: {  	_ =	shalt  }
0x69: {  	_ =	shalt  }
0x6a: {  	_ =	shalt  }
0x6b: {  	_ =	shalt  }
0x6c: {  	_ =	shalt  }
0x6d: {  	_ =	shalt  }
0x6e: {  	_ =	shalt  }
0x6f: {  	_ =	shalt  }
0x70: {  	_ =	shalt  }
0x71: {  	_ =	shalt  }
0x72: {  	_ =	shalt  }
0x73: {  	_ =	shalt  }
0x74: {  	_ =	shalt  }
0x75: {  	_ =	shalt  }
0x76: {  	_ =	shalt  }
0x77: {  	_ =	shalt  }
0x78: {  	_ =	shalt  }
0x79: {  	_ =	shalt  }
0x7a: {  	_ =	shalt  }
0x7b: {  	_ =	shalt  }
0x7c: {  	_ =	shalt  }
0x7d: {  	_ =	shalt  }
0x7e: {  	_ =	shalt  }
0x7f: {  	_ =	shalt  }
0x80: {  	_ =	shalt  }
0x81: {  	_ =	shalt  }
0x82: {  	_ =	shalt  }
0x83: {  	_ =	shalt  }
0x84: {  	_ =	shalt  }
0x85: {  	_ =	shalt  }
0x86: {  	_ =	shalt  }
0x87: {  	_ =	shalt  }
.Lfunc_end0:
.L_simem_size_0:
called_computation_lowered:
.L_overlay_start_0:
0x88: {  	s2 =	sld [smem:$0x3FD9]  }
0x89: {  	s3 =	sld [smem:$0x3FFE];
	_ =	sdelay $0x1  }
0x8a: {  	s1 =	srdreg.scid  }
0x8b: {  	s0 =	sand.u32 $0x1, s1  }
0x8c: {  	s16 =	sshll.u32 s0, $0xA;
	s2 =	sadd.s32 s3, s2  }
0x8d: {  	s2 =	sadd.s32 s2, s16  }
0x8e: {  	[smem:$0x3F9F] =	sst s2  }
0x8f: {  	_ = 	snop  }
0x90: {  	(tm) =	ssettm $0x1  }
0x91: {  	s17 =	sld [smem:$0x3FFB];
	_ =	sdelay $0x3  }
0x92: {  	_ =	strace s17  }
0x93: {  	s2 =	sld [smem:$0x3FFC];
	_ =	sdelay $0x3  }
0x94: {  	_ =	strace s2  }
0x95: {  	s2 =	sld [smem:$0x3FFD];
	_ =	sdelay $0x3  }
0x96: {  	_ =	strace s2  }
0x97: {  	_ =	strace $0x8FFFFFFF  }
0x98: {  	s18 =	sld [smem:$0x3FDB];
	_ =	sdelay $0x1  }
0x99: {  	s19 =	simm.s32 $_scs_section_size  }
0x9a: {  	s4 =	simm.s32 $_size__tile_overlayer_lowered;
	s5 =	simm.s32 $_tile_overlayer_lowered  }
0x9b: {  	s22 =	simm.s32 $0x1BFF;
	s21 =	sshll.u32 s5, $0x1;
	s2 =	sadd.s32 s19, s18  }
0x9c: {  	s6 =	simm.s32 $0x0;
	s20 =	sshll.u32 s4, $0x1;
	s4 =	sadd.s32 s21, s2  }
0x9d: {  	[timem:s6], [sflag:s22] =	dma.local [hbm:s4], s20  }
0x9e: {  	_ =	swait.ge [sflag:s22], s20  }
0x9f: {  	s3 =	ssub.s32 $0x0, s20;
	[sflag:s22] =	ssyncset.done $0x0  }
0xa0: {  	[sflag:s22] =	ssyncadd.s32 s3;
	_ =	sdelay $0x1  }
0xa1: {  	s23 =	simm.s32 $0x1B8B  }
0xa2: {  	_ =	swait.ge [sflag:s23], $0x1  }
0xa3: {  	[sflag:s23] =	ssyncset.done $0x0  }
0xa4: {  	s25 =	simm.s32 $0x1B8E;
	s24 =	sld [smem:$0x3FFE];
	[sflag:s23] =	ssyncadd.s32 $0xFFFFFFFF  }
0xa5: {  	s26 =	simm.s32 $execute0_lowered;
	[smem:$0x3FD2] =	sst s25  }
0xa6: {  	s4 =	sshll.u32 s26, $0x1;
	_ =	strace $0x80000046;
	[dreg:$0x1] =	wrdreg $0xFFFFFFFF  }
0xa7: {  	s28 =	simm.s32 $_size_execute0_lowered;
	s2 =	sadd.s32 s2, s4;
	[dreg:$0x0] =	wrdreg $0x0  }
0xa8: {  	s4 =	sshll.u32 s28, $0x1;
	[dreg:$0x2] =	wrdreg s2  }
0xa9: {  	[dreg:$0x3] =	wrdreg s4  }
0xaa: {  	[dreg:$0x4] =	wrdreg $0xC0  }
0xab: {  	_ =	task [dreg:s6], $0x5FFFF  }
0xac: {  	[dreg:$0x1] =	wrdreg $0xFFFFFFFF  }
0xad: {  	[dreg:$0x0] =	wrdreg $0x60  }
0xae: {  	[dreg:$0x2] =	wrdreg s24  }
0xaf: {  	[dreg:$0x3] =	wrdreg $0x120000  }
0xb0: {  	[dreg:$0x4] =	wrdreg $0xD0000  }
0xb1: {  	[dreg:$0x5] =	wrdreg $0x1C5000  }
0xb2: {  	[dreg:$0x6] =	wrdreg $0x9  }
0xb3: {  	_ =	task.clear_ibuf [dreg:s6], $0x7FFFF;
	_ =	strace $0x90000046  }
0xb4: {  	s29 =	simm.s32 $0x9;
	_ =	strace $0x80000048  }
0xb5: {  	_ =	swait.ge [sflag:s29], $0x1  }
0xb6: {  	[sflag:s29] =	ssyncadd.s32 $0xFFFFFFFF  }
0xb7: {  	_ =	strace $0x90000048  }
0xb8: {  	_ =	sfence  }
0xb9: {  	s30 =	sld [smem:$0x0];
	_ =	sdelay $0x2  }
0xba: {  	s31 =	sshll.u32 s1, $0xD;
	s1 =	sshrl.u32 s1, $0x2  }
0xbb: {  	s3 =	sand.u32 $0x4000, s31;
	s1 =	sadd.s32 s1, s30  }
0xbc: {  	s0 =	sor.u32 s3, s0;
	s1 =	sshll.u32 s1, $0x11  }
0xbd: {  	s0 =	sor.u32 s1, s0  }
0xbe: {  	s0 =	sadd.s32 $0x8F2B, s0  }
0xbf: {  	[sflag:s0] =	ssyncadd.remote.s32 $0x1  }
0xc0: {  	_ =	sfence.sel $0xFFFF  }
0xc1: {  	[dreg:$0x0] =	wrdreg $0xFFFFFFFF;
	(pc) =	sbr.abs _section_cstart, $3  }
0xc2: {  	[dreg:$0x1] =	wrdreg $0xFFFFFFFF  }
0xc3: {  	_ =	task.clear_ibuf [dreg:s6], $0x2FFFF;
	_ =	strace $0x9FFFFFFF  }
0xc4: {  	(tm) =	ssettm $0x7FFFFFFF  }
0xc5: {  	_ =	shalt  }
tec
execute0_lowered:
.L_overlay_start_1:
0x0: {  	(tag) =	ssettag $0x1  }
0x1: {  	s0 =	srdreg.scid;
	s2 =	rddreg [dreg:$0x0]  }
0x2: {  	s1 =	rddreg [dreg:$0x1];
	s11 =	stileid.u32  }
0x3: {  	s3 =	rddreg [dreg:$0x2];
	s5 =	smul.u32 $0x5000, s11  }
0x4: {  	s6 =	rddreg [dreg:$0x3];
	s10 =	smul.u32 $0x2800, s11  }
0x5: {  	s8 =	simm.s32 $0x0;
	s0 =	sand.u32 $0x1, s0;
	s22 =	smul.u32 $0xA000, s11  }
0x6: {  	[smem:$0x7FF] =	sst s8;
	s21 =	sshll.u32 s11, $0x6;
	s7 =	smul.u32 $0x50000, s0  }
0x7: {  	s4 =	sshll.u32 s0, $0x4;
	s18 =	smul.u32 $0x28000, s0;
	_ =	strace $0x80000047  }
0x8: {  	s0 =	ssub.s32 $0x2, s0;
	s4 =	sor.u32 s11, s4;
	s9 =	sshrl.u32 s5, $0x3  }
0x9: {  	s19 =	sshrl.u32 s0, $0x1;
	s20 =	sadd.s32 s5, s1;
	s25 =	sadd.s32 s5, s3  }
0xa: {  	s4 =	smul.u32 $0x2800, s4;
	s9 =	sadd.s32 s9, s2;
	s7 =	sadd.s32 s5, s7  }
0xb: {  	s8 =	sadd.s32 s10, s18;
	s0 =	ssub.s32 s0, s19;
	[dreg:$0x5] =	wrdreg s20  }
0xc: {  	s20 =	sshrl.u32 s25, $0x3;
	s7 =	sshrl.u32 s7, $0x3;
	s8 =	sshrl.u32 s8, $0x3  }
0xd: {  	s12 =	sadd.s32 $0x24400, s9;
	s26 =	sadd.s32 $0x6400, s9;
	[dreg:$0x19] =	wrdreg s20  }
0xe: {  	s9 =	sshrl.u32 s22, $0x2;
	s0 =	smax.u32 s0, $0x1;
	[dreg:$0x6] =	wrdreg s12  }
0xf: {  	s4 =	sshrl.u32 s4, $0x3;
	s7 =	sadd.s32 s7, s2;
	[dreg:$0xa] =	wrdreg s26  }
0x10: {  	s5 =	sadd.s32 s9, s6;
	[dreg:$0x18] =	wrdreg s0;
	s4 =	sadd.s32 s4, s2  }
0x11: {  	s2 =	sadd.s32 s8, s2;
	s8 =	sor.u32 $0x1C11, s21;
	[dreg:$0xb] =	wrdreg s5  }
0x12: {  	s10 =	sadd.s32 $0x38400, s7;
	[dreg:$0x7] =	wrdreg s8  }
0x13: {  	s23 =	smul.u32 $0xA00, s11;
	s24 =	sadd.s32 $0x1A400, s4;
	[dreg:$0xc] =	wrdreg s10  }
0x14: {  	s4 =	sadd.s32 $0x10400, s4;
	[dreg:$0x8] =	wrdreg s24  }
0x15: {  	s8 =	sshrl.u32 s23, $0x2;
	s2 =	sadd.s32 $0x2E400, s2;
	[dreg:$0x9] =	wrdreg s4  }
0x16: {  	s11 =	sadd.s32 s8, s6;
	[dreg:$0x17] =	wrdreg s2  }
0x17: {  	s6 =	sadd.s32 $0x2800, s11;
	[dreg:$0xd] =	wrdreg s11  }
0x18: {  	s12 =	sadd.s32 $0x5000, s11;
	[dreg:$0xe] =	wrdreg s6  }
0x19: {  	s13 =	sadd.s32 $0x7800, s11;
	[dreg:$0xf] =	wrdreg s12  }
0x1a: {  	s14 =	sadd.s32 $0xA000, s11;
	[dreg:$0x10] =	wrdreg s13  }
0x1b: {  	s15 =	sadd.s32 $0xC800, s11;
	[dreg:$0x11] =	wrdreg s14  }
0x1c: {  	s28 =	simm.s32 $0xC;
	s16 =	sadd.s32 $0xF000, s11;
	[dreg:$0x12] =	wrdreg s15  }
0x1d: {  	s29 =	simm.s32 $0xD;
	s17 =	sadd.s32 $0x11800, s11;
	[dreg:$0x13] =	wrdreg s16  }
0x1e: {  	s30 =	simm.s32 $0xE;
	s18 =	sadd.s32 $0x14000, s11;
	[dreg:$0x14] =	wrdreg s17  }
0x1f: {  	s31 =	simm.s32 $0xF;
	s19 =	sadd.s32 $0x16800, s11;
	[dreg:$0x15] =	wrdreg s18  }
0x20: {  	s20 =	simm.s32 $0x5;
	s21 =	sadd.s32 $0x19000, s11;
	[dreg:$0x16] =	wrdreg s19  }
0x21: {  	s0 =	simm.s32 $0x11;
	s22 =	sadd.s32 $0x1B800, s11;
	[dreg:$0x1a] =	wrdreg s21  }
0x22: {  	s5 =	simm.s32 $0x80;
	s23 =	sadd.s32 $0x1E000, s11;
	[dreg:$0x1b] =	wrdreg s22  }
0x23: {  	s10 =	simm.s32 $0x7000;
	s24 =	sadd.s32 $0x20800, s11;
	[dreg:$0x1c] =	wrdreg s23  }
0x24: {  	s2 =	simm.s32 $0x10;
	s25 =	sadd.s32 $0x23000, s11;
	[dreg:$0x1d] =	wrdreg s24  }
0x25: {  	s4 =	simm.s32 $0x0;
	s26 =	sadd.s32 $0x25800, s11;
	[dreg:$0x1e] =	wrdreg s25  }
0x26: {  	s11 =	simm.s32 $0x1;
	[dreg:$0x1f] =	wrdreg s26;
	s14 =	simm.s32 $0x17000  }
0x27: {  	s15 =	simm.s32 $0x2;
	s16 =	simm.s32 $0x3;
	s18 =	simm.s32 $0x4  }
0x28: {  	s21 =	simm.s32 $0x9;
	s22 =	simm.s32 $0x6;
	s23 =	simm.s32 $0xA  }
0x29: {  	s24 =	simm.s32 $0x7;
	s25 =	simm.s32 $0xB;
	s26 =	simm.s32 $0x8  }
0x2a: {  	v0 =	vimm.f32 $0.0e+00;
	v1 =	vimm.f32 $1.000000000e+00;
	s12 =	simm.s32 $0x8000;
	s17 =	simm.s32 $0xA000;
	s19 =	simm.s32 $0xB000  }
.LBB2_1:
0x2b: {  	[smem:$0x7FC] =	sst s4  }
0x2c: {  	s6 =	rddreg [dreg:$0x5]  }
0x2d: {  	s13 =	rddreg [dreg:$0x6]  }
0x2e: {  	s7 =	rddreg [dreg:$0x7];
	s9 =	sshrl.u32 s6, $0x3  }
0x2f: {  	[smem:$0x7FD] =	sst s9  }
0x30: {  	[spmem:s9], [sflag:s7] =	dma.local [hbm:s13], $0xA00  }
0x31: {  	_ =	swait.ge [sflag:s0], $0xA00  }
0x32: {  	[sflag:s0] =	ssyncset.done $0x0  }
0x33: {  	s6 =	simm.s32 $0x0;
	s7 =	simm.s32 $0x40;
	[sflag:s0] =	ssyncadd.s32 $0xFFFFF600  }
.LBB2_2:
0x34: {  	p0 =	sne.s32 s7, $0x9FC0;
	[tilespmem:s6+$0x17000] =	vst v0;
	s6 =	smov.u32 s7;
	s7 =	sadd.s32 $0x40, s7  }
.Ltmp0:
0x35: {  	(pc) =	sbr.rel @p0 .LBB2_2-.Ltmp0, $2  }
0x36: {  	_ =	sdelay $0x2  }
0x37: {  	s6 =	sshra.s32 s6, $0x2  }
0x38: {  	[tilespmem:s6+$0x17000] =	vst v0;
	s7 =	simm.s32 $0x0;
	s9 =	rddreg [dreg:$0x8]  }
0x39: {  	[tilespmem:s7], [sflag:$0x11] =	stream.linear.gather [hbm4b:s9+s7], $0x2800, $0x38;
	[tilespmem:$0x1ED00] =	vst v63  }
0x3a: {  	_ =	swait.ge [sflag:s0], $0x2800  }
0x3b: {  	[sflag:s0] =	ssyncset.done $0x0  }
0x3c: {  	s9 =	simm.s32 $0x2800;
	s13 =	rddreg [dreg:$0x9];
	[sflag:s0] =	ssyncadd.s32 $0xFFFFD800  }
0x3d: {  	[tilespmem:s9], [sflag:$0x11] =	stream.linear.gather [hbm4b:s13+s7], $0x2800, $0x38;
	[tilespmem:$0x1ED00] =	vst v63  }
0x3e: {  	_ =	swait.ge [sflag:s0], $0x2800  }
0x3f: {  	s4 =	rddreg [dreg:$0x7]  }
0x40: {  	[sflag:s0] =	ssyncset.done $0x0;
	s13 =	rddreg [dreg:$0xa]  }
0x41: {  	s8 =	rddreg [dreg:$0x19];
	[sflag:s0] =	ssyncadd.s32 $0xFFFFD800  }
0x42: {  	[spmem:s8], [sflag:s4] =	dma.local [hbm:s13], $0xA00  }
0x43: {  	_ =	swait.ge [sflag:s0], $0xA00  }
0x44: {  	[sflag:s0] =	ssyncset.done $0x0  }
0x45: {  	[sflag:s0] =	ssyncadd.s32 $0xFFFFF600  }
0x46: {  	s8 =	simm.s32 $0x5000;
	[bflag:$0x0] =	sbarrier.arrive $0xFFFF  }
0x47: {  	[tilespmem:s8], [sflag:$0x1] =	stream.indirect.gather [spmem:s3], $0x20, s7, s5, $0xb8;
	[tilespmem:$0x1ED00] =	vst v63  }
0x48: {  	s13 =	simm.s32 $0x6000  }
0x49: {  	[tilespmem:s13], [sflag:$0x2] =	stream.indirect.gather [spmem:s3], $0x20, s5, s5, $0xb8;
	[tilespmem:$0x1ED00] =	vst v63  }
0x4a: {  	s0 =	simm.s32 $0x100  }
0x4b: {  	[tilespmem:s10], [sflag:$0x3] =	stream.indirect.gather [spmem:s3], $0x20, s0, s5, $0xb8;
	[tilespmem:$0x1ED00] =	vst v63  }
0x4c: {  	s4 =	simm.s32 $0x180  }
0x4d: {  	[tilespmem:s12], [sflag:$0x4] =	stream.indirect.gather [spmem:s3], $0x20, s4, s5, $0xb8;
	[tilespmem:$0x1ED00] =	vst v63  }
0x4e: {  	_ =	swait.ge [sflag:s11], $0x1000  }
0x4f: {  	[sflag:s11] =	ssyncset.done $0x0  }
0x50: {  	[sflag:s11] =	ssyncadd.s32 $0xFFFFF000  }
0x51: {  	[spmem:s1] =	stream.indirect.scatter.add.f32 [tilespmem:s8], [sflag:$0x9], $0x20, s9, s5, $0xb8;
	[tilespmem:$0x1ED00] =	vst v63  }
0x52: {  	s13 =	simm.s32 $0x200;
	s4 =	simm.s32 $0x9000  }
0x53: {  	[tilespmem:s4], [sflag:$0x5] =	stream.indirect.gather [spmem:s3], $0x20, s13, s5, $0xb8;
	[tilespmem:$0x1ED00] =	vst v63  }
0x54: {  	v2 =	vld [tilespmem:$0x2800];
	_ =	sdelay $0x7  }
0x55: {  	[tilespmem:v2+s14+$0x0] =	vst.idx.add.f32.msk $0xffff, v1  }
0x56: {  	v2 =	vld [tilespmem:$0x2810];
	_ =	sdelay $0x7  }
0x57: {  	[tilespmem:v2+s14+$0x0] =	vst.idx.add.f32.msk $0xffff, v1  }
0x58: {  	v2 =	vld [tilespmem:$0x2820];
	_ =	sdelay $0x7  }
0x59: {  	[tilespmem:v2+s14+$0x0] =	vst.idx.add.f32.msk $0xffff, v1  }
0x5a: {  	v2 =	vld [tilespmem:$0x2830];
	_ =	sdelay $0x7  }
0x5b: {  	[tilespmem:v2+s14+$0x0] =	vst.idx.add.f32.msk $0xffff, v1  }
0x5c: {  	v2 =	vld [tilespmem:$0x2840];
	_ =	sdelay $0x7  }
0x5d: {  	[tilespmem:v2+s14+$0x0] =	vst.idx.add.f32.msk $0xffff, v1  }
0x5e: {  	v2 =	vld [tilespmem:$0x2850];
	_ =	sdelay $0x7  }
0x5f: {  	[tilespmem:v2+s14+$0x0] =	vst.idx.add.f32.msk $0xffff, v1  }
0x60: {  	v2 =	vld [tilespmem:$0x2860];
	_ =	sdelay $0x7  }
0x61: {  	[tilespmem:v2+s14+$0x0] =	vst.idx.add.f32.msk $0xffff, v1  }
0x62: {  	v2 =	vld [tilespmem:$0x2870];
	_ =	sdelay $0x7  }
0x63: {  	[tilespmem:v2+s14+$0x0] =	vst.idx.add.f32.msk $0xffff, v1  }
0x64: {  	_ =	swait.ge [sflag:s15], $0x1000  }
0x65: {  	[sflag:s15] =	ssyncset.done $0x0  }
0x66: {  	s0 =	simm.s32 $0x2880;
	s9 =	simm.s32 $0x6000;
	[sflag:s15] =	ssyncadd.s32 $0xFFFFF000  }
0x67: {  	[spmem:s1] =	stream.indirect.scatter.add.f32 [tilespmem:s9], [sflag:$0xA], $0x20, s0, s5, $0xb8;
	[tilespmem:$0x1ED00] =	vst v63  }
0x68: {  	s13 =	simm.s32 $0x280  }
0x69: {  	[tilespmem:s17], [sflag:$0x6] =	stream.indirect.gather [spmem:s3], $0x20, s13, s5, $0xb8;
	[tilespmem:$0x1ED00] =	vst v63  }
0x6a: {  	v2 =	vld [tilespmem:$0x2880];
	_ =	sdelay $0x7  }
0x6b: {  	[tilespmem:v2+s14+$0x0] =	vst.idx.add.f32.msk $0xffff, v1  }
0x6c: {  	v2 =	vld [tilespmem:$0x2890];
	_ =	sdelay $0x7  }
0x6d: {  	[tilespmem:v2+s14+$0x0] =	vst.idx.add.f32.msk $0xffff, v1  }
0x6e: {  	v2 =	vld [tilespmem:$0x28A0];
	_ =	sdelay $0x7  }
0x6f: {  	[tilespmem:v2+s14+$0x0] =	vst.idx.add.f32.msk $0xffff, v1  }
0x70: {  	v2 =	vld [tilespmem:$0x28B0];
	_ =	sdelay $0x7  }
0x71: {  	[tilespmem:v2+s14+$0x0] =	vst.idx.add.f32.msk $0xffff, v1  }
0x72: {  	v2 =	vld [tilespmem:$0x28C0];
	_ =	sdelay $0x7  }
0x73: {  	[tilespmem:v2+s14+$0x0] =	vst.idx.add.f32.msk $0xffff, v1  }
0x74: {  	v2 =	vld [tilespmem:$0x28D0];
	_ =	sdelay $0x7  }
0x75: {  	[tilespmem:v2+s14+$0x0] =	vst.idx.add.f32.msk $0xffff, v1  }
0x76: {  	v2 =	vld [tilespmem:$0x28E0];
	_ =	sdelay $0x7  }
0x77: {  	[tilespmem:v2+s14+$0x0] =	vst.idx.add.f32.msk $0xffff, v1  }
0x78: {  	v2 =	vld [tilespmem:$0x28F0];
	_ =	sdelay $0x7  }
0x79: {  	[tilespmem:v2+s14+$0x0] =	vst.idx.add.f32.msk $0xffff, v1  }
0x7a: {  	_ =	swait.ge [sflag:s16], $0x1000  }
0x7b: {  	[sflag:s16] =	ssyncset.done $0x0  }
0x7c: {  	s0 =	simm.s32 $0x2900;
	[sflag:s16] =	ssyncadd.s32 $0xFFFFF000  }
0x7d: {  	[spmem:s1] =	stream.indirect.scatter.add.f32 [tilespmem:s10], [sflag:$0xB], $0x20, s0, s5, $0xb8;
	[tilespmem:$0x1ED00] =	vst v63  }
0x7e: {  	s13 =	simm.s32 $0x300  }
0x7f: {  	[tilespmem:s19], [sflag:$0x7] =	stream.indirect.gather [spmem:s3], $0x20, s13, s5, $0xb8;
	[tilespmem:$0x1ED00] =	vst v63  }
0x80: {  	v2 =	vld [tilespmem:$0x2900];
	_ =	sdelay $0x7  }
0x81: {  	[tilespmem:v2+s14+$0x0] =	vst.idx.add.f32.msk $0xffff, v1  }
0x82: {  	v2 =	vld [tilespmem:$0x2910];
	_ =	sdelay $0x7  }
0x83: {  	[tilespmem:v2+s14+$0x0] =	vst.idx.add.f32.msk $0xffff, v1  }
0x84: {  	v2 =	vld [tilespmem:$0x2920];
	_ =	sdelay $0x7  }
0x85: {  	[tilespmem:v2+s14+$0x0] =	vst.idx.add.f32.msk $0xffff, v1  }
0x86: {  	v2 =	vld [tilespmem:$0x2930];
	_ =	sdelay $0x7  }
0x87: {  	[tilespmem:v2+s14+$0x0] =	vst.idx.add.f32.msk $0xffff, v1  }
0x88: {  	v2 =	vld [tilespmem:$0x2940];
	_ =	sdelay $0x7  }
0x89: {  	[tilespmem:v2+s14+$0x0] =	vst.idx.add.f32.msk $0xffff, v1  }
0x8a: {  	v2 =	vld [tilespmem:$0x2950];
	_ =	sdelay $0x7  }
0x8b: {  	[tilespmem:v2+s14+$0x0] =	vst.idx.add.f32.msk $0xffff, v1  }
0x8c: {  	v2 =	vld [tilespmem:$0x2960];
	_ =	sdelay $0x7  }
0x8d: {  	[tilespmem:v2+s14+$0x0] =	vst.idx.add.f32.msk $0xffff, v1  }
0x8e: {  	v2 =	vld [tilespmem:$0x2970];
	_ =	sdelay $0x7  }
0x8f: {  	[tilespmem:v2+s14+$0x0] =	vst.idx.add.f32.msk $0xffff, v1  }
0x90: {  	_ =	swait.ge [sflag:s18], $0x1000  }
0x91: {  	[sflag:s18] =	ssyncset.done $0x0  }
0x92: {  	s0 =	simm.s32 $0x2980;
	[sflag:s18] =	ssyncadd.s32 $0xFFFFF000  }
0x93: {  	[spmem:s1] =	stream.indirect.scatter.add.f32 [tilespmem:s12], [sflag:$0xC], $0x20, s0, s5, $0xb8;
	[tilespmem:$0x1ED00] =	vst v63  }
0x94: {  	s13 =	simm.s32 $0x380;
	s0 =	simm.s32 $0xC000  }
0x95: {  	[tilespmem:s0], [sflag:$0x8] =	stream.indirect.gather [spmem:s3], $0x20, s13, s5, $0xb8;
	[tilespmem:$0x1ED00] =	vst v63  }
0x96: {  	v2 =	vld [tilespmem:$0x2980];
	_ =	sdelay $0x7  }
0x97: {  	[tilespmem:v2+s14+$0x0] =	vst.idx.add.f32.msk $0xffff, v1  }
0x98: {  	v2 =	vld [tilespmem:$0x2990];
	_ =	sdelay $0x7  }
0x99: {  	[tilespmem:v2+s14+$0x0] =	vst.idx.add.f32.msk $0xffff, v1  }
0x9a: {  	v2 =	vld [tilespmem:$0x29A0];
	_ =	sdelay $0x7  }
0x9b: {  	[tilespmem:v2+s14+$0x0] =	vst.idx.add.f32.msk $0xffff, v1  }
0x9c: {  	v2 =	vld [tilespmem:$0x29B0];
	_ =	sdelay $0x7  }
0x9d: {  	[tilespmem:v2+s14+$0x0] =	vst.idx.add.f32.msk $0xffff, v1  }
0x9e: {  	v2 =	vld [tilespmem:$0x29C0];
	_ =	sdelay $0x7  }
0x9f: {  	[tilespmem:v2+s14+$0x0] =	vst.idx.add.f32.msk $0xffff, v1  }
0xa0: {  	v2 =	vld [tilespmem:$0x29D0];
	_ =	sdelay $0x7  }
0xa1: {  	[tilespmem:v2+s14+$0x0] =	vst.idx.add.f32.msk $0xffff, v1  }
0xa2: {  	v2 =	vld [tilespmem:$0x29E0];
	_ =	sdelay $0x7  }
0xa3: {  	[tilespmem:v2+s14+$0x0] =	vst.idx.add.f32.msk $0xffff, v1  }
0xa4: {  	v2 =	vld [tilespmem:$0x29F0];
	_ =	sdelay $0x7  }
0xa5: {  	[tilespmem:v2+s14+$0x0] =	vst.idx.add.f32.msk $0xffff, v1  }
.LBB2_4:
0xa6: {  	_ =	swait.ge [sflag:s20], $0x1000  }
0xa7: {  	s13 =	sshra.s32 s7, $0x2;
	[sflag:s20] =	ssyncset.done $0x0  }
0xa8: {  	s6 =	sadd.s32 $0x2A00, s13;
	[sflag:s20] =	ssyncadd.s32 $0xFFFFF000  }
0xa9: {  	[spmem:s1] =	stream.indirect.scatter.add.f32 [tilespmem:s4], [sflag:$0xD], $0x20, s6, s5, $0xb8;
	[tilespmem:$0x1ED00] =	vst v63  }
0xaa: {  	_ =	swait.ge [sflag:s21], $0x1000  }
0xab: {  	[sflag:s21] =	ssyncset.done $0x0  }
0xac: {  	s6 =	sadd.s32 $0x400, s13;
	[sflag:s21] =	ssyncadd.s32 $0xFFFFF000  }
0xad: {  	[tilespmem:s8], [sflag:$0x1] =	stream.indirect.gather [spmem:s3], $0x20, s6, s5, $0xb8;
	[tilespmem:$0x1ED00] =	vst v63  }
0xae: {  	v2 =	vld [tilespmem:s13+$0x2A00];
	_ =	sdelay $0x7  }
0xaf: {  	[tilespmem:v2+s14+$0x0] =	vst.idx.add.f32.msk $0xffff, v1  }
0xb0: {  	v2 =	vld [tilespmem:s13+$0x2A10];
	_ =	sdelay $0x7  }
0xb1: {  	[tilespmem:v2+s14+$0x0] =	vst.idx.add.f32.msk $0xffff, v1  }
0xb2: {  	v2 =	vld [tilespmem:s13+$0x2A20];
	_ =	sdelay $0x7  }
0xb3: {  	[tilespmem:v2+s14+$0x0] =	vst.idx.add.f32.msk $0xffff, v1  }
0xb4: {  	v2 =	vld [tilespmem:s13+$0x2A30];
	_ =	sdelay $0x7  }
0xb5: {  	[tilespmem:v2+s14+$0x0] =	vst.idx.add.f32.msk $0xffff, v1  }
0xb6: {  	v2 =	vld [tilespmem:s13+$0x2A40];
	_ =	sdelay $0x7  }
0xb7: {  	[tilespmem:v2+s14+$0x0] =	vst.idx.add.f32.msk $0xffff, v1  }
0xb8: {  	v2 =	vld [tilespmem:s13+$0x2A50];
	_ =	sdelay $0x7  }
0xb9: {  	[tilespmem:v2+s14+$0x0] =	vst.idx.add.f32.msk $0xffff, v1  }
0xba: {  	v2 =	vld [tilespmem:s13+$0x2A60];
	_ =	sdelay $0x7  }
0xbb: {  	[tilespmem:v2+s14+$0x0] =	vst.idx.add.f32.msk $0xffff, v1  }
0xbc: {  	v2 =	vld [tilespmem:s13+$0x2A70];
	_ =	sdelay $0x7  }
0xbd: {  	[tilespmem:v2+s14+$0x0] =	vst.idx.add.f32.msk $0xffff, v1  }
0xbe: {  	_ =	swait.ge [sflag:s22], $0x1000  }
0xbf: {  	[sflag:s22] =	ssyncset.done $0x0  }
0xc0: {  	s6 =	sadd.s32 $0x2A80, s13;
	[sflag:s22] =	ssyncadd.s32 $0xFFFFF000  }
0xc1: {  	[spmem:s1] =	stream.indirect.scatter.add.f32 [tilespmem:s17], [sflag:$0xE], $0x20, s6, s5, $0xb8;
	[tilespmem:$0x1ED00] =	vst v63  }
0xc2: {  	_ =	swait.ge [sflag:s23], $0x1000  }
0xc3: {  	[sflag:s23] =	ssyncset.done $0x0  }
0xc4: {  	s6 =	sadd.s32 $0x480, s13;
	[sflag:s23] =	ssyncadd.s32 $0xFFFFF000  }
0xc5: {  	[tilespmem:s9], [sflag:$0x2] =	stream.indirect.gather [spmem:s3], $0x20, s6, s5, $0xb8;
	[tilespmem:$0x1ED00] =	vst v63  }
0xc6: {  	v2 =	vld [tilespmem:s13+$0x2A80];
	_ =	sdelay $0x7  }
0xc7: {  	[tilespmem:v2+s14+$0x0] =	vst.idx.add.f32.msk $0xffff, v1  }
0xc8: {  	v2 =	vld [tilespmem:s13+$0x2A90];
	_ =	sdelay $0x7  }
0xc9: {  	[tilespmem:v2+s14+$0x0] =	vst.idx.add.f32.msk $0xffff, v1  }
0xca: {  	v2 =	vld [tilespmem:s13+$0x2AA0];
	_ =	sdelay $0x7  }
0xcb: {  	[tilespmem:v2+s14+$0x0] =	vst.idx.add.f32.msk $0xffff, v1  }
0xcc: {  	v2 =	vld [tilespmem:s13+$0x2AB0];
	_ =	sdelay $0x7  }
0xcd: {  	[tilespmem:v2+s14+$0x0] =	vst.idx.add.f32.msk $0xffff, v1  }
0xce: {  	v2 =	vld [tilespmem:s13+$0x2AC0];
	_ =	sdelay $0x7  }
0xcf: {  	[tilespmem:v2+s14+$0x0] =	vst.idx.add.f32.msk $0xffff, v1  }
0xd0: {  	v2 =	vld [tilespmem:s13+$0x2AD0];
	_ =	sdelay $0x7  }
0xd1: {  	[tilespmem:v2+s14+$0x0] =	vst.idx.add.f32.msk $0xffff, v1  }
0xd2: {  	v2 =	vld [tilespmem:s13+$0x2AE0];
	_ =	sdelay $0x7  }
0xd3: {  	[tilespmem:v2+s14+$0x0] =	vst.idx.add.f32.msk $0xffff, v1  }
0xd4: {  	v2 =	vld [tilespmem:s13+$0x2AF0];
	_ =	sdelay $0x7  }
0xd5: {  	[tilespmem:v2+s14+$0x0] =	vst.idx.add.f32.msk $0xffff, v1  }
0xd6: {  	_ =	swait.ge [sflag:s24], $0x1000  }
0xd7: {  	[sflag:s24] =	ssyncset.done $0x0  }
0xd8: {  	s6 =	sadd.s32 $0x2B00, s13;
	[sflag:s24] =	ssyncadd.s32 $0xFFFFF000  }
0xd9: {  	[spmem:s1] =	stream.indirect.scatter.add.f32 [tilespmem:s19], [sflag:$0xF], $0x20, s6, s5, $0xb8;
	[tilespmem:$0x1ED00] =	vst v63  }
0xda: {  	_ =	swait.ge [sflag:s25], $0x1000  }
0xdb: {  	[sflag:s25] =	ssyncset.done $0x0  }
0xdc: {  	s6 =	sadd.s32 $0x500, s13;
	[sflag:s25] =	ssyncadd.s32 $0xFFFFF000  }
0xdd: {  	[tilespmem:s10], [sflag:$0x3] =	stream.indirect.gather [spmem:s3], $0x20, s6, s5, $0xb8;
	[tilespmem:$0x1ED00] =	vst v63  }
0xde: {  	v2 =	vld [tilespmem:s13+$0x2B00];
	_ =	sdelay $0x7  }
0xdf: {  	[tilespmem:v2+s14+$0x0] =	vst.idx.add.f32.msk $0xffff, v1  }
0xe0: {  	v2 =	vld [tilespmem:s13+$0x2B10];
	_ =	sdelay $0x7  }
0xe1: {  	[tilespmem:v2+s14+$0x0] =	vst.idx.add.f32.msk $0xffff, v1  }
0xe2: {  	v2 =	vld [tilespmem:s13+$0x2B20];
	_ =	sdelay $0x7  }
0xe3: {  	[tilespmem:v2+s14+$0x0] =	vst.idx.add.f32.msk $0xffff, v1  }
0xe4: {  	v2 =	vld [tilespmem:s13+$0x2B30];
	_ =	sdelay $0x7  }
0xe5: {  	[tilespmem:v2+s14+$0x0] =	vst.idx.add.f32.msk $0xffff, v1  }
0xe6: {  	v2 =	vld [tilespmem:s13+$0x2B40];
	_ =	sdelay $0x7  }
0xe7: {  	[tilespmem:v2+s14+$0x0] =	vst.idx.add.f32.msk $0xffff, v1  }
0xe8: {  	v2 =	vld [tilespmem:s13+$0x2B50];
	_ =	sdelay $0x7  }
0xe9: {  	[tilespmem:v2+s14+$0x0] =	vst.idx.add.f32.msk $0xffff, v1  }
0xea: {  	v2 =	vld [tilespmem:s13+$0x2B60];
	_ =	sdelay $0x7  }
0xeb: {  	[tilespmem:v2+s14+$0x0] =	vst.idx.add.f32.msk $0xffff, v1  }
0xec: {  	v2 =	vld [tilespmem:s13+$0x2B70];
	_ =	sdelay $0x7  }
0xed: {  	[tilespmem:v2+s14+$0x0] =	vst.idx.add.f32.msk $0xffff, v1  }
0xee: {  	_ =	swait.ge [sflag:s26], $0x1000  }
0xef: {  	[sflag:s26] =	ssyncset.done $0x0  }
0xf0: {  	s6 =	sadd.s32 $0x2B80, s13;
	[sflag:s26] =	ssyncadd.s32 $0xFFFFF000  }
0xf1: {  	[spmem:s1] =	stream.indirect.scatter.add.f32 [tilespmem:s0], [sflag:$0x10], $0x20, s6, s5, $0xb8;
	[tilespmem:$0x1ED00] =	vst v63  }
0xf2: {  	_ =	swait.ge [sflag:s28], $0x1000  }
0xf3: {  	[sflag:s28] =	ssyncset.done $0x0  }
0xf4: {  	s6 =	sadd.s32 $0x580, s13;
	[sflag:s28] =	ssyncadd.s32 $0xFFFFF000  }
0xf5: {  	[tilespmem:s12], [sflag:$0x4] =	stream.indirect.gather [spmem:s3], $0x20, s6, s5, $0xb8;
	[tilespmem:$0x1ED00] =	vst v63  }
0xf6: {  	v2 =	vld [tilespmem:s13+$0x2B80];
	_ =	sdelay $0x7  }
0xf7: {  	[tilespmem:v2+s14+$0x0] =	vst.idx.add.f32.msk $0xffff, v1  }
0xf8: {  	v2 =	vld [tilespmem:s13+$0x2B90];
	_ =	sdelay $0x7  }
0xf9: {  	[tilespmem:v2+s14+$0x0] =	vst.idx.add.f32.msk $0xffff, v1  }
0xfa: {  	v2 =	vld [tilespmem:s13+$0x2BA0];
	_ =	sdelay $0x7  }
0xfb: {  	[tilespmem:v2+s14+$0x0] =	vst.idx.add.f32.msk $0xffff, v1  }
0xfc: {  	v2 =	vld [tilespmem:s13+$0x2BB0];
	_ =	sdelay $0x7  }
0xfd: {  	[tilespmem:v2+s14+$0x0] =	vst.idx.add.f32.msk $0xffff, v1  }
0xfe: {  	v2 =	vld [tilespmem:s13+$0x2BC0];
	_ =	sdelay $0x7  }
0xff: {  	[tilespmem:v2+s14+$0x0] =	vst.idx.add.f32.msk $0xffff, v1  }
0x100: {  	v2 =	vld [tilespmem:s13+$0x2BD0];
	_ =	sdelay $0x7  }
0x101: {  	[tilespmem:v2+s14+$0x0] =	vst.idx.add.f32.msk $0xffff, v1  }
0x102: {  	v2 =	vld [tilespmem:s13+$0x2BE0];
	_ =	sdelay $0x7  }
0x103: {  	[tilespmem:v2+s14+$0x0] =	vst.idx.add.f32.msk $0xffff, v1  }
0x104: {  	v2 =	vld [tilespmem:s13+$0x2BF0];
	_ =	sdelay $0x7  }
0x105: {  	[tilespmem:v2+s14+$0x0] =	vst.idx.add.f32.msk $0xffff, v1  }
0x106: {  	_ =	swait.ge [sflag:s11], $0x1000  }
0x107: {  	[sflag:s11] =	ssyncset.done $0x0  }
0x108: {  	s6 =	sadd.s32 $0x2C00, s13;
	[sflag:s11] =	ssyncadd.s32 $0xFFFFF000  }
0x109: {  	[spmem:s1] =	stream.indirect.scatter.add.f32 [tilespmem:s8], [sflag:$0x9], $0x20, s6, s5, $0xb8;
	[tilespmem:$0x1ED00] =	vst v63  }
0x10a: {  	_ =	swait.ge [sflag:s29], $0x1000  }
0x10b: {  	[sflag:s29] =	ssyncset.done $0x0  }
0x10c: {  	s6 =	sadd.s32 $0x600, s13;
	[sflag:s29] =	ssyncadd.s32 $0xFFFFF000  }
0x10d: {  	[tilespmem:s4], [sflag:$0x5] =	stream.indirect.gather [spmem:s3], $0x20, s6, s5, $0xb8;
	[tilespmem:$0x1ED00] =	vst v63  }
0x10e: {  	v2 =	vld [tilespmem:s13+$0x2C00];
	_ =	sdelay $0x7  }
0x10f: {  	[tilespmem:v2+s14+$0x0] =	vst.idx.add.f32.msk $0xffff, v1  }
0x110: {  	v2 =	vld [tilespmem:s13+$0x2C10];
	_ =	sdelay $0x7  }
0x111: {  	[tilespmem:v2+s14+$0x0] =	vst.idx.add.f32.msk $0xffff, v1  }
0x112: {  	v2 =	vld [tilespmem:s13+$0x2C20];
	_ =	sdelay $0x7  }
0x113: {  	[tilespmem:v2+s14+$0x0] =	vst.idx.add.f32.msk $0xffff, v1  }
0x114: {  	v2 =	vld [tilespmem:s13+$0x2C30];
	_ =	sdelay $0x7  }
0x115: {  	[tilespmem:v2+s14+$0x0] =	vst.idx.add.f32.msk $0xffff, v1  }
0x116: {  	v2 =	vld [tilespmem:s13+$0x2C40];
	_ =	sdelay $0x7  }
0x117: {  	[tilespmem:v2+s14+$0x0] =	vst.idx.add.f32.msk $0xffff, v1  }
0x118: {  	v2 =	vld [tilespmem:s13+$0x2C50];
	_ =	sdelay $0x7  }
0x119: {  	[tilespmem:v2+s14+$0x0] =	vst.idx.add.f32.msk $0xffff, v1  }
0x11a: {  	v2 =	vld [tilespmem:s13+$0x2C60];
	_ =	sdelay $0x7  }
0x11b: {  	[tilespmem:v2+s14+$0x0] =	vst.idx.add.f32.msk $0xffff, v1  }
0x11c: {  	v2 =	vld [tilespmem:s13+$0x2C70];
	_ =	sdelay $0x7  }
0x11d: {  	[tilespmem:v2+s14+$0x0] =	vst.idx.add.f32.msk $0xffff, v1  }
0x11e: {  	_ =	swait.ge [sflag:s15], $0x1000  }
0x11f: {  	[sflag:s15] =	ssyncset.done $0x0  }
0x120: {  	s6 =	sadd.s32 $0x2C80, s13;
	[sflag:s15] =	ssyncadd.s32 $0xFFFFF000  }
0x121: {  	[spmem:s1] =	stream.indirect.scatter.add.f32 [tilespmem:s9], [sflag:$0xA], $0x20, s6, s5, $0xb8;
	[tilespmem:$0x1ED00] =	vst v63  }
0x122: {  	_ =	swait.ge [sflag:s30], $0x1000  }
0x123: {  	[sflag:s30] =	ssyncset.done $0x0  }
0x124: {  	s6 =	sadd.s32 $0x680, s13;
	[sflag:s30] =	ssyncadd.s32 $0xFFFFF000  }
0x125: {  	[tilespmem:s17], [sflag:$0x6] =	stream.indirect.gather [spmem:s3], $0x20, s6, s5, $0xb8;
	[tilespmem:$0x1ED00] =	vst v63  }
0x126: {  	v2 =	vld [tilespmem:s13+$0x2C80];
	_ =	sdelay $0x7  }
0x127: {  	[tilespmem:v2+s14+$0x0] =	vst.idx.add.f32.msk $0xffff, v1  }
0x128: {  	v2 =	vld [tilespmem:s13+$0x2C90];
	_ =	sdelay $0x7  }
0x129: {  	[tilespmem:v2+s14+$0x0] =	vst.idx.add.f32.msk $0xffff, v1  }
0x12a: {  	v2 =	vld [tilespmem:s13+$0x2CA0];
	_ =	sdelay $0x7  }
0x12b: {  	[tilespmem:v2+s14+$0x0] =	vst.idx.add.f32.msk $0xffff, v1  }
0x12c: {  	v2 =	vld [tilespmem:s13+$0x2CB0];
	_ =	sdelay $0x7  }
0x12d: {  	[tilespmem:v2+s14+$0x0] =	vst.idx.add.f32.msk $0xffff, v1  }
0x12e: {  	v2 =	vld [tilespmem:s13+$0x2CC0];
	_ =	sdelay $0x7  }
0x12f: {  	[tilespmem:v2+s14+$0x0] =	vst.idx.add.f32.msk $0xffff, v1  }
0x130: {  	v2 =	vld [tilespmem:s13+$0x2CD0];
	_ =	sdelay $0x7  }
0x131: {  	[tilespmem:v2+s14+$0x0] =	vst.idx.add.f32.msk $0xffff, v1  }
0x132: {  	v2 =	vld [tilespmem:s13+$0x2CE0];
	_ =	sdelay $0x7  }
0x133: {  	[tilespmem:v2+s14+$0x0] =	vst.idx.add.f32.msk $0xffff, v1  }
0x134: {  	v2 =	vld [tilespmem:s13+$0x2CF0];
	_ =	sdelay $0x7  }
0x135: {  	[tilespmem:v2+s14+$0x0] =	vst.idx.add.f32.msk $0xffff, v1  }
0x136: {  	_ =	swait.ge [sflag:s16], $0x1000  }
0x137: {  	[sflag:s16] =	ssyncset.done $0x0  }
0x138: {  	s6 =	sadd.s32 $0x2D00, s13;
	[sflag:s16] =	ssyncadd.s32 $0xFFFFF000  }
0x139: {  	[spmem:s1] =	stream.indirect.scatter.add.f32 [tilespmem:s10], [sflag:$0xB], $0x20, s6, s5, $0xb8;
	[tilespmem:$0x1ED00] =	vst v63  }
0x13a: {  	_ =	swait.ge [sflag:s31], $0x1000  }
0x13b: {  	[sflag:s31] =	ssyncset.done $0x0  }
0x13c: {  	s6 =	sadd.s32 $0x700, s13;
	[sflag:s31] =	ssyncadd.s32 $0xFFFFF000  }
0x13d: {  	[tilespmem:s19], [sflag:$0x7] =	stream.indirect.gather [spmem:s3], $0x20, s6, s5, $0xb8;
	[tilespmem:$0x1ED00] =	vst v63  }
0x13e: {  	v2 =	vld [tilespmem:s13+$0x2D00];
	_ =	sdelay $0x7  }
0x13f: {  	[tilespmem:v2+s14+$0x0] =	vst.idx.add.f32.msk $0xffff, v1  }
0x140: {  	v2 =	vld [tilespmem:s13+$0x2D10];
	_ =	sdelay $0x7  }
0x141: {  	[tilespmem:v2+s14+$0x0] =	vst.idx.add.f32.msk $0xffff, v1  }
0x142: {  	v2 =	vld [tilespmem:s13+$0x2D20];
	_ =	sdelay $0x7  }
0x143: {  	[tilespmem:v2+s14+$0x0] =	vst.idx.add.f32.msk $0xffff, v1  }
0x144: {  	v2 =	vld [tilespmem:s13+$0x2D30];
	_ =	sdelay $0x7  }
0x145: {  	[tilespmem:v2+s14+$0x0] =	vst.idx.add.f32.msk $0xffff, v1  }
0x146: {  	v2 =	vld [tilespmem:s13+$0x2D40];
	_ =	sdelay $0x7  }
0x147: {  	[tilespmem:v2+s14+$0x0] =	vst.idx.add.f32.msk $0xffff, v1  }
0x148: {  	v2 =	vld [tilespmem:s13+$0x2D50];
	_ =	sdelay $0x7  }
0x149: {  	[tilespmem:v2+s14+$0x0] =	vst.idx.add.f32.msk $0xffff, v1  }
0x14a: {  	v2 =	vld [tilespmem:s13+$0x2D60];
	_ =	sdelay $0x7  }
0x14b: {  	[tilespmem:v2+s14+$0x0] =	vst.idx.add.f32.msk $0xffff, v1  }
0x14c: {  	v2 =	vld [tilespmem:s13+$0x2D70];
	_ =	sdelay $0x7  }
0x14d: {  	[tilespmem:v2+s14+$0x0] =	vst.idx.add.f32.msk $0xffff, v1  }
0x14e: {  	_ =	swait.ge [sflag:s18], $0x1000  }
0x14f: {  	[sflag:s18] =	ssyncset.done $0x0  }
0x150: {  	s6 =	sadd.s32 $0x2D80, s13;
	[sflag:s18] =	ssyncadd.s32 $0xFFFFF000  }
0x151: {  	[spmem:s1] =	stream.indirect.scatter.add.f32 [tilespmem:s12], [sflag:$0xC], $0x20, s6, s5, $0xb8;
	[tilespmem:$0x1ED00] =	vst v63  }
0x152: {  	_ =	swait.ge [sflag:s2], $0x1000  }
0x153: {  	[sflag:s2] =	ssyncset.done $0x0  }
0x154: {  	s6 =	sadd.s32 $0x780, s13;
	[sflag:s2] =	ssyncadd.s32 $0xFFFFF000  }
0x155: {  	[tilespmem:s0], [sflag:$0x8] =	stream.indirect.gather [spmem:s3], $0x20, s6, s5, $0xb8;
	[tilespmem:$0x1ED00] =	vst v63  }
0x156: {  	v2 =	vld [tilespmem:s13+$0x2D80];
	_ =	sdelay $0x7  }
0x157: {  	[tilespmem:v2+s14+$0x0] =	vst.idx.add.f32.msk $0xffff, v1  }
0x158: {  	v2 =	vld [tilespmem:s13+$0x2D90];
	_ =	sdelay $0x7  }
0x159: {  	[tilespmem:v2+s14+$0x0] =	vst.idx.add.f32.msk $0xffff, v1  }
0x15a: {  	v2 =	vld [tilespmem:s13+$0x2DA0];
	_ =	sdelay $0x7  }
0x15b: {  	[tilespmem:v2+s14+$0x0] =	vst.idx.add.f32.msk $0xffff, v1  }
0x15c: {  	v2 =	vld [tilespmem:s13+$0x2DB0];
	_ =	sdelay $0x7  }
0x15d: {  	[tilespmem:v2+s14+$0x0] =	vst.idx.add.f32.msk $0xffff, v1  }
0x15e: {  	v2 =	vld [tilespmem:s13+$0x2DC0];
	_ =	sdelay $0x7  }
0x15f: {  	[tilespmem:v2+s14+$0x0] =	vst.idx.add.f32.msk $0xffff, v1  }
0x160: {  	v2 =	vld [tilespmem:s13+$0x2DD0];
	_ =	sdelay $0x7  }
0x161: {  	[tilespmem:v2+s14+$0x0] =	vst.idx.add.f32.msk $0xffff, v1  }
0x162: {  	v2 =	vld [tilespmem:s13+$0x2DE0];
	_ =	sdelay $0x7  }
0x163: {  	[tilespmem:v2+s14+$0x0] =	vst.idx.add.f32.msk $0xffff, v1  }
0x164: {  	v2 =	vld [tilespmem:s13+$0x2DF0];
	_ =	sdelay $0x2  }
0x165: {  	p0 =	sne.s32 s7, $0x8000  }
.Ltmp1:
0x166: {  	_ = 	snop;
	(pc) =	sbr.rel @p0 .LBB2_4-.Ltmp1, $2  }
0x167: {  	_ =	sdelay $0x2  }
0x168: {  	s7 =	sadd.s32 $0x1000, s7;
	[tilespmem:v2+s14+$0x0] =	vst.idx.add.f32.msk $0xffff, v1  }
0x169: {  	_ =	swait.ge [sflag:s20], $0x1000  }
0x16a: {  	[sflag:s20] =	ssyncset.done $0x0  }
0x16b: {  	s6 =	simm.s32 $0x4E00;
	[sflag:s20] =	ssyncadd.s32 $0xFFFFF000  }
0x16c: {  	[spmem:s1] =	stream.indirect.scatter.add.f32 [tilespmem:s4], [sflag:$0xD], $0x20, s6, s5, $0xb8;
	[tilespmem:$0x1ED00] =	vst v63  }
0x16d: {  	v2 =	vld [tilespmem:$0x4E00];
	_ =	sdelay $0x7  }
0x16e: {  	[tilespmem:v2+s14+$0x0] =	vst.idx.add.f32.msk $0xffff, v1  }
0x16f: {  	v2 =	vld [tilespmem:$0x4E10];
	_ =	sdelay $0x7  }
0x170: {  	[tilespmem:v2+s14+$0x0] =	vst.idx.add.f32.msk $0xffff, v1  }
0x171: {  	v2 =	vld [tilespmem:$0x4E20];
	_ =	sdelay $0x7  }
0x172: {  	[tilespmem:v2+s14+$0x0] =	vst.idx.add.f32.msk $0xffff, v1  }
0x173: {  	v2 =	vld [tilespmem:$0x4E30];
	_ =	sdelay $0x7  }
0x174: {  	[tilespmem:v2+s14+$0x0] =	vst.idx.add.f32.msk $0xffff, v1  }
0x175: {  	v2 =	vld [tilespmem:$0x4E40];
	_ =	sdelay $0x7  }
0x176: {  	[tilespmem:v2+s14+$0x0] =	vst.idx.add.f32.msk $0xffff, v1  }
0x177: {  	v2 =	vld [tilespmem:$0x4E50];
	_ =	sdelay $0x7  }
0x178: {  	[tilespmem:v2+s14+$0x0] =	vst.idx.add.f32.msk $0xffff, v1  }
0x179: {  	v2 =	vld [tilespmem:$0x4E60];
	_ =	sdelay $0x7  }
0x17a: {  	[tilespmem:v2+s14+$0x0] =	vst.idx.add.f32.msk $0xffff, v1  }
0x17b: {  	v2 =	vld [tilespmem:$0x4E70];
	_ =	sdelay $0x7  }
0x17c: {  	[tilespmem:v2+s14+$0x0] =	vst.idx.add.f32.msk $0xffff, v1  }
0x17d: {  	_ =	swait.ge [sflag:s22], $0x1000  }
0x17e: {  	[sflag:s22] =	ssyncset.done $0x0  }
0x17f: {  	s13 =	simm.s32 $0x4E80;
	[sflag:s22] =	ssyncadd.s32 $0xFFFFF000  }
0x180: {  	[spmem:s1] =	stream.indirect.scatter.add.f32 [tilespmem:s17], [sflag:$0xE], $0x20, s13, s5, $0xb8;
	[tilespmem:$0x1ED00] =	vst v63  }
0x181: {  	v2 =	vld [tilespmem:$0x4E80];
	_ =	sdelay $0x7  }
0x182: {  	[tilespmem:v2+s14+$0x0] =	vst.idx.add.f32.msk $0xffff, v1  }
0x183: {  	v2 =	vld [tilespmem:$0x4E90];
	_ =	sdelay $0x7  }
0x184: {  	[tilespmem:v2+s14+$0x0] =	vst.idx.add.f32.msk $0xffff, v1  }
0x185: {  	v2 =	vld [tilespmem:$0x4EA0];
	_ =	sdelay $0x7  }
0x186: {  	[tilespmem:v2+s14+$0x0] =	vst.idx.add.f32.msk $0xffff, v1  }
0x187: {  	v2 =	vld [tilespmem:$0x4EB0];
	_ =	sdelay $0x7  }
0x188: {  	[tilespmem:v2+s14+$0x0] =	vst.idx.add.f32.msk $0xffff, v1  }
0x189: {  	v2 =	vld [tilespmem:$0x4EC0];
	_ =	sdelay $0x7  }
0x18a: {  	[tilespmem:v2+s14+$0x0] =	vst.idx.add.f32.msk $0xffff, v1  }
0x18b: {  	v2 =	vld [tilespmem:$0x4ED0];
	_ =	sdelay $0x7  }
0x18c: {  	[tilespmem:v2+s14+$0x0] =	vst.idx.add.f32.msk $0xffff, v1  }
0x18d: {  	v2 =	vld [tilespmem:$0x4EE0];
	_ =	sdelay $0x7  }
0x18e: {  	[tilespmem:v2+s14+$0x0] =	vst.idx.add.f32.msk $0xffff, v1  }
0x18f: {  	v2 =	vld [tilespmem:$0x4EF0];
	_ =	sdelay $0x7  }
0x190: {  	[tilespmem:v2+s14+$0x0] =	vst.idx.add.f32.msk $0xffff, v1  }
0x191: {  	_ =	swait.ge [sflag:s24], $0x1000  }
0x192: {  	[sflag:s24] =	ssyncset.done $0x0  }
0x193: {  	s6 =	simm.s32 $0x4F00;
	[sflag:s24] =	ssyncadd.s32 $0xFFFFF000  }
0x194: {  	[spmem:s1] =	stream.indirect.scatter.add.f32 [tilespmem:s19], [sflag:$0xF], $0x20, s6, s5, $0xb8;
	[tilespmem:$0x1ED00] =	vst v63  }
0x195: {  	v2 =	vld [tilespmem:$0x4F00];
	_ =	sdelay $0x7  }
0x196: {  	[tilespmem:v2+s14+$0x0] =	vst.idx.add.f32.msk $0xffff, v1  }
0x197: {  	v2 =	vld [tilespmem:$0x4F10];
	_ =	sdelay $0x7  }
0x198: {  	[tilespmem:v2+s14+$0x0] =	vst.idx.add.f32.msk $0xffff, v1  }
0x199: {  	v2 =	vld [tilespmem:$0x4F20];
	_ =	sdelay $0x7  }
0x19a: {  	[tilespmem:v2+s14+$0x0] =	vst.idx.add.f32.msk $0xffff, v1  }
0x19b: {  	v2 =	vld [tilespmem:$0x4F30];
	_ =	sdelay $0x7  }
0x19c: {  	[tilespmem:v2+s14+$0x0] =	vst.idx.add.f32.msk $0xffff, v1  }
0x19d: {  	v2 =	vld [tilespmem:$0x4F40];
	_ =	sdelay $0x7  }
0x19e: {  	[tilespmem:v2+s14+$0x0] =	vst.idx.add.f32.msk $0xffff, v1  }
0x19f: {  	v2 =	vld [tilespmem:$0x4F50];
	_ =	sdelay $0x7  }
0x1a0: {  	[tilespmem:v2+s14+$0x0] =	vst.idx.add.f32.msk $0xffff, v1  }
0x1a1: {  	v2 =	vld [tilespmem:$0x4F60];
	_ =	sdelay $0x7  }
0x1a2: {  	[tilespmem:v2+s14+$0x0] =	vst.idx.add.f32.msk $0xffff, v1  }
0x1a3: {  	v2 =	vld [tilespmem:$0x4F70];
	_ =	sdelay $0x7  }
0x1a4: {  	[tilespmem:v2+s14+$0x0] =	vst.idx.add.f32.msk $0xffff, v1  }
0x1a5: {  	_ =	swait.ge [sflag:s26], $0x1000  }
0x1a6: {  	[sflag:s26] =	ssyncset.done $0x0  }
0x1a7: {  	s7 =	simm.s32 $0x4F80;
	[sflag:s26] =	ssyncadd.s32 $0xFFFFF000  }
0x1a8: {  	[spmem:s1] =	stream.indirect.scatter.add.f32 [tilespmem:s0], [sflag:$0x10], $0x20, s7, s5, $0xb8;
	[tilespmem:$0x1ED00] =	vst v63  }
0x1a9: {  	v2 =	vld [tilespmem:$0x4F80];
	_ =	sdelay $0x7  }
0x1aa: {  	[tilespmem:v2+s14+$0x0] =	vst.idx.add.f32.msk $0xffff, v1  }
0x1ab: {  	v2 =	vld [tilespmem:$0x4F90];
	_ =	sdelay $0x7  }
0x1ac: {  	[tilespmem:v2+s14+$0x0] =	vst.idx.add.f32.msk $0xffff, v1  }
0x1ad: {  	v2 =	vld [tilespmem:$0x4FA0];
	_ =	sdelay $0x7  }
0x1ae: {  	[tilespmem:v2+s14+$0x0] =	vst.idx.add.f32.msk $0xffff, v1  }
0x1af: {  	v2 =	vld [tilespmem:$0x4FB0];
	_ =	sdelay $0x7  }
0x1b0: {  	[tilespmem:v2+s14+$0x0] =	vst.idx.add.f32.msk $0xffff, v1  }
0x1b1: {  	v2 =	vld [tilespmem:$0x4FC0];
	_ =	sdelay $0x7  }
0x1b2: {  	[tilespmem:v2+s14+$0x0] =	vst.idx.add.f32.msk $0xffff, v1  }
0x1b3: {  	v2 =	vld [tilespmem:$0x4FD0];
	_ =	sdelay $0x7  }
0x1b4: {  	[tilespmem:v2+s14+$0x0] =	vst.idx.add.f32.msk $0xffff, v1  }
0x1b5: {  	v2 =	vld [tilespmem:$0x4FE0];
	_ =	sdelay $0x7  }
0x1b6: {  	[tilespmem:v2+s14+$0x0] =	vst.idx.add.f32.msk $0xffff, v1  }
0x1b7: {  	v2 =	vld [tilespmem:$0x4FF0];
	_ =	sdelay $0x7  }
0x1b8: {  	[tilespmem:v2+s14+$0x0] =	vst.idx.add.f32.msk $0xffff, v1  }
0x1b9: {  	_ =	swait.ge [sflag:s21], $0x1000  }
0x1ba: {  	[sflag:s21] =	ssyncset.done $0x0  }
0x1bb: {  	[sflag:s21] =	ssyncadd.s32 $0xFFFFF000  }
0x1bc: {  	_ =	swait.ge [sflag:s23], $0x1000  }
0x1bd: {  	[sflag:s23] =	ssyncset.done $0x0  }
0x1be: {  	[sflag:s23] =	ssyncadd.s32 $0xFFFFF000  }
0x1bf: {  	_ =	swait.ge [sflag:s25], $0x1000  }
0x1c0: {  	[sflag:s25] =	ssyncset.done $0x0  }
0x1c1: {  	[sflag:s25] =	ssyncadd.s32 $0xFFFFF000  }
0x1c2: {  	_ =	swait.ge [sflag:s28], $0x1000  }
0x1c3: {  	[sflag:s28] =	ssyncset.done $0x0  }
0x1c4: {  	[sflag:s28] =	ssyncadd.s32 $0xFFFFF000  }
0x1c5: {  	_ =	swait.ge [sflag:s29], $0x1000  }
0x1c6: {  	[sflag:s29] =	ssyncset.done $0x0  }
0x1c7: {  	[sflag:s29] =	ssyncadd.s32 $0xFFFFF000  }
0x1c8: {  	_ =	swait.ge [sflag:s30], $0x1000  }
0x1c9: {  	[sflag:s30] =	ssyncset.done $0x0  }
0x1ca: {  	[sflag:s30] =	ssyncadd.s32 $0xFFFFF000  }
0x1cb: {  	_ =	swait.ge [sflag:s31], $0x1000  }
0x1cc: {  	[sflag:s31] =	ssyncset.done $0x0  }
0x1cd: {  	[sflag:s31] =	ssyncadd.s32 $0xFFFFF000  }
0x1ce: {  	_ =	swait.ge [sflag:s2], $0x1000  }
0x1cf: {  	[sflag:s2] =	ssyncset.done $0x0  }
0x1d0: {  	s0 =	simm.s32 $0x11;
	s8 =	rddreg [dreg:$0xb];
	[sflag:s2] =	ssyncadd.s32 $0xFFFFF000  }
0x1d1: {  	[spmem:s8] =	stream.linear.scatter [tilespmem:s14], [sflag:$0x11], $0x2800, $0x38;
	[tilespmem:$0x1ED00] =	vst v63  }
0x1d2: {  	_ =	swait.ge [sflag:s0], $0x2800  }
0x1d3: {  	[sflag:s0] =	ssyncset.done $0x0  }
0x1d4: {  	[sflag:s0] =	ssyncadd.s32 $0xFFFFD800  }
0x1d5: {  	[bflag:$0x0] =	sbarrier.arrive $0xFFFF  }
0x1d6: {  	s13 =	sld [smem:$0x7FD]  }
0x1d7: {  	s9 =	rddreg [dreg:$0x7]  }
0x1d8: {  	s7 =	rddreg [dreg:$0xc]  }
0x1d9: {  	[hbm:s7], [sflag:s9] =	dma.local [spmem:s13], $0xA00  }
0x1da: {  	_ =	swait.ge [sflag:s0], $0xA00  }
0x1db: {  	[sflag:s0] =	ssyncset.done $0x0  }
0x1dc: {  	s9 =	simm.s32 $0x19800;
	s8 =	rddreg [dreg:$0xd];
	[sflag:s0] =	ssyncadd.s32 $0xFFFFF600  }
0x1dd: {  	[tilespmem:s9], [sflag:$0x11] =	stream.linear.gather [spmem:s8], $0x280, $0x38;
	[tilespmem:$0x1ED00] =	vst v63  }
0x1de: {  	_ =	swait.ge [sflag:s0], $0x280  }
0x1df: {  	[sflag:s0] =	ssyncset.done $0x0  }
0x1e0: {  	s4 =	simm.s32 $0x19A80;
	s13 =	rddreg [dreg:$0xe];
	[sflag:s0] =	ssyncadd.s32 $0xFFFFFD80  }
0x1e1: {  	[tilespmem:s4], [sflag:$0x11] =	stream.linear.gather [spmem:s13], $0x280, $0x38;
	[tilespmem:$0x1ED00] =	vst v63  }
0x1e2: {  	_ =	swait.ge [sflag:s0], $0x280  }
0x1e3: {  	[sflag:s0] =	ssyncset.done $0x0  }
0x1e4: {  	s7 =	simm.s32 $0x0;
	[sflag:s0] =	ssyncadd.s32 $0xFFFFFD80  }
0x1e5: {  	s13 =	simm.s32 $0x40;
	v2 =	vld [tilespmem:s7+$0x19A80]  }
.LBB2_6:
0x1e6: {  	p0 =	sne.s32 s13, $0x9C0;
	v3 =	vld [tilespmem:s7+$0x19800];
	_ =	sdelay $0x2  }
.Ltmp2:
0x1e7: {  	(pc) =	sbr.rel @p0 .LBB2_6-.Ltmp2, $4  }
0x1e8: {  	_ = 	snop  }
0x1e9: {  	v3 =	vadd.f32 v2, v3  }
0x1ea: {  	s6 =	sshra.s32 s13, $0x2  }
0x1eb: {  	s13 =	sadd.s32 $0x40, s13;
	v2 =	vld [tilespmem:s6+$0x19A80];
	[tilespmem:s7+$0x19800] =	vst v3;
	s7 =	smov.u32 s6  }
0x1ec: {  	v3 =	vld [tilespmem:s7+$0x19800];
	_ =	sdelay $0x4  }
0x1ed: {  	v2 =	vadd.f32 v2, v3;
	_ =	sdelay $0x1  }
0x1ee: {  	s6 =	rddreg [dreg:$0xf];
	[tilespmem:s7+$0x19800] =	vst v2  }
0x1ef: {  	[tilespmem:s4], [sflag:$0x11] =	stream.linear.gather [spmem:s6], $0x280, $0x38;
	[tilespmem:$0x1ED00] =	vst v63  }
0x1f0: {  	_ =	swait.ge [sflag:s0], $0x280  }
0x1f1: {  	[sflag:s0] =	ssyncset.done $0x0  }
0x1f2: {  	s7 =	simm.s32 $0x0;
	[sflag:s0] =	ssyncadd.s32 $0xFFFFFD80  }
0x1f3: {  	s13 =	simm.s32 $0x40;
	v2 =	vld [tilespmem:s7+$0x19A80]  }
.LBB2_8:
0x1f4: {  	p0 =	sne.s32 s13, $0x9C0;
	v3 =	vld [tilespmem:s7+$0x19800];
	_ =	sdelay $0x2  }
.Ltmp3:
0x1f5: {  	(pc) =	sbr.rel @p0 .LBB2_8-.Ltmp3, $4  }
0x1f6: {  	_ = 	snop  }
0x1f7: {  	v3 =	vadd.f32 v2, v3  }
0x1f8: {  	s6 =	sshra.s32 s13, $0x2  }
0x1f9: {  	s13 =	sadd.s32 $0x40, s13;
	v2 =	vld [tilespmem:s6+$0x19A80];
	[tilespmem:s7+$0x19800] =	vst v3;
	s7 =	smov.u32 s6  }
0x1fa: {  	v3 =	vld [tilespmem:s7+$0x19800];
	_ =	sdelay $0x4  }
0x1fb: {  	v2 =	vadd.f32 v2, v3;
	_ =	sdelay $0x1  }
0x1fc: {  	s6 =	rddreg [dreg:$0x10];
	[tilespmem:s7+$0x19800] =	vst v2  }
0x1fd: {  	[tilespmem:s4], [sflag:$0x11] =	stream.linear.gather [spmem:s6], $0x280, $0x38;
	[tilespmem:$0x1ED00] =	vst v63  }
0x1fe: {  	_ =	swait.ge [sflag:s0], $0x280  }
0x1ff: {  	[sflag:s0] =	ssyncset.done $0x0  }
0x200: {  	s7 =	simm.s32 $0x0;
	[sflag:s0] =	ssyncadd.s32 $0xFFFFFD80  }
0x201: {  	s13 =	simm.s32 $0x40;
	v2 =	vld [tilespmem:s7+$0x19A80]  }
.LBB2_10:
0x202: {  	p0 =	sne.s32 s13, $0x9C0;
	v3 =	vld [tilespmem:s7+$0x19800];
	_ =	sdelay $0x2  }
.Ltmp4:
0x203: {  	(pc) =	sbr.rel @p0 .LBB2_10-.Ltmp4, $4  }
0x204: {  	_ = 	snop  }
0x205: {  	v3 =	vadd.f32 v2, v3  }
0x206: {  	s6 =	sshra.s32 s13, $0x2  }
0x207: {  	s13 =	sadd.s32 $0x40, s13;
	v2 =	vld [tilespmem:s6+$0x19A80];
	[tilespmem:s7+$0x19800] =	vst v3;
	s7 =	smov.u32 s6  }
0x208: {  	v3 =	vld [tilespmem:s7+$0x19800];
	_ =	sdelay $0x4  }
0x209: {  	v2 =	vadd.f32 v2, v3;
	_ =	sdelay $0x1  }
0x20a: {  	s6 =	rddreg [dreg:$0x11];
	[tilespmem:s7+$0x19800] =	vst v2  }
0x20b: {  	[tilespmem:s4], [sflag:$0x11] =	stream.linear.gather [spmem:s6], $0x280, $0x38;
	[tilespmem:$0x1ED00] =	vst v63  }
0x20c: {  	_ =	swait.ge [sflag:s0], $0x280  }
0x20d: {  	[sflag:s0] =	ssyncset.done $0x0  }
0x20e: {  	s7 =	simm.s32 $0x0;
	[sflag:s0] =	ssyncadd.s32 $0xFFFFFD80  }
0x20f: {  	s13 =	simm.s32 $0x40;
	v2 =	vld [tilespmem:s7+$0x19A80]  }
.LBB2_12:
0x210: {  	p0 =	sne.s32 s13, $0x9C0;
	v3 =	vld [tilespmem:s7+$0x19800];
	_ =	sdelay $0x2  }
.Ltmp5:
0x211: {  	(pc) =	sbr.rel @p0 .LBB2_12-.Ltmp5, $4  }
0x212: {  	_ = 	snop  }
0x213: {  	v3 =	vadd.f32 v2, v3  }
0x214: {  	s6 =	sshra.s32 s13, $0x2  }
0x215: {  	s13 =	sadd.s32 $0x40, s13;
	v2 =	vld [tilespmem:s6+$0x19A80];
	[tilespmem:s7+$0x19800] =	vst v3;
	s7 =	smov.u32 s6  }
0x216: {  	v3 =	vld [tilespmem:s7+$0x19800];
	_ =	sdelay $0x4  }
0x217: {  	v2 =	vadd.f32 v2, v3;
	_ =	sdelay $0x1  }
0x218: {  	s6 =	rddreg [dreg:$0x12];
	[tilespmem:s7+$0x19800] =	vst v2  }
0x219: {  	[tilespmem:s4], [sflag:$0x11] =	stream.linear.gather [spmem:s6], $0x280, $0x38;
	[tilespmem:$0x1ED00] =	vst v63  }
0x21a: {  	_ =	swait.ge [sflag:s0], $0x280  }
0x21b: {  	[sflag:s0] =	ssyncset.done $0x0  }
0x21c: {  	s7 =	simm.s32 $0x0;
	[sflag:s0] =	ssyncadd.s32 $0xFFFFFD80  }
0x21d: {  	s13 =	simm.s32 $0x40;
	v2 =	vld [tilespmem:s7+$0x19A80]  }
.LBB2_14:
0x21e: {  	p0 =	sne.s32 s13, $0x9C0;
	v3 =	vld [tilespmem:s7+$0x19800];
	_ =	sdelay $0x2  }
.Ltmp6:
0x21f: {  	(pc) =	sbr.rel @p0 .LBB2_14-.Ltmp6, $4  }
0x220: {  	_ = 	snop  }
0x221: {  	v3 =	vadd.f32 v2, v3  }
0x222: {  	s6 =	sshra.s32 s13, $0x2  }
0x223: {  	s13 =	sadd.s32 $0x40, s13;
	v2 =	vld [tilespmem:s6+$0x19A80];
	[tilespmem:s7+$0x19800] =	vst v3;
	s7 =	smov.u32 s6  }
0x224: {  	v3 =	vld [tilespmem:s7+$0x19800];
	_ =	sdelay $0x4  }
0x225: {  	v2 =	vadd.f32 v2, v3;
	_ =	sdelay $0x1  }
0x226: {  	s6 =	rddreg [dreg:$0x13];
	[tilespmem:s7+$0x19800] =	vst v2  }
0x227: {  	[tilespmem:s4], [sflag:$0x11] =	stream.linear.gather [spmem:s6], $0x280, $0x38;
	[tilespmem:$0x1ED00] =	vst v63  }
0x228: {  	_ =	swait.ge [sflag:s0], $0x280  }
0x229: {  	[sflag:s0] =	ssyncset.done $0x0  }
0x22a: {  	s7 =	simm.s32 $0x0;
	[sflag:s0] =	ssyncadd.s32 $0xFFFFFD80  }
0x22b: {  	s13 =	simm.s32 $0x40;
	v2 =	vld [tilespmem:s7+$0x19A80]  }
.LBB2_16:
0x22c: {  	p0 =	sne.s32 s13, $0x9C0;
	v3 =	vld [tilespmem:s7+$0x19800];
	_ =	sdelay $0x2  }
.Ltmp7:
0x22d: {  	(pc) =	sbr.rel @p0 .LBB2_16-.Ltmp7, $4  }
0x22e: {  	_ = 	snop  }
0x22f: {  	v3 =	vadd.f32 v2, v3  }
0x230: {  	s6 =	sshra.s32 s13, $0x2  }
0x231: {  	s13 =	sadd.s32 $0x40, s13;
	v2 =	vld [tilespmem:s6+$0x19A80];
	[tilespmem:s7+$0x19800] =	vst v3;
	s7 =	smov.u32 s6  }
0x232: {  	v3 =	vld [tilespmem:s7+$0x19800];
	_ =	sdelay $0x4  }
0x233: {  	v2 =	vadd.f32 v2, v3;
	_ =	sdelay $0x1  }
0x234: {  	s6 =	rddreg [dreg:$0x14];
	[tilespmem:s7+$0x19800] =	vst v2  }
0x235: {  	[tilespmem:s4], [sflag:$0x11] =	stream.linear.gather [spmem:s6], $0x280, $0x38;
	[tilespmem:$0x1ED00] =	vst v63  }
0x236: {  	_ =	swait.ge [sflag:s0], $0x280  }
0x237: {  	[sflag:s0] =	ssyncset.done $0x0  }
0x238: {  	s7 =	simm.s32 $0x0;
	[sflag:s0] =	ssyncadd.s32 $0xFFFFFD80  }
0x239: {  	s13 =	simm.s32 $0x40;
	v2 =	vld [tilespmem:s7+$0x19A80]  }
.LBB2_18:
0x23a: {  	p0 =	sne.s32 s13, $0x9C0;
	v3 =	vld [tilespmem:s7+$0x19800];
	_ =	sdelay $0x2  }
.Ltmp8:
0x23b: {  	(pc) =	sbr.rel @p0 .LBB2_18-.Ltmp8, $4  }
0x23c: {  	_ = 	snop  }
0x23d: {  	v3 =	vadd.f32 v2, v3  }
0x23e: {  	s6 =	sshra.s32 s13, $0x2  }
0x23f: {  	s13 =	sadd.s32 $0x40, s13;
	v2 =	vld [tilespmem:s6+$0x19A80];
	[tilespmem:s7+$0x19800] =	vst v3;
	s7 =	smov.u32 s6  }
0x240: {  	v3 =	vld [tilespmem:s7+$0x19800];
	_ =	sdelay $0x4  }
0x241: {  	v2 =	vadd.f32 v2, v3;
	_ =	sdelay $0x1  }
0x242: {  	s6 =	rddreg [dreg:$0x15];
	[tilespmem:s7+$0x19800] =	vst v2  }
0x243: {  	[tilespmem:s4], [sflag:$0x11] =	stream.linear.gather [spmem:s6], $0x280, $0x38;
	[tilespmem:$0x1ED00] =	vst v63  }
0x244: {  	_ =	swait.ge [sflag:s0], $0x280  }
0x245: {  	[sflag:s0] =	ssyncset.done $0x0  }
0x246: {  	s7 =	simm.s32 $0x0;
	[sflag:s0] =	ssyncadd.s32 $0xFFFFFD80  }
0x247: {  	s13 =	simm.s32 $0x40;
	v2 =	vld [tilespmem:s7+$0x19A80]  }
.LBB2_20:
0x248: {  	p0 =	sne.s32 s13, $0x9C0;
	v3 =	vld [tilespmem:s7+$0x19800];
	_ =	sdelay $0x2  }
.Ltmp9:
0x249: {  	(pc) =	sbr.rel @p0 .LBB2_20-.Ltmp9, $4  }
0x24a: {  	_ = 	snop  }
0x24b: {  	v3 =	vadd.f32 v2, v3  }
0x24c: {  	s6 =	sshra.s32 s13, $0x2  }
0x24d: {  	s13 =	sadd.s32 $0x40, s13;
	v2 =	vld [tilespmem:s6+$0x19A80];
	[tilespmem:s7+$0x19800] =	vst v3;
	s7 =	smov.u32 s6  }
0x24e: {  	v3 =	vld [tilespmem:s7+$0x19800];
	_ =	sdelay $0x4  }
0x24f: {  	v2 =	vadd.f32 v2, v3;
	_ =	sdelay $0x1  }
0x250: {  	s6 =	rddreg [dreg:$0x16];
	[tilespmem:s7+$0x19800] =	vst v2  }
0x251: {  	[tilespmem:s4], [sflag:$0x11] =	stream.linear.gather [spmem:s6], $0x280, $0x38;
	[tilespmem:$0x1ED00] =	vst v63  }
0x252: {  	_ =	swait.ge [sflag:s0], $0x280  }
0x253: {  	[sflag:s0] =	ssyncset.done $0x0  }
0x254: {  	s7 =	simm.s32 $0x0;
	[sflag:s0] =	ssyncadd.s32 $0xFFFFFD80  }
0x255: {  	s13 =	simm.s32 $0x40;
	v2 =	vld [tilespmem:s7+$0x19A80]  }
.LBB2_22:
0x256: {  	p0 =	sne.s32 s13, $0x9C0;
	v3 =	vld [tilespmem:s7+$0x19800];
	_ =	sdelay $0x2  }
.Ltmp10:
0x257: {  	(pc) =	sbr.rel @p0 .LBB2_22-.Ltmp10, $4  }
0x258: {  	_ = 	snop  }
0x259: {  	v3 =	vadd.f32 v2, v3  }
0x25a: {  	s6 =	sshra.s32 s13, $0x2  }
0x25b: {  	s13 =	sadd.s32 $0x40, s13;
	v2 =	vld [tilespmem:s6+$0x19A80];
	[tilespmem:s7+$0x19800] =	vst v3;
	s7 =	smov.u32 s6  }
0x25c: {  	v3 =	vld [tilespmem:s7+$0x19800];
	_ =	sdelay $0x4  }
0x25d: {  	v2 =	vadd.f32 v2, v3;
	_ =	sdelay $0x1  }
0x25e: {  	s6 =	rddreg [dreg:$0x1a];
	[tilespmem:s7+$0x19800] =	vst v2  }
0x25f: {  	[tilespmem:s4], [sflag:$0x11] =	stream.linear.gather [spmem:s6], $0x280, $0x38;
	[tilespmem:$0x1ED00] =	vst v63  }
0x260: {  	_ =	swait.ge [sflag:s0], $0x280  }
0x261: {  	[sflag:s0] =	ssyncset.done $0x0  }
0x262: {  	s7 =	simm.s32 $0x0;
	[sflag:s0] =	ssyncadd.s32 $0xFFFFFD80  }
0x263: {  	s13 =	simm.s32 $0x40;
	v2 =	vld [tilespmem:s7+$0x19A80]  }
.LBB2_24:
0x264: {  	p0 =	sne.s32 s13, $0x9C0;
	v3 =	vld [tilespmem:s7+$0x19800];
	_ =	sdelay $0x2  }
.Ltmp11:
0x265: {  	(pc) =	sbr.rel @p0 .LBB2_24-.Ltmp11, $4  }
0x266: {  	_ = 	snop  }
0x267: {  	v3 =	vadd.f32 v2, v3  }
0x268: {  	s6 =	sshra.s32 s13, $0x2  }
0x269: {  	s13 =	sadd.s32 $0x40, s13;
	v2 =	vld [tilespmem:s6+$0x19A80];
	[tilespmem:s7+$0x19800] =	vst v3;
	s7 =	smov.u32 s6  }
0x26a: {  	v3 =	vld [tilespmem:s7+$0x19800];
	_ =	sdelay $0x4  }
0x26b: {  	v2 =	vadd.f32 v2, v3;
	_ =	sdelay $0x1  }
0x26c: {  	s6 =	rddreg [dreg:$0x1b];
	[tilespmem:s7+$0x19800] =	vst v2  }
0x26d: {  	[tilespmem:s4], [sflag:$0x11] =	stream.linear.gather [spmem:s6], $0x280, $0x38;
	[tilespmem:$0x1ED00] =	vst v63  }
0x26e: {  	_ =	swait.ge [sflag:s0], $0x280  }
0x26f: {  	[sflag:s0] =	ssyncset.done $0x0  }
0x270: {  	s7 =	simm.s32 $0x0;
	[sflag:s0] =	ssyncadd.s32 $0xFFFFFD80  }
0x271: {  	s13 =	simm.s32 $0x40;
	v2 =	vld [tilespmem:s7+$0x19A80]  }
.LBB2_26:
0x272: {  	p0 =	sne.s32 s13, $0x9C0;
	v3 =	vld [tilespmem:s7+$0x19800];
	_ =	sdelay $0x2  }
.Ltmp12:
0x273: {  	(pc) =	sbr.rel @p0 .LBB2_26-.Ltmp12, $4  }
0x274: {  	_ = 	snop  }
0x275: {  	v3 =	vadd.f32 v2, v3  }
0x276: {  	s6 =	sshra.s32 s13, $0x2  }
0x277: {  	s13 =	sadd.s32 $0x40, s13;
	v2 =	vld [tilespmem:s6+$0x19A80];
	[tilespmem:s7+$0x19800] =	vst v3;
	s7 =	smov.u32 s6  }
0x278: {  	v3 =	vld [tilespmem:s7+$0x19800];
	_ =	sdelay $0x4  }
0x279: {  	v2 =	vadd.f32 v2, v3;
	_ =	sdelay $0x1  }
0x27a: {  	s6 =	rddreg [dreg:$0x1c];
	[tilespmem:s7+$0x19800] =	vst v2  }
0x27b: {  	[tilespmem:s4], [sflag:$0x11] =	stream.linear.gather [spmem:s6], $0x280, $0x38;
	[tilespmem:$0x1ED00] =	vst v63  }
0x27c: {  	_ =	swait.ge [sflag:s0], $0x280  }
0x27d: {  	[sflag:s0] =	ssyncset.done $0x0  }
0x27e: {  	s7 =	simm.s32 $0x0;
	[sflag:s0] =	ssyncadd.s32 $0xFFFFFD80  }
0x27f: {  	s13 =	simm.s32 $0x40;
	v2 =	vld [tilespmem:s7+$0x19A80]  }
.LBB2_28:
0x280: {  	p0 =	sne.s32 s13, $0x9C0;
	v3 =	vld [tilespmem:s7+$0x19800];
	_ =	sdelay $0x2  }
.Ltmp13:
0x281: {  	(pc) =	sbr.rel @p0 .LBB2_28-.Ltmp13, $4  }
0x282: {  	_ = 	snop  }
0x283: {  	v3 =	vadd.f32 v2, v3  }
0x284: {  	s6 =	sshra.s32 s13, $0x2  }
0x285: {  	s13 =	sadd.s32 $0x40, s13;
	v2 =	vld [tilespmem:s6+$0x19A80];
	[tilespmem:s7+$0x19800] =	vst v3;
	s7 =	smov.u32 s6  }
0x286: {  	v3 =	vld [tilespmem:s7+$0x19800];
	_ =	sdelay $0x4  }
0x287: {  	v2 =	vadd.f32 v2, v3;
	_ =	sdelay $0x1  }
0x288: {  	s6 =	rddreg [dreg:$0x1d];
	[tilespmem:s7+$0x19800] =	vst v2  }
0x289: {  	[tilespmem:s4], [sflag:$0x11] =	stream.linear.gather [spmem:s6], $0x280, $0x38;
	[tilespmem:$0x1ED00] =	vst v63  }
0x28a: {  	_ =	swait.ge [sflag:s0], $0x280  }
0x28b: {  	[sflag:s0] =	ssyncset.done $0x0  }
0x28c: {  	s7 =	simm.s32 $0x0;
	[sflag:s0] =	ssyncadd.s32 $0xFFFFFD80  }
0x28d: {  	s13 =	simm.s32 $0x40;
	v2 =	vld [tilespmem:s7+$0x19A80]  }
.LBB2_30:
0x28e: {  	p0 =	sne.s32 s13, $0x9C0;
	v3 =	vld [tilespmem:s7+$0x19800];
	_ =	sdelay $0x2  }
.Ltmp14:
0x28f: {  	(pc) =	sbr.rel @p0 .LBB2_30-.Ltmp14, $4  }
0x290: {  	_ = 	snop  }
0x291: {  	v3 =	vadd.f32 v2, v3  }
0x292: {  	s6 =	sshra.s32 s13, $0x2  }
0x293: {  	s13 =	sadd.s32 $0x40, s13;
	v2 =	vld [tilespmem:s6+$0x19A80];
	[tilespmem:s7+$0x19800] =	vst v3;
	s7 =	smov.u32 s6  }
0x294: {  	v3 =	vld [tilespmem:s7+$0x19800];
	_ =	sdelay $0x4  }
0x295: {  	v2 =	vadd.f32 v2, v3;
	_ =	sdelay $0x1  }
0x296: {  	s6 =	rddreg [dreg:$0x1e];
	[tilespmem:s7+$0x19800] =	vst v2  }
0x297: {  	[tilespmem:s4], [sflag:$0x11] =	stream.linear.gather [spmem:s6], $0x280, $0x38;
	[tilespmem:$0x1ED00] =	vst v63  }
0x298: {  	_ =	swait.ge [sflag:s0], $0x280  }
0x299: {  	[sflag:s0] =	ssyncset.done $0x0  }
0x29a: {  	s7 =	simm.s32 $0x0;
	[sflag:s0] =	ssyncadd.s32 $0xFFFFFD80  }
0x29b: {  	s13 =	simm.s32 $0x40;
	v2 =	vld [tilespmem:s7+$0x19A80]  }
.LBB2_32:
0x29c: {  	p0 =	sne.s32 s13, $0x9C0;
	v3 =	vld [tilespmem:s7+$0x19800];
	_ =	sdelay $0x2  }
.Ltmp15:
0x29d: {  	(pc) =	sbr.rel @p0 .LBB2_32-.Ltmp15, $4  }
0x29e: {  	_ = 	snop  }
0x29f: {  	v3 =	vadd.f32 v2, v3  }
0x2a0: {  	s6 =	sshra.s32 s13, $0x2  }
0x2a1: {  	s13 =	sadd.s32 $0x40, s13;
	v2 =	vld [tilespmem:s6+$0x19A80];
	[tilespmem:s7+$0x19800] =	vst v3;
	s7 =	smov.u32 s6  }
0x2a2: {  	v3 =	vld [tilespmem:s7+$0x19800];
	_ =	sdelay $0x4  }
0x2a3: {  	v2 =	vadd.f32 v2, v3;
	_ =	sdelay $0x1  }
0x2a4: {  	s6 =	rddreg [dreg:$0x1f];
	[tilespmem:s7+$0x19800] =	vst v2  }
0x2a5: {  	[tilespmem:s4], [sflag:$0x11] =	stream.linear.gather [spmem:s6], $0x280, $0x38;
	[tilespmem:$0x1ED00] =	vst v63  }
0x2a6: {  	_ =	swait.ge [sflag:s0], $0x280  }
0x2a7: {  	[sflag:s0] =	ssyncset.done $0x0  }
0x2a8: {  	s4 =	simm.s32 $0x0;
	[sflag:s0] =	ssyncadd.s32 $0xFFFFFD80  }
0x2a9: {  	s13 =	simm.s32 $0x0;
	s7 =	simm.s32 $0x40;
	v2 =	vld [tilespmem:s4+$0x19A80]  }
.LBB2_34:
0x2aa: {  	p0 =	sne.s32 s7, $0x9C0;
	v3 =	vld [tilespmem:s13+$0x19800];
	_ =	sdelay $0x2  }
.Ltmp16:
0x2ab: {  	(pc) =	sbr.rel @p0 .LBB2_34-.Ltmp16, $4  }
0x2ac: {  	_ = 	snop  }
0x2ad: {  	v3 =	vadd.f32 v2, v3  }
0x2ae: {  	s6 =	sshra.s32 s7, $0x2  }
0x2af: {  	s7 =	sadd.s32 $0x40, s7;
	v2 =	vld [tilespmem:s6+$0x19A80];
	[tilespmem:s13+$0x19800] =	vst v3;
	s13 =	smov.u32 s6  }
0x2b0: {  	v3 =	vld [tilespmem:s13+$0x19800];
	_ =	sdelay $0x4  }
0x2b1: {  	v2 =	vadd.f32 v2, v3;
	_ =	sdelay $0x1  }
0x2b2: {  	[tilespmem:s13+$0x19800] =	vst v2  }
0x2b3: {  	v2 =	vld [tilespmem:s4+$0x19800];
	_ =	sdelay $0x4  }
0x2b4: {  	v3 =	vbroadcast v2, $0x0  }
0x2b5: {  	s7 =	simm.s32 $0x19D80;
	v4 =	vbroadcast v2, $0x1  }
0x2b6: {  	v5 =	vbroadcast v2, $0x2;
	[tilespmem:s7+$0xFFFFFF80] =	vst v3  }
0x2b7: {  	v56 =	vbroadcast v2, $0x4;
	[tilespmem:s7+$0xFFFFFF90] =	vst v4  }
0x2b8: {  	v57 =	vbroadcast v2, $0x5;
	[tilespmem:s7+$0xFFFFFFA0] =	vst v5  }
0x2b9: {  	v58 =	vbroadcast v2, $0x7;
	[tilespmem:s7+$0xFFFFFFC0] =	vst v56  }
0x2ba: {  	v59 =	vbroadcast v2, $0x8;
	[tilespmem:s7+$0xFFFFFFD0] =	vst v57  }
0x2bb: {  	v60 =	vbroadcast v2, $0xA;
	[tilespmem:s7+$0xFFFFFFF0] =	vst v58  }
0x2bc: {  	v3 =	vbroadcast v2, $0x3;
	[tilespmem:s7+$0x0] =	vst v59  }
0x2bd: {  	v61 =	vbroadcast v2, $0xB;
	[tilespmem:s7+$0x20] =	vst v60  }
0x2be: {  	[tilespmem:s7+$0xFFFFFFB0] =	vst v3;
	v3 =	vbroadcast v2, $0x6  }
0x2bf: {  	v62 =	vbroadcast v2, $0xD;
	[tilespmem:s7+$0x30] =	vst v61  }
0x2c0: {  	[tilespmem:s7+$0xFFFFFFE0] =	vst v3;
	v3 =	vbroadcast v2, $0x9  }
0x2c1: {  	v63 =	vbroadcast v2, $0xE;
	[tilespmem:s7+$0x50] =	vst v62  }
0x2c2: {  	[tilespmem:s7+$0x10] =	vst v3;
	v3 =	vbroadcast v2, $0xC  }
0x2c3: {  	[tilespmem:s7+$0x60] =	vst v63;
	v2 =	vbroadcast v2, $0xF  }
0x2c4: {  	[tilespmem:s7+$0x40] =	vst v3  }
0x2c5: {  	s6 =	simm.s32 $0x10;
	s13 =	simm.s32 $0x80;
	[tilespmem:s7+$0x70] =	vst v2  }
.LBB2_36:
0x2c6: {  	p0 =	sne.s32 s13, $0x9C0;
	v2 =	vld [tilespmem:s6+$0x19800];
	_ =	sdelay $0x4  }
0x2c7: {  	v3 =	vbroadcast v2, $0x0;
	v4 =	vbroadcast v2, $0x1  }
0x2c8: {  	s7 =	sadd.s32 $0x100, s7;
	v5 =	vbroadcast v2, $0x2;
	v6 =	vbroadcast v2, $0x3  }
0x2c9: {  	v7 =	vbroadcast v2, $0x5;
	[tilespmem:s7+$0xFFFFFF80] =	vst v3;
	v3 =	vbroadcast v2, $0x4  }
0x2ca: {  	v8 =	vbroadcast v2, $0x7;
	[tilespmem:s7+$0xFFFFFF90] =	vst v4;
	v4 =	vbroadcast v2, $0x6  }
0x2cb: {  	v9 =	vbroadcast v2, $0x9;
	[tilespmem:s7+$0xFFFFFFA0] =	vst v5;
	v5 =	vbroadcast v2, $0x8  }
0x2cc: {  	v10 =	vbroadcast v2, $0xB;
	[tilespmem:s7+$0xFFFFFFB0] =	vst v6;
	v6 =	vbroadcast v2, $0xA  }
0x2cd: {  	v11 =	vbroadcast v2, $0xD;
	[tilespmem:s7+$0xFFFFFFC0] =	vst v3;
	v3 =	vbroadcast v2, $0xC  }
0x2ce: {  	[tilespmem:s7+$0xFFFFFFD0] =	vst v7;
	v7 =	vbroadcast v2, $0xE;
	v2 =	vbroadcast v2, $0xF  }
0x2cf: {  	[tilespmem:s7+$0xFFFFFFE0] =	vst v4  }
0x2d0: {  	[tilespmem:s7+$0xFFFFFFF0] =	vst v8  }
0x2d1: {  	[tilespmem:s7+$0x0] =	vst v5  }
0x2d2: {  	[tilespmem:s7+$0x10] =	vst v9  }
0x2d3: {  	[tilespmem:s7+$0x20] =	vst v6  }
.Ltmp17:
0x2d4: {  	[tilespmem:s7+$0x30] =	vst v10;
	(pc) =	sbr.rel @p0 .LBB2_36-.Ltmp17, $4  }
0x2d5: {  	[tilespmem:s7+$0x40] =	vst v3  }
0x2d6: {  	[tilespmem:s7+$0x50] =	vst v11  }
0x2d7: {  	[tilespmem:s7+$0x60] =	vst v7  }
0x2d8: {  	s6 =	sshra.s32 s13, $0x2;
	s13 =	sadd.s32 $0x40, s13;
	[tilespmem:s7+$0x70] =	vst v2  }
0x2d9: {  	v2 =	vld [tilespmem:s6+$0x19800];
	_ =	sdelay $0x4  }
0x2da: {  	v3 =	vbroadcast v2, $0x0  }
0x2db: {  	s4 =	sadd.s32 $0x100, s7;
	v4 =	vbroadcast v2, $0x1  }
0x2dc: {  	v5 =	vbroadcast v2, $0x2;
	[tilespmem:s4+$0xFFFFFF80] =	vst v3  }
0x2dd: {  	v56 =	vbroadcast v2, $0x4;
	[tilespmem:s4+$0xFFFFFF90] =	vst v4  }
0x2de: {  	v57 =	vbroadcast v2, $0x5;
	[tilespmem:s4+$0xFFFFFFA0] =	vst v5  }
0x2df: {  	v58 =	vbroadcast v2, $0x7;
	[tilespmem:s4+$0xFFFFFFC0] =	vst v56  }
0x2e0: {  	v59 =	vbroadcast v2, $0x8;
	[tilespmem:s4+$0xFFFFFFD0] =	vst v57  }
0x2e1: {  	v60 =	vbroadcast v2, $0xA;
	[tilespmem:s4+$0xFFFFFFF0] =	vst v58  }
0x2e2: {  	v3 =	vbroadcast v2, $0x3;
	[tilespmem:s4+$0x0] =	vst v59  }
0x2e3: {  	v61 =	vbroadcast v2, $0xB;
	[tilespmem:s4+$0x20] =	vst v60  }
0x2e4: {  	[tilespmem:s4+$0xFFFFFFB0] =	vst v3;
	v3 =	vbroadcast v2, $0x6  }
0x2e5: {  	v62 =	vbroadcast v2, $0xD;
	[tilespmem:s4+$0x30] =	vst v61  }
0x2e6: {  	[tilespmem:s4+$0xFFFFFFE0] =	vst v3;
	v3 =	vbroadcast v2, $0x9  }
0x2e7: {  	v63 =	vbroadcast v2, $0xE;
	[tilespmem:s4+$0x50] =	vst v62  }
0x2e8: {  	[tilespmem:s4+$0x10] =	vst v3;
	v3 =	vbroadcast v2, $0xC  }
0x2e9: {  	[tilespmem:s4+$0x60] =	vst v63;
	v2 =	vbroadcast v2, $0xF  }
0x2ea: {  	[tilespmem:s4+$0x40] =	vst v3  }
0x2eb: {  	s7 =	simm.s32 $0x0;
	s8 =	rddreg [dreg:$0x17];
	[tilespmem:s4+$0x70] =	vst v2;
	s4 =	simm.s32 $0x19D00  }
0x2ec: {  	[hbm4b:s8+s7] =	stream.linear.scatter [tilespmem:s4], [sflag:$0x11], $0x2800, $0x38;
	[tilespmem:$0x1ED00] =	vst v63  }
0x2ed: {  	_ =	swait.ge [sflag:s0], $0x2800  }
0x2ee: {  	s9 =	sld [smem:$0x7FC];
	_ =	sdelay $0x2  }
0x2ef: {  	s13 =	rddreg [dreg:$0x18];
	s4 =	sadd.s32 $0x1, s9  }
0x2f0: {  	p0 =	sne.s32 s4, s13  }
.Ltmp18:
0x2f1: {  	_ = 	snop;
	(pc) =	sbr.rel @p0 .LBB2_1-.Ltmp18, $3  }
0x2f2: {  	_ =	sdelay $0x1  }
0x2f3: {  	[sflag:s0] =	ssyncset.done $0x0  }
0x2f4: {  	[sflag:s0] =	ssyncadd.s32 $0xFFFFD800  }
0x2f5: {  	_ =	sfence.sel $0x180000  }
0x2f6: {  	[bflag:$0x0] =	sbarrier.arrive $0xFFFF  }
0x2f7: {  	_ =	strace $0x90000047  }
0x2f8: {  	s0 =	stileid.u32;
	[bflag:$0x2] =	sbarrier.arrive $0xFFFF  }
0x2f9: {  	p0 =	sne.s32 s0, $0x0;
	s0 =	rddreg [dreg:$0x4]  }
0x2fa: {  	s0 =	sadd.s32 @!p0 $0x100000, s0  }
0x2fb: {  	[sflag:s0] =	ssyncadd.tile.s32 @!p0 $0x1;
	_ =	shalt  }
.Lfunc_end2:
_tile_overlayer_lowered:
.L_overlay_start_2:
0x2fc: {  	(tag) =	ssettag $0x2  }
0x2fd: {  	s0 =	rddreg [dreg:$0x0];
	s2 =	stileid.u32  }
0x2fe: {  	s1 =	rddreg [dreg:$0x1];
	p0 =	sne.s32 s2, $0x0  }
0x2ff: {  	s3 =	rddreg [dreg:$0x2];
	[bflag:$0x3] =	sbarrier.arrive $0xFFFF;
	s2 =	simm.s32 @!p0 $0x1C11  }
0x300: {  	[timem:s3], [sflag:s2] =	dma.local @!p0 [hbm:s0], s1  }
0x301: {  	s0 =	simm.s32 @!p0 $0x11  }
0x302: {  	_ =	swait.ge @!p0 [sflag:s0], s1  }
0x303: {  	s1 =	ssub.s32 @!p0 $0x0, s1;
	[sflag:s0] =	ssyncset.done @!p0 $0x0  }
0x304: {  	[sflag:s0] =	ssyncadd.s32 @!p0 s1  }
0x305: {  	[bflag:$0x3] =	sbarrier.arrive $0xFFFF  }
0x306: {  	_ =	shalt  }

</sc_bundles>
